<compile_context>
chip_gen: v7x
topology: tpu7x:2x2x1
jax: 0.10.2.dev20260603
libtpu: 0.0.44.dev20260713+nightly
codegen_flags: <defaults>
</compile_context>

<pallas_src>
import functools

import jax
import jax.numpy as jnp
from jax import lax
from jax.experimental import pallas as pl
from jax.experimental.pallas import tpu as pltpu
from jax.experimental.pallas import tpu_sc as plsc

_EPS = 0.01
_NC = 2
_NS = 16
_NW = _NC * _NS
_L = 16


def _full(val):
    return jnp.full((_L,), val, jnp.int32)


def _routing_step(u_v, cand_v, noise_v, out_v, num_groups, k):
    iota16 = lax.iota(jnp.int32, _L) * k

    @plsc.parallel_loop(0, num_groups, unroll=2)
    def body(g):
        gbase = g * (k * _L)
        off = gbase + iota16
        s = []
        for j in range(k):
            dj = plsc.load_gather(cand_v, [off + _full(j)])
            s.append(plsc.load_gather(u_v, [dj]))
        m = s[0]
        for j in range(1, k):
            m = jnp.maximum(m, s[j])
        e = [jnp.exp(x - m) for x in s]
        tot = e[0]
        for j in range(1, k):
            tot = tot + e[j]
        best = e[0] / tot + noise_v[pl.ds(gbase, _L)]
        bestj = _full(0)
        for j in range(1, k):
            p = e[j] / tot + noise_v[pl.ds(gbase + j * _L, _L)]
            gt = p > best
            bestj = jnp.where(gt, _full(j), bestj)
            best = jnp.where(gt, p, best)
        chosen = plsc.load_gather(cand_v, [off + bestj])
        out_v[pl.ds(g * _L, _L)] = chosen


@functools.lru_cache(maxsize=4)
def _build_sc_router(n, npad, d, k):
    b = npad // _NW
    groups = b // _L
    bk = b * k
    tail = n - (_NW - 1) * b
    mesh = plsc.VectorSubcoreMesh(
        core_axis_name="c", subcore_axis_name="s",
        num_cores=_NC, num_subcores=_NS)

    @functools.partial(
        pl.kernel,
        out_type=[
            jax.ShapeDtypeStruct((n,), jnp.int32),
            jax.ShapeDtypeStruct((n,), jnp.int32),
            jax.ShapeDtypeStruct((n, 2 * d), jnp.float32),
        ],
        mesh=mesh,
        compiler_params=pltpu.CompilerParams(
            needs_layout_passes=False, disable_bounds_checks=True,
            disable_semaphore_checks=True),
        scratch_types=[
            pltpu.VMEM((n,), jnp.float32),
            pltpu.VMEM((n,), jnp.float32),
            pltpu.VMEM((bk,), jnp.int32),
            pltpu.VMEM((bk,), jnp.float32),
            pltpu.VMEM((bk,), jnp.int32),
            pltpu.VMEM((b,), jnp.int32),
            pltpu.VMEM((b,), jnp.int32),
            pltpu.VMEM((b, d), jnp.float32),
            pltpu.VMEM((b, d), jnp.float32),
            pltpu.SemaphoreType.DMA,
            pltpu.SemaphoreType.DMA,
            pltpu.SemaphoreType.DMA,
            pltpu.SemaphoreType.DMA,
            pltpu.SemaphoreType.DMA,
            pltpu.SemaphoreType.DMA,
        ],
    )
    def sc_router(u8_hbm, adjf_hbm, nz_hbm, v_hbm,
                  w1_hbm, w2_hbm, emb_hbm,
                  u0_v, u1_v, cand_v, noise_v, sidx_v, w1_v, w2_v,
                  rows0_v, rows1_v,
                  s_u0, s_u1, s_cand, s_noise, s_e0, s_e1):
        wid = lax.axis_index("s") * _NC + lax.axis_index("c")
        base = wid * b
        nk = n * k

        d_u0 = pltpu.async_copy(u8_hbm.at[0], u0_v, s_u0)
        d_u1 = pltpu.async_copy(u8_hbm.at[1], u1_v, s_u1)
        d_n = pltpu.async_copy(nz_hbm.at[pl.ds(base * k, bk)], noise_v,
                               s_noise)

        @pl.when(wid < _NW - 1)
        def _load_full():
            pltpu.sync_copy(adjf_hbm.at[pl.ds(nk + base * k, bk)], cand_v)

        @pl.when(wid == _NW - 1)
        def _load_tail():
            pltpu.sync_copy(adjf_hbm.at[pl.ds(nk + base * k, tail * k)],
                            cand_v.at[pl.ds(0, tail * k)])
            zeros16 = jnp.zeros((_L,), jnp.int32)

            @plsc.parallel_loop(tail * k, bk, _L)
            def _zfill(i):
                cand_v[pl.ds(i, _L)] = zeros16

        d_u0.wait()
        d_n.wait()

        _routing_step(u0_v, cand_v, noise_v, w1_v, groups, k)

        iota16 = lax.iota(jnp.int32, _L) * k

        @plsc.parallel_loop(0, groups, unroll=2)
        def sidx_body(c):
            wchunk = w1_v[pl.ds(c * _L, _L)] * k + nk
            pos = c * (k * _L) + iota16
            for j in range(k):
                plsc.store_scatter(sidx_v, [pos + _full(j)],
                                   wchunk + _full(j))

        c_ds = []
        for c in range(groups):
            for h in range(2):
                off = c * (k * _L) + h * 128
                c_ds.append(pltpu.async_copy(
                    adjf_hbm.at[sidx_v.at[pl.ds(off, 128)]],
                    cand_v.at[pl.ds(off, 128)], s_cand))
        d_n1 = pltpu.async_copy(
            nz_hbm.at[pl.ds(npad * k + base * k, bk)], noise_v, s_noise)
        e0_ds = []
        for c in range(groups):
            e0_ds.append(pltpu.async_copy(
                v_hbm.at[w1_v.at[pl.ds(c * _L, _L)]],
                rows0_v.at[pl.ds(c * _L, _L)], s_e0))
        for ds in c_ds:
            ds.wait()
        d_n1.wait()
        d_u1.wait()

        _routing_step(u1_v, cand_v, noise_v, w2_v, groups, k)

        e1_ds = []
        for c in range(groups):
            e1_ds.append(pltpu.async_copy(
                v_hbm.at[w2_v.at[pl.ds(c * _L, _L)]],
                rows1_v.at[pl.ds(c * _L, _L)], s_e1))
        for ds in e0_ds:
            ds.wait()
        for ds in e1_ds:
            ds.wait()

        @pl.when(wid < _NW - 1)
        def _full_write():
            pltpu.sync_copy(w1_v, w1_hbm.at[pl.ds(base, b)])
            pltpu.sync_copy(w2_v, w2_hbm.at[pl.ds(base, b)])
            pltpu.sync_copy(rows0_v, emb_hbm.at[pl.ds(base, b), pl.ds(0, d)])
            pltpu.sync_copy(rows1_v, emb_hbm.at[pl.ds(base, b), pl.ds(d, d)])

        @pl.when(wid == _NW - 1)
        def _tail_write():
            pltpu.sync_copy(w1_v.at[pl.ds(0, tail)],
                            w1_hbm.at[pl.ds(base, tail)])
            pltpu.sync_copy(w2_v.at[pl.ds(0, tail)],
                            w2_hbm.at[pl.ds(base, tail)])
            pltpu.sync_copy(rows0_v.at[pl.ds(0, tail)],
                            emb_hbm.at[pl.ds(base, tail), pl.ds(0, d)])
            pltpu.sync_copy(rows1_v.at[pl.ds(0, tail)],
                            emb_hbm.at[pl.ds(base, tail), pl.ds(d, d)])

    return sc_router


def _u_body(w_ref, v_ref, nz_ref, o_ref, nzo_ref):
    o_ref[...] = lax.dot_general(
        w_ref[...], v_ref[...], (((1,), (1,)), ((), ())),
        preferred_element_type=jnp.float32)
    nzo_ref[...] = nz_ref[...]


def kernel(v, adj, slices, W, b):
    n, d = v.shape
    k = adj.shape[1] // slices.shape[0]
    t = W.shape[0] // d
    assert t == 2 and k == _L
    npad = -(-n // (_NW * _L)) * (_NW * _L)

    w_pad = jnp.zeros((8, d), jnp.float32).at[:t].set(W[:, 0].reshape(t, d))
    noise = []
    for i in range(t):
        ni = _EPS * jax.random.normal(
            jax.random.fold_in(jax.random.key(1234), i), (n * k,),
            dtype=jnp.float32)
        nip = jnp.zeros((npad, k), jnp.float32).at[:n].set(ni.reshape(n, k))
        noise.append(nip.reshape(-1, _L, k).transpose(0, 2, 1).reshape(-1))
    noise2 = jnp.concatenate(noise)

    u8, noise2 = pl.pallas_call(
        _u_body,
        out_shape=[jax.ShapeDtypeStruct((8, n), jnp.float32),
                   jax.ShapeDtypeStruct((2 * npad * k,), jnp.float32)],
    )(w_pad, v, noise2)

    w1, w2, walk_embeds = _build_sc_router(n, npad, d, k)(
        u8, adj.astype(jnp.int32).reshape(-1), noise2, v)

    walks = jnp.stack([jnp.arange(n, dtype=jnp.int32), w1, w2], axis=1)
    return walks, walk_embeds

# --- scband reference (transcript-rebuilt; emitter-appended) ---
"""Pipeline reference for scband-diff-gcn-63041529970994 (READ-ONLY COPY).

The authoritative reference and input builder live on the scoring server;
editing this copy changes nothing except your own understanding.
"""

import jax, jax.numpy as jnp
import numpy as np

N = 10000
K = 16
D = 128
T = 2
EPS = 0.01

def setup_inputs(seed: int = 0):
    key = jax.random.key(seed)
    k1, k2, k3 = jax.random.split(key, 3)
    v = jax.random.normal(k1, (N, D), dtype=jnp.float32)
    # Uniform-degree graph: node i owns columns [i*K, i*K+K) of adj, adj[0]=src, adj[1]=dst
    dst = jax.random.randint(k2, (N * K,), 0, N)
    src = jnp.repeat(jnp.arange(N), K)
    adj = jnp.stack([src, dst], axis=0)
    slices = jnp.stack([jnp.arange(N) * K, jnp.full((N,), K, dtype=jnp.int32)], axis=1)
    # diff_mlp = MLP([channels[0]*t, 1]) -> linear layer W:[D*T,1], b:[1]
    W = jax.random.normal(k3, (D * T, 1), dtype=jnp.float32) * 0.02
    b = jnp.zeros((1,), dtype=jnp.float32)
    return {"v": v, "adj": adj, "slices": slices, "W": W, "b": b}

def reference(v, adj, slices, W, b):
    Nn, d = v.shape
    k = adj.shape[1] // slices.shape[0]  # uniform degree
    t = T
    walks = jnp.arange(Nn)[:, None]
    walk_embeds = jnp.zeros((Nn, d * t), dtype=jnp.float32)
    offs = jnp.arange(k)
    for i in range(t):
        last = walks[:, -1]
        starts = slices[last, 0]
        # slice_cat(adj, slices_t, dim=1): gather k contiguous columns per walk
        col_idx = (starts[:, None] + offs[None, :]).reshape(-1)
        adj_t_dst = adj[1, col_idx]                      # [N*k]
        v_t = v[adj_t_dst]                               # [N*k, d] gather
        # repeat_cat(walk_embeds, slices_t[:,1]) with uniform repeats = jnp.repeat
        walk_embeds_t = jnp.repeat(walk_embeds, k, axis=0)
        walk_embeds_t = walk_embeds_t.at[:, i * d:(i + 1) * d].add(v_t)
        walk_logp_t = (walk_embeds_t @ W + b)[:, 0]      # diff_mlp
        # init_vs = repeat_cat(walks[:,0], lens) is contiguous segments of length k,
        # so scatter_logsumexp == row-wise logsumexp after reshape (faithful here)
        lp = walk_logp_t.reshape(Nn, k)
        norm = jax.scipy.special.logsumexp(lp, axis=1)
        walk_p_t = jnp.exp(walk_logp_t - jnp.repeat(norm, k))
        noise = EPS * jax.random.normal(jax.random.fold_in(jax.random.key(1234), i), (Nn * k,), dtype=jnp.float32)
        walk_p_t = walk_p_t + noise
        # scatter_max over contiguous segments == row-wise argmax
        arg_local = jnp.argmax(walk_p_t.reshape(Nn, k), axis=1)
        walks_t = adj_t_dst[jnp.arange(Nn) * k + arg_local]
        walks = jnp.concatenate([walks, walks_t[:, None]], axis=1)
        walk_embeds = walk_embeds.at[:, i * d:(i + 1) * d].add(v[walks_t, :])
    return walks, walk_embeds

if __name__ == "__main__":
    import jax
    _d = setup_inputs()
    print(jax.jit(kernel)(*tuple(_d.values())))

</pallas_src>

<mosaic_0001>
#map = affine_map<(d0, d1) -> (0, 0)>
#map1 = affine_map<(d0, d1) -> (0)>
module attributes {stable_mosaic.version = 14 : i64} {
  func.func @sc_router(%arg0: i32, %arg1: i32, %arg2: memref<8x10000xf32, #tpu.memory_space<hbm>>, %arg3: memref<320000xi32, #tpu.memory_space<hbm>>, %arg4: memref<327680xf32, #tpu.memory_space<hbm>>, %arg5: memref<10000x128xf32, #tpu.memory_space<hbm>>, %arg6: memref<10000xi32, #tpu.memory_space<hbm>>, %arg7: memref<10000xi32, #tpu.memory_space<hbm>>, %arg8: memref<10000x256xf32, #tpu.memory_space<hbm>>, %arg9: memref<10000xf32, #tpu.memory_space<vmem>>, %arg10: memref<10000xf32, #tpu.memory_space<vmem>>, %arg11: memref<5120xi32, #tpu.memory_space<vmem>>, %arg12: memref<5120xf32, #tpu.memory_space<vmem>>, %arg13: memref<5120xi32, #tpu.memory_space<vmem>>, %arg14: memref<320xi32, #tpu.memory_space<vmem>>, %arg15: memref<320xi32, #tpu.memory_space<vmem>>, %arg16: memref<320x128xf32, #tpu.memory_space<vmem>>, %arg17: memref<320x128xf32, #tpu.memory_space<vmem>>, %arg18: memref<!tpu.dma_semaphore, #tpu.memory_space<semaphore_mem>>, %arg19: memref<!tpu.dma_semaphore, #tpu.memory_space<semaphore_mem>>, %arg20: memref<!tpu.dma_semaphore, #tpu.memory_space<semaphore_mem>>, %arg21: memref<!tpu.dma_semaphore, #tpu.memory_space<semaphore_mem>>, %arg22: memref<!tpu.dma_semaphore, #tpu.memory_space<semaphore_mem>>, %arg23: memref<!tpu.dma_semaphore, #tpu.memory_space<semaphore_mem>>) attributes {dimension_semantics = [#tpu.dimension_semantics<core_parallel>, #tpu.dimension_semantics<subcore_parallel>], iteration_bounds = array<i64: 2, 16>, scalar_prefetch = 0 : i64, scratch_operands = 15 : i64, tpu.core_type = #tpu.core_type<sc_vector_subcore>, window_params = [{transform_indices = #map}, {transform_indices = #map1}, {transform_indices = #map1}, {transform_indices = #map}, {transform_indices = #map1}, {transform_indices = #map1}, {transform_indices = #map}]} {
    %mul3A = arith.constant 2 : i32
    %mul3A_0 = arith.muli %arg1, %mul3A : i32
    %add3A = arith.addi %mul3A_0, %arg0 : i32
    %mul3A_1 = arith.constant 320 : i32
    %mul3A_2 = arith.muli %add3A, %mul3A_1 : i32
    %dma_start3A = arith.constant 0 : i32
    %dma_start3A_3 = arith.constant 0 : i32
    %dma_start3A_4 = tpu.memref_slice %arg2[%dma_start3A, %dma_start3A_3] : memref<8x10000xf32, #tpu.memory_space<hbm>> -> memref<1x10000xf32, #tpu.memory_space<hbm>>
    %dma_start3A_5 = tpu.memref_squeeze %dma_start3A_4 : memref<1x10000xf32, #tpu.memory_space<hbm>> -> memref<10000xf32, #tpu.memory_space<hbm>>
    %dma_start3A_6 = arith.constant 0 : i32
    %dma_start3A_7 = tpu.memref_slice %arg2[%dma_start3A, %dma_start3A_6] : memref<8x10000xf32, #tpu.memory_space<hbm>> -> memref<1x10000xf32, #tpu.memory_space<hbm>>
    %dma_start3A_8 = tpu.memref_squeeze %dma_start3A_7 : memref<1x10000xf32, #tpu.memory_space<hbm>> -> memref<10000xf32, #tpu.memory_space<hbm>>
    tpu.enqueue_dma source(%dma_start3A_8 : memref<10000xf32, #tpu.memory_space<hbm>>) target(%arg9 : memref<10000xf32, #tpu.memory_space<vmem>>) target_semaphore(%arg18 : memref<!tpu.dma_semaphore, #tpu.memory_space<semaphore_mem>>)
    %dma_start3A_9 = arith.constant 1 : i32
    %dma_start3A_10 = arith.constant 0 : i32
    %dma_start3A_11 = tpu.memref_slice %arg2[%dma_start3A_9, %dma_start3A_10] : memref<8x10000xf32, #tpu.memory_space<hbm>> -> memref<1x10000xf32, #tpu.memory_space<hbm>>
    %dma_start3A_12 = tpu.memref_squeeze %dma_start3A_11 : memref<1x10000xf32, #tpu.memory_space<hbm>> -> memref<10000xf32, #tpu.memory_space<hbm>>
    %dma_start3A_13 = arith.constant 0 : i32
    %dma_start3A_14 = tpu.memref_slice %arg2[%dma_start3A_9, %dma_start3A_13] : memref<8x10000xf32, #tpu.memory_space<hbm>> -> memref<1x10000xf32, #tpu.memory_space<hbm>>
    %dma_start3A_15 = tpu.memref_squeeze %dma_start3A_14 : memref<1x10000xf32, #tpu.memory_space<hbm>> -> memref<10000xf32, #tpu.memory_space<hbm>>
    tpu.enqueue_dma source(%dma_start3A_15 : memref<10000xf32, #tpu.memory_space<hbm>>) target(%arg10 : memref<10000xf32, #tpu.memory_space<vmem>>) target_semaphore(%arg19 : memref<!tpu.dma_semaphore, #tpu.memory_space<semaphore_mem>>)
    %mul3A_16 = arith.constant 16 : i32
    %mul3A_17 = arith.muli %mul3A_2, %mul3A_16 : i32
    %dma_start3A_18 = tpu.memref_slice %arg4[%mul3A_17] : memref<327680xf32, #tpu.memory_space<hbm>> -> memref<5120xf32, #tpu.memory_space<hbm>>
    %dma_start3A_19 = tpu.memref_slice %arg4[%mul3A_17] : memref<327680xf32, #tpu.memory_space<hbm>> -> memref<5120xf32, #tpu.memory_space<hbm>>
    tpu.enqueue_dma source(%dma_start3A_19 : memref<5120xf32, #tpu.memory_space<hbm>>) target(%arg12 : memref<5120xf32, #tpu.memory_space<vmem>>) target_semaphore(%arg21 : memref<!tpu.dma_semaphore, #tpu.memory_space<semaphore_mem>>)
    %lt3A = arith.constant 31 : i32
    %lt3A_20 = arith.cmpi slt, %add3A, %lt3A : i32
    %convert_element_type3A = arith.extui %lt3A_20 : i1 to i32
    %cond3A = arith.constant 0 : i32
    %cond3A_21 = arith.cmpi ne, %convert_element_type3A, %cond3A : i32
    scf.if %cond3A_21 {
      %mul3A_1198 = arith.constant 16 : i32
      %mul3A_1199 = arith.muli %mul3A_2, %mul3A_1198 : i32
      %add3A_1200 = arith.constant 160000 : i32
      %add3A_1201 = arith.addi %add3A_1200, %mul3A_1199 : i32
      "tpu.region"() ({
        %run_scoped3A = tpu.sem_alloc : memref<!tpu.dma_semaphore, #tpu.memory_space<semaphore_mem>>
        %dma_start3A_1202 = tpu.memref_slice %arg3[%add3A_1201] : memref<320000xi32, #tpu.memory_space<hbm>> -> memref<5120xi32, #tpu.memory_space<hbm>>
        %dma_start3A_1203 = tpu.memref_slice %arg3[%add3A_1201] : memref<320000xi32, #tpu.memory_space<hbm>> -> memref<5120xi32, #tpu.memory_space<hbm>>
        tpu.enqueue_dma source(%dma_start3A_1203 : memref<5120xi32, #tpu.memory_space<hbm>>) target(%arg11 : memref<5120xi32, #tpu.memory_space<vmem>>) target_semaphore(%run_scoped3A : memref<!tpu.dma_semaphore, #tpu.memory_space<semaphore_mem>>)
        %dma_wait3A_1204 = tpu.memref_slice %arg3[%add3A_1201] : memref<320000xi32, #tpu.memory_space<hbm>> -> memref<5120xi32, #tpu.memory_space<hbm>>
        %dma_wait3A_1205 = tpu.memref_slice %arg3[%add3A_1201] : memref<320000xi32, #tpu.memory_space<hbm>> -> memref<5120xi32, #tpu.memory_space<hbm>>
        tpu.wait_dma2 semaphore(%run_scoped3A : memref<!tpu.dma_semaphore, #tpu.memory_space<semaphore_mem>>) src(%dma_wait3A_1205 : memref<5120xi32, #tpu.memory_space<hbm>>) dst(%arg11 : memref<5120xi32, #tpu.memory_space<vmem>>)
        tpu.yield
      }) : () -> ()
    } else {
    }
    %eq3A = arith.constant 31 : i32
    %eq3A_22 = arith.cmpi eq, %add3A, %eq3A : i32
    %convert_element_type3A_23 = arith.extui %eq3A_22 : i1 to i32
    %cond3A_24 = arith.constant 0 : i32
    %cond3A_25 = arith.cmpi ne, %convert_element_type3A_23, %cond3A_24 : i32
    scf.if %cond3A_25 {
      %mul3A_1198 = arith.constant 16 : i32
      %mul3A_1199 = arith.muli %mul3A_2, %mul3A_1198 : i32
      %add3A_1200 = arith.constant 160000 : i32
      %add3A_1201 = arith.addi %add3A_1200, %mul3A_1199 : i32
      "tpu.region"() ({
        %run_scoped3A = tpu.sem_alloc : memref<!tpu.dma_semaphore, #tpu.memory_space<semaphore_mem>>
        %dma_start3A_1206 = arith.constant 0 : i32
        %dma_start3A_1207 = tpu.memref_slice %arg11[%dma_start3A_1206] : memref<5120xi32, #tpu.memory_space<vmem>> -> memref<1280xi32, #tpu.memory_space<vmem>>
        %dma_start3A_1208 = tpu.memref_slice %arg3[%add3A_1201] : memref<320000xi32, #tpu.memory_space<hbm>> -> memref<1280xi32, #tpu.memory_space<hbm>>
        %dma_start3A_1209 = arith.constant 0 : i32
        %dma_start3A_1210 = tpu.memref_slice %arg11[%dma_start3A_1209] : memref<5120xi32, #tpu.memory_space<vmem>> -> memref<1280xi32, #tpu.memory_space<vmem>>
        %dma_start3A_1211 = tpu.memref_slice %arg3[%add3A_1201] : memref<320000xi32, #tpu.memory_space<hbm>> -> memref<1280xi32, #tpu.memory_space<hbm>>
        tpu.enqueue_dma source(%dma_start3A_1211 : memref<1280xi32, #tpu.memory_space<hbm>>) target(%dma_start3A_1210 : memref<1280xi32, #tpu.memory_space<vmem>>) target_semaphore(%run_scoped3A : memref<!tpu.dma_semaphore, #tpu.memory_space<semaphore_mem>>)
        %dma_wait3A_1212 = arith.constant 0 : i32
        %dma_wait3A_1213 = tpu.memref_slice %arg11[%dma_wait3A_1212] : memref<5120xi32, #tpu.memory_space<vmem>> -> memref<1280xi32, #tpu.memory_space<vmem>>
        %dma_wait3A_1214 = tpu.memref_slice %arg3[%add3A_1201] : memref<320000xi32, #tpu.memory_space<hbm>> -> memref<1280xi32, #tpu.memory_space<hbm>>
        %dma_wait3A_1215 = arith.constant 0 : i32
        %dma_wait3A_1216 = tpu.memref_slice %arg11[%dma_wait3A_1215] : memref<5120xi32, #tpu.memory_space<vmem>> -> memref<1280xi32, #tpu.memory_space<vmem>>
        %dma_wait3A_1217 = tpu.memref_slice %arg3[%add3A_1201] : memref<320000xi32, #tpu.memory_space<hbm>> -> memref<1280xi32, #tpu.memory_space<hbm>>
        tpu.wait_dma2 semaphore(%run_scoped3A : memref<!tpu.dma_semaphore, #tpu.memory_space<semaphore_mem>>) src(%dma_wait3A_1217 : memref<1280xi32, #tpu.memory_space<hbm>>) dst(%dma_wait3A_1216 : memref<1280xi32, #tpu.memory_space<vmem>>)
        tpu.yield
      }) : () -> ()
      %broadcast_in_dim3A = arith.constant 0 : i32
      %broadcast_in_dim3A_1202 = vector.broadcast %broadcast_in_dim3A : i32 to vector<16xi32>
      %parallel_loop3A_1203 = arith.constant 1280 : i32
      %parallel_loop3A_1204 = arith.constant 5120 : i32
      %parallel_loop3A_1205 = arith.constant 16 : i32
      scf.for %parallel_loop3A_1206 = %parallel_loop3A_1203 to %parallel_loop3A_1204 step %parallel_loop3A_1205  : i32 {
        %parallel_loop3A_1207 = arith.index_cast %parallel_loop3A_1206 : i32 to index
        %parallel_loop3A_1208 = tpu.vector_load %arg11[%parallel_loop3A_1207] {strides = array<i32>} : memref<5120xi32, #tpu.memory_space<vmem>>, vector<16xi32>,
        tpu.vector_store %arg11[%parallel_loop3A_1207], %broadcast_in_dim3A_1202 {strides = array<i32>} : memref<5120xi32, #tpu.memory_space<vmem>>, vector<16xi32>,
      } {sc.loop_unroll_factor = 1 : i64, sc.parallel_access}
    } else {
    }
    %dma_wait3A = arith.constant 0 : i32
    %dma_wait3A_26 = arith.constant 0 : i32
    %dma_wait3A_27 = tpu.memref_slice %arg2[%dma_wait3A, %dma_wait3A_26] : memref<8x10000xf32, #tpu.memory_space<hbm>> -> memref<1x10000xf32, #tpu.memory_space<hbm>>
    %dma_wait3A_28 = tpu.memref_squeeze %dma_wait3A_27 : memref<1x10000xf32, #tpu.memory_space<hbm>> -> memref<10000xf32, #tpu.memory_space<hbm>>
    %dma_wait3A_29 = arith.constant 0 : i32
    %dma_wait3A_30 = tpu.memref_slice %arg2[%dma_wait3A, %dma_wait3A_29] : memref<8x10000xf32, #tpu.memory_space<hbm>> -> memref<1x10000xf32, #tpu.memory_space<hbm>>
    %dma_wait3A_31 = tpu.memref_squeeze %dma_wait3A_30 : memref<1x10000xf32, #tpu.memory_space<hbm>> -> memref<10000xf32, #tpu.memory_space<hbm>>
    tpu.wait_dma2 semaphore(%arg18 : memref<!tpu.dma_semaphore, #tpu.memory_space<semaphore_mem>>) src(%dma_wait3A_31 : memref<10000xf32, #tpu.memory_space<hbm>>) dst(%arg9 : memref<10000xf32, #tpu.memory_space<vmem>>)
    %dma_wait3A_32 = tpu.memref_slice %arg4[%mul3A_17] : memref<327680xf32, #tpu.memory_space<hbm>> -> memref<5120xf32, #tpu.memory_space<hbm>>
    %dma_wait3A_33 = tpu.memref_slice %arg4[%mul3A_17] : memref<327680xf32, #tpu.memory_space<hbm>> -> memref<5120xf32, #tpu.memory_space<hbm>>
    tpu.wait_dma2 semaphore(%arg21 : memref<!tpu.dma_semaphore, #tpu.memory_space<semaphore_mem>>) src(%dma_wait3A_33 : memref<5120xf32, #tpu.memory_space<hbm>>) dst(%arg12 : memref<5120xf32, #tpu.memory_space<vmem>>)
    %iota3A = tpu.iota {dimensions = array<i32: 0>} : vector<16xi32>
    %mul3A_34 = arith.constant 16 : i32
    %mul3A_35 = vector.broadcast %mul3A_34 : i32 to vector<16xi32>
    %mul3A_36 = arith.muli %iota3A, %mul3A_35 : vector<16xi32>
    %parallel_loop3A = arith.constant 0 : i32
    %parallel_loop3A_37 = arith.constant 20 : i32
    %parallel_loop3A_38 = arith.constant 1 : i32
    scf.for %parallel_loop3A_1198 = %parallel_loop3A to %parallel_loop3A_37 step %parallel_loop3A_38  : i32 {
      %parallel_loop3A_1199 = arith.constant 256 : i32
      %parallel_loop3A_1200 = arith.muli %parallel_loop3A_1198, %parallel_loop3A_1199 : i32
      %parallel_loop3A_1201 = vector.broadcast %parallel_loop3A_1200 : i32 to vector<16xi32>
      %parallel_loop3A_1202 = arith.addi %parallel_loop3A_1201, %mul3A_36 : vector<16xi32>
      %parallel_loop3A_1203 = arith.constant 0 : i32
      %parallel_loop3A_1204 = vector.broadcast %parallel_loop3A_1203 : i32 to vector<16xi32>
      %parallel_loop3A_1205 = arith.addi %parallel_loop3A_1202, %parallel_loop3A_1204 : vector<16xi32>
      %parallel_loop3A_1206 = tpu.vector_load_idx %arg11[%parallel_loop3A_1205] : memref<5120xi32, #tpu.memory_space<vmem>>[vector<16xi32>], vector<16xi32>,
      %parallel_loop3A_1207 = tpu.vector_load_idx %arg9[%parallel_loop3A_1206] : memref<10000xf32, #tpu.memory_space<vmem>>[vector<16xi32>], vector<16xf32>,
      %parallel_loop3A_1208 = arith.constant 1 : i32
      %parallel_loop3A_1209 = vector.broadcast %parallel_loop3A_1208 : i32 to vector<16xi32>
      %parallel_loop3A_1210 = arith.addi %parallel_loop3A_1202, %parallel_loop3A_1209 : vector<16xi32>
      %parallel_loop3A_1211 = tpu.vector_load_idx %arg11[%parallel_loop3A_1210] : memref<5120xi32, #tpu.memory_space<vmem>>[vector<16xi32>], vector<16xi32>,
      %parallel_loop3A_1212 = tpu.vector_load_idx %arg9[%parallel_loop3A_1211] : memref<10000xf32, #tpu.memory_space<vmem>>[vector<16xi32>], vector<16xf32>,
      %parallel_loop3A_1213 = arith.constant 2 : i32
      %parallel_loop3A_1214 = vector.broadcast %parallel_loop3A_1213 : i32 to vector<16xi32>
      %parallel_loop3A_1215 = arith.addi %parallel_loop3A_1202, %parallel_loop3A_1214 : vector<16xi32>
      %parallel_loop3A_1216 = tpu.vector_load_idx %arg11[%parallel_loop3A_1215] : memref<5120xi32, #tpu.memory_space<vmem>>[vector<16xi32>], vector<16xi32>,
      %parallel_loop3A_1217 = tpu.vector_load_idx %arg9[%parallel_loop3A_1216] : memref<10000xf32, #tpu.memory_space<vmem>>[vector<16xi32>], vector<16xf32>,
      %parallel_loop3A_1218 = arith.constant 3 : i32
      %parallel_loop3A_1219 = vector.broadcast %parallel_loop3A_1218 : i32 to vector<16xi32>
      %parallel_loop3A_1220 = arith.addi %parallel_loop3A_1202, %parallel_loop3A_1219 : vector<16xi32>
      %parallel_loop3A_1221 = tpu.vector_load_idx %arg11[%parallel_loop3A_1220] : memref<5120xi32, #tpu.memory_space<vmem>>[vector<16xi32>], vector<16xi32>,
      %parallel_loop3A_1222 = tpu.vector_load_idx %arg9[%parallel_loop3A_1221] : memref<10000xf32, #tpu.memory_space<vmem>>[vector<16xi32>], vector<16xf32>,
      %parallel_loop3A_1223 = arith.constant 4 : i32
      %parallel_loop3A_1224 = vector.broadcast %parallel_loop3A_1223 : i32 to vector<16xi32>
      %parallel_loop3A_1225 = arith.addi %parallel_loop3A_1202, %parallel_loop3A_1224 : vector<16xi32>
      %parallel_loop3A_1226 = tpu.vector_load_idx %arg11[%parallel_loop3A_1225] : memref<5120xi32, #tpu.memory_space<vmem>>[vector<16xi32>], vector<16xi32>,
      %parallel_loop3A_1227 = tpu.vector_load_idx %arg9[%parallel_loop3A_1226] : memref<10000xf32, #tpu.memory_space<vmem>>[vector<16xi32>], vector<16xf32>,
      %parallel_loop3A_1228 = arith.constant 5 : i32
      %parallel_loop3A_1229 = vector.broadcast %parallel_loop3A_1228 : i32 to vector<16xi32>
      %parallel_loop3A_1230 = arith.addi %parallel_loop3A_1202, %parallel_loop3A_1229 : vector<16xi32>
      %parallel_loop3A_1231 = tpu.vector_load_idx %arg11[%parallel_loop3A_1230] : memref<5120xi32, #tpu.memory_space<vmem>>[vector<16xi32>], vector<16xi32>,
      %parallel_loop3A_1232 = tpu.vector_load_idx %arg9[%parallel_loop3A_1231] : memref<10000xf32, #tpu.memory_space<vmem>>[vector<16xi32>], vector<16xf32>,
      %parallel_loop3A_1233 = arith.constant 6 : i32
      %parallel_loop3A_1234 = vector.broadcast %parallel_loop3A_1233 : i32 to vector<16xi32>
      %parallel_loop3A_1235 = arith.addi %parallel_loop3A_1202, %parallel_loop3A_1234 : vector<16xi32>
      %parallel_loop3A_1236 = tpu.vector_load_idx %arg11[%parallel_loop3A_1235] : memref<5120xi32, #tpu.memory_space<vmem>>[vector<16xi32>], vector<16xi32>,
      %parallel_loop3A_1237 = tpu.vector_load_idx %arg9[%parallel_loop3A_1236] : memref<10000xf32, #tpu.memory_space<vmem>>[vector<16xi32>], vector<16xf32>,
      %parallel_loop3A_1238 = arith.constant 7 : i32
      %parallel_loop3A_1239 = vector.broadcast %parallel_loop3A_1238 : i32 to vector<16xi32>
      %parallel_loop3A_1240 = arith.addi %parallel_loop3A_1202, %parallel_loop3A_1239 : vector<16xi32>
      %parallel_loop3A_1241 = tpu.vector_load_idx %arg11[%parallel_loop3A_1240] : memref<5120xi32, #tpu.memory_space<vmem>>[vector<16xi32>], vector<16xi32>,
      %parallel_loop3A_1242 = tpu.vector_load_idx %arg9[%parallel_loop3A_1241] : memref<10000xf32, #tpu.memory_space<vmem>>[vector<16xi32>], vector<16xf32>,
      %parallel_loop3A_1243 = arith.constant 8 : i32
      %parallel_loop3A_1244 = vector.broadcast %parallel_loop3A_1243 : i32 to vector<16xi32>
      %parallel_loop3A_1245 = arith.addi %parallel_loop3A_1202, %parallel_loop3A_1244 : vector<16xi32>
      %parallel_loop3A_1246 = tpu.vector_load_idx %arg11[%parallel_loop3A_1245] : memref<5120xi32, #tpu.memory_space<vmem>>[vector<16xi32>], vector<16xi32>,
      %parallel_loop3A_1247 = tpu.vector_load_idx %arg9[%parallel_loop3A_1246] : memref<10000xf32, #tpu.memory_space<vmem>>[vector<16xi32>], vector<16xf32>,
      %parallel_loop3A_1248 = arith.constant 9 : i32
      %parallel_loop3A_1249 = vector.broadcast %parallel_loop3A_1248 : i32 to vector<16xi32>
      %parallel_loop3A_1250 = arith.addi %parallel_loop3A_1202, %parallel_loop3A_1249 : vector<16xi32>
      %parallel_loop3A_1251 = tpu.vector_load_idx %arg11[%parallel_loop3A_1250] : memref<5120xi32, #tpu.memory_space<vmem>>[vector<16xi32>], vector<16xi32>,
      %parallel_loop3A_1252 = tpu.vector_load_idx %arg9[%parallel_loop3A_1251] : memref<10000xf32, #tpu.memory_space<vmem>>[vector<16xi32>], vector<16xf32>,
      %parallel_loop3A_1253 = arith.constant 10 : i32
      %parallel_loop3A_1254 = vector.broadcast %parallel_loop3A_1253 : i32 to vector<16xi32>
      %parallel_loop3A_1255 = arith.addi %parallel_loop3A_1202, %parallel_loop3A_1254 : vector<16xi32>
      %parallel_loop3A_1256 = tpu.vector_load_idx %arg11[%parallel_loop3A_1255] : memref<5120xi32, #tpu.memory_space<vmem>>[vector<16xi32>], vector<16xi32>,
      %parallel_loop3A_1257 = tpu.vector_load_idx %arg9[%parallel_loop3A_1256] : memref<10000xf32, #tpu.memory_space<vmem>>[vector<16xi32>], vector<16xf32>,
      %parallel_loop3A_1258 = arith.constant 11 : i32
      %parallel_loop3A_1259 = vector.broadcast %parallel_loop3A_1258 : i32 to vector<16xi32>
      %parallel_loop3A_1260 = arith.addi %parallel_loop3A_1202, %parallel_loop3A_1259 : vector<16xi32>
      %parallel_loop3A_1261 = tpu.vector_load_idx %arg11[%parallel_loop3A_1260] : memref<5120xi32, #tpu.memory_space<vmem>>[vector<16xi32>], vector<16xi32>,
      %parallel_loop3A_1262 = tpu.vector_load_idx %arg9[%parallel_loop3A_1261] : memref<10000xf32, #tpu.memory_space<vmem>>[vector<16xi32>], vector<16xf32>,
      %parallel_loop3A_1263 = arith.constant 12 : i32
      %parallel_loop3A_1264 = vector.broadcast %parallel_loop3A_1263 : i32 to vector<16xi32>
      %parallel_loop3A_1265 = arith.addi %parallel_loop3A_1202, %parallel_loop3A_1264 : vector<16xi32>
      %parallel_loop3A_1266 = tpu.vector_load_idx %arg11[%parallel_loop3A_1265] : memref<5120xi32, #tpu.memory_space<vmem>>[vector<16xi32>], vector<16xi32>,
      %parallel_loop3A_1267 = tpu.vector_load_idx %arg9[%parallel_loop3A_1266] : memref<10000xf32, #tpu.memory_space<vmem>>[vector<16xi32>], vector<16xf32>,
      %parallel_loop3A_1268 = arith.constant 13 : i32
      %parallel_loop3A_1269 = vector.broadcast %parallel_loop3A_1268 : i32 to vector<16xi32>
      %parallel_loop3A_1270 = arith.addi %parallel_loop3A_1202, %parallel_loop3A_1269 : vector<16xi32>
      %parallel_loop3A_1271 = tpu.vector_load_idx %arg11[%parallel_loop3A_1270] : memref<5120xi32, #tpu.memory_space<vmem>>[vector<16xi32>], vector<16xi32>,
      %parallel_loop3A_1272 = tpu.vector_load_idx %arg9[%parallel_loop3A_1271] : memref<10000xf32, #tpu.memory_space<vmem>>[vector<16xi32>], vector<16xf32>,
      %parallel_loop3A_1273 = arith.constant 14 : i32
      %parallel_loop3A_1274 = vector.broadcast %parallel_loop3A_1273 : i32 to vector<16xi32>
      %parallel_loop3A_1275 = arith.addi %parallel_loop3A_1202, %parallel_loop3A_1274 : vector<16xi32>
      %parallel_loop3A_1276 = tpu.vector_load_idx %arg11[%parallel_loop3A_1275] : memref<5120xi32, #tpu.memory_space<vmem>>[vector<16xi32>], vector<16xi32>,
      %parallel_loop3A_1277 = tpu.vector_load_idx %arg9[%parallel_loop3A_1276] : memref<10000xf32, #tpu.memory_space<vmem>>[vector<16xi32>], vector<16xf32>,
      %parallel_loop3A_1278 = arith.constant 15 : i32
      %parallel_loop3A_1279 = vector.broadcast %parallel_loop3A_1278 : i32 to vector<16xi32>
      %parallel_loop3A_1280 = arith.addi %parallel_loop3A_1202, %parallel_loop3A_1279 : vector<16xi32>
      %parallel_loop3A_1281 = tpu.vector_load_idx %arg11[%parallel_loop3A_1280] : memref<5120xi32, #tpu.memory_space<vmem>>[vector<16xi32>], vector<16xi32>,
      %parallel_loop3A_1282 = tpu.vector_load_idx %arg9[%parallel_loop3A_1281] : memref<10000xf32, #tpu.memory_space<vmem>>[vector<16xi32>], vector<16xf32>,
      %parallel_loop3A_1283 = arith.maximumf %parallel_loop3A_1207, %parallel_loop3A_1212 : vector<16xf32>
      %parallel_loop3A_1284 = arith.maximumf %parallel_loop3A_1283, %parallel_loop3A_1217 : vector<16xf32>
      %parallel_loop3A_1285 = arith.maximumf %parallel_loop3A_1284, %parallel_loop3A_1222 : vector<16xf32>
      %parallel_loop3A_1286 = arith.maximumf %parallel_loop3A_1285, %parallel_loop3A_1227 : vector<16xf32>
      %parallel_loop3A_1287 = arith.maximumf %parallel_loop3A_1286, %parallel_loop3A_1232 : vector<16xf32>
      %parallel_loop3A_1288 = arith.maximumf %parallel_loop3A_1287, %parallel_loop3A_1237 : vector<16xf32>
      %parallel_loop3A_1289 = arith.maximumf %parallel_loop3A_1288, %parallel_loop3A_1242 : vector<16xf32>
      %parallel_loop3A_1290 = arith.maximumf %parallel_loop3A_1289, %parallel_loop3A_1247 : vector<16xf32>
      %parallel_loop3A_1291 = arith.maximumf %parallel_loop3A_1290, %parallel_loop3A_1252 : vector<16xf32>
      %parallel_loop3A_1292 = arith.maximumf %parallel_loop3A_1291, %parallel_loop3A_1257 : vector<16xf32>
      %parallel_loop3A_1293 = arith.maximumf %parallel_loop3A_1292, %parallel_loop3A_1262 : vector<16xf32>
      %parallel_loop3A_1294 = arith.maximumf %parallel_loop3A_1293, %parallel_loop3A_1267 : vector<16xf32>
      %parallel_loop3A_1295 = arith.maximumf %parallel_loop3A_1294, %parallel_loop3A_1272 : vector<16xf32>
      %parallel_loop3A_1296 = arith.maximumf %parallel_loop3A_1295, %parallel_loop3A_1277 : vector<16xf32>
      %parallel_loop3A_1297 = arith.maximumf %parallel_loop3A_1296, %parallel_loop3A_1282 : vector<16xf32>
      %parallel_loop3A_1298 = arith.subf %parallel_loop3A_1207, %parallel_loop3A_1297 : vector<16xf32>
      %parallel_loop3A_1299 = math.exp %parallel_loop3A_1298 : vector<16xf32>
      %parallel_loop3A_1300 = arith.subf %parallel_loop3A_1212, %parallel_loop3A_1297 : vector<16xf32>
      %parallel_loop3A_1301 = math.exp %parallel_loop3A_1300 : vector<16xf32>
      %parallel_loop3A_1302 = arith.subf %parallel_loop3A_1217, %parallel_loop3A_1297 : vector<16xf32>
      %parallel_loop3A_1303 = math.exp %parallel_loop3A_1302 : vector<16xf32>
      %parallel_loop3A_1304 = arith.subf %parallel_loop3A_1222, %parallel_loop3A_1297 : vector<16xf32>
      %parallel_loop3A_1305 = math.exp %parallel_loop3A_1304 : vector<16xf32>
      %parallel_loop3A_1306 = arith.subf %parallel_loop3A_1227, %parallel_loop3A_1297 : vector<16xf32>
      %parallel_loop3A_1307 = math.exp %parallel_loop3A_1306 : vector<16xf32>
      %parallel_loop3A_1308 = arith.subf %parallel_loop3A_1232, %parallel_loop3A_1297 : vector<16xf32>
      %parallel_loop3A_1309 = math.exp %parallel_loop3A_1308 : vector<16xf32>
      %parallel_loop3A_1310 = arith.subf %parallel_loop3A_1237, %parallel_loop3A_1297 : vector<16xf32>
      %parallel_loop3A_1311 = math.exp %parallel_loop3A_1310 : vector<16xf32>
      %parallel_loop3A_1312 = arith.subf %parallel_loop3A_1242, %parallel_loop3A_1297 : vector<16xf32>
      %parallel_loop3A_1313 = math.exp %parallel_loop3A_1312 : vector<16xf32>
      %parallel_loop3A_1314 = arith.subf %parallel_loop3A_1247, %parallel_loop3A_1297 : vector<16xf32>
      %parallel_loop3A_1315 = math.exp %parallel_loop3A_1314 : vector<16xf32>
      %parallel_loop3A_1316 = arith.subf %parallel_loop3A_1252, %parallel_loop3A_1297 : vector<16xf32>
      %parallel_loop3A_1317 = math.exp %parallel_loop3A_1316 : vector<16xf32>
      %parallel_loop3A_1318 = arith.subf %parallel_loop3A_1257, %parallel_loop3A_1297 : vector<16xf32>
      %parallel_loop3A_1319 = math.exp %parallel_loop3A_1318 : vector<16xf32>
      %parallel_loop3A_1320 = arith.subf %parallel_loop3A_1262, %parallel_loop3A_1297 : vector<16xf32>
      %parallel_loop3A_1321 = math.exp %parallel_loop3A_1320 : vector<16xf32>
      %parallel_loop3A_1322 = arith.subf %parallel_loop3A_1267, %parallel_loop3A_1297 : vector<16xf32>
      %parallel_loop3A_1323 = math.exp %parallel_loop3A_1322 : vector<16xf32>
      %parallel_loop3A_1324 = arith.subf %parallel_loop3A_1272, %parallel_loop3A_1297 : vector<16xf32>
      %parallel_loop3A_1325 = math.exp %parallel_loop3A_1324 : vector<16xf32>
      %parallel_loop3A_1326 = arith.subf %parallel_loop3A_1277, %parallel_loop3A_1297 : vector<16xf32>
      %parallel_loop3A_1327 = math.exp %parallel_loop3A_1326 : vector<16xf32>
      %parallel_loop3A_1328 = arith.subf %parallel_loop3A_1282, %parallel_loop3A_1297 : vector<16xf32>
      %parallel_loop3A_1329 = math.exp %parallel_loop3A_1328 : vector<16xf32>
      %parallel_loop3A_1330 = arith.addf %parallel_loop3A_1299, %parallel_loop3A_1301 : vector<16xf32>
      %parallel_loop3A_1331 = arith.addf %parallel_loop3A_1330, %parallel_loop3A_1303 : vector<16xf32>
      %parallel_loop3A_1332 = arith.addf %parallel_loop3A_1331, %parallel_loop3A_1305 : vector<16xf32>
      %parallel_loop3A_1333 = arith.addf %parallel_loop3A_1332, %parallel_loop3A_1307 : vector<16xf32>
      %parallel_loop3A_1334 = arith.addf %parallel_loop3A_1333, %parallel_loop3A_1309 : vector<16xf32>
      %parallel_loop3A_1335 = arith.addf %parallel_loop3A_1334, %parallel_loop3A_1311 : vector<16xf32>
      %parallel_loop3A_1336 = arith.addf %parallel_loop3A_1335, %parallel_loop3A_1313 : vector<16xf32>
      %parallel_loop3A_1337 = arith.addf %parallel_loop3A_1336, %parallel_loop3A_1315 : vector<16xf32>
      %parallel_loop3A_1338 = arith.addf %parallel_loop3A_1337, %parallel_loop3A_1317 : vector<16xf32>
      %parallel_loop3A_1339 = arith.addf %parallel_loop3A_1338, %parallel_loop3A_1319 : vector<16xf32>
      %parallel_loop3A_1340 = arith.addf %parallel_loop3A_1339, %parallel_loop3A_1321 : vector<16xf32>
      %parallel_loop3A_1341 = arith.addf %parallel_loop3A_1340, %parallel_loop3A_1323 : vector<16xf32>
      %parallel_loop3A_1342 = arith.addf %parallel_loop3A_1341, %parallel_loop3A_1325 : vector<16xf32>
      %parallel_loop3A_1343 = arith.addf %parallel_loop3A_1342, %parallel_loop3A_1327 : vector<16xf32>
      %parallel_loop3A_1344 = arith.addf %parallel_loop3A_1343, %parallel_loop3A_1329 : vector<16xf32>
      %parallel_loop3A_1345 = arith.divf %parallel_loop3A_1299, %parallel_loop3A_1344 : vector<16xf32>
      %parallel_loop3A_1346 = arith.index_cast %parallel_loop3A_1200 : i32 to index
      %parallel_loop3A_1347 = tpu.vector_load %arg12[%parallel_loop3A_1346] {strides = array<i32>} : memref<5120xf32, #tpu.memory_space<vmem>>, vector<16xf32>,
      %parallel_loop3A_1348 = arith.addf %parallel_loop3A_1345, %parallel_loop3A_1347 : vector<16xf32>
      %parallel_loop3A_1349 = arith.constant 0 : i32
      %parallel_loop3A_1350 = vector.broadcast %parallel_loop3A_1349 : i32 to vector<16xi32>
      %parallel_loop3A_1351 = arith.divf %parallel_loop3A_1301, %parallel_loop3A_1344 : vector<16xf32>
      %parallel_loop3A_1352 = arith.constant 16 : i32
      %parallel_loop3A_1353 = arith.addi %parallel_loop3A_1200, %parallel_loop3A_1352 : i32
      %parallel_loop3A_1354 = arith.index_cast %parallel_loop3A_1353 : i32 to index
      %parallel_loop3A_1355 = tpu.vector_load %arg12[%parallel_loop3A_1354] {strides = array<i32>} : memref<5120xf32, #tpu.memory_space<vmem>>, vector<16xf32>,
      %parallel_loop3A_1356 = arith.addf %parallel_loop3A_1351, %parallel_loop3A_1355 : vector<16xf32>
      %parallel_loop3A_1357 = arith.cmpf ogt, %parallel_loop3A_1356, %parallel_loop3A_1348 : vector<16xf32>
      %parallel_loop3A_1358 = arith.constant 1 : i32
      %parallel_loop3A_1359 = vector.broadcast %parallel_loop3A_1358 : i32 to vector<16xi32>
      %parallel_loop3A_1360 = arith.select %parallel_loop3A_1357, %parallel_loop3A_1359, %parallel_loop3A_1350 : vector<16xi1>, vector<16xi32>
      %parallel_loop3A_1361 = arith.select %parallel_loop3A_1357, %parallel_loop3A_1356, %parallel_loop3A_1348 : vector<16xi1>, vector<16xf32>
      %parallel_loop3A_1362 = arith.divf %parallel_loop3A_1303, %parallel_loop3A_1344 : vector<16xf32>
      %parallel_loop3A_1363 = arith.constant 32 : i32
      %parallel_loop3A_1364 = arith.addi %parallel_loop3A_1200, %parallel_loop3A_1363 : i32
      %parallel_loop3A_1365 = arith.index_cast %parallel_loop3A_1364 : i32 to index
      %parallel_loop3A_1366 = tpu.vector_load %arg12[%parallel_loop3A_1365] {strides = array<i32>} : memref<5120xf32, #tpu.memory_space<vmem>>, vector<16xf32>,
      %parallel_loop3A_1367 = arith.addf %parallel_loop3A_1362, %parallel_loop3A_1366 : vector<16xf32>
      %parallel_loop3A_1368 = arith.cmpf ogt, %parallel_loop3A_1367, %parallel_loop3A_1361 : vector<16xf32>
      %parallel_loop3A_1369 = arith.constant 2 : i32
      %parallel_loop3A_1370 = vector.broadcast %parallel_loop3A_1369 : i32 to vector<16xi32>
      %parallel_loop3A_1371 = arith.select %parallel_loop3A_1368, %parallel_loop3A_1370, %parallel_loop3A_1360 : vector<16xi1>, vector<16xi32>
      %parallel_loop3A_1372 = arith.select %parallel_loop3A_1368, %parallel_loop3A_1367, %parallel_loop3A_1361 : vector<16xi1>, vector<16xf32>
      %parallel_loop3A_1373 = arith.divf %parallel_loop3A_1305, %parallel_loop3A_1344 : vector<16xf32>
      %parallel_loop3A_1374 = arith.constant 48 : i32
      %parallel_loop3A_1375 = arith.addi %parallel_loop3A_1200, %parallel_loop3A_1374 : i32
      %parallel_loop3A_1376 = arith.index_cast %parallel_loop3A_1375 : i32 to index
      %parallel_loop3A_1377 = tpu.vector_load %arg12[%parallel_loop3A_1376] {strides = array<i32>} : memref<5120xf32, #tpu.memory_space<vmem>>, vector<16xf32>,
      %parallel_loop3A_1378 = arith.addf %parallel_loop3A_1373, %parallel_loop3A_1377 : vector<16xf32>
      %parallel_loop3A_1379 = arith.cmpf ogt, %parallel_loop3A_1378, %parallel_loop3A_1372 : vector<16xf32>
      %parallel_loop3A_1380 = arith.constant 3 : i32
      %parallel_loop3A_1381 = vector.broadcast %parallel_loop3A_1380 : i32 to vector<16xi32>
      %parallel_loop3A_1382 = arith.select %parallel_loop3A_1379, %parallel_loop3A_1381, %parallel_loop3A_1371 : vector<16xi1>, vector<16xi32>
      %parallel_loop3A_1383 = arith.select %parallel_loop3A_1379, %parallel_loop3A_1378, %parallel_loop3A_1372 : vector<16xi1>, vector<16xf32>
      %parallel_loop3A_1384 = arith.divf %parallel_loop3A_1307, %parallel_loop3A_1344 : vector<16xf32>
      %parallel_loop3A_1385 = arith.constant 64 : i32
      %parallel_loop3A_1386 = arith.addi %parallel_loop3A_1200, %parallel_loop3A_1385 : i32
      %parallel_loop3A_1387 = arith.index_cast %parallel_loop3A_1386 : i32 to index
      %parallel_loop3A_1388 = tpu.vector_load %arg12[%parallel_loop3A_1387] {strides = array<i32>} : memref<5120xf32, #tpu.memory_space<vmem>>, vector<16xf32>,
      %parallel_loop3A_1389 = arith.addf %parallel_loop3A_1384, %parallel_loop3A_1388 : vector<16xf32>
      %parallel_loop3A_1390 = arith.cmpf ogt, %parallel_loop3A_1389, %parallel_loop3A_1383 : vector<16xf32>
      %parallel_loop3A_1391 = arith.constant 4 : i32
      %parallel_loop3A_1392 = vector.broadcast %parallel_loop3A_1391 : i32 to vector<16xi32>
      %parallel_loop3A_1393 = arith.select %parallel_loop3A_1390, %parallel_loop3A_1392, %parallel_loop3A_1382 : vector<16xi1>, vector<16xi32>
      %parallel_loop3A_1394 = arith.select %parallel_loop3A_1390, %parallel_loop3A_1389, %parallel_loop3A_1383 : vector<16xi1>, vector<16xf32>
      %parallel_loop3A_1395 = arith.divf %parallel_loop3A_1309, %parallel_loop3A_1344 : vector<16xf32>
      %parallel_loop3A_1396 = arith.constant 80 : i32
      %parallel_loop3A_1397 = arith.addi %parallel_loop3A_1200, %parallel_loop3A_1396 : i32
      %parallel_loop3A_1398 = arith.index_cast %parallel_loop3A_1397 : i32 to index
      %parallel_loop3A_1399 = tpu.vector_load %arg12[%parallel_loop3A_1398] {strides = array<i32>} : memref<5120xf32, #tpu.memory_space<vmem>>, vector<16xf32>,
      %parallel_loop3A_1400 = arith.addf %parallel_loop3A_1395, %parallel_loop3A_1399 : vector<16xf32>
      %parallel_loop3A_1401 = arith.cmpf ogt, %parallel_loop3A_1400, %parallel_loop3A_1394 : vector<16xf32>
      %parallel_loop3A_1402 = arith.constant 5 : i32
      %parallel_loop3A_1403 = vector.broadcast %parallel_loop3A_1402 : i32 to vector<16xi32>
      %parallel_loop3A_1404 = arith.select %parallel_loop3A_1401, %parallel_loop3A_1403, %parallel_loop3A_1393 : vector<16xi1>, vector<16xi32>
      %parallel_loop3A_1405 = arith.select %parallel_loop3A_1401, %parallel_loop3A_1400, %parallel_loop3A_1394 : vector<16xi1>, vector<16xf32>
      %parallel_loop3A_1406 = arith.divf %parallel_loop3A_1311, %parallel_loop3A_1344 : vector<16xf32>
      %parallel_loop3A_1407 = arith.constant 96 : i32
      %parallel_loop3A_1408 = arith.addi %parallel_loop3A_1200, %parallel_loop3A_1407 : i32
      %parallel_loop3A_1409 = arith.index_cast %parallel_loop3A_1408 : i32 to index
      %parallel_loop3A_1410 = tpu.vector_load %arg12[%parallel_loop3A_1409] {strides = array<i32>} : memref<5120xf32, #tpu.memory_space<vmem>>, vector<16xf32>,
      %parallel_loop3A_1411 = arith.addf %parallel_loop3A_1406, %parallel_loop3A_1410 : vector<16xf32>
      %parallel_loop3A_1412 = arith.cmpf ogt, %parallel_loop3A_1411, %parallel_loop3A_1405 : vector<16xf32>
      %parallel_loop3A_1413 = arith.constant 6 : i32
      %parallel_loop3A_1414 = vector.broadcast %parallel_loop3A_1413 : i32 to vector<16xi32>
      %parallel_loop3A_1415 = arith.select %parallel_loop3A_1412, %parallel_loop3A_1414, %parallel_loop3A_1404 : vector<16xi1>, vector<16xi32>
      %parallel_loop3A_1416 = arith.select %parallel_loop3A_1412, %parallel_loop3A_1411, %parallel_loop3A_1405 : vector<16xi1>, vector<16xf32>
      %parallel_loop3A_1417 = arith.divf %parallel_loop3A_1313, %parallel_loop3A_1344 : vector<16xf32>
      %parallel_loop3A_1418 = arith.constant 112 : i32
      %parallel_loop3A_1419 = arith.addi %parallel_loop3A_1200, %parallel_loop3A_1418 : i32
      %parallel_loop3A_1420 = arith.index_cast %parallel_loop3A_1419 : i32 to index
      %parallel_loop3A_1421 = tpu.vector_load %arg12[%parallel_loop3A_1420] {strides = array<i32>} : memref<5120xf32, #tpu.memory_space<vmem>>, vector<16xf32>,
      %parallel_loop3A_1422 = arith.addf %parallel_loop3A_1417, %parallel_loop3A_1421 : vector<16xf32>
      %parallel_loop3A_1423 = arith.cmpf ogt, %parallel_loop3A_1422, %parallel_loop3A_1416 : vector<16xf32>
      %parallel_loop3A_1424 = arith.constant 7 : i32
      %parallel_loop3A_1425 = vector.broadcast %parallel_loop3A_1424 : i32 to vector<16xi32>
      %parallel_loop3A_1426 = arith.select %parallel_loop3A_1423, %parallel_loop3A_1425, %parallel_loop3A_1415 : vector<16xi1>, vector<16xi32>
      %parallel_loop3A_1427 = arith.select %parallel_loop3A_1423, %parallel_loop3A_1422, %parallel_loop3A_1416 : vector<16xi1>, vector<16xf32>
      %parallel_loop3A_1428 = arith.divf %parallel_loop3A_1315, %parallel_loop3A_1344 : vector<16xf32>
      %parallel_loop3A_1429 = arith.constant 128 : i32
      %parallel_loop3A_1430 = arith.addi %parallel_loop3A_1200, %parallel_loop3A_1429 : i32
      %parallel_loop3A_1431 = arith.index_cast %parallel_loop3A_1430 : i32 to index
      %parallel_loop3A_1432 = tpu.vector_load %arg12[%parallel_loop3A_1431] {strides = array<i32>} : memref<5120xf32, #tpu.memory_space<vmem>>, vector<16xf32>,
      %parallel_loop3A_1433 = arith.addf %parallel_loop3A_1428, %parallel_loop3A_1432 : vector<16xf32>
      %parallel_loop3A_1434 = arith.cmpf ogt, %parallel_loop3A_1433, %parallel_loop3A_1427 : vector<16xf32>
      %parallel_loop3A_1435 = arith.constant 8 : i32
      %parallel_loop3A_1436 = vector.broadcast %parallel_loop3A_1435 : i32 to vector<16xi32>
      %parallel_loop3A_1437 = arith.select %parallel_loop3A_1434, %parallel_loop3A_1436, %parallel_loop3A_1426 : vector<16xi1>, vector<16xi32>
      %parallel_loop3A_1438 = arith.select %parallel_loop3A_1434, %parallel_loop3A_1433, %parallel_loop3A_1427 : vector<16xi1>, vector<16xf32>
      %parallel_loop3A_1439 = arith.divf %parallel_loop3A_1317, %parallel_loop3A_1344 : vector<16xf32>
      %parallel_loop3A_1440 = arith.constant 144 : i32
      %parallel_loop3A_1441 = arith.addi %parallel_loop3A_1200, %parallel_loop3A_1440 : i32
      %parallel_loop3A_1442 = arith.index_cast %parallel_loop3A_1441 : i32 to index
      %parallel_loop3A_1443 = tpu.vector_load %arg12[%parallel_loop3A_1442] {strides = array<i32>} : memref<5120xf32, #tpu.memory_space<vmem>>, vector<16xf32>,
      %parallel_loop3A_1444 = arith.addf %parallel_loop3A_1439, %parallel_loop3A_1443 : vector<16xf32>
      %parallel_loop3A_1445 = arith.cmpf ogt, %parallel_loop3A_1444, %parallel_loop3A_1438 : vector<16xf32>
      %parallel_loop3A_1446 = arith.constant 9 : i32
      %parallel_loop3A_1447 = vector.broadcast %parallel_loop3A_1446 : i32 to vector<16xi32>
      %parallel_loop3A_1448 = arith.select %parallel_loop3A_1445, %parallel_loop3A_1447, %parallel_loop3A_1437 : vector<16xi1>, vector<16xi32>
      %parallel_loop3A_1449 = arith.select %parallel_loop3A_1445, %parallel_loop3A_1444, %parallel_loop3A_1438 : vector<16xi1>, vector<16xf32>
      %parallel_loop3A_1450 = arith.divf %parallel_loop3A_1319, %parallel_loop3A_1344 : vector<16xf32>
      %parallel_loop3A_1451 = arith.constant 160 : i32
      %parallel_loop3A_1452 = arith.addi %parallel_loop3A_1200, %parallel_loop3A_1451 : i32
      %parallel_loop3A_1453 = arith.index_cast %parallel_loop3A_1452 : i32 to index
      %parallel_loop3A_1454 = tpu.vector_load %arg12[%parallel_loop3A_1453] {strides = array<i32>} : memref<5120xf32, #tpu.memory_space<vmem>>, vector<16xf32>,
      %parallel_loop3A_1455 = arith.addf %parallel_loop3A_1450, %parallel_loop3A_1454 : vector<16xf32>
      %parallel_loop3A_1456 = arith.cmpf ogt, %parallel_loop3A_1455, %parallel_loop3A_1449 : vector<16xf32>
      %parallel_loop3A_1457 = arith.constant 10 : i32
      %parallel_loop3A_1458 = vector.broadcast %parallel_loop3A_1457 : i32 to vector<16xi32>
      %parallel_loop3A_1459 = arith.select %parallel_loop3A_1456, %parallel_loop3A_1458, %parallel_loop3A_1448 : vector<16xi1>, vector<16xi32>
      %parallel_loop3A_1460 = arith.select %parallel_loop3A_1456, %parallel_loop3A_1455, %parallel_loop3A_1449 : vector<16xi1>, vector<16xf32>
      %parallel_loop3A_1461 = arith.divf %parallel_loop3A_1321, %parallel_loop3A_1344 : vector<16xf32>
      %parallel_loop3A_1462 = arith.constant 176 : i32
      %parallel_loop3A_1463 = arith.addi %parallel_loop3A_1200, %parallel_loop3A_1462 : i32
      %parallel_loop3A_1464 = arith.index_cast %parallel_loop3A_1463 : i32 to index
      %parallel_loop3A_1465 = tpu.vector_load %arg12[%parallel_loop3A_1464] {strides = array<i32>} : memref<5120xf32, #tpu.memory_space<vmem>>, vector<16xf32>,
      %parallel_loop3A_1466 = arith.addf %parallel_loop3A_1461, %parallel_loop3A_1465 : vector<16xf32>
      %parallel_loop3A_1467 = arith.cmpf ogt, %parallel_loop3A_1466, %parallel_loop3A_1460 : vector<16xf32>
      %parallel_loop3A_1468 = arith.constant 11 : i32
      %parallel_loop3A_1469 = vector.broadcast %parallel_loop3A_1468 : i32 to vector<16xi32>
      %parallel_loop3A_1470 = arith.select %parallel_loop3A_1467, %parallel_loop3A_1469, %parallel_loop3A_1459 : vector<16xi1>, vector<16xi32>
      %parallel_loop3A_1471 = arith.select %parallel_loop3A_1467, %parallel_loop3A_1466, %parallel_loop3A_1460 : vector<16xi1>, vector<16xf32>
      %parallel_loop3A_1472 = arith.divf %parallel_loop3A_1323, %parallel_loop3A_1344 : vector<16xf32>
      %parallel_loop3A_1473 = arith.constant 192 : i32
      %parallel_loop3A_1474 = arith.addi %parallel_loop3A_1200, %parallel_loop3A_1473 : i32
      %parallel_loop3A_1475 = arith.index_cast %parallel_loop3A_1474 : i32 to index
      %parallel_loop3A_1476 = tpu.vector_load %arg12[%parallel_loop3A_1475] {strides = array<i32>} : memref<5120xf32, #tpu.memory_space<vmem>>, vector<16xf32>,
      %parallel_loop3A_1477 = arith.addf %parallel_loop3A_1472, %parallel_loop3A_1476 : vector<16xf32>
      %parallel_loop3A_1478 = arith.cmpf ogt, %parallel_loop3A_1477, %parallel_loop3A_1471 : vector<16xf32>
      %parallel_loop3A_1479 = arith.constant 12 : i32
      %parallel_loop3A_1480 = vector.broadcast %parallel_loop3A_1479 : i32 to vector<16xi32>
      %parallel_loop3A_1481 = arith.select %parallel_loop3A_1478, %parallel_loop3A_1480, %parallel_loop3A_1470 : vector<16xi1>, vector<16xi32>
      %parallel_loop3A_1482 = arith.select %parallel_loop3A_1478, %parallel_loop3A_1477, %parallel_loop3A_1471 : vector<16xi1>, vector<16xf32>
      %parallel_loop3A_1483 = arith.divf %parallel_loop3A_1325, %parallel_loop3A_1344 : vector<16xf32>
      %parallel_loop3A_1484 = arith.constant 208 : i32
      %parallel_loop3A_1485 = arith.addi %parallel_loop3A_1200, %parallel_loop3A_1484 : i32
      %parallel_loop3A_1486 = arith.index_cast %parallel_loop3A_1485 : i32 to index
      %parallel_loop3A_1487 = tpu.vector_load %arg12[%parallel_loop3A_1486] {strides = array<i32>} : memref<5120xf32, #tpu.memory_space<vmem>>, vector<16xf32>,
      %parallel_loop3A_1488 = arith.addf %parallel_loop3A_1483, %parallel_loop3A_1487 : vector<16xf32>
      %parallel_loop3A_1489 = arith.cmpf ogt, %parallel_loop3A_1488, %parallel_loop3A_1482 : vector<16xf32>
      %parallel_loop3A_1490 = arith.constant 13 : i32
      %parallel_loop3A_1491 = vector.broadcast %parallel_loop3A_1490 : i32 to vector<16xi32>
      %parallel_loop3A_1492 = arith.select %parallel_loop3A_1489, %parallel_loop3A_1491, %parallel_loop3A_1481 : vector<16xi1>, vector<16xi32>
      %parallel_loop3A_1493 = arith.select %parallel_loop3A_1489, %parallel_loop3A_1488, %parallel_loop3A_1482 : vector<16xi1>, vector<16xf32>
      %parallel_loop3A_1494 = arith.divf %parallel_loop3A_1327, %parallel_loop3A_1344 : vector<16xf32>
      %parallel_loop3A_1495 = arith.constant 224 : i32
      %parallel_loop3A_1496 = arith.addi %parallel_loop3A_1200, %parallel_loop3A_1495 : i32
      %parallel_loop3A_1497 = arith.index_cast %parallel_loop3A_1496 : i32 to index
      %parallel_loop3A_1498 = tpu.vector_load %arg12[%parallel_loop3A_1497] {strides = array<i32>} : memref<5120xf32, #tpu.memory_space<vmem>>, vector<16xf32>,
      %parallel_loop3A_1499 = arith.addf %parallel_loop3A_1494, %parallel_loop3A_1498 : vector<16xf32>
      %parallel_loop3A_1500 = arith.cmpf ogt, %parallel_loop3A_1499, %parallel_loop3A_1493 : vector<16xf32>
      %parallel_loop3A_1501 = arith.constant 14 : i32
      %parallel_loop3A_1502 = vector.broadcast %parallel_loop3A_1501 : i32 to vector<16xi32>
      %parallel_loop3A_1503 = arith.select %parallel_loop3A_1500, %parallel_loop3A_1502, %parallel_loop3A_1492 : vector<16xi1>, vector<16xi32>
      %parallel_loop3A_1504 = arith.select %parallel_loop3A_1500, %parallel_loop3A_1499, %parallel_loop3A_1493 : vector<16xi1>, vector<16xf32>
      %parallel_loop3A_1505 = arith.divf %parallel_loop3A_1329, %parallel_loop3A_1344 : vector<16xf32>
      %parallel_loop3A_1506 = arith.constant 240 : i32
      %parallel_loop3A_1507 = arith.addi %parallel_loop3A_1200, %parallel_loop3A_1506 : i32
      %parallel_loop3A_1508 = arith.index_cast %parallel_loop3A_1507 : i32 to index
      %parallel_loop3A_1509 = tpu.vector_load %arg12[%parallel_loop3A_1508] {strides = array<i32>} : memref<5120xf32, #tpu.memory_space<vmem>>, vector<16xf32>,
      %parallel_loop3A_1510 = arith.addf %parallel_loop3A_1505, %parallel_loop3A_1509 : vector<16xf32>
      %parallel_loop3A_1511 = arith.cmpf ogt, %parallel_loop3A_1510, %parallel_loop3A_1504 : vector<16xf32>
      %parallel_loop3A_1512 = arith.constant 15 : i32
      %parallel_loop3A_1513 = vector.broadcast %parallel_loop3A_1512 : i32 to vector<16xi32>
      %parallel_loop3A_1514 = arith.select %parallel_loop3A_1511, %parallel_loop3A_1513, %parallel_loop3A_1503 : vector<16xi1>, vector<16xi32>
      %parallel_loop3A_1515 = arith.select %parallel_loop3A_1511, %parallel_loop3A_1510, %parallel_loop3A_1504 : vector<16xi1>, vector<16xf32>
      %parallel_loop3A_1516 = arith.addi %parallel_loop3A_1202, %parallel_loop3A_1514 : vector<16xi32>
      %parallel_loop3A_1517 = tpu.vector_load_idx %arg11[%parallel_loop3A_1516] : memref<5120xi32, #tpu.memory_space<vmem>>[vector<16xi32>], vector<16xi32>,
      %parallel_loop3A_1518 = arith.constant 16 : i32
      %parallel_loop3A_1519 = arith.muli %parallel_loop3A_1198, %parallel_loop3A_1518 : i32
      %parallel_loop3A_1520 = arith.index_cast %parallel_loop3A_1519 : i32 to index
      %parallel_loop3A_1521 = tpu.vector_load %arg14[%parallel_loop3A_1520] {strides = array<i32>} : memref<320xi32, #tpu.memory_space<vmem>>, vector<16xi32>,
      tpu.vector_store %arg14[%parallel_loop3A_1520], %parallel_loop3A_1517 {strides = array<i32>} : memref<320xi32, #tpu.memory_space<vmem>>, vector<16xi32>,
    } {sc.loop_unroll_factor = 2 : i64, sc.parallel_access}
    %iota3A_39 = tpu.iota {dimensions = array<i32: 0>} : vector<16xi32>
    %mul3A_40 = arith.constant 16 : i32
    %mul3A_41 = vector.broadcast %mul3A_40 : i32 to vector<16xi32>
    %mul3A_42 = arith.muli %iota3A_39, %mul3A_41 : vector<16xi32>
    %parallel_loop3A_43 = arith.constant 0 : i32
    %parallel_loop3A_44 = arith.constant 20 : i32
    %parallel_loop3A_45 = arith.constant 1 : i32
    scf.for %parallel_loop3A_1198 = %parallel_loop3A_43 to %parallel_loop3A_44 step %parallel_loop3A_45  : i32 {
      %parallel_loop3A_1199 = arith.constant 16 : i32
      %parallel_loop3A_1200 = arith.muli %parallel_loop3A_1198, %parallel_loop3A_1199 : i32
      %parallel_loop3A_1201 = arith.index_cast %parallel_loop3A_1200 : i32 to index
      %parallel_loop3A_1202 = tpu.vector_load %arg14[%parallel_loop3A_1201] {strides = array<i32>} : memref<320xi32, #tpu.memory_space<vmem>>, vector<16xi32>,
      %parallel_loop3A_1203 = arith.constant 16 : i32
      %parallel_loop3A_1204 = vector.broadcast %parallel_loop3A_1203 : i32 to vector<16xi32>
      %parallel_loop3A_1205 = arith.muli %parallel_loop3A_1202, %parallel_loop3A_1204 : vector<16xi32>
      %parallel_loop3A_1206 = arith.constant 160000 : i32
      %parallel_loop3A_1207 = vector.broadcast %parallel_loop3A_1206 : i32 to vector<16xi32>
      %parallel_loop3A_1208 = arith.addi %parallel_loop3A_1205, %parallel_loop3A_1207 : vector<16xi32>
      %parallel_loop3A_1209 = arith.constant 256 : i32
      %parallel_loop3A_1210 = arith.muli %parallel_loop3A_1198, %parallel_loop3A_1209 : i32
      %parallel_loop3A_1211 = vector.broadcast %parallel_loop3A_1210 : i32 to vector<16xi32>
      %parallel_loop3A_1212 = arith.addi %parallel_loop3A_1211, %mul3A_42 : vector<16xi32>
      %parallel_loop3A_1213 = arith.constant 0 : i32
      %parallel_loop3A_1214 = vector.broadcast %parallel_loop3A_1213 : i32 to vector<16xi32>
      %parallel_loop3A_1215 = arith.addi %parallel_loop3A_1212, %parallel_loop3A_1214 : vector<16xi32>
      %parallel_loop3A_1216 = arith.constant 0 : i32
      %parallel_loop3A_1217 = vector.broadcast %parallel_loop3A_1216 : i32 to vector<16xi32>
      %parallel_loop3A_1218 = arith.addi %parallel_loop3A_1208, %parallel_loop3A_1217 : vector<16xi32>
      tpu.vector_store_idx %arg13[%parallel_loop3A_1215], %parallel_loop3A_1218 : memref<5120xi32, #tpu.memory_space<vmem>>[vector<16xi32>], vector<16xi32>,
      %parallel_loop3A_1219 = arith.constant 1 : i32
      %parallel_loop3A_1220 = vector.broadcast %parallel_loop3A_1219 : i32 to vector<16xi32>
      %parallel_loop3A_1221 = arith.addi %parallel_loop3A_1212, %parallel_loop3A_1220 : vector<16xi32>
      %parallel_loop3A_1222 = arith.constant 1 : i32
      %parallel_loop3A_1223 = vector.broadcast %parallel_loop3A_1222 : i32 to vector<16xi32>
      %parallel_loop3A_1224 = arith.addi %parallel_loop3A_1208, %parallel_loop3A_1223 : vector<16xi32>
      tpu.vector_store_idx %arg13[%parallel_loop3A_1221], %parallel_loop3A_1224 : memref<5120xi32, #tpu.memory_space<vmem>>[vector<16xi32>], vector<16xi32>,
      %parallel_loop3A_1225 = arith.constant 2 : i32
      %parallel_loop3A_1226 = vector.broadcast %parallel_loop3A_1225 : i32 to vector<16xi32>
      %parallel_loop3A_1227 = arith.addi %parallel_loop3A_1212, %parallel_loop3A_1226 : vector<16xi32>
      %parallel_loop3A_1228 = arith.constant 2 : i32
      %parallel_loop3A_1229 = vector.broadcast %parallel_loop3A_1228 : i32 to vector<16xi32>
      %parallel_loop3A_1230 = arith.addi %parallel_loop3A_1208, %parallel_loop3A_1229 : vector<16xi32>
      tpu.vector_store_idx %arg13[%parallel_loop3A_1227], %parallel_loop3A_1230 : memref<5120xi32, #tpu.memory_space<vmem>>[vector<16xi32>], vector<16xi32>,
      %parallel_loop3A_1231 = arith.constant 3 : i32
      %parallel_loop3A_1232 = vector.broadcast %parallel_loop3A_1231 : i32 to vector<16xi32>
      %parallel_loop3A_1233 = arith.addi %parallel_loop3A_1212, %parallel_loop3A_1232 : vector<16xi32>
      %parallel_loop3A_1234 = arith.constant 3 : i32
      %parallel_loop3A_1235 = vector.broadcast %parallel_loop3A_1234 : i32 to vector<16xi32>
      %parallel_loop3A_1236 = arith.addi %parallel_loop3A_1208, %parallel_loop3A_1235 : vector<16xi32>
      tpu.vector_store_idx %arg13[%parallel_loop3A_1233], %parallel_loop3A_1236 : memref<5120xi32, #tpu.memory_space<vmem>>[vector<16xi32>], vector<16xi32>,
      %parallel_loop3A_1237 = arith.constant 4 : i32
      %parallel_loop3A_1238 = vector.broadcast %parallel_loop3A_1237 : i32 to vector<16xi32>
      %parallel_loop3A_1239 = arith.addi %parallel_loop3A_1212, %parallel_loop3A_1238 : vector<16xi32>
      %parallel_loop3A_1240 = arith.constant 4 : i32
      %parallel_loop3A_1241 = vector.broadcast %parallel_loop3A_1240 : i32 to vector<16xi32>
      %parallel_loop3A_1242 = arith.addi %parallel_loop3A_1208, %parallel_loop3A_1241 : vector<16xi32>
      tpu.vector_store_idx %arg13[%parallel_loop3A_1239], %parallel_loop3A_1242 : memref<5120xi32, #tpu.memory_space<vmem>>[vector<16xi32>], vector<16xi32>,
      %parallel_loop3A_1243 = arith.constant 5 : i32
      %parallel_loop3A_1244 = vector.broadcast %parallel_loop3A_1243 : i32 to vector<16xi32>
      %parallel_loop3A_1245 = arith.addi %parallel_loop3A_1212, %parallel_loop3A_1244 : vector<16xi32>
      %parallel_loop3A_1246 = arith.constant 5 : i32
      %parallel_loop3A_1247 = vector.broadcast %parallel_loop3A_1246 : i32 to vector<16xi32>
      %parallel_loop3A_1248 = arith.addi %parallel_loop3A_1208, %parallel_loop3A_1247 : vector<16xi32>
      tpu.vector_store_idx %arg13[%parallel_loop3A_1245], %parallel_loop3A_1248 : memref<5120xi32, #tpu.memory_space<vmem>>[vector<16xi32>], vector<16xi32>,
      %parallel_loop3A_1249 = arith.constant 6 : i32
      %parallel_loop3A_1250 = vector.broadcast %parallel_loop3A_1249 : i32 to vector<16xi32>
      %parallel_loop3A_1251 = arith.addi %parallel_loop3A_1212, %parallel_loop3A_1250 : vector<16xi32>
      %parallel_loop3A_1252 = arith.constant 6 : i32
      %parallel_loop3A_1253 = vector.broadcast %parallel_loop3A_1252 : i32 to vector<16xi32>
      %parallel_loop3A_1254 = arith.addi %parallel_loop3A_1208, %parallel_loop3A_1253 : vector<16xi32>
      tpu.vector_store_idx %arg13[%parallel_loop3A_1251], %parallel_loop3A_1254 : memref<5120xi32, #tpu.memory_space<vmem>>[vector<16xi32>], vector<16xi32>,
      %parallel_loop3A_1255 = arith.constant 7 : i32
      %parallel_loop3A_1256 = vector.broadcast %parallel_loop3A_1255 : i32 to vector<16xi32>
      %parallel_loop3A_1257 = arith.addi %parallel_loop3A_1212, %parallel_loop3A_1256 : vector<16xi32>
      %parallel_loop3A_1258 = arith.constant 7 : i32
      %parallel_loop3A_1259 = vector.broadcast %parallel_loop3A_1258 : i32 to vector<16xi32>
      %parallel_loop3A_1260 = arith.addi %parallel_loop3A_1208, %parallel_loop3A_1259 : vector<16xi32>
      tpu.vector_store_idx %arg13[%parallel_loop3A_1257], %parallel_loop3A_1260 : memref<5120xi32, #tpu.memory_space<vmem>>[vector<16xi32>], vector<16xi32>,
      %parallel_loop3A_1261 = arith.constant 8 : i32
      %parallel_loop3A_1262 = vector.broadcast %parallel_loop3A_1261 : i32 to vector<16xi32>
      %parallel_loop3A_1263 = arith.addi %parallel_loop3A_1212, %parallel_loop3A_1262 : vector<16xi32>
      %parallel_loop3A_1264 = arith.constant 8 : i32
      %parallel_loop3A_1265 = vector.broadcast %parallel_loop3A_1264 : i32 to vector<16xi32>
      %parallel_loop3A_1266 = arith.addi %parallel_loop3A_1208, %parallel_loop3A_1265 : vector<16xi32>
      tpu.vector_store_idx %arg13[%parallel_loop3A_1263], %parallel_loop3A_1266 : memref<5120xi32, #tpu.memory_space<vmem>>[vector<16xi32>], vector<16xi32>,
      %parallel_loop3A_1267 = arith.constant 9 : i32
      %parallel_loop3A_1268 = vector.broadcast %parallel_loop3A_1267 : i32 to vector<16xi32>
      %parallel_loop3A_1269 = arith.addi %parallel_loop3A_1212, %parallel_loop3A_1268 : vector<16xi32>
      %parallel_loop3A_1270 = arith.constant 9 : i32
      %parallel_loop3A_1271 = vector.broadcast %parallel_loop3A_1270 : i32 to vector<16xi32>
      %parallel_loop3A_1272 = arith.addi %parallel_loop3A_1208, %parallel_loop3A_1271 : vector<16xi32>
      tpu.vector_store_idx %arg13[%parallel_loop3A_1269], %parallel_loop3A_1272 : memref<5120xi32, #tpu.memory_space<vmem>>[vector<16xi32>], vector<16xi32>,
      %parallel_loop3A_1273 = arith.constant 10 : i32
      %parallel_loop3A_1274 = vector.broadcast %parallel_loop3A_1273 : i32 to vector<16xi32>
      %parallel_loop3A_1275 = arith.addi %parallel_loop3A_1212, %parallel_loop3A_1274 : vector<16xi32>
      %parallel_loop3A_1276 = arith.constant 10 : i32
      %parallel_loop3A_1277 = vector.broadcast %parallel_loop3A_1276 : i32 to vector<16xi32>
      %parallel_loop3A_1278 = arith.addi %parallel_loop3A_1208, %parallel_loop3A_1277 : vector<16xi32>
      tpu.vector_store_idx %arg13[%parallel_loop3A_1275], %parallel_loop3A_1278 : memref<5120xi32, #tpu.memory_space<vmem>>[vector<16xi32>], vector<16xi32>,
      %parallel_loop3A_1279 = arith.constant 11 : i32
      %parallel_loop3A_1280 = vector.broadcast %parallel_loop3A_1279 : i32 to vector<16xi32>
      %parallel_loop3A_1281 = arith.addi %parallel_loop3A_1212, %parallel_loop3A_1280 : vector<16xi32>
      %parallel_loop3A_1282 = arith.constant 11 : i32
      %parallel_loop3A_1283 = vector.broadcast %parallel_loop3A_1282 : i32 to vector<16xi32>
      %parallel_loop3A_1284 = arith.addi %parallel_loop3A_1208, %parallel_loop3A_1283 : vector<16xi32>
      tpu.vector_store_idx %arg13[%parallel_loop3A_1281], %parallel_loop3A_1284 : memref<5120xi32, #tpu.memory_space<vmem>>[vector<16xi32>], vector<16xi32>,
      %parallel_loop3A_1285 = arith.constant 12 : i32
      %parallel_loop3A_1286 = vector.broadcast %parallel_loop3A_1285 : i32 to vector<16xi32>
      %parallel_loop3A_1287 = arith.addi %parallel_loop3A_1212, %parallel_loop3A_1286 : vector<16xi32>
      %parallel_loop3A_1288 = arith.constant 12 : i32
      %parallel_loop3A_1289 = vector.broadcast %parallel_loop3A_1288 : i32 to vector<16xi32>
      %parallel_loop3A_1290 = arith.addi %parallel_loop3A_1208, %parallel_loop3A_1289 : vector<16xi32>
      tpu.vector_store_idx %arg13[%parallel_loop3A_1287], %parallel_loop3A_1290 : memref<5120xi32, #tpu.memory_space<vmem>>[vector<16xi32>], vector<16xi32>,
      %parallel_loop3A_1291 = arith.constant 13 : i32
      %parallel_loop3A_1292 = vector.broadcast %parallel_loop3A_1291 : i32 to vector<16xi32>
      %parallel_loop3A_1293 = arith.addi %parallel_loop3A_1212, %parallel_loop3A_1292 : vector<16xi32>
      %parallel_loop3A_1294 = arith.constant 13 : i32
      %parallel_loop3A_1295 = vector.broadcast %parallel_loop3A_1294 : i32 to vector<16xi32>
      %parallel_loop3A_1296 = arith.addi %parallel_loop3A_1208, %parallel_loop3A_1295 : vector<16xi32>
      tpu.vector_store_idx %arg13[%parallel_loop3A_1293], %parallel_loop3A_1296 : memref<5120xi32, #tpu.memory_space<vmem>>[vector<16xi32>], vector<16xi32>,
      %parallel_loop3A_1297 = arith.constant 14 : i32
      %parallel_loop3A_1298 = vector.broadcast %parallel_loop3A_1297 : i32 to vector<16xi32>
      %parallel_loop3A_1299 = arith.addi %parallel_loop3A_1212, %parallel_loop3A_1298 : vector<16xi32>
      %parallel_loop3A_1300 = arith.constant 14 : i32
      %parallel_loop3A_1301 = vector.broadcast %parallel_loop3A_1300 : i32 to vector<16xi32>
      %parallel_loop3A_1302 = arith.addi %parallel_loop3A_1208, %parallel_loop3A_1301 : vector<16xi32>
      tpu.vector_store_idx %arg13[%parallel_loop3A_1299], %parallel_loop3A_1302 : memref<5120xi32, #tpu.memory_space<vmem>>[vector<16xi32>], vector<16xi32>,
      %parallel_loop3A_1303 = arith.constant 15 : i32
      %parallel_loop3A_1304 = vector.broadcast %parallel_loop3A_1303 : i32 to vector<16xi32>
      %parallel_loop3A_1305 = arith.addi %parallel_loop3A_1212, %parallel_loop3A_1304 : vector<16xi32>
      %parallel_loop3A_1306 = arith.constant 15 : i32
      %parallel_loop3A_1307 = vector.broadcast %parallel_loop3A_1306 : i32 to vector<16xi32>
      %parallel_loop3A_1308 = arith.addi %parallel_loop3A_1208, %parallel_loop3A_1307 : vector<16xi32>
      tpu.vector_store_idx %arg13[%parallel_loop3A_1305], %parallel_loop3A_1308 : memref<5120xi32, #tpu.memory_space<vmem>>[vector<16xi32>], vector<16xi32>,
    } {sc.loop_unroll_factor = 2 : i64, sc.parallel_access}
    %dma_start3A_46 = arith.constant 0 : i32
    %dma_start3A_47 = tpu.memref_slice %arg11[%dma_start3A_46] : memref<5120xi32, #tpu.memory_space<vmem>> -> memref<128xi32, #tpu.memory_space<vmem>>
    %dma_start3A_48 = arith.constant 0 : i32
    %dma_start3A_49 = tpu.memref_slice %arg13[%dma_start3A_48] : memref<5120xi32, #tpu.memory_space<vmem>> -> memref<128xi32, #tpu.memory_space<vmem>>
    %dma_start3A_50 = arith.constant 0 : i32
    %dma_start3A_51 = tpu.memref_slice %arg3[%dma_start3A_50] : memref<320000xi32, #tpu.memory_space<hbm>> -> memref<320000xi32, #tpu.memory_space<hbm>>
    tpu.enqueue_indirect_dma source(%dma_start3A_51 : memref<320000xi32, #tpu.memory_space<hbm>>) target(%dma_start3A_47 : memref<128xi32, #tpu.memory_space<vmem>>) offsets(%dma_start3A_49 : memref<128xi32, #tpu.memory_space<vmem>>) semaphore(%arg20 : memref<!tpu.dma_semaphore, #tpu.memory_space<semaphore_mem>>)
    %dma_start3A_52 = arith.constant 128 : i32
    %dma_start3A_53 = tpu.memref_slice %arg11[%dma_start3A_52] : memref<5120xi32, #tpu.memory_space<vmem>> -> memref<128xi32, #tpu.memory_space<vmem>>
    %dma_start3A_54 = arith.constant 128 : i32
    %dma_start3A_55 = tpu.memref_slice %arg13[%dma_start3A_54] : memref<5120xi32, #tpu.memory_space<vmem>> -> memref<128xi32, #tpu.memory_space<vmem>>
    %dma_start3A_56 = arith.constant 0 : i32
    %dma_start3A_57 = tpu.memref_slice %arg3[%dma_start3A_56] : memref<320000xi32, #tpu.memory_space<hbm>> -> memref<320000xi32, #tpu.memory_space<hbm>>
    tpu.enqueue_indirect_dma source(%dma_start3A_57 : memref<320000xi32, #tpu.memory_space<hbm>>) target(%dma_start3A_53 : memref<128xi32, #tpu.memory_space<vmem>>) offsets(%dma_start3A_55 : memref<128xi32, #tpu.memory_space<vmem>>) semaphore(%arg20 : memref<!tpu.dma_semaphore, #tpu.memory_space<semaphore_mem>>)
    %dma_start3A_58 = arith.constant 256 : i32
    %dma_start3A_59 = tpu.memref_slice %arg11[%dma_start3A_58] : memref<5120xi32, #tpu.memory_space<vmem>> -> memref<128xi32, #tpu.memory_space<vmem>>
    %dma_start3A_60 = arith.constant 256 : i32
    %dma_start3A_61 = tpu.memref_slice %arg13[%dma_start3A_60] : memref<5120xi32, #tpu.memory_space<vmem>> -> memref<128xi32, #tpu.memory_space<vmem>>
    %dma_start3A_62 = arith.constant 0 : i32
    %dma_start3A_63 = tpu.memref_slice %arg3[%dma_start3A_62] : memref<320000xi32, #tpu.memory_space<hbm>> -> memref<320000xi32, #tpu.memory_space<hbm>>
    tpu.enqueue_indirect_dma source(%dma_start3A_63 : memref<320000xi32, #tpu.memory_space<hbm>>) target(%dma_start3A_59 : memref<128xi32, #tpu.memory_space<vmem>>) offsets(%dma_start3A_61 : memref<128xi32, #tpu.memory_space<vmem>>) semaphore(%arg20 : memref<!tpu.dma_semaphore, #tpu.memory_space<semaphore_mem>>)
    %dma_start3A_64 = arith.constant 384 : i32
    %dma_start3A_65 = tpu.memref_slice %arg11[%dma_start3A_64] : memref<5120xi32, #tpu.memory_space<vmem>> -> memref<128xi32, #tpu.memory_space<vmem>>
    %dma_start3A_66 = arith.constant 384 : i32
    %dma_start3A_67 = tpu.memref_slice %arg13[%dma_start3A_66] : memref<5120xi32, #tpu.memory_space<vmem>> -> memref<128xi32, #tpu.memory_space<vmem>>
    %dma_start3A_68 = arith.constant 0 : i32
    %dma_start3A_69 = tpu.memref_slice %arg3[%dma_start3A_68] : memref<320000xi32, #tpu.memory_space<hbm>> -> memref<320000xi32, #tpu.memory_space<hbm>>
    tpu.enqueue_indirect_dma source(%dma_start3A_69 : memref<320000xi32, #tpu.memory_space<hbm>>) target(%dma_start3A_65 : memref<128xi32, #tpu.memory_space<vmem>>) offsets(%dma_start3A_67 : memref<128xi32, #tpu.memory_space<vmem>>) semaphore(%arg20 : memref<!tpu.dma_semaphore, #tpu.memory_space<semaphore_mem>>)
    %dma_start3A_70 = arith.constant 512 : i32
    %dma_start3A_71 = tpu.memref_slice %arg11[%dma_start3A_70] : memref<5120xi32, #tpu.memory_space<vmem>> -> memref<128xi32, #tpu.memory_space<vmem>>
    %dma_start3A_72 = arith.constant 512 : i32
    %dma_start3A_73 = tpu.memref_slice %arg13[%dma_start3A_72] : memref<5120xi32, #tpu.memory_space<vmem>> -> memref<128xi32, #tpu.memory_space<vmem>>
    %dma_start3A_74 = arith.constant 0 : i32
    %dma_start3A_75 = tpu.memref_slice %arg3[%dma_start3A_74] : memref<320000xi32, #tpu.memory_space<hbm>> -> memref<320000xi32, #tpu.memory_space<hbm>>
    tpu.enqueue_indirect_dma source(%dma_start3A_75 : memref<320000xi32, #tpu.memory_space<hbm>>) target(%dma_start3A_71 : memref<128xi32, #tpu.memory_space<vmem>>) offsets(%dma_start3A_73 : memref<128xi32, #tpu.memory_space<vmem>>) semaphore(%arg20 : memref<!tpu.dma_semaphore, #tpu.memory_space<semaphore_mem>>)
    %dma_start3A_76 = arith.constant 640 : i32
    %dma_start3A_77 = tpu.memref_slice %arg11[%dma_start3A_76] : memref<5120xi32, #tpu.memory_space<vmem>> -> memref<128xi32, #tpu.memory_space<vmem>>
    %dma_start3A_78 = arith.constant 640 : i32
    %dma_start3A_79 = tpu.memref_slice %arg13[%dma_start3A_78] : memref<5120xi32, #tpu.memory_space<vmem>> -> memref<128xi32, #tpu.memory_space<vmem>>
    %dma_start3A_80 = arith.constant 0 : i32
    %dma_start3A_81 = tpu.memref_slice %arg3[%dma_start3A_80] : memref<320000xi32, #tpu.memory_space<hbm>> -> memref<320000xi32, #tpu.memory_space<hbm>>
    tpu.enqueue_indirect_dma source(%dma_start3A_81 : memref<320000xi32, #tpu.memory_space<hbm>>) target(%dma_start3A_77 : memref<128xi32, #tpu.memory_space<vmem>>) offsets(%dma_start3A_79 : memref<128xi32, #tpu.memory_space<vmem>>) semaphore(%arg20 : memref<!tpu.dma_semaphore, #tpu.memory_space<semaphore_mem>>)
    %dma_start3A_82 = arith.constant 768 : i32
    %dma_start3A_83 = tpu.memref_slice %arg11[%dma_start3A_82] : memref<5120xi32, #tpu.memory_space<vmem>> -> memref<128xi32, #tpu.memory_space<vmem>>
    %dma_start3A_84 = arith.constant 768 : i32
    %dma_start3A_85 = tpu.memref_slice %arg13[%dma_start3A_84] : memref<5120xi32, #tpu.memory_space<vmem>> -> memref<128xi32, #tpu.memory_space<vmem>>
    %dma_start3A_86 = arith.constant 0 : i32
    %dma_start3A_87 = tpu.memref_slice %arg3[%dma_start3A_86] : memref<320000xi32, #tpu.memory_space<hbm>> -> memref<320000xi32, #tpu.memory_space<hbm>>
    tpu.enqueue_indirect_dma source(%dma_start3A_87 : memref<320000xi32, #tpu.memory_space<hbm>>) target(%dma_start3A_83 : memref<128xi32, #tpu.memory_space<vmem>>) offsets(%dma_start3A_85 : memref<128xi32, #tpu.memory_space<vmem>>) semaphore(%arg20 : memref<!tpu.dma_semaphore, #tpu.memory_space<semaphore_mem>>)
    %dma_start3A_88 = arith.constant 896 : i32
    %dma_start3A_89 = tpu.memref_slice %arg11[%dma_start3A_88] : memref<5120xi32, #tpu.memory_space<vmem>> -> memref<128xi32, #tpu.memory_space<vmem>>
    %dma_start3A_90 = arith.constant 896 : i32
    %dma_start3A_91 = tpu.memref_slice %arg13[%dma_start3A_90] : memref<5120xi32, #tpu.memory_space<vmem>> -> memref<128xi32, #tpu.memory_space<vmem>>
    %dma_start3A_92 = arith.constant 0 : i32
    %dma_start3A_93 = tpu.memref_slice %arg3[%dma_start3A_92] : memref<320000xi32, #tpu.memory_space<hbm>> -> memref<320000xi32, #tpu.memory_space<hbm>>
    tpu.enqueue_indirect_dma source(%dma_start3A_93 : memref<320000xi32, #tpu.memory_space<hbm>>) target(%dma_start3A_89 : memref<128xi32, #tpu.memory_space<vmem>>) offsets(%dma_start3A_91 : memref<128xi32, #tpu.memory_space<vmem>>) semaphore(%arg20 : memref<!tpu.dma_semaphore, #tpu.memory_space<semaphore_mem>>)
    %dma_start3A_94 = arith.constant 1024 : i32
    %dma_start3A_95 = tpu.memref_slice %arg11[%dma_start3A_94] : memref<5120xi32, #tpu.memory_space<vmem>> -> memref<128xi32, #tpu.memory_space<vmem>>
    %dma_start3A_96 = arith.constant 1024 : i32
    %dma_start3A_97 = tpu.memref_slice %arg13[%dma_start3A_96] : memref<5120xi32, #tpu.memory_space<vmem>> -> memref<128xi32, #tpu.memory_space<vmem>>
    %dma_start3A_98 = arith.constant 0 : i32
    %dma_start3A_99 = tpu.memref_slice %arg3[%dma_start3A_98] : memref<320000xi32, #tpu.memory_space<hbm>> -> memref<320000xi32, #tpu.memory_space<hbm>>
    tpu.enqueue_indirect_dma source(%dma_start3A_99 : memref<320000xi32, #tpu.memory_space<hbm>>) target(%dma_start3A_95 : memref<128xi32, #tpu.memory_space<vmem>>) offsets(%dma_start3A_97 : memref<128xi32, #tpu.memory_space<vmem>>) semaphore(%arg20 : memref<!tpu.dma_semaphore, #tpu.memory_space<semaphore_mem>>)
    %dma_start3A_100 = arith.constant 1152 : i32
    %dma_start3A_101 = tpu.memref_slice %arg11[%dma_start3A_100] : memref<5120xi32, #tpu.memory_space<vmem>> -> memref<128xi32, #tpu.memory_space<vmem>>
    %dma_start3A_102 = arith.constant 1152 : i32
    %dma_start3A_103 = tpu.memref_slice %arg13[%dma_start3A_102] : memref<5120xi32, #tpu.memory_space<vmem>> -> memref<128xi32, #tpu.memory_space<vmem>>
    %dma_start3A_104 = arith.constant 0 : i32
    %dma_start3A_105 = tpu.memref_slice %arg3[%dma_start3A_104] : memref<320000xi32, #tpu.memory_space<hbm>> -> memref<320000xi32, #tpu.memory_space<hbm>>
    tpu.enqueue_indirect_dma source(%dma_start3A_105 : memref<320000xi32, #tpu.memory_space<hbm>>) target(%dma_start3A_101 : memref<128xi32, #tpu.memory_space<vmem>>) offsets(%dma_start3A_103 : memref<128xi32, #tpu.memory_space<vmem>>) semaphore(%arg20 : memref<!tpu.dma_semaphore, #tpu.memory_space<semaphore_mem>>)
    %dma_start3A_106 = arith.constant 1280 : i32
    %dma_start3A_107 = tpu.memref_slice %arg11[%dma_start3A_106] : memref<5120xi32, #tpu.memory_space<vmem>> -> memref<128xi32, #tpu.memory_space<vmem>>
    %dma_start3A_108 = arith.constant 1280 : i32
    %dma_start3A_109 = tpu.memref_slice %arg13[%dma_start3A_108] : memref<5120xi32, #tpu.memory_space<vmem>> -> memref<128xi32, #tpu.memory_space<vmem>>
    %dma_start3A_110 = arith.constant 0 : i32
    %dma_start3A_111 = tpu.memref_slice %arg3[%dma_start3A_110] : memref<320000xi32, #tpu.memory_space<hbm>> -> memref<320000xi32, #tpu.memory_space<hbm>>
    tpu.enqueue_indirect_dma source(%dma_start3A_111 : memref<320000xi32, #tpu.memory_space<hbm>>) target(%dma_start3A_107 : memref<128xi32, #tpu.memory_space<vmem>>) offsets(%dma_start3A_109 : memref<128xi32, #tpu.memory_space<vmem>>) semaphore(%arg20 : memref<!tpu.dma_semaphore, #tpu.memory_space<semaphore_mem>>)
    %dma_start3A_112 = arith.constant 1408 : i32
    %dma_start3A_113 = tpu.memref_slice %arg11[%dma_start3A_112] : memref<5120xi32, #tpu.memory_space<vmem>> -> memref<128xi32, #tpu.memory_space<vmem>>
    %dma_start3A_114 = arith.constant 1408 : i32
    %dma_start3A_115 = tpu.memref_slice %arg13[%dma_start3A_114] : memref<5120xi32, #tpu.memory_space<vmem>> -> memref<128xi32, #tpu.memory_space<vmem>>
    %dma_start3A_116 = arith.constant 0 : i32
    %dma_start3A_117 = tpu.memref_slice %arg3[%dma_start3A_116] : memref<320000xi32, #tpu.memory_space<hbm>> -> memref<320000xi32, #tpu.memory_space<hbm>>
    tpu.enqueue_indirect_dma source(%dma_start3A_117 : memref<320000xi32, #tpu.memory_space<hbm>>) target(%dma_start3A_113 : memref<128xi32, #tpu.memory_space<vmem>>) offsets(%dma_start3A_115 : memref<128xi32, #tpu.memory_space<vmem>>) semaphore(%arg20 : memref<!tpu.dma_semaphore, #tpu.memory_space<semaphore_mem>>)
    %dma_start3A_118 = arith.constant 1536 : i32
    %dma_start3A_119 = tpu.memref_slice %arg11[%dma_start3A_118] : memref<5120xi32, #tpu.memory_space<vmem>> -> memref<128xi32, #tpu.memory_space<vmem>>
    %dma_start3A_120 = arith.constant 1536 : i32
    %dma_start3A_121 = tpu.memref_slice %arg13[%dma_start3A_120] : memref<5120xi32, #tpu.memory_space<vmem>> -> memref<128xi32, #tpu.memory_space<vmem>>
    %dma_start3A_122 = arith.constant 0 : i32
    %dma_start3A_123 = tpu.memref_slice %arg3[%dma_start3A_122] : memref<320000xi32, #tpu.memory_space<hbm>> -> memref<320000xi32, #tpu.memory_space<hbm>>
    tpu.enqueue_indirect_dma source(%dma_start3A_123 : memref<320000xi32, #tpu.memory_space<hbm>>) target(%dma_start3A_119 : memref<128xi32, #tpu.memory_space<vmem>>) offsets(%dma_start3A_121 : memref<128xi32, #tpu.memory_space<vmem>>) semaphore(%arg20 : memref<!tpu.dma_semaphore, #tpu.memory_space<semaphore_mem>>)
    %dma_start3A_124 = arith.constant 1664 : i32
    %dma_start3A_125 = tpu.memref_slice %arg11[%dma_start3A_124] : memref<5120xi32, #tpu.memory_space<vmem>> -> memref<128xi32, #tpu.memory_space<vmem>>
    %dma_start3A_126 = arith.constant 1664 : i32
    %dma_start3A_127 = tpu.memref_slice %arg13[%dma_start3A_126] : memref<5120xi32, #tpu.memory_space<vmem>> -> memref<128xi32, #tpu.memory_space<vmem>>
    %dma_start3A_128 = arith.constant 0 : i32
    %dma_start3A_129 = tpu.memref_slice %arg3[%dma_start3A_128] : memref<320000xi32, #tpu.memory_space<hbm>> -> memref<320000xi32, #tpu.memory_space<hbm>>
    tpu.enqueue_indirect_dma source(%dma_start3A_129 : memref<320000xi32, #tpu.memory_space<hbm>>) target(%dma_start3A_125 : memref<128xi32, #tpu.memory_space<vmem>>) offsets(%dma_start3A_127 : memref<128xi32, #tpu.memory_space<vmem>>) semaphore(%arg20 : memref<!tpu.dma_semaphore, #tpu.memory_space<semaphore_mem>>)
    %dma_start3A_130 = arith.constant 1792 : i32
    %dma_start3A_131 = tpu.memref_slice %arg11[%dma_start3A_130] : memref<5120xi32, #tpu.memory_space<vmem>> -> memref<128xi32, #tpu.memory_space<vmem>>
    %dma_start3A_132 = arith.constant 1792 : i32
    %dma_start3A_133 = tpu.memref_slice %arg13[%dma_start3A_132] : memref<5120xi32, #tpu.memory_space<vmem>> -> memref<128xi32, #tpu.memory_space<vmem>>
    %dma_start3A_134 = arith.constant 0 : i32
    %dma_start3A_135 = tpu.memref_slice %arg3[%dma_start3A_134] : memref<320000xi32, #tpu.memory_space<hbm>> -> memref<320000xi32, #tpu.memory_space<hbm>>
    tpu.enqueue_indirect_dma source(%dma_start3A_135 : memref<320000xi32, #tpu.memory_space<hbm>>) target(%dma_start3A_131 : memref<128xi32, #tpu.memory_space<vmem>>) offsets(%dma_start3A_133 : memref<128xi32, #tpu.memory_space<vmem>>) semaphore(%arg20 : memref<!tpu.dma_semaphore, #tpu.memory_space<semaphore_mem>>)
    %dma_start3A_136 = arith.constant 1920 : i32
    %dma_start3A_137 = tpu.memref_slice %arg11[%dma_start3A_136] : memref<5120xi32, #tpu.memory_space<vmem>> -> memref<128xi32, #tpu.memory_space<vmem>>
    %dma_start3A_138 = arith.constant 1920 : i32
    %dma_start3A_139 = tpu.memref_slice %arg13[%dma_start3A_138] : memref<5120xi32, #tpu.memory_space<vmem>> -> memref<128xi32, #tpu.memory_space<vmem>>
    %dma_start3A_140 = arith.constant 0 : i32
    %dma_start3A_141 = tpu.memref_slice %arg3[%dma_start3A_140] : memref<320000xi32, #tpu.memory_space<hbm>> -> memref<320000xi32, #tpu.memory_space<hbm>>
    tpu.enqueue_indirect_dma source(%dma_start3A_141 : memref<320000xi32, #tpu.memory_space<hbm>>) target(%dma_start3A_137 : memref<128xi32, #tpu.memory_space<vmem>>) offsets(%dma_start3A_139 : memref<128xi32, #tpu.memory_space<vmem>>) semaphore(%arg20 : memref<!tpu.dma_semaphore, #tpu.memory_space<semaphore_mem>>)
    %dma_start3A_142 = arith.constant 2048 : i32
    %dma_start3A_143 = tpu.memref_slice %arg11[%dma_start3A_142] : memref<5120xi32, #tpu.memory_space<vmem>> -> memref<128xi32, #tpu.memory_space<vmem>>
    %dma_start3A_144 = arith.constant 2048 : i32
    %dma_start3A_145 = tpu.memref_slice %arg13[%dma_start3A_144] : memref<5120xi32, #tpu.memory_space<vmem>> -> memref<128xi32, #tpu.memory_space<vmem>>
    %dma_start3A_146 = arith.constant 0 : i32
    %dma_start3A_147 = tpu.memref_slice %arg3[%dma_start3A_146] : memref<320000xi32, #tpu.memory_space<hbm>> -> memref<320000xi32, #tpu.memory_space<hbm>>
    tpu.enqueue_indirect_dma source(%dma_start3A_147 : memref<320000xi32, #tpu.memory_space<hbm>>) target(%dma_start3A_143 : memref<128xi32, #tpu.memory_space<vmem>>) offsets(%dma_start3A_145 : memref<128xi32, #tpu.memory_space<vmem>>) semaphore(%arg20 : memref<!tpu.dma_semaphore, #tpu.memory_space<semaphore_mem>>)
    %dma_start3A_148 = arith.constant 2176 : i32
    %dma_start3A_149 = tpu.memref_slice %arg11[%dma_start3A_148] : memref<5120xi32, #tpu.memory_space<vmem>> -> memref<128xi32, #tpu.memory_space<vmem>>
    %dma_start3A_150 = arith.constant 2176 : i32
    %dma_start3A_151 = tpu.memref_slice %arg13[%dma_start3A_150] : memref<5120xi32, #tpu.memory_space<vmem>> -> memref<128xi32, #tpu.memory_space<vmem>>
    %dma_start3A_152 = arith.constant 0 : i32
    %dma_start3A_153 = tpu.memref_slice %arg3[%dma_start3A_152] : memref<320000xi32, #tpu.memory_space<hbm>> -> memref<320000xi32, #tpu.memory_space<hbm>>
    tpu.enqueue_indirect_dma source(%dma_start3A_153 : memref<320000xi32, #tpu.memory_space<hbm>>) target(%dma_start3A_149 : memref<128xi32, #tpu.memory_space<vmem>>) offsets(%dma_start3A_151 : memref<128xi32, #tpu.memory_space<vmem>>) semaphore(%arg20 : memref<!tpu.dma_semaphore, #tpu.memory_space<semaphore_mem>>)
    %dma_start3A_154 = arith.constant 2304 : i32
    %dma_start3A_155 = tpu.memref_slice %arg11[%dma_start3A_154] : memref<5120xi32, #tpu.memory_space<vmem>> -> memref<128xi32, #tpu.memory_space<vmem>>
    %dma_start3A_156 = arith.constant 2304 : i32
    %dma_start3A_157 = tpu.memref_slice %arg13[%dma_start3A_156] : memref<5120xi32, #tpu.memory_space<vmem>> -> memref<128xi32, #tpu.memory_space<vmem>>
    %dma_start3A_158 = arith.constant 0 : i32
    %dma_start3A_159 = tpu.memref_slice %arg3[%dma_start3A_158] : memref<320000xi32, #tpu.memory_space<hbm>> -> memref<320000xi32, #tpu.memory_space<hbm>>
    tpu.enqueue_indirect_dma source(%dma_start3A_159 : memref<320000xi32, #tpu.memory_space<hbm>>) target(%dma_start3A_155 : memref<128xi32, #tpu.memory_space<vmem>>) offsets(%dma_start3A_157 : memref<128xi32, #tpu.memory_space<vmem>>) semaphore(%arg20 : memref<!tpu.dma_semaphore, #tpu.memory_space<semaphore_mem>>)
    %dma_start3A_160 = arith.constant 2432 : i32
    %dma_start3A_161 = tpu.memref_slice %arg11[%dma_start3A_160] : memref<5120xi32, #tpu.memory_space<vmem>> -> memref<128xi32, #tpu.memory_space<vmem>>
    %dma_start3A_162 = arith.constant 2432 : i32
    %dma_start3A_163 = tpu.memref_slice %arg13[%dma_start3A_162] : memref<5120xi32, #tpu.memory_space<vmem>> -> memref<128xi32, #tpu.memory_space<vmem>>
    %dma_start3A_164 = arith.constant 0 : i32
    %dma_start3A_165 = tpu.memref_slice %arg3[%dma_start3A_164] : memref<320000xi32, #tpu.memory_space<hbm>> -> memref<320000xi32, #tpu.memory_space<hbm>>
    tpu.enqueue_indirect_dma source(%dma_start3A_165 : memref<320000xi32, #tpu.memory_space<hbm>>) target(%dma_start3A_161 : memref<128xi32, #tpu.memory_space<vmem>>) offsets(%dma_start3A_163 : memref<128xi32, #tpu.memory_space<vmem>>) semaphore(%arg20 : memref<!tpu.dma_semaphore, #tpu.memory_space<semaphore_mem>>)
    %dma_start3A_166 = arith.constant 2560 : i32
    %dma_start3A_167 = tpu.memref_slice %arg11[%dma_start3A_166] : memref<5120xi32, #tpu.memory_space<vmem>> -> memref<128xi32, #tpu.memory_space<vmem>>
    %dma_start3A_168 = arith.constant 2560 : i32
    %dma_start3A_169 = tpu.memref_slice %arg13[%dma_start3A_168] : memref<5120xi32, #tpu.memory_space<vmem>> -> memref<128xi32, #tpu.memory_space<vmem>>
    %dma_start3A_170 = arith.constant 0 : i32
    %dma_start3A_171 = tpu.memref_slice %arg3[%dma_start3A_170] : memref<320000xi32, #tpu.memory_space<hbm>> -> memref<320000xi32, #tpu.memory_space<hbm>>
    tpu.enqueue_indirect_dma source(%dma_start3A_171 : memref<320000xi32, #tpu.memory_space<hbm>>) target(%dma_start3A_167 : memref<128xi32, #tpu.memory_space<vmem>>) offsets(%dma_start3A_169 : memref<128xi32, #tpu.memory_space<vmem>>) semaphore(%arg20 : memref<!tpu.dma_semaphore, #tpu.memory_space<semaphore_mem>>)
    %dma_start3A_172 = arith.constant 2688 : i32
    %dma_start3A_173 = tpu.memref_slice %arg11[%dma_start3A_172] : memref<5120xi32, #tpu.memory_space<vmem>> -> memref<128xi32, #tpu.memory_space<vmem>>
    %dma_start3A_174 = arith.constant 2688 : i32
    %dma_start3A_175 = tpu.memref_slice %arg13[%dma_start3A_174] : memref<5120xi32, #tpu.memory_space<vmem>> -> memref<128xi32, #tpu.memory_space<vmem>>
    %dma_start3A_176 = arith.constant 0 : i32
    %dma_start3A_177 = tpu.memref_slice %arg3[%dma_start3A_176] : memref<320000xi32, #tpu.memory_space<hbm>> -> memref<320000xi32, #tpu.memory_space<hbm>>
    tpu.enqueue_indirect_dma source(%dma_start3A_177 : memref<320000xi32, #tpu.memory_space<hbm>>) target(%dma_start3A_173 : memref<128xi32, #tpu.memory_space<vmem>>) offsets(%dma_start3A_175 : memref<128xi32, #tpu.memory_space<vmem>>) semaphore(%arg20 : memref<!tpu.dma_semaphore, #tpu.memory_space<semaphore_mem>>)
    %dma_start3A_178 = arith.constant 2816 : i32
    %dma_start3A_179 = tpu.memref_slice %arg11[%dma_start3A_178] : memref<5120xi32, #tpu.memory_space<vmem>> -> memref<128xi32, #tpu.memory_space<vmem>>
    %dma_start3A_180 = arith.constant 2816 : i32
    %dma_start3A_181 = tpu.memref_slice %arg13[%dma_start3A_180] : memref<5120xi32, #tpu.memory_space<vmem>> -> memref<128xi32, #tpu.memory_space<vmem>>
    %dma_start3A_182 = arith.constant 0 : i32
    %dma_start3A_183 = tpu.memref_slice %arg3[%dma_start3A_182] : memref<320000xi32, #tpu.memory_space<hbm>> -> memref<320000xi32, #tpu.memory_space<hbm>>
    tpu.enqueue_indirect_dma source(%dma_start3A_183 : memref<320000xi32, #tpu.memory_space<hbm>>) target(%dma_start3A_179 : memref<128xi32, #tpu.memory_space<vmem>>) offsets(%dma_start3A_181 : memref<128xi32, #tpu.memory_space<vmem>>) semaphore(%arg20 : memref<!tpu.dma_semaphore, #tpu.memory_space<semaphore_mem>>)
    %dma_start3A_184 = arith.constant 2944 : i32
    %dma_start3A_185 = tpu.memref_slice %arg11[%dma_start3A_184] : memref<5120xi32, #tpu.memory_space<vmem>> -> memref<128xi32, #tpu.memory_space<vmem>>
    %dma_start3A_186 = arith.constant 2944 : i32
    %dma_start3A_187 = tpu.memref_slice %arg13[%dma_start3A_186] : memref<5120xi32, #tpu.memory_space<vmem>> -> memref<128xi32, #tpu.memory_space<vmem>>
    %dma_start3A_188 = arith.constant 0 : i32
    %dma_start3A_189 = tpu.memref_slice %arg3[%dma_start3A_188] : memref<320000xi32, #tpu.memory_space<hbm>> -> memref<320000xi32, #tpu.memory_space<hbm>>
    tpu.enqueue_indirect_dma source(%dma_start3A_189 : memref<320000xi32, #tpu.memory_space<hbm>>) target(%dma_start3A_185 : memref<128xi32, #tpu.memory_space<vmem>>) offsets(%dma_start3A_187 : memref<128xi32, #tpu.memory_space<vmem>>) semaphore(%arg20 : memref<!tpu.dma_semaphore, #tpu.memory_space<semaphore_mem>>)
    %dma_start3A_190 = arith.constant 3072 : i32
    %dma_start3A_191 = tpu.memref_slice %arg11[%dma_start3A_190] : memref<5120xi32, #tpu.memory_space<vmem>> -> memref<128xi32, #tpu.memory_space<vmem>>
    %dma_start3A_192 = arith.constant 3072 : i32
    %dma_start3A_193 = tpu.memref_slice %arg13[%dma_start3A_192] : memref<5120xi32, #tpu.memory_space<vmem>> -> memref<128xi32, #tpu.memory_space<vmem>>
    %dma_start3A_194 = arith.constant 0 : i32
    %dma_start3A_195 = tpu.memref_slice %arg3[%dma_start3A_194] : memref<320000xi32, #tpu.memory_space<hbm>> -> memref<320000xi32, #tpu.memory_space<hbm>>
    tpu.enqueue_indirect_dma source(%dma_start3A_195 : memref<320000xi32, #tpu.memory_space<hbm>>) target(%dma_start3A_191 : memref<128xi32, #tpu.memory_space<vmem>>) offsets(%dma_start3A_193 : memref<128xi32, #tpu.memory_space<vmem>>) semaphore(%arg20 : memref<!tpu.dma_semaphore, #tpu.memory_space<semaphore_mem>>)
    %dma_start3A_196 = arith.constant 3200 : i32
    %dma_start3A_197 = tpu.memref_slice %arg11[%dma_start3A_196] : memref<5120xi32, #tpu.memory_space<vmem>> -> memref<128xi32, #tpu.memory_space<vmem>>
    %dma_start3A_198 = arith.constant 3200 : i32
    %dma_start3A_199 = tpu.memref_slice %arg13[%dma_start3A_198] : memref<5120xi32, #tpu.memory_space<vmem>> -> memref<128xi32, #tpu.memory_space<vmem>>
    %dma_start3A_200 = arith.constant 0 : i32
    %dma_start3A_201 = tpu.memref_slice %arg3[%dma_start3A_200] : memref<320000xi32, #tpu.memory_space<hbm>> -> memref<320000xi32, #tpu.memory_space<hbm>>
    tpu.enqueue_indirect_dma source(%dma_start3A_201 : memref<320000xi32, #tpu.memory_space<hbm>>) target(%dma_start3A_197 : memref<128xi32, #tpu.memory_space<vmem>>) offsets(%dma_start3A_199 : memref<128xi32, #tpu.memory_space<vmem>>) semaphore(%arg20 : memref<!tpu.dma_semaphore, #tpu.memory_space<semaphore_mem>>)
    %dma_start3A_202 = arith.constant 3328 : i32
    %dma_start3A_203 = tpu.memref_slice %arg11[%dma_start3A_202] : memref<5120xi32, #tpu.memory_space<vmem>> -> memref<128xi32, #tpu.memory_space<vmem>>
    %dma_start3A_204 = arith.constant 3328 : i32
    %dma_start3A_205 = tpu.memref_slice %arg13[%dma_start3A_204] : memref<5120xi32, #tpu.memory_space<vmem>> -> memref<128xi32, #tpu.memory_space<vmem>>
    %dma_start3A_206 = arith.constant 0 : i32
    %dma_start3A_207 = tpu.memref_slice %arg3[%dma_start3A_206] : memref<320000xi32, #tpu.memory_space<hbm>> -> memref<320000xi32, #tpu.memory_space<hbm>>
    tpu.enqueue_indirect_dma source(%dma_start3A_207 : memref<320000xi32, #tpu.memory_space<hbm>>) target(%dma_start3A_203 : memref<128xi32, #tpu.memory_space<vmem>>) offsets(%dma_start3A_205 : memref<128xi32, #tpu.memory_space<vmem>>) semaphore(%arg20 : memref<!tpu.dma_semaphore, #tpu.memory_space<semaphore_mem>>)
    %dma_start3A_208 = arith.constant 3456 : i32
    %dma_start3A_209 = tpu.memref_slice %arg11[%dma_start3A_208] : memref<5120xi32, #tpu.memory_space<vmem>> -> memref<128xi32, #tpu.memory_space<vmem>>
    %dma_start3A_210 = arith.constant 3456 : i32
    %dma_start3A_211 = tpu.memref_slice %arg13[%dma_start3A_210] : memref<5120xi32, #tpu.memory_space<vmem>> -> memref<128xi32, #tpu.memory_space<vmem>>
    %dma_start3A_212 = arith.constant 0 : i32
    %dma_start3A_213 = tpu.memref_slice %arg3[%dma_start3A_212] : memref<320000xi32, #tpu.memory_space<hbm>> -> memref<320000xi32, #tpu.memory_space<hbm>>
    tpu.enqueue_indirect_dma source(%dma_start3A_213 : memref<320000xi32, #tpu.memory_space<hbm>>) target(%dma_start3A_209 : memref<128xi32, #tpu.memory_space<vmem>>) offsets(%dma_start3A_211 : memref<128xi32, #tpu.memory_space<vmem>>) semaphore(%arg20 : memref<!tpu.dma_semaphore, #tpu.memory_space<semaphore_mem>>)
    %dma_start3A_214 = arith.constant 3584 : i32
    %dma_start3A_215 = tpu.memref_slice %arg11[%dma_start3A_214] : memref<5120xi32, #tpu.memory_space<vmem>> -> memref<128xi32, #tpu.memory_space<vmem>>
    %dma_start3A_216 = arith.constant 3584 : i32
    %dma_start3A_217 = tpu.memref_slice %arg13[%dma_start3A_216] : memref<5120xi32, #tpu.memory_space<vmem>> -> memref<128xi32, #tpu.memory_space<vmem>>
    %dma_start3A_218 = arith.constant 0 : i32
    %dma_start3A_219 = tpu.memref_slice %arg3[%dma_start3A_218] : memref<320000xi32, #tpu.memory_space<hbm>> -> memref<320000xi32, #tpu.memory_space<hbm>>
    tpu.enqueue_indirect_dma source(%dma_start3A_219 : memref<320000xi32, #tpu.memory_space<hbm>>) target(%dma_start3A_215 : memref<128xi32, #tpu.memory_space<vmem>>) offsets(%dma_start3A_217 : memref<128xi32, #tpu.memory_space<vmem>>) semaphore(%arg20 : memref<!tpu.dma_semaphore, #tpu.memory_space<semaphore_mem>>)
    %dma_start3A_220 = arith.constant 3712 : i32
    %dma_start3A_221 = tpu.memref_slice %arg11[%dma_start3A_220] : memref<5120xi32, #tpu.memory_space<vmem>> -> memref<128xi32, #tpu.memory_space<vmem>>
    %dma_start3A_222 = arith.constant 3712 : i32
    %dma_start3A_223 = tpu.memref_slice %arg13[%dma_start3A_222] : memref<5120xi32, #tpu.memory_space<vmem>> -> memref<128xi32, #tpu.memory_space<vmem>>
    %dma_start3A_224 = arith.constant 0 : i32
    %dma_start3A_225 = tpu.memref_slice %arg3[%dma_start3A_224] : memref<320000xi32, #tpu.memory_space<hbm>> -> memref<320000xi32, #tpu.memory_space<hbm>>
    tpu.enqueue_indirect_dma source(%dma_start3A_225 : memref<320000xi32, #tpu.memory_space<hbm>>) target(%dma_start3A_221 : memref<128xi32, #tpu.memory_space<vmem>>) offsets(%dma_start3A_223 : memref<128xi32, #tpu.memory_space<vmem>>) semaphore(%arg20 : memref<!tpu.dma_semaphore, #tpu.memory_space<semaphore_mem>>)
    %dma_start3A_226 = arith.constant 3840 : i32
    %dma_start3A_227 = tpu.memref_slice %arg11[%dma_start3A_226] : memref<5120xi32, #tpu.memory_space<vmem>> -> memref<128xi32, #tpu.memory_space<vmem>>
    %dma_start3A_228 = arith.constant 3840 : i32
    %dma_start3A_229 = tpu.memref_slice %arg13[%dma_start3A_228] : memref<5120xi32, #tpu.memory_space<vmem>> -> memref<128xi32, #tpu.memory_space<vmem>>
    %dma_start3A_230 = arith.constant 0 : i32
    %dma_start3A_231 = tpu.memref_slice %arg3[%dma_start3A_230] : memref<320000xi32, #tpu.memory_space<hbm>> -> memref<320000xi32, #tpu.memory_space<hbm>>
    tpu.enqueue_indirect_dma source(%dma_start3A_231 : memref<320000xi32, #tpu.memory_space<hbm>>) target(%dma_start3A_227 : memref<128xi32, #tpu.memory_space<vmem>>) offsets(%dma_start3A_229 : memref<128xi32, #tpu.memory_space<vmem>>) semaphore(%arg20 : memref<!tpu.dma_semaphore, #tpu.memory_space<semaphore_mem>>)
    %dma_start3A_232 = arith.constant 3968 : i32
    %dma_start3A_233 = tpu.memref_slice %arg11[%dma_start3A_232] : memref<5120xi32, #tpu.memory_space<vmem>> -> memref<128xi32, #tpu.memory_space<vmem>>
    %dma_start3A_234 = arith.constant 3968 : i32
    %dma_start3A_235 = tpu.memref_slice %arg13[%dma_start3A_234] : memref<5120xi32, #tpu.memory_space<vmem>> -> memref<128xi32, #tpu.memory_space<vmem>>
    %dma_start3A_236 = arith.constant 0 : i32
    %dma_start3A_237 = tpu.memref_slice %arg3[%dma_start3A_236] : memref<320000xi32, #tpu.memory_space<hbm>> -> memref<320000xi32, #tpu.memory_space<hbm>>
    tpu.enqueue_indirect_dma source(%dma_start3A_237 : memref<320000xi32, #tpu.memory_space<hbm>>) target(%dma_start3A_233 : memref<128xi32, #tpu.memory_space<vmem>>) offsets(%dma_start3A_235 : memref<128xi32, #tpu.memory_space<vmem>>) semaphore(%arg20 : memref<!tpu.dma_semaphore, #tpu.memory_space<semaphore_mem>>)
    %dma_start3A_238 = arith.constant 4096 : i32
    %dma_start3A_239 = tpu.memref_slice %arg11[%dma_start3A_238] : memref<5120xi32, #tpu.memory_space<vmem>> -> memref<128xi32, #tpu.memory_space<vmem>>
    %dma_start3A_240 = arith.constant 4096 : i32
    %dma_start3A_241 = tpu.memref_slice %arg13[%dma_start3A_240] : memref<5120xi32, #tpu.memory_space<vmem>> -> memref<128xi32, #tpu.memory_space<vmem>>
    %dma_start3A_242 = arith.constant 0 : i32
    %dma_start3A_243 = tpu.memref_slice %arg3[%dma_start3A_242] : memref<320000xi32, #tpu.memory_space<hbm>> -> memref<320000xi32, #tpu.memory_space<hbm>>
    tpu.enqueue_indirect_dma source(%dma_start3A_243 : memref<320000xi32, #tpu.memory_space<hbm>>) target(%dma_start3A_239 : memref<128xi32, #tpu.memory_space<vmem>>) offsets(%dma_start3A_241 : memref<128xi32, #tpu.memory_space<vmem>>) semaphore(%arg20 : memref<!tpu.dma_semaphore, #tpu.memory_space<semaphore_mem>>)
    %dma_start3A_244 = arith.constant 4224 : i32
    %dma_start3A_245 = tpu.memref_slice %arg11[%dma_start3A_244] : memref<5120xi32, #tpu.memory_space<vmem>> -> memref<128xi32, #tpu.memory_space<vmem>>
    %dma_start3A_246 = arith.constant 4224 : i32
    %dma_start3A_247 = tpu.memref_slice %arg13[%dma_start3A_246] : memref<5120xi32, #tpu.memory_space<vmem>> -> memref<128xi32, #tpu.memory_space<vmem>>
    %dma_start3A_248 = arith.constant 0 : i32
    %dma_start3A_249 = tpu.memref_slice %arg3[%dma_start3A_248] : memref<320000xi32, #tpu.memory_space<hbm>> -> memref<320000xi32, #tpu.memory_space<hbm>>
    tpu.enqueue_indirect_dma source(%dma_start3A_249 : memref<320000xi32, #tpu.memory_space<hbm>>) target(%dma_start3A_245 : memref<128xi32, #tpu.memory_space<vmem>>) offsets(%dma_start3A_247 : memref<128xi32, #tpu.memory_space<vmem>>) semaphore(%arg20 : memref<!tpu.dma_semaphore, #tpu.memory_space<semaphore_mem>>)
    %dma_start3A_250 = arith.constant 4352 : i32
    %dma_start3A_251 = tpu.memref_slice %arg11[%dma_start3A_250] : memref<5120xi32, #tpu.memory_space<vmem>> -> memref<128xi32, #tpu.memory_space<vmem>>
    %dma_start3A_252 = arith.constant 4352 : i32
    %dma_start3A_253 = tpu.memref_slice %arg13[%dma_start3A_252] : memref<5120xi32, #tpu.memory_space<vmem>> -> memref<128xi32, #tpu.memory_space<vmem>>
    %dma_start3A_254 = arith.constant 0 : i32
    %dma_start3A_255 = tpu.memref_slice %arg3[%dma_start3A_254] : memref<320000xi32, #tpu.memory_space<hbm>> -> memref<320000xi32, #tpu.memory_space<hbm>>
    tpu.enqueue_indirect_dma source(%dma_start3A_255 : memref<320000xi32, #tpu.memory_space<hbm>>) target(%dma_start3A_251 : memref<128xi32, #tpu.memory_space<vmem>>) offsets(%dma_start3A_253 : memref<128xi32, #tpu.memory_space<vmem>>) semaphore(%arg20 : memref<!tpu.dma_semaphore, #tpu.memory_space<semaphore_mem>>)
    %dma_start3A_256 = arith.constant 4480 : i32
    %dma_start3A_257 = tpu.memref_slice %arg11[%dma_start3A_256] : memref<5120xi32, #tpu.memory_space<vmem>> -> memref<128xi32, #tpu.memory_space<vmem>>
    %dma_start3A_258 = arith.constant 4480 : i32
    %dma_start3A_259 = tpu.memref_slice %arg13[%dma_start3A_258] : memref<5120xi32, #tpu.memory_space<vmem>> -> memref<128xi32, #tpu.memory_space<vmem>>
    %dma_start3A_260 = arith.constant 0 : i32
    %dma_start3A_261 = tpu.memref_slice %arg3[%dma_start3A_260] : memref<320000xi32, #tpu.memory_space<hbm>> -> memref<320000xi32, #tpu.memory_space<hbm>>
    tpu.enqueue_indirect_dma source(%dma_start3A_261 : memref<320000xi32, #tpu.memory_space<hbm>>) target(%dma_start3A_257 : memref<128xi32, #tpu.memory_space<vmem>>) offsets(%dma_start3A_259 : memref<128xi32, #tpu.memory_space<vmem>>) semaphore(%arg20 : memref<!tpu.dma_semaphore, #tpu.memory_space<semaphore_mem>>)
    %dma_start3A_262 = arith.constant 4608 : i32
    %dma_start3A_263 = tpu.memref_slice %arg11[%dma_start3A_262] : memref<5120xi32, #tpu.memory_space<vmem>> -> memref<128xi32, #tpu.memory_space<vmem>>
    %dma_start3A_264 = arith.constant 4608 : i32
    %dma_start3A_265 = tpu.memref_slice %arg13[%dma_start3A_264] : memref<5120xi32, #tpu.memory_space<vmem>> -> memref<128xi32, #tpu.memory_space<vmem>>
    %dma_start3A_266 = arith.constant 0 : i32
    %dma_start3A_267 = tpu.memref_slice %arg3[%dma_start3A_266] : memref<320000xi32, #tpu.memory_space<hbm>> -> memref<320000xi32, #tpu.memory_space<hbm>>
    tpu.enqueue_indirect_dma source(%dma_start3A_267 : memref<320000xi32, #tpu.memory_space<hbm>>) target(%dma_start3A_263 : memref<128xi32, #tpu.memory_space<vmem>>) offsets(%dma_start3A_265 : memref<128xi32, #tpu.memory_space<vmem>>) semaphore(%arg20 : memref<!tpu.dma_semaphore, #tpu.memory_space<semaphore_mem>>)
    %dma_start3A_268 = arith.constant 4736 : i32
    %dma_start3A_269 = tpu.memref_slice %arg11[%dma_start3A_268] : memref<5120xi32, #tpu.memory_space<vmem>> -> memref<128xi32, #tpu.memory_space<vmem>>
    %dma_start3A_270 = arith.constant 4736 : i32
    %dma_start3A_271 = tpu.memref_slice %arg13[%dma_start3A_270] : memref<5120xi32, #tpu.memory_space<vmem>> -> memref<128xi32, #tpu.memory_space<vmem>>
    %dma_start3A_272 = arith.constant 0 : i32
    %dma_start3A_273 = tpu.memref_slice %arg3[%dma_start3A_272] : memref<320000xi32, #tpu.memory_space<hbm>> -> memref<320000xi32, #tpu.memory_space<hbm>>
    tpu.enqueue_indirect_dma source(%dma_start3A_273 : memref<320000xi32, #tpu.memory_space<hbm>>) target(%dma_start3A_269 : memref<128xi32, #tpu.memory_space<vmem>>) offsets(%dma_start3A_271 : memref<128xi32, #tpu.memory_space<vmem>>) semaphore(%arg20 : memref<!tpu.dma_semaphore, #tpu.memory_space<semaphore_mem>>)
    %dma_start3A_274 = arith.constant 4864 : i32
    %dma_start3A_275 = tpu.memref_slice %arg11[%dma_start3A_274] : memref<5120xi32, #tpu.memory_space<vmem>> -> memref<128xi32, #tpu.memory_space<vmem>>
    %dma_start3A_276 = arith.constant 4864 : i32
    %dma_start3A_277 = tpu.memref_slice %arg13[%dma_start3A_276] : memref<5120xi32, #tpu.memory_space<vmem>> -> memref<128xi32, #tpu.memory_space<vmem>>
    %dma_start3A_278 = arith.constant 0 : i32
    %dma_start3A_279 = tpu.memref_slice %arg3[%dma_start3A_278] : memref<320000xi32, #tpu.memory_space<hbm>> -> memref<320000xi32, #tpu.memory_space<hbm>>
    tpu.enqueue_indirect_dma source(%dma_start3A_279 : memref<320000xi32, #tpu.memory_space<hbm>>) target(%dma_start3A_275 : memref<128xi32, #tpu.memory_space<vmem>>) offsets(%dma_start3A_277 : memref<128xi32, #tpu.memory_space<vmem>>) semaphore(%arg20 : memref<!tpu.dma_semaphore, #tpu.memory_space<semaphore_mem>>)
    %dma_start3A_280 = arith.constant 4992 : i32
    %dma_start3A_281 = tpu.memref_slice %arg11[%dma_start3A_280] : memref<5120xi32, #tpu.memory_space<vmem>> -> memref<128xi32, #tpu.memory_space<vmem>>
    %dma_start3A_282 = arith.constant 4992 : i32
    %dma_start3A_283 = tpu.memref_slice %arg13[%dma_start3A_282] : memref<5120xi32, #tpu.memory_space<vmem>> -> memref<128xi32, #tpu.memory_space<vmem>>
    %dma_start3A_284 = arith.constant 0 : i32
    %dma_start3A_285 = tpu.memref_slice %arg3[%dma_start3A_284] : memref<320000xi32, #tpu.memory_space<hbm>> -> memref<320000xi32, #tpu.memory_space<hbm>>
    tpu.enqueue_indirect_dma source(%dma_start3A_285 : memref<320000xi32, #tpu.memory_space<hbm>>) target(%dma_start3A_281 : memref<128xi32, #tpu.memory_space<vmem>>) offsets(%dma_start3A_283 : memref<128xi32, #tpu.memory_space<vmem>>) semaphore(%arg20 : memref<!tpu.dma_semaphore, #tpu.memory_space<semaphore_mem>>)
    %mul3A_286 = arith.constant 16 : i32
    %mul3A_287 = arith.muli %mul3A_2, %mul3A_286 : i32
    %add3A_288 = arith.constant 163840 : i32
    %add3A_289 = arith.addi %add3A_288, %mul3A_287 : i32
    %dma_start3A_290 = tpu.memref_slice %arg4[%add3A_289] : memref<327680xf32, #tpu.memory_space<hbm>> -> memref<5120xf32, #tpu.memory_space<hbm>>
    %dma_start3A_291 = tpu.memref_slice %arg4[%add3A_289] : memref<327680xf32, #tpu.memory_space<hbm>> -> memref<5120xf32, #tpu.memory_space<hbm>>
    tpu.enqueue_dma source(%dma_start3A_291 : memref<5120xf32, #tpu.memory_space<hbm>>) target(%arg12 : memref<5120xf32, #tpu.memory_space<vmem>>) target_semaphore(%arg21 : memref<!tpu.dma_semaphore, #tpu.memory_space<semaphore_mem>>)
    %dma_start3A_292 = arith.constant 0 : i32
    %dma_start3A_293 = arith.constant 0 : i32
    %dma_start3A_294 = tpu.memref_slice %arg16[%dma_start3A_292, %dma_start3A_293] : memref<320x128xf32, #tpu.memory_space<vmem>> -> memref<16x128xf32, #tpu.memory_space<vmem>>
    %dma_start3A_295 = arith.constant 0 : i32
    %dma_start3A_296 = tpu.memref_slice %arg14[%dma_start3A_295] : memref<320xi32, #tpu.memory_space<vmem>> -> memref<16xi32, #tpu.memory_space<vmem>>
    %dma_start3A_297 = arith.constant 0 : i32
    %dma_start3A_298 = arith.constant 0 : i32
    %dma_start3A_299 = tpu.memref_slice %arg5[%dma_start3A_297, %dma_start3A_298] : memref<10000x128xf32, #tpu.memory_space<hbm>> -> memref<10000x128xf32, #tpu.memory_space<hbm>>
    tpu.enqueue_indirect_dma source(%dma_start3A_299 : memref<10000x128xf32, #tpu.memory_space<hbm>>) target(%dma_start3A_294 : memref<16x128xf32, #tpu.memory_space<vmem>>) offsets(%dma_start3A_296 : memref<16xi32, #tpu.memory_space<vmem>>) semaphore(%arg22 : memref<!tpu.dma_semaphore, #tpu.memory_space<semaphore_mem>>)
    %dma_start3A_300 = arith.constant 16 : i32
    %dma_start3A_301 = arith.constant 0 : i32
    %dma_start3A_302 = tpu.memref_slice %arg16[%dma_start3A_300, %dma_start3A_301] : memref<320x128xf32, #tpu.memory_space<vmem>> -> memref<16x128xf32, #tpu.memory_space<vmem>>
    %dma_start3A_303 = arith.constant 16 : i32
    %dma_start3A_304 = tpu.memref_slice %arg14[%dma_start3A_303] : memref<320xi32, #tpu.memory_space<vmem>> -> memref<16xi32, #tpu.memory_space<vmem>>
    %dma_start3A_305 = arith.constant 0 : i32
    %dma_start3A_306 = arith.constant 0 : i32
    %dma_start3A_307 = tpu.memref_slice %arg5[%dma_start3A_305, %dma_start3A_306] : memref<10000x128xf32, #tpu.memory_space<hbm>> -> memref<10000x128xf32, #tpu.memory_space<hbm>>
    tpu.enqueue_indirect_dma source(%dma_start3A_307 : memref<10000x128xf32, #tpu.memory_space<hbm>>) target(%dma_start3A_302 : memref<16x128xf32, #tpu.memory_space<vmem>>) offsets(%dma_start3A_304 : memref<16xi32, #tpu.memory_space<vmem>>) semaphore(%arg22 : memref<!tpu.dma_semaphore, #tpu.memory_space<semaphore_mem>>)
    %dma_start3A_308 = arith.constant 32 : i32
    %dma_start3A_309 = arith.constant 0 : i32
    %dma_start3A_310 = tpu.memref_slice %arg16[%dma_start3A_308, %dma_start3A_309] : memref<320x128xf32, #tpu.memory_space<vmem>> -> memref<16x128xf32, #tpu.memory_space<vmem>>
    %dma_start3A_311 = arith.constant 32 : i32
    %dma_start3A_312 = tpu.memref_slice %arg14[%dma_start3A_311] : memref<320xi32, #tpu.memory_space<vmem>> -> memref<16xi32, #tpu.memory_space<vmem>>
    %dma_start3A_313 = arith.constant 0 : i32
    %dma_start3A_314 = arith.constant 0 : i32
    %dma_start3A_315 = tpu.memref_slice %arg5[%dma_start3A_313, %dma_start3A_314] : memref<10000x128xf32, #tpu.memory_space<hbm>> -> memref<10000x128xf32, #tpu.memory_space<hbm>>
    tpu.enqueue_indirect_dma source(%dma_start3A_315 : memref<10000x128xf32, #tpu.memory_space<hbm>>) target(%dma_start3A_310 : memref<16x128xf32, #tpu.memory_space<vmem>>) offsets(%dma_start3A_312 : memref<16xi32, #tpu.memory_space<vmem>>) semaphore(%arg22 : memref<!tpu.dma_semaphore, #tpu.memory_space<semaphore_mem>>)
    %dma_start3A_316 = arith.constant 48 : i32
    %dma_start3A_317 = arith.constant 0 : i32
    %dma_start3A_318 = tpu.memref_slice %arg16[%dma_start3A_316, %dma_start3A_317] : memref<320x128xf32, #tpu.memory_space<vmem>> -> memref<16x128xf32, #tpu.memory_space<vmem>>
    %dma_start3A_319 = arith.constant 48 : i32
    %dma_start3A_320 = tpu.memref_slice %arg14[%dma_start3A_319] : memref<320xi32, #tpu.memory_space<vmem>> -> memref<16xi32, #tpu.memory_space<vmem>>
    %dma_start3A_321 = arith.constant 0 : i32
    %dma_start3A_322 = arith.constant 0 : i32
    %dma_start3A_323 = tpu.memref_slice %arg5[%dma_start3A_321, %dma_start3A_322] : memref<10000x128xf32, #tpu.memory_space<hbm>> -> memref<10000x128xf32, #tpu.memory_space<hbm>>
    tpu.enqueue_indirect_dma source(%dma_start3A_323 : memref<10000x128xf32, #tpu.memory_space<hbm>>) target(%dma_start3A_318 : memref<16x128xf32, #tpu.memory_space<vmem>>) offsets(%dma_start3A_320 : memref<16xi32, #tpu.memory_space<vmem>>) semaphore(%arg22 : memref<!tpu.dma_semaphore, #tpu.memory_space<semaphore_mem>>)
    %dma_start3A_324 = arith.constant 64 : i32
    %dma_start3A_325 = arith.constant 0 : i32
    %dma_start3A_326 = tpu.memref_slice %arg16[%dma_start3A_324, %dma_start3A_325] : memref<320x128xf32, #tpu.memory_space<vmem>> -> memref<16x128xf32, #tpu.memory_space<vmem>>
    %dma_start3A_327 = arith.constant 64 : i32
    %dma_start3A_328 = tpu.memref_slice %arg14[%dma_start3A_327] : memref<320xi32, #tpu.memory_space<vmem>> -> memref<16xi32, #tpu.memory_space<vmem>>
    %dma_start3A_329 = arith.constant 0 : i32
    %dma_start3A_330 = arith.constant 0 : i32
    %dma_start3A_331 = tpu.memref_slice %arg5[%dma_start3A_329, %dma_start3A_330] : memref<10000x128xf32, #tpu.memory_space<hbm>> -> memref<10000x128xf32, #tpu.memory_space<hbm>>
    tpu.enqueue_indirect_dma source(%dma_start3A_331 : memref<10000x128xf32, #tpu.memory_space<hbm>>) target(%dma_start3A_326 : memref<16x128xf32, #tpu.memory_space<vmem>>) offsets(%dma_start3A_328 : memref<16xi32, #tpu.memory_space<vmem>>) semaphore(%arg22 : memref<!tpu.dma_semaphore, #tpu.memory_space<semaphore_mem>>)
    %dma_start3A_332 = arith.constant 80 : i32
    %dma_start3A_333 = arith.constant 0 : i32
    %dma_start3A_334 = tpu.memref_slice %arg16[%dma_start3A_332, %dma_start3A_333] : memref<320x128xf32, #tpu.memory_space<vmem>> -> memref<16x128xf32, #tpu.memory_space<vmem>>
    %dma_start3A_335 = arith.constant 80 : i32
    %dma_start3A_336 = tpu.memref_slice %arg14[%dma_start3A_335] : memref<320xi32, #tpu.memory_space<vmem>> -> memref<16xi32, #tpu.memory_space<vmem>>
    %dma_start3A_337 = arith.constant 0 : i32
    %dma_start3A_338 = arith.constant 0 : i32
    %dma_start3A_339 = tpu.memref_slice %arg5[%dma_start3A_337, %dma_start3A_338] : memref<10000x128xf32, #tpu.memory_space<hbm>> -> memref<10000x128xf32, #tpu.memory_space<hbm>>
    tpu.enqueue_indirect_dma source(%dma_start3A_339 : memref<10000x128xf32, #tpu.memory_space<hbm>>) target(%dma_start3A_334 : memref<16x128xf32, #tpu.memory_space<vmem>>) offsets(%dma_start3A_336 : memref<16xi32, #tpu.memory_space<vmem>>) semaphore(%arg22 : memref<!tpu.dma_semaphore, #tpu.memory_space<semaphore_mem>>)
    %dma_start3A_340 = arith.constant 96 : i32
    %dma_start3A_341 = arith.constant 0 : i32
    %dma_start3A_342 = tpu.memref_slice %arg16[%dma_start3A_340, %dma_start3A_341] : memref<320x128xf32, #tpu.memory_space<vmem>> -> memref<16x128xf32, #tpu.memory_space<vmem>>
    %dma_start3A_343 = arith.constant 96 : i32
    %dma_start3A_344 = tpu.memref_slice %arg14[%dma_start3A_343] : memref<320xi32, #tpu.memory_space<vmem>> -> memref<16xi32, #tpu.memory_space<vmem>>
    %dma_start3A_345 = arith.constant 0 : i32
    %dma_start3A_346 = arith.constant 0 : i32
    %dma_start3A_347 = tpu.memref_slice %arg5[%dma_start3A_345, %dma_start3A_346] : memref<10000x128xf32, #tpu.memory_space<hbm>> -> memref<10000x128xf32, #tpu.memory_space<hbm>>
    tpu.enqueue_indirect_dma source(%dma_start3A_347 : memref<10000x128xf32, #tpu.memory_space<hbm>>) target(%dma_start3A_342 : memref<16x128xf32, #tpu.memory_space<vmem>>) offsets(%dma_start3A_344 : memref<16xi32, #tpu.memory_space<vmem>>) semaphore(%arg22 : memref<!tpu.dma_semaphore, #tpu.memory_space<semaphore_mem>>)
    %dma_start3A_348 = arith.constant 112 : i32
    %dma_start3A_349 = arith.constant 0 : i32
    %dma_start3A_350 = tpu.memref_slice %arg16[%dma_start3A_348, %dma_start3A_349] : memref<320x128xf32, #tpu.memory_space<vmem>> -> memref<16x128xf32, #tpu.memory_space<vmem>>
    %dma_start3A_351 = arith.constant 112 : i32
    %dma_start3A_352 = tpu.memref_slice %arg14[%dma_start3A_351] : memref<320xi32, #tpu.memory_space<vmem>> -> memref<16xi32, #tpu.memory_space<vmem>>
    %dma_start3A_353 = arith.constant 0 : i32
    %dma_start3A_354 = arith.constant 0 : i32
    %dma_start3A_355 = tpu.memref_slice %arg5[%dma_start3A_353, %dma_start3A_354] : memref<10000x128xf32, #tpu.memory_space<hbm>> -> memref<10000x128xf32, #tpu.memory_space<hbm>>
    tpu.enqueue_indirect_dma source(%dma_start3A_355 : memref<10000x128xf32, #tpu.memory_space<hbm>>) target(%dma_start3A_350 : memref<16x128xf32, #tpu.memory_space<vmem>>) offsets(%dma_start3A_352 : memref<16xi32, #tpu.memory_space<vmem>>) semaphore(%arg22 : memref<!tpu.dma_semaphore, #tpu.memory_space<semaphore_mem>>)
    %dma_start3A_356 = arith.constant 128 : i32
    %dma_start3A_357 = arith.constant 0 : i32
    %dma_start3A_358 = tpu.memref_slice %arg16[%dma_start3A_356, %dma_start3A_357] : memref<320x128xf32, #tpu.memory_space<vmem>> -> memref<16x128xf32, #tpu.memory_space<vmem>>
    %dma_start3A_359 = arith.constant 128 : i32
    %dma_start3A_360 = tpu.memref_slice %arg14[%dma_start3A_359] : memref<320xi32, #tpu.memory_space<vmem>> -> memref<16xi32, #tpu.memory_space<vmem>>
    %dma_start3A_361 = arith.constant 0 : i32
    %dma_start3A_362 = arith.constant 0 : i32
    %dma_start3A_363 = tpu.memref_slice %arg5[%dma_start3A_361, %dma_start3A_362] : memref<10000x128xf32, #tpu.memory_space<hbm>> -> memref<10000x128xf32, #tpu.memory_space<hbm>>
    tpu.enqueue_indirect_dma source(%dma_start3A_363 : memref<10000x128xf32, #tpu.memory_space<hbm>>) target(%dma_start3A_358 : memref<16x128xf32, #tpu.memory_space<vmem>>) offsets(%dma_start3A_360 : memref<16xi32, #tpu.memory_space<vmem>>) semaphore(%arg22 : memref<!tpu.dma_semaphore, #tpu.memory_space<semaphore_mem>>)
    %dma_start3A_364 = arith.constant 144 : i32
    %dma_start3A_365 = arith.constant 0 : i32
    %dma_start3A_366 = tpu.memref_slice %arg16[%dma_start3A_364, %dma_start3A_365] : memref<320x128xf32, #tpu.memory_space<vmem>> -> memref<16x128xf32, #tpu.memory_space<vmem>>
    %dma_start3A_367 = arith.constant 144 : i32
    %dma_start3A_368 = tpu.memref_slice %arg14[%dma_start3A_367] : memref<320xi32, #tpu.memory_space<vmem>> -> memref<16xi32, #tpu.memory_space<vmem>>
    %dma_start3A_369 = arith.constant 0 : i32
    %dma_start3A_370 = arith.constant 0 : i32
    %dma_start3A_371 = tpu.memref_slice %arg5[%dma_start3A_369, %dma_start3A_370] : memref<10000x128xf32, #tpu.memory_space<hbm>> -> memref<10000x128xf32, #tpu.memory_space<hbm>>
    tpu.enqueue_indirect_dma source(%dma_start3A_371 : memref<10000x128xf32, #tpu.memory_space<hbm>>) target(%dma_start3A_366 : memref<16x128xf32, #tpu.memory_space<vmem>>) offsets(%dma_start3A_368 : memref<16xi32, #tpu.memory_space<vmem>>) semaphore(%arg22 : memref<!tpu.dma_semaphore, #tpu.memory_space<semaphore_mem>>)
    %dma_start3A_372 = arith.constant 160 : i32
    %dma_start3A_373 = arith.constant 0 : i32
    %dma_start3A_374 = tpu.memref_slice %arg16[%dma_start3A_372, %dma_start3A_373] : memref<320x128xf32, #tpu.memory_space<vmem>> -> memref<16x128xf32, #tpu.memory_space<vmem>>
    %dma_start3A_375 = arith.constant 160 : i32
    %dma_start3A_376 = tpu.memref_slice %arg14[%dma_start3A_375] : memref<320xi32, #tpu.memory_space<vmem>> -> memref<16xi32, #tpu.memory_space<vmem>>
    %dma_start3A_377 = arith.constant 0 : i32
    %dma_start3A_378 = arith.constant 0 : i32
    %dma_start3A_379 = tpu.memref_slice %arg5[%dma_start3A_377, %dma_start3A_378] : memref<10000x128xf32, #tpu.memory_space<hbm>> -> memref<10000x128xf32, #tpu.memory_space<hbm>>
    tpu.enqueue_indirect_dma source(%dma_start3A_379 : memref<10000x128xf32, #tpu.memory_space<hbm>>) target(%dma_start3A_374 : memref<16x128xf32, #tpu.memory_space<vmem>>) offsets(%dma_start3A_376 : memref<16xi32, #tpu.memory_space<vmem>>) semaphore(%arg22 : memref<!tpu.dma_semaphore, #tpu.memory_space<semaphore_mem>>)
    %dma_start3A_380 = arith.constant 176 : i32
    %dma_start3A_381 = arith.constant 0 : i32
    %dma_start3A_382 = tpu.memref_slice %arg16[%dma_start3A_380, %dma_start3A_381] : memref<320x128xf32, #tpu.memory_space<vmem>> -> memref<16x128xf32, #tpu.memory_space<vmem>>
    %dma_start3A_383 = arith.constant 176 : i32
    %dma_start3A_384 = tpu.memref_slice %arg14[%dma_start3A_383] : memref<320xi32, #tpu.memory_space<vmem>> -> memref<16xi32, #tpu.memory_space<vmem>>
    %dma_start3A_385 = arith.constant 0 : i32
    %dma_start3A_386 = arith.constant 0 : i32
    %dma_start3A_387 = tpu.memref_slice %arg5[%dma_start3A_385, %dma_start3A_386] : memref<10000x128xf32, #tpu.memory_space<hbm>> -> memref<10000x128xf32, #tpu.memory_space<hbm>>
    tpu.enqueue_indirect_dma source(%dma_start3A_387 : memref<10000x128xf32, #tpu.memory_space<hbm>>) target(%dma_start3A_382 : memref<16x128xf32, #tpu.memory_space<vmem>>) offsets(%dma_start3A_384 : memref<16xi32, #tpu.memory_space<vmem>>) semaphore(%arg22 : memref<!tpu.dma_semaphore, #tpu.memory_space<semaphore_mem>>)
    %dma_start3A_388 = arith.constant 192 : i32
    %dma_start3A_389 = arith.constant 0 : i32
    %dma_start3A_390 = tpu.memref_slice %arg16[%dma_start3A_388, %dma_start3A_389] : memref<320x128xf32, #tpu.memory_space<vmem>> -> memref<16x128xf32, #tpu.memory_space<vmem>>
    %dma_start3A_391 = arith.constant 192 : i32
    %dma_start3A_392 = tpu.memref_slice %arg14[%dma_start3A_391] : memref<320xi32, #tpu.memory_space<vmem>> -> memref<16xi32, #tpu.memory_space<vmem>>
    %dma_start3A_393 = arith.constant 0 : i32
    %dma_start3A_394 = arith.constant 0 : i32
    %dma_start3A_395 = tpu.memref_slice %arg5[%dma_start3A_393, %dma_start3A_394] : memref<10000x128xf32, #tpu.memory_space<hbm>> -> memref<10000x128xf32, #tpu.memory_space<hbm>>
    tpu.enqueue_indirect_dma source(%dma_start3A_395 : memref<10000x128xf32, #tpu.memory_space<hbm>>) target(%dma_start3A_390 : memref<16x128xf32, #tpu.memory_space<vmem>>) offsets(%dma_start3A_392 : memref<16xi32, #tpu.memory_space<vmem>>) semaphore(%arg22 : memref<!tpu.dma_semaphore, #tpu.memory_space<semaphore_mem>>)
    %dma_start3A_396 = arith.constant 208 : i32
    %dma_start3A_397 = arith.constant 0 : i32
    %dma_start3A_398 = tpu.memref_slice %arg16[%dma_start3A_396, %dma_start3A_397] : memref<320x128xf32, #tpu.memory_space<vmem>> -> memref<16x128xf32, #tpu.memory_space<vmem>>
    %dma_start3A_399 = arith.constant 208 : i32
    %dma_start3A_400 = tpu.memref_slice %arg14[%dma_start3A_399] : memref<320xi32, #tpu.memory_space<vmem>> -> memref<16xi32, #tpu.memory_space<vmem>>
    %dma_start3A_401 = arith.constant 0 : i32
    %dma_start3A_402 = arith.constant 0 : i32
    %dma_start3A_403 = tpu.memref_slice %arg5[%dma_start3A_401, %dma_start3A_402] : memref<10000x128xf32, #tpu.memory_space<hbm>> -> memref<10000x128xf32, #tpu.memory_space<hbm>>
    tpu.enqueue_indirect_dma source(%dma_start3A_403 : memref<10000x128xf32, #tpu.memory_space<hbm>>) target(%dma_start3A_398 : memref<16x128xf32, #tpu.memory_space<vmem>>) offsets(%dma_start3A_400 : memref<16xi32, #tpu.memory_space<vmem>>) semaphore(%arg22 : memref<!tpu.dma_semaphore, #tpu.memory_space<semaphore_mem>>)
    %dma_start3A_404 = arith.constant 224 : i32
    %dma_start3A_405 = arith.constant 0 : i32
    %dma_start3A_406 = tpu.memref_slice %arg16[%dma_start3A_404, %dma_start3A_405] : memref<320x128xf32, #tpu.memory_space<vmem>> -> memref<16x128xf32, #tpu.memory_space<vmem>>
    %dma_start3A_407 = arith.constant 224 : i32
    %dma_start3A_408 = tpu.memref_slice %arg14[%dma_start3A_407] : memref<320xi32, #tpu.memory_space<vmem>> -> memref<16xi32, #tpu.memory_space<vmem>>
    %dma_start3A_409 = arith.constant 0 : i32
    %dma_start3A_410 = arith.constant 0 : i32
    %dma_start3A_411 = tpu.memref_slice %arg5[%dma_start3A_409, %dma_start3A_410] : memref<10000x128xf32, #tpu.memory_space<hbm>> -> memref<10000x128xf32, #tpu.memory_space<hbm>>
    tpu.enqueue_indirect_dma source(%dma_start3A_411 : memref<10000x128xf32, #tpu.memory_space<hbm>>) target(%dma_start3A_406 : memref<16x128xf32, #tpu.memory_space<vmem>>) offsets(%dma_start3A_408 : memref<16xi32, #tpu.memory_space<vmem>>) semaphore(%arg22 : memref<!tpu.dma_semaphore, #tpu.memory_space<semaphore_mem>>)
    %dma_start3A_412 = arith.constant 240 : i32
    %dma_start3A_413 = arith.constant 0 : i32
    %dma_start3A_414 = tpu.memref_slice %arg16[%dma_start3A_412, %dma_start3A_413] : memref<320x128xf32, #tpu.memory_space<vmem>> -> memref<16x128xf32, #tpu.memory_space<vmem>>
    %dma_start3A_415 = arith.constant 240 : i32
    %dma_start3A_416 = tpu.memref_slice %arg14[%dma_start3A_415] : memref<320xi32, #tpu.memory_space<vmem>> -> memref<16xi32, #tpu.memory_space<vmem>>
    %dma_start3A_417 = arith.constant 0 : i32
    %dma_start3A_418 = arith.constant 0 : i32
    %dma_start3A_419 = tpu.memref_slice %arg5[%dma_start3A_417, %dma_start3A_418] : memref<10000x128xf32, #tpu.memory_space<hbm>> -> memref<10000x128xf32, #tpu.memory_space<hbm>>
    tpu.enqueue_indirect_dma source(%dma_start3A_419 : memref<10000x128xf32, #tpu.memory_space<hbm>>) target(%dma_start3A_414 : memref<16x128xf32, #tpu.memory_space<vmem>>) offsets(%dma_start3A_416 : memref<16xi32, #tpu.memory_space<vmem>>) semaphore(%arg22 : memref<!tpu.dma_semaphore, #tpu.memory_space<semaphore_mem>>)
    %dma_start3A_420 = arith.constant 256 : i32
    %dma_start3A_421 = arith.constant 0 : i32
    %dma_start3A_422 = tpu.memref_slice %arg16[%dma_start3A_420, %dma_start3A_421] : memref<320x128xf32, #tpu.memory_space<vmem>> -> memref<16x128xf32, #tpu.memory_space<vmem>>
    %dma_start3A_423 = arith.constant 256 : i32
    %dma_start3A_424 = tpu.memref_slice %arg14[%dma_start3A_423] : memref<320xi32, #tpu.memory_space<vmem>> -> memref<16xi32, #tpu.memory_space<vmem>>
    %dma_start3A_425 = arith.constant 0 : i32
    %dma_start3A_426 = arith.constant 0 : i32
    %dma_start3A_427 = tpu.memref_slice %arg5[%dma_start3A_425, %dma_start3A_426] : memref<10000x128xf32, #tpu.memory_space<hbm>> -> memref<10000x128xf32, #tpu.memory_space<hbm>>
    tpu.enqueue_indirect_dma source(%dma_start3A_427 : memref<10000x128xf32, #tpu.memory_space<hbm>>) target(%dma_start3A_422 : memref<16x128xf32, #tpu.memory_space<vmem>>) offsets(%dma_start3A_424 : memref<16xi32, #tpu.memory_space<vmem>>) semaphore(%arg22 : memref<!tpu.dma_semaphore, #tpu.memory_space<semaphore_mem>>)
    %dma_start3A_428 = arith.constant 272 : i32
    %dma_start3A_429 = arith.constant 0 : i32
    %dma_start3A_430 = tpu.memref_slice %arg16[%dma_start3A_428, %dma_start3A_429] : memref<320x128xf32, #tpu.memory_space<vmem>> -> memref<16x128xf32, #tpu.memory_space<vmem>>
    %dma_start3A_431 = arith.constant 272 : i32
    %dma_start3A_432 = tpu.memref_slice %arg14[%dma_start3A_431] : memref<320xi32, #tpu.memory_space<vmem>> -> memref<16xi32, #tpu.memory_space<vmem>>
    %dma_start3A_433 = arith.constant 0 : i32
    %dma_start3A_434 = arith.constant 0 : i32
    %dma_start3A_435 = tpu.memref_slice %arg5[%dma_start3A_433, %dma_start3A_434] : memref<10000x128xf32, #tpu.memory_space<hbm>> -> memref<10000x128xf32, #tpu.memory_space<hbm>>
    tpu.enqueue_indirect_dma source(%dma_start3A_435 : memref<10000x128xf32, #tpu.memory_space<hbm>>) target(%dma_start3A_430 : memref<16x128xf32, #tpu.memory_space<vmem>>) offsets(%dma_start3A_432 : memref<16xi32, #tpu.memory_space<vmem>>) semaphore(%arg22 : memref<!tpu.dma_semaphore, #tpu.memory_space<semaphore_mem>>)
    %dma_start3A_436 = arith.constant 288 : i32
    %dma_start3A_437 = arith.constant 0 : i32
    %dma_start3A_438 = tpu.memref_slice %arg16[%dma_start3A_436, %dma_start3A_437] : memref<320x128xf32, #tpu.memory_space<vmem>> -> memref<16x128xf32, #tpu.memory_space<vmem>>
    %dma_start3A_439 = arith.constant 288 : i32
    %dma_start3A_440 = tpu.memref_slice %arg14[%dma_start3A_439] : memref<320xi32, #tpu.memory_space<vmem>> -> memref<16xi32, #tpu.memory_space<vmem>>
    %dma_start3A_441 = arith.constant 0 : i32
    %dma_start3A_442 = arith.constant 0 : i32
    %dma_start3A_443 = tpu.memref_slice %arg5[%dma_start3A_441, %dma_start3A_442] : memref<10000x128xf32, #tpu.memory_space<hbm>> -> memref<10000x128xf32, #tpu.memory_space<hbm>>
    tpu.enqueue_indirect_dma source(%dma_start3A_443 : memref<10000x128xf32, #tpu.memory_space<hbm>>) target(%dma_start3A_438 : memref<16x128xf32, #tpu.memory_space<vmem>>) offsets(%dma_start3A_440 : memref<16xi32, #tpu.memory_space<vmem>>) semaphore(%arg22 : memref<!tpu.dma_semaphore, #tpu.memory_space<semaphore_mem>>)
    %dma_start3A_444 = arith.constant 304 : i32
    %dma_start3A_445 = arith.constant 0 : i32
    %dma_start3A_446 = tpu.memref_slice %arg16[%dma_start3A_444, %dma_start3A_445] : memref<320x128xf32, #tpu.memory_space<vmem>> -> memref<16x128xf32, #tpu.memory_space<vmem>>
    %dma_start3A_447 = arith.constant 304 : i32
    %dma_start3A_448 = tpu.memref_slice %arg14[%dma_start3A_447] : memref<320xi32, #tpu.memory_space<vmem>> -> memref<16xi32, #tpu.memory_space<vmem>>
    %dma_start3A_449 = arith.constant 0 : i32
    %dma_start3A_450 = arith.constant 0 : i32
    %dma_start3A_451 = tpu.memref_slice %arg5[%dma_start3A_449, %dma_start3A_450] : memref<10000x128xf32, #tpu.memory_space<hbm>> -> memref<10000x128xf32, #tpu.memory_space<hbm>>
    tpu.enqueue_indirect_dma source(%dma_start3A_451 : memref<10000x128xf32, #tpu.memory_space<hbm>>) target(%dma_start3A_446 : memref<16x128xf32, #tpu.memory_space<vmem>>) offsets(%dma_start3A_448 : memref<16xi32, #tpu.memory_space<vmem>>) semaphore(%arg22 : memref<!tpu.dma_semaphore, #tpu.memory_space<semaphore_mem>>)
    %dma_wait3A_452 = arith.constant 0 : i32
    %dma_wait3A_453 = tpu.memref_slice %arg11[%dma_wait3A_452] : memref<5120xi32, #tpu.memory_space<vmem>> -> memref<128xi32, #tpu.memory_space<vmem>>
    %dma_wait3A_454 = arith.constant 0 : i32
    %dma_wait3A_455 = tpu.memref_slice %arg13[%dma_wait3A_454] : memref<5120xi32, #tpu.memory_space<vmem>> -> memref<128xi32, #tpu.memory_space<vmem>>
    %dma_wait3A_456 = arith.constant 0 : i32
    %dma_wait3A_457 = tpu.memref_slice %arg3[%dma_wait3A_456] : memref<320000xi32, #tpu.memory_space<hbm>> -> memref<320000xi32, #tpu.memory_space<hbm>>
    tpu.wait_indirect_dma semaphore(%arg20 : memref<!tpu.dma_semaphore, #tpu.memory_space<semaphore_mem>>) src(%dma_wait3A_457 : memref<320000xi32, #tpu.memory_space<hbm>>) dst(%dma_wait3A_453 : memref<128xi32, #tpu.memory_space<vmem>>)
    %dma_wait3A_458 = arith.constant 128 : i32
    %dma_wait3A_459 = tpu.memref_slice %arg11[%dma_wait3A_458] : memref<5120xi32, #tpu.memory_space<vmem>> -> memref<128xi32, #tpu.memory_space<vmem>>
    %dma_wait3A_460 = arith.constant 128 : i32
    %dma_wait3A_461 = tpu.memref_slice %arg13[%dma_wait3A_460] : memref<5120xi32, #tpu.memory_space<vmem>> -> memref<128xi32, #tpu.memory_space<vmem>>
    %dma_wait3A_462 = arith.constant 0 : i32
    %dma_wait3A_463 = tpu.memref_slice %arg3[%dma_wait3A_462] : memref<320000xi32, #tpu.memory_space<hbm>> -> memref<320000xi32, #tpu.memory_space<hbm>>
    tpu.wait_indirect_dma semaphore(%arg20 : memref<!tpu.dma_semaphore, #tpu.memory_space<semaphore_mem>>) src(%dma_wait3A_463 : memref<320000xi32, #tpu.memory_space<hbm>>) dst(%dma_wait3A_459 : memref<128xi32, #tpu.memory_space<vmem>>)
    %dma_wait3A_464 = arith.constant 256 : i32
    %dma_wait3A_465 = tpu.memref_slice %arg11[%dma_wait3A_464] : memref<5120xi32, #tpu.memory_space<vmem>> -> memref<128xi32, #tpu.memory_space<vmem>>
    %dma_wait3A_466 = arith.constant 256 : i32
    %dma_wait3A_467 = tpu.memref_slice %arg13[%dma_wait3A_466] : memref<5120xi32, #tpu.memory_space<vmem>> -> memref<128xi32, #tpu.memory_space<vmem>>
    %dma_wait3A_468 = arith.constant 0 : i32
    %dma_wait3A_469 = tpu.memref_slice %arg3[%dma_wait3A_468] : memref<320000xi32, #tpu.memory_space<hbm>> -> memref<320000xi32, #tpu.memory_space<hbm>>
    tpu.wait_indirect_dma semaphore(%arg20 : memref<!tpu.dma_semaphore, #tpu.memory_space<semaphore_mem>>) src(%dma_wait3A_469 : memref<320000xi32, #tpu.memory_space<hbm>>) dst(%dma_wait3A_465 : memref<128xi32, #tpu.memory_space<vmem>>)
    %dma_wait3A_470 = arith.constant 384 : i32
    %dma_wait3A_471 = tpu.memref_slice %arg11[%dma_wait3A_470] : memref<5120xi32, #tpu.memory_space<vmem>> -> memref<128xi32, #tpu.memory_space<vmem>>
    %dma_wait3A_472 = arith.constant 384 : i32
    %dma_wait3A_473 = tpu.memref_slice %arg13[%dma_wait3A_472] : memref<5120xi32, #tpu.memory_space<vmem>> -> memref<128xi32, #tpu.memory_space<vmem>>
    %dma_wait3A_474 = arith.constant 0 : i32
    %dma_wait3A_475 = tpu.memref_slice %arg3[%dma_wait3A_474] : memref<320000xi32, #tpu.memory_space<hbm>> -> memref<320000xi32, #tpu.memory_space<hbm>>
    tpu.wait_indirect_dma semaphore(%arg20 : memref<!tpu.dma_semaphore, #tpu.memory_space<semaphore_mem>>) src(%dma_wait3A_475 : memref<320000xi32, #tpu.memory_space<hbm>>) dst(%dma_wait3A_471 : memref<128xi32, #tpu.memory_space<vmem>>)
    %dma_wait3A_476 = arith.constant 512 : i32
    %dma_wait3A_477 = tpu.memref_slice %arg11[%dma_wait3A_476] : memref<5120xi32, #tpu.memory_space<vmem>> -> memref<128xi32, #tpu.memory_space<vmem>>
    %dma_wait3A_478 = arith.constant 512 : i32
    %dma_wait3A_479 = tpu.memref_slice %arg13[%dma_wait3A_478] : memref<5120xi32, #tpu.memory_space<vmem>> -> memref<128xi32, #tpu.memory_space<vmem>>
    %dma_wait3A_480 = arith.constant 0 : i32
    %dma_wait3A_481 = tpu.memref_slice %arg3[%dma_wait3A_480] : memref<320000xi32, #tpu.memory_space<hbm>> -> memref<320000xi32, #tpu.memory_space<hbm>>
    tpu.wait_indirect_dma semaphore(%arg20 : memref<!tpu.dma_semaphore, #tpu.memory_space<semaphore_mem>>) src(%dma_wait3A_481 : memref<320000xi32, #tpu.memory_space<hbm>>) dst(%dma_wait3A_477 : memref<128xi32, #tpu.memory_space<vmem>>)
    %dma_wait3A_482 = arith.constant 640 : i32
    %dma_wait3A_483 = tpu.memref_slice %arg11[%dma_wait3A_482] : memref<5120xi32, #tpu.memory_space<vmem>> -> memref<128xi32, #tpu.memory_space<vmem>>
    %dma_wait3A_484 = arith.constant 640 : i32
    %dma_wait3A_485 = tpu.memref_slice %arg13[%dma_wait3A_484] : memref<5120xi32, #tpu.memory_space<vmem>> -> memref<128xi32, #tpu.memory_space<vmem>>
    %dma_wait3A_486 = arith.constant 0 : i32
    %dma_wait3A_487 = tpu.memref_slice %arg3[%dma_wait3A_486] : memref<320000xi32, #tpu.memory_space<hbm>> -> memref<320000xi32, #tpu.memory_space<hbm>>
    tpu.wait_indirect_dma semaphore(%arg20 : memref<!tpu.dma_semaphore, #tpu.memory_space<semaphore_mem>>) src(%dma_wait3A_487 : memref<320000xi32, #tpu.memory_space<hbm>>) dst(%dma_wait3A_483 : memref<128xi32, #tpu.memory_space<vmem>>)
    %dma_wait3A_488 = arith.constant 768 : i32
    %dma_wait3A_489 = tpu.memref_slice %arg11[%dma_wait3A_488] : memref<5120xi32, #tpu.memory_space<vmem>> -> memref<128xi32, #tpu.memory_space<vmem>>
    %dma_wait3A_490 = arith.constant 768 : i32
    %dma_wait3A_491 = tpu.memref_slice %arg13[%dma_wait3A_490] : memref<5120xi32, #tpu.memory_space<vmem>> -> memref<128xi32, #tpu.memory_space<vmem>>
    %dma_wait3A_492 = arith.constant 0 : i32
    %dma_wait3A_493 = tpu.memref_slice %arg3[%dma_wait3A_492] : memref<320000xi32, #tpu.memory_space<hbm>> -> memref<320000xi32, #tpu.memory_space<hbm>>
    tpu.wait_indirect_dma semaphore(%arg20 : memref<!tpu.dma_semaphore, #tpu.memory_space<semaphore_mem>>) src(%dma_wait3A_493 : memref<320000xi32, #tpu.memory_space<hbm>>) dst(%dma_wait3A_489 : memref<128xi32, #tpu.memory_space<vmem>>)
    %dma_wait3A_494 = arith.constant 896 : i32
    %dma_wait3A_495 = tpu.memref_slice %arg11[%dma_wait3A_494] : memref<5120xi32, #tpu.memory_space<vmem>> -> memref<128xi32, #tpu.memory_space<vmem>>
    %dma_wait3A_496 = arith.constant 896 : i32
    %dma_wait3A_497 = tpu.memref_slice %arg13[%dma_wait3A_496] : memref<5120xi32, #tpu.memory_space<vmem>> -> memref<128xi32, #tpu.memory_space<vmem>>
    %dma_wait3A_498 = arith.constant 0 : i32
    %dma_wait3A_499 = tpu.memref_slice %arg3[%dma_wait3A_498] : memref<320000xi32, #tpu.memory_space<hbm>> -> memref<320000xi32, #tpu.memory_space<hbm>>
    tpu.wait_indirect_dma semaphore(%arg20 : memref<!tpu.dma_semaphore, #tpu.memory_space<semaphore_mem>>) src(%dma_wait3A_499 : memref<320000xi32, #tpu.memory_space<hbm>>) dst(%dma_wait3A_495 : memref<128xi32, #tpu.memory_space<vmem>>)
    %dma_wait3A_500 = arith.constant 1024 : i32
    %dma_wait3A_501 = tpu.memref_slice %arg11[%dma_wait3A_500] : memref<5120xi32, #tpu.memory_space<vmem>> -> memref<128xi32, #tpu.memory_space<vmem>>
    %dma_wait3A_502 = arith.constant 1024 : i32
    %dma_wait3A_503 = tpu.memref_slice %arg13[%dma_wait3A_502] : memref<5120xi32, #tpu.memory_space<vmem>> -> memref<128xi32, #tpu.memory_space<vmem>>
    %dma_wait3A_504 = arith.constant 0 : i32
    %dma_wait3A_505 = tpu.memref_slice %arg3[%dma_wait3A_504] : memref<320000xi32, #tpu.memory_space<hbm>> -> memref<320000xi32, #tpu.memory_space<hbm>>
    tpu.wait_indirect_dma semaphore(%arg20 : memref<!tpu.dma_semaphore, #tpu.memory_space<semaphore_mem>>) src(%dma_wait3A_505 : memref<320000xi32, #tpu.memory_space<hbm>>) dst(%dma_wait3A_501 : memref<128xi32, #tpu.memory_space<vmem>>)
    %dma_wait3A_506 = arith.constant 1152 : i32
    %dma_wait3A_507 = tpu.memref_slice %arg11[%dma_wait3A_506] : memref<5120xi32, #tpu.memory_space<vmem>> -> memref<128xi32, #tpu.memory_space<vmem>>
    %dma_wait3A_508 = arith.constant 1152 : i32
    %dma_wait3A_509 = tpu.memref_slice %arg13[%dma_wait3A_508] : memref<5120xi32, #tpu.memory_space<vmem>> -> memref<128xi32, #tpu.memory_space<vmem>>
    %dma_wait3A_510 = arith.constant 0 : i32
    %dma_wait3A_511 = tpu.memref_slice %arg3[%dma_wait3A_510] : memref<320000xi32, #tpu.memory_space<hbm>> -> memref<320000xi32, #tpu.memory_space<hbm>>
    tpu.wait_indirect_dma semaphore(%arg20 : memref<!tpu.dma_semaphore, #tpu.memory_space<semaphore_mem>>) src(%dma_wait3A_511 : memref<320000xi32, #tpu.memory_space<hbm>>) dst(%dma_wait3A_507 : memref<128xi32, #tpu.memory_space<vmem>>)
    %dma_wait3A_512 = arith.constant 1280 : i32
    %dma_wait3A_513 = tpu.memref_slice %arg11[%dma_wait3A_512] : memref<5120xi32, #tpu.memory_space<vmem>> -> memref<128xi32, #tpu.memory_space<vmem>>
    %dma_wait3A_514 = arith.constant 1280 : i32
    %dma_wait3A_515 = tpu.memref_slice %arg13[%dma_wait3A_514] : memref<5120xi32, #tpu.memory_space<vmem>> -> memref<128xi32, #tpu.memory_space<vmem>>
    %dma_wait3A_516 = arith.constant 0 : i32
    %dma_wait3A_517 = tpu.memref_slice %arg3[%dma_wait3A_516] : memref<320000xi32, #tpu.memory_space<hbm>> -> memref<320000xi32, #tpu.memory_space<hbm>>
    tpu.wait_indirect_dma semaphore(%arg20 : memref<!tpu.dma_semaphore, #tpu.memory_space<semaphore_mem>>) src(%dma_wait3A_517 : memref<320000xi32, #tpu.memory_space<hbm>>) dst(%dma_wait3A_513 : memref<128xi32, #tpu.memory_space<vmem>>)
    %dma_wait3A_518 = arith.constant 1408 : i32
    %dma_wait3A_519 = tpu.memref_slice %arg11[%dma_wait3A_518] : memref<5120xi32, #tpu.memory_space<vmem>> -> memref<128xi32, #tpu.memory_space<vmem>>
    %dma_wait3A_520 = arith.constant 1408 : i32
    %dma_wait3A_521 = tpu.memref_slice %arg13[%dma_wait3A_520] : memref<5120xi32, #tpu.memory_space<vmem>> -> memref<128xi32, #tpu.memory_space<vmem>>
    %dma_wait3A_522 = arith.constant 0 : i32
    %dma_wait3A_523 = tpu.memref_slice %arg3[%dma_wait3A_522] : memref<320000xi32, #tpu.memory_space<hbm>> -> memref<320000xi32, #tpu.memory_space<hbm>>
    tpu.wait_indirect_dma semaphore(%arg20 : memref<!tpu.dma_semaphore, #tpu.memory_space<semaphore_mem>>) src(%dma_wait3A_523 : memref<320000xi32, #tpu.memory_space<hbm>>) dst(%dma_wait3A_519 : memref<128xi32, #tpu.memory_space<vmem>>)
    %dma_wait3A_524 = arith.constant 1536 : i32
    %dma_wait3A_525 = tpu.memref_slice %arg11[%dma_wait3A_524] : memref<5120xi32, #tpu.memory_space<vmem>> -> memref<128xi32, #tpu.memory_space<vmem>>
    %dma_wait3A_526 = arith.constant 1536 : i32
    %dma_wait3A_527 = tpu.memref_slice %arg13[%dma_wait3A_526] : memref<5120xi32, #tpu.memory_space<vmem>> -> memref<128xi32, #tpu.memory_space<vmem>>
    %dma_wait3A_528 = arith.constant 0 : i32
    %dma_wait3A_529 = tpu.memref_slice %arg3[%dma_wait3A_528] : memref<320000xi32, #tpu.memory_space<hbm>> -> memref<320000xi32, #tpu.memory_space<hbm>>
    tpu.wait_indirect_dma semaphore(%arg20 : memref<!tpu.dma_semaphore, #tpu.memory_space<semaphore_mem>>) src(%dma_wait3A_529 : memref<320000xi32, #tpu.memory_space<hbm>>) dst(%dma_wait3A_525 : memref<128xi32, #tpu.memory_space<vmem>>)
    %dma_wait3A_530 = arith.constant 1664 : i32
    %dma_wait3A_531 = tpu.memref_slice %arg11[%dma_wait3A_530] : memref<5120xi32, #tpu.memory_space<vmem>> -> memref<128xi32, #tpu.memory_space<vmem>>
    %dma_wait3A_532 = arith.constant 1664 : i32
    %dma_wait3A_533 = tpu.memref_slice %arg13[%dma_wait3A_532] : memref<5120xi32, #tpu.memory_space<vmem>> -> memref<128xi32, #tpu.memory_space<vmem>>
    %dma_wait3A_534 = arith.constant 0 : i32
    %dma_wait3A_535 = tpu.memref_slice %arg3[%dma_wait3A_534] : memref<320000xi32, #tpu.memory_space<hbm>> -> memref<320000xi32, #tpu.memory_space<hbm>>
    tpu.wait_indirect_dma semaphore(%arg20 : memref<!tpu.dma_semaphore, #tpu.memory_space<semaphore_mem>>) src(%dma_wait3A_535 : memref<320000xi32, #tpu.memory_space<hbm>>) dst(%dma_wait3A_531 : memref<128xi32, #tpu.memory_space<vmem>>)
    %dma_wait3A_536 = arith.constant 1792 : i32
    %dma_wait3A_537 = tpu.memref_slice %arg11[%dma_wait3A_536] : memref<5120xi32, #tpu.memory_space<vmem>> -> memref<128xi32, #tpu.memory_space<vmem>>
    %dma_wait3A_538 = arith.constant 1792 : i32
    %dma_wait3A_539 = tpu.memref_slice %arg13[%dma_wait3A_538] : memref<5120xi32, #tpu.memory_space<vmem>> -> memref<128xi32, #tpu.memory_space<vmem>>
    %dma_wait3A_540 = arith.constant 0 : i32
    %dma_wait3A_541 = tpu.memref_slice %arg3[%dma_wait3A_540] : memref<320000xi32, #tpu.memory_space<hbm>> -> memref<320000xi32, #tpu.memory_space<hbm>>
    tpu.wait_indirect_dma semaphore(%arg20 : memref<!tpu.dma_semaphore, #tpu.memory_space<semaphore_mem>>) src(%dma_wait3A_541 : memref<320000xi32, #tpu.memory_space<hbm>>) dst(%dma_wait3A_537 : memref<128xi32, #tpu.memory_space<vmem>>)
    %dma_wait3A_542 = arith.constant 1920 : i32
    %dma_wait3A_543 = tpu.memref_slice %arg11[%dma_wait3A_542] : memref<5120xi32, #tpu.memory_space<vmem>> -> memref<128xi32, #tpu.memory_space<vmem>>
    %dma_wait3A_544 = arith.constant 1920 : i32
    %dma_wait3A_545 = tpu.memref_slice %arg13[%dma_wait3A_544] : memref<5120xi32, #tpu.memory_space<vmem>> -> memref<128xi32, #tpu.memory_space<vmem>>
    %dma_wait3A_546 = arith.constant 0 : i32
    %dma_wait3A_547 = tpu.memref_slice %arg3[%dma_wait3A_546] : memref<320000xi32, #tpu.memory_space<hbm>> -> memref<320000xi32, #tpu.memory_space<hbm>>
    tpu.wait_indirect_dma semaphore(%arg20 : memref<!tpu.dma_semaphore, #tpu.memory_space<semaphore_mem>>) src(%dma_wait3A_547 : memref<320000xi32, #tpu.memory_space<hbm>>) dst(%dma_wait3A_543 : memref<128xi32, #tpu.memory_space<vmem>>)
    %dma_wait3A_548 = arith.constant 2048 : i32
    %dma_wait3A_549 = tpu.memref_slice %arg11[%dma_wait3A_548] : memref<5120xi32, #tpu.memory_space<vmem>> -> memref<128xi32, #tpu.memory_space<vmem>>
    %dma_wait3A_550 = arith.constant 2048 : i32
    %dma_wait3A_551 = tpu.memref_slice %arg13[%dma_wait3A_550] : memref<5120xi32, #tpu.memory_space<vmem>> -> memref<128xi32, #tpu.memory_space<vmem>>
    %dma_wait3A_552 = arith.constant 0 : i32
    %dma_wait3A_553 = tpu.memref_slice %arg3[%dma_wait3A_552] : memref<320000xi32, #tpu.memory_space<hbm>> -> memref<320000xi32, #tpu.memory_space<hbm>>
    tpu.wait_indirect_dma semaphore(%arg20 : memref<!tpu.dma_semaphore, #tpu.memory_space<semaphore_mem>>) src(%dma_wait3A_553 : memref<320000xi32, #tpu.memory_space<hbm>>) dst(%dma_wait3A_549 : memref<128xi32, #tpu.memory_space<vmem>>)
    %dma_wait3A_554 = arith.constant 2176 : i32
    %dma_wait3A_555 = tpu.memref_slice %arg11[%dma_wait3A_554] : memref<5120xi32, #tpu.memory_space<vmem>> -> memref<128xi32, #tpu.memory_space<vmem>>
    %dma_wait3A_556 = arith.constant 2176 : i32
    %dma_wait3A_557 = tpu.memref_slice %arg13[%dma_wait3A_556] : memref<5120xi32, #tpu.memory_space<vmem>> -> memref<128xi32, #tpu.memory_space<vmem>>
    %dma_wait3A_558 = arith.constant 0 : i32
    %dma_wait3A_559 = tpu.memref_slice %arg3[%dma_wait3A_558] : memref<320000xi32, #tpu.memory_space<hbm>> -> memref<320000xi32, #tpu.memory_space<hbm>>
    tpu.wait_indirect_dma semaphore(%arg20 : memref<!tpu.dma_semaphore, #tpu.memory_space<semaphore_mem>>) src(%dma_wait3A_559 : memref<320000xi32, #tpu.memory_space<hbm>>) dst(%dma_wait3A_555 : memref<128xi32, #tpu.memory_space<vmem>>)
    %dma_wait3A_560 = arith.constant 2304 : i32
    %dma_wait3A_561 = tpu.memref_slice %arg11[%dma_wait3A_560] : memref<5120xi32, #tpu.memory_space<vmem>> -> memref<128xi32, #tpu.memory_space<vmem>>
    %dma_wait3A_562 = arith.constant 2304 : i32
    %dma_wait3A_563 = tpu.memref_slice %arg13[%dma_wait3A_562] : memref<5120xi32, #tpu.memory_space<vmem>> -> memref<128xi32, #tpu.memory_space<vmem>>
    %dma_wait3A_564 = arith.constant 0 : i32
    %dma_wait3A_565 = tpu.memref_slice %arg3[%dma_wait3A_564] : memref<320000xi32, #tpu.memory_space<hbm>> -> memref<320000xi32, #tpu.memory_space<hbm>>
    tpu.wait_indirect_dma semaphore(%arg20 : memref<!tpu.dma_semaphore, #tpu.memory_space<semaphore_mem>>) src(%dma_wait3A_565 : memref<320000xi32, #tpu.memory_space<hbm>>) dst(%dma_wait3A_561 : memref<128xi32, #tpu.memory_space<vmem>>)
    %dma_wait3A_566 = arith.constant 2432 : i32
    %dma_wait3A_567 = tpu.memref_slice %arg11[%dma_wait3A_566] : memref<5120xi32, #tpu.memory_space<vmem>> -> memref<128xi32, #tpu.memory_space<vmem>>
    %dma_wait3A_568 = arith.constant 2432 : i32
    %dma_wait3A_569 = tpu.memref_slice %arg13[%dma_wait3A_568] : memref<5120xi32, #tpu.memory_space<vmem>> -> memref<128xi32, #tpu.memory_space<vmem>>
    %dma_wait3A_570 = arith.constant 0 : i32
    %dma_wait3A_571 = tpu.memref_slice %arg3[%dma_wait3A_570] : memref<320000xi32, #tpu.memory_space<hbm>> -> memref<320000xi32, #tpu.memory_space<hbm>>
    tpu.wait_indirect_dma semaphore(%arg20 : memref<!tpu.dma_semaphore, #tpu.memory_space<semaphore_mem>>) src(%dma_wait3A_571 : memref<320000xi32, #tpu.memory_space<hbm>>) dst(%dma_wait3A_567 : memref<128xi32, #tpu.memory_space<vmem>>)
    %dma_wait3A_572 = arith.constant 2560 : i32
    %dma_wait3A_573 = tpu.memref_slice %arg11[%dma_wait3A_572] : memref<5120xi32, #tpu.memory_space<vmem>> -> memref<128xi32, #tpu.memory_space<vmem>>
    %dma_wait3A_574 = arith.constant 2560 : i32
    %dma_wait3A_575 = tpu.memref_slice %arg13[%dma_wait3A_574] : memref<5120xi32, #tpu.memory_space<vmem>> -> memref<128xi32, #tpu.memory_space<vmem>>
    %dma_wait3A_576 = arith.constant 0 : i32
    %dma_wait3A_577 = tpu.memref_slice %arg3[%dma_wait3A_576] : memref<320000xi32, #tpu.memory_space<hbm>> -> memref<320000xi32, #tpu.memory_space<hbm>>
    tpu.wait_indirect_dma semaphore(%arg20 : memref<!tpu.dma_semaphore, #tpu.memory_space<semaphore_mem>>) src(%dma_wait3A_577 : memref<320000xi32, #tpu.memory_space<hbm>>) dst(%dma_wait3A_573 : memref<128xi32, #tpu.memory_space<vmem>>)
    %dma_wait3A_578 = arith.constant 2688 : i32
    %dma_wait3A_579 = tpu.memref_slice %arg11[%dma_wait3A_578] : memref<5120xi32, #tpu.memory_space<vmem>> -> memref<128xi32, #tpu.memory_space<vmem>>
    %dma_wait3A_580 = arith.constant 2688 : i32
    %dma_wait3A_581 = tpu.memref_slice %arg13[%dma_wait3A_580] : memref<5120xi32, #tpu.memory_space<vmem>> -> memref<128xi32, #tpu.memory_space<vmem>>
    %dma_wait3A_582 = arith.constant 0 : i32
    %dma_wait3A_583 = tpu.memref_slice %arg3[%dma_wait3A_582] : memref<320000xi32, #tpu.memory_space<hbm>> -> memref<320000xi32, #tpu.memory_space<hbm>>
    tpu.wait_indirect_dma semaphore(%arg20 : memref<!tpu.dma_semaphore, #tpu.memory_space<semaphore_mem>>) src(%dma_wait3A_583 : memref<320000xi32, #tpu.memory_space<hbm>>) dst(%dma_wait3A_579 : memref<128xi32, #tpu.memory_space<vmem>>)
    %dma_wait3A_584 = arith.constant 2816 : i32
    %dma_wait3A_585 = tpu.memref_slice %arg11[%dma_wait3A_584] : memref<5120xi32, #tpu.memory_space<vmem>> -> memref<128xi32, #tpu.memory_space<vmem>>
    %dma_wait3A_586 = arith.constant 2816 : i32
    %dma_wait3A_587 = tpu.memref_slice %arg13[%dma_wait3A_586] : memref<5120xi32, #tpu.memory_space<vmem>> -> memref<128xi32, #tpu.memory_space<vmem>>
    %dma_wait3A_588 = arith.constant 0 : i32
    %dma_wait3A_589 = tpu.memref_slice %arg3[%dma_wait3A_588] : memref<320000xi32, #tpu.memory_space<hbm>> -> memref<320000xi32, #tpu.memory_space<hbm>>
    tpu.wait_indirect_dma semaphore(%arg20 : memref<!tpu.dma_semaphore, #tpu.memory_space<semaphore_mem>>) src(%dma_wait3A_589 : memref<320000xi32, #tpu.memory_space<hbm>>) dst(%dma_wait3A_585 : memref<128xi32, #tpu.memory_space<vmem>>)
    %dma_wait3A_590 = arith.constant 2944 : i32
    %dma_wait3A_591 = tpu.memref_slice %arg11[%dma_wait3A_590] : memref<5120xi32, #tpu.memory_space<vmem>> -> memref<128xi32, #tpu.memory_space<vmem>>
    %dma_wait3A_592 = arith.constant 2944 : i32
    %dma_wait3A_593 = tpu.memref_slice %arg13[%dma_wait3A_592] : memref<5120xi32, #tpu.memory_space<vmem>> -> memref<128xi32, #tpu.memory_space<vmem>>
    %dma_wait3A_594 = arith.constant 0 : i32
    %dma_wait3A_595 = tpu.memref_slice %arg3[%dma_wait3A_594] : memref<320000xi32, #tpu.memory_space<hbm>> -> memref<320000xi32, #tpu.memory_space<hbm>>
    tpu.wait_indirect_dma semaphore(%arg20 : memref<!tpu.dma_semaphore, #tpu.memory_space<semaphore_mem>>) src(%dma_wait3A_595 : memref<320000xi32, #tpu.memory_space<hbm>>) dst(%dma_wait3A_591 : memref<128xi32, #tpu.memory_space<vmem>>)
    %dma_wait3A_596 = arith.constant 3072 : i32
    %dma_wait3A_597 = tpu.memref_slice %arg11[%dma_wait3A_596] : memref<5120xi32, #tpu.memory_space<vmem>> -> memref<128xi32, #tpu.memory_space<vmem>>
    %dma_wait3A_598 = arith.constant 3072 : i32
    %dma_wait3A_599 = tpu.memref_slice %arg13[%dma_wait3A_598] : memref<5120xi32, #tpu.memory_space<vmem>> -> memref<128xi32, #tpu.memory_space<vmem>>
    %dma_wait3A_600 = arith.constant 0 : i32
    %dma_wait3A_601 = tpu.memref_slice %arg3[%dma_wait3A_600] : memref<320000xi32, #tpu.memory_space<hbm>> -> memref<320000xi32, #tpu.memory_space<hbm>>
    tpu.wait_indirect_dma semaphore(%arg20 : memref<!tpu.dma_semaphore, #tpu.memory_space<semaphore_mem>>) src(%dma_wait3A_601 : memref<320000xi32, #tpu.memory_space<hbm>>) dst(%dma_wait3A_597 : memref<128xi32, #tpu.memory_space<vmem>>)
    %dma_wait3A_602 = arith.constant 3200 : i32
    %dma_wait3A_603 = tpu.memref_slice %arg11[%dma_wait3A_602] : memref<5120xi32, #tpu.memory_space<vmem>> -> memref<128xi32, #tpu.memory_space<vmem>>
    %dma_wait3A_604 = arith.constant 3200 : i32
    %dma_wait3A_605 = tpu.memref_slice %arg13[%dma_wait3A_604] : memref<5120xi32, #tpu.memory_space<vmem>> -> memref<128xi32, #tpu.memory_space<vmem>>
    %dma_wait3A_606 = arith.constant 0 : i32
    %dma_wait3A_607 = tpu.memref_slice %arg3[%dma_wait3A_606] : memref<320000xi32, #tpu.memory_space<hbm>> -> memref<320000xi32, #tpu.memory_space<hbm>>
    tpu.wait_indirect_dma semaphore(%arg20 : memref<!tpu.dma_semaphore, #tpu.memory_space<semaphore_mem>>) src(%dma_wait3A_607 : memref<320000xi32, #tpu.memory_space<hbm>>) dst(%dma_wait3A_603 : memref<128xi32, #tpu.memory_space<vmem>>)
    %dma_wait3A_608 = arith.constant 3328 : i32
    %dma_wait3A_609 = tpu.memref_slice %arg11[%dma_wait3A_608] : memref<5120xi32, #tpu.memory_space<vmem>> -> memref<128xi32, #tpu.memory_space<vmem>>
    %dma_wait3A_610 = arith.constant 3328 : i32
    %dma_wait3A_611 = tpu.memref_slice %arg13[%dma_wait3A_610] : memref<5120xi32, #tpu.memory_space<vmem>> -> memref<128xi32, #tpu.memory_space<vmem>>
    %dma_wait3A_612 = arith.constant 0 : i32
    %dma_wait3A_613 = tpu.memref_slice %arg3[%dma_wait3A_612] : memref<320000xi32, #tpu.memory_space<hbm>> -> memref<320000xi32, #tpu.memory_space<hbm>>
    tpu.wait_indirect_dma semaphore(%arg20 : memref<!tpu.dma_semaphore, #tpu.memory_space<semaphore_mem>>) src(%dma_wait3A_613 : memref<320000xi32, #tpu.memory_space<hbm>>) dst(%dma_wait3A_609 : memref<128xi32, #tpu.memory_space<vmem>>)
    %dma_wait3A_614 = arith.constant 3456 : i32
    %dma_wait3A_615 = tpu.memref_slice %arg11[%dma_wait3A_614] : memref<5120xi32, #tpu.memory_space<vmem>> -> memref<128xi32, #tpu.memory_space<vmem>>
    %dma_wait3A_616 = arith.constant 3456 : i32
    %dma_wait3A_617 = tpu.memref_slice %arg13[%dma_wait3A_616] : memref<5120xi32, #tpu.memory_space<vmem>> -> memref<128xi32, #tpu.memory_space<vmem>>
    %dma_wait3A_618 = arith.constant 0 : i32
    %dma_wait3A_619 = tpu.memref_slice %arg3[%dma_wait3A_618] : memref<320000xi32, #tpu.memory_space<hbm>> -> memref<320000xi32, #tpu.memory_space<hbm>>
    tpu.wait_indirect_dma semaphore(%arg20 : memref<!tpu.dma_semaphore, #tpu.memory_space<semaphore_mem>>) src(%dma_wait3A_619 : memref<320000xi32, #tpu.memory_space<hbm>>) dst(%dma_wait3A_615 : memref<128xi32, #tpu.memory_space<vmem>>)
    %dma_wait3A_620 = arith.constant 3584 : i32
    %dma_wait3A_621 = tpu.memref_slice %arg11[%dma_wait3A_620] : memref<5120xi32, #tpu.memory_space<vmem>> -> memref<128xi32, #tpu.memory_space<vmem>>
    %dma_wait3A_622 = arith.constant 3584 : i32
    %dma_wait3A_623 = tpu.memref_slice %arg13[%dma_wait3A_622] : memref<5120xi32, #tpu.memory_space<vmem>> -> memref<128xi32, #tpu.memory_space<vmem>>
    %dma_wait3A_624 = arith.constant 0 : i32
    %dma_wait3A_625 = tpu.memref_slice %arg3[%dma_wait3A_624] : memref<320000xi32, #tpu.memory_space<hbm>> -> memref<320000xi32, #tpu.memory_space<hbm>>
    tpu.wait_indirect_dma semaphore(%arg20 : memref<!tpu.dma_semaphore, #tpu.memory_space<semaphore_mem>>) src(%dma_wait3A_625 : memref<320000xi32, #tpu.memory_space<hbm>>) dst(%dma_wait3A_621 : memref<128xi32, #tpu.memory_space<vmem>>)
    %dma_wait3A_626 = arith.constant 3712 : i32
    %dma_wait3A_627 = tpu.memref_slice %arg11[%dma_wait3A_626] : memref<5120xi32, #tpu.memory_space<vmem>> -> memref<128xi32, #tpu.memory_space<vmem>>
    %dma_wait3A_628 = arith.constant 3712 : i32
    %dma_wait3A_629 = tpu.memref_slice %arg13[%dma_wait3A_628] : memref<5120xi32, #tpu.memory_space<vmem>> -> memref<128xi32, #tpu.memory_space<vmem>>
    %dma_wait3A_630 = arith.constant 0 : i32
    %dma_wait3A_631 = tpu.memref_slice %arg3[%dma_wait3A_630] : memref<320000xi32, #tpu.memory_space<hbm>> -> memref<320000xi32, #tpu.memory_space<hbm>>
    tpu.wait_indirect_dma semaphore(%arg20 : memref<!tpu.dma_semaphore, #tpu.memory_space<semaphore_mem>>) src(%dma_wait3A_631 : memref<320000xi32, #tpu.memory_space<hbm>>) dst(%dma_wait3A_627 : memref<128xi32, #tpu.memory_space<vmem>>)
    %dma_wait3A_632 = arith.constant 3840 : i32
    %dma_wait3A_633 = tpu.memref_slice %arg11[%dma_wait3A_632] : memref<5120xi32, #tpu.memory_space<vmem>> -> memref<128xi32, #tpu.memory_space<vmem>>
    %dma_wait3A_634 = arith.constant 3840 : i32
    %dma_wait3A_635 = tpu.memref_slice %arg13[%dma_wait3A_634] : memref<5120xi32, #tpu.memory_space<vmem>> -> memref<128xi32, #tpu.memory_space<vmem>>
    %dma_wait3A_636 = arith.constant 0 : i32
    %dma_wait3A_637 = tpu.memref_slice %arg3[%dma_wait3A_636] : memref<320000xi32, #tpu.memory_space<hbm>> -> memref<320000xi32, #tpu.memory_space<hbm>>
    tpu.wait_indirect_dma semaphore(%arg20 : memref<!tpu.dma_semaphore, #tpu.memory_space<semaphore_mem>>) src(%dma_wait3A_637 : memref<320000xi32, #tpu.memory_space<hbm>>) dst(%dma_wait3A_633 : memref<128xi32, #tpu.memory_space<vmem>>)
    %dma_wait3A_638 = arith.constant 3968 : i32
    %dma_wait3A_639 = tpu.memref_slice %arg11[%dma_wait3A_638] : memref<5120xi32, #tpu.memory_space<vmem>> -> memref<128xi32, #tpu.memory_space<vmem>>
    %dma_wait3A_640 = arith.constant 3968 : i32
    %dma_wait3A_641 = tpu.memref_slice %arg13[%dma_wait3A_640] : memref<5120xi32, #tpu.memory_space<vmem>> -> memref<128xi32, #tpu.memory_space<vmem>>
    %dma_wait3A_642 = arith.constant 0 : i32
    %dma_wait3A_643 = tpu.memref_slice %arg3[%dma_wait3A_642] : memref<320000xi32, #tpu.memory_space<hbm>> -> memref<320000xi32, #tpu.memory_space<hbm>>
    tpu.wait_indirect_dma semaphore(%arg20 : memref<!tpu.dma_semaphore, #tpu.memory_space<semaphore_mem>>) src(%dma_wait3A_643 : memref<320000xi32, #tpu.memory_space<hbm>>) dst(%dma_wait3A_639 : memref<128xi32, #tpu.memory_space<vmem>>)
    %dma_wait3A_644 = arith.constant 4096 : i32
    %dma_wait3A_645 = tpu.memref_slice %arg11[%dma_wait3A_644] : memref<5120xi32, #tpu.memory_space<vmem>> -> memref<128xi32, #tpu.memory_space<vmem>>
    %dma_wait3A_646 = arith.constant 4096 : i32
    %dma_wait3A_647 = tpu.memref_slice %arg13[%dma_wait3A_646] : memref<5120xi32, #tpu.memory_space<vmem>> -> memref<128xi32, #tpu.memory_space<vmem>>
    %dma_wait3A_648 = arith.constant 0 : i32
    %dma_wait3A_649 = tpu.memref_slice %arg3[%dma_wait3A_648] : memref<320000xi32, #tpu.memory_space<hbm>> -> memref<320000xi32, #tpu.memory_space<hbm>>
    tpu.wait_indirect_dma semaphore(%arg20 : memref<!tpu.dma_semaphore, #tpu.memory_space<semaphore_mem>>) src(%dma_wait3A_649 : memref<320000xi32, #tpu.memory_space<hbm>>) dst(%dma_wait3A_645 : memref<128xi32, #tpu.memory_space<vmem>>)
    %dma_wait3A_650 = arith.constant 4224 : i32
    %dma_wait3A_651 = tpu.memref_slice %arg11[%dma_wait3A_650] : memref<5120xi32, #tpu.memory_space<vmem>> -> memref<128xi32, #tpu.memory_space<vmem>>
    %dma_wait3A_652 = arith.constant 4224 : i32
    %dma_wait3A_653 = tpu.memref_slice %arg13[%dma_wait3A_652] : memref<5120xi32, #tpu.memory_space<vmem>> -> memref<128xi32, #tpu.memory_space<vmem>>
    %dma_wait3A_654 = arith.constant 0 : i32
    %dma_wait3A_655 = tpu.memref_slice %arg3[%dma_wait3A_654] : memref<320000xi32, #tpu.memory_space<hbm>> -> memref<320000xi32, #tpu.memory_space<hbm>>
    tpu.wait_indirect_dma semaphore(%arg20 : memref<!tpu.dma_semaphore, #tpu.memory_space<semaphore_mem>>) src(%dma_wait3A_655 : memref<320000xi32, #tpu.memory_space<hbm>>) dst(%dma_wait3A_651 : memref<128xi32, #tpu.memory_space<vmem>>)
    %dma_wait3A_656 = arith.constant 4352 : i32
    %dma_wait3A_657 = tpu.memref_slice %arg11[%dma_wait3A_656] : memref<5120xi32, #tpu.memory_space<vmem>> -> memref<128xi32, #tpu.memory_space<vmem>>
    %dma_wait3A_658 = arith.constant 4352 : i32
    %dma_wait3A_659 = tpu.memref_slice %arg13[%dma_wait3A_658] : memref<5120xi32, #tpu.memory_space<vmem>> -> memref<128xi32, #tpu.memory_space<vmem>>
    %dma_wait3A_660 = arith.constant 0 : i32
    %dma_wait3A_661 = tpu.memref_slice %arg3[%dma_wait3A_660] : memref<320000xi32, #tpu.memory_space<hbm>> -> memref<320000xi32, #tpu.memory_space<hbm>>
    tpu.wait_indirect_dma semaphore(%arg20 : memref<!tpu.dma_semaphore, #tpu.memory_space<semaphore_mem>>) src(%dma_wait3A_661 : memref<320000xi32, #tpu.memory_space<hbm>>) dst(%dma_wait3A_657 : memref<128xi32, #tpu.memory_space<vmem>>)
    %dma_wait3A_662 = arith.constant 4480 : i32
    %dma_wait3A_663 = tpu.memref_slice %arg11[%dma_wait3A_662] : memref<5120xi32, #tpu.memory_space<vmem>> -> memref<128xi32, #tpu.memory_space<vmem>>
    %dma_wait3A_664 = arith.constant 4480 : i32
    %dma_wait3A_665 = tpu.memref_slice %arg13[%dma_wait3A_664] : memref<5120xi32, #tpu.memory_space<vmem>> -> memref<128xi32, #tpu.memory_space<vmem>>
    %dma_wait3A_666 = arith.constant 0 : i32
    %dma_wait3A_667 = tpu.memref_slice %arg3[%dma_wait3A_666] : memref<320000xi32, #tpu.memory_space<hbm>> -> memref<320000xi32, #tpu.memory_space<hbm>>
    tpu.wait_indirect_dma semaphore(%arg20 : memref<!tpu.dma_semaphore, #tpu.memory_space<semaphore_mem>>) src(%dma_wait3A_667 : memref<320000xi32, #tpu.memory_space<hbm>>) dst(%dma_wait3A_663 : memref<128xi32, #tpu.memory_space<vmem>>)
    %dma_wait3A_668 = arith.constant 4608 : i32
    %dma_wait3A_669 = tpu.memref_slice %arg11[%dma_wait3A_668] : memref<5120xi32, #tpu.memory_space<vmem>> -> memref<128xi32, #tpu.memory_space<vmem>>
    %dma_wait3A_670 = arith.constant 4608 : i32
    %dma_wait3A_671 = tpu.memref_slice %arg13[%dma_wait3A_670] : memref<5120xi32, #tpu.memory_space<vmem>> -> memref<128xi32, #tpu.memory_space<vmem>>
    %dma_wait3A_672 = arith.constant 0 : i32
    %dma_wait3A_673 = tpu.memref_slice %arg3[%dma_wait3A_672] : memref<320000xi32, #tpu.memory_space<hbm>> -> memref<320000xi32, #tpu.memory_space<hbm>>
    tpu.wait_indirect_dma semaphore(%arg20 : memref<!tpu.dma_semaphore, #tpu.memory_space<semaphore_mem>>) src(%dma_wait3A_673 : memref<320000xi32, #tpu.memory_space<hbm>>) dst(%dma_wait3A_669 : memref<128xi32, #tpu.memory_space<vmem>>)
    %dma_wait3A_674 = arith.constant 4736 : i32
    %dma_wait3A_675 = tpu.memref_slice %arg11[%dma_wait3A_674] : memref<5120xi32, #tpu.memory_space<vmem>> -> memref<128xi32, #tpu.memory_space<vmem>>
    %dma_wait3A_676 = arith.constant 4736 : i32
    %dma_wait3A_677 = tpu.memref_slice %arg13[%dma_wait3A_676] : memref<5120xi32, #tpu.memory_space<vmem>> -> memref<128xi32, #tpu.memory_space<vmem>>
    %dma_wait3A_678 = arith.constant 0 : i32
    %dma_wait3A_679 = tpu.memref_slice %arg3[%dma_wait3A_678] : memref<320000xi32, #tpu.memory_space<hbm>> -> memref<320000xi32, #tpu.memory_space<hbm>>
    tpu.wait_indirect_dma semaphore(%arg20 : memref<!tpu.dma_semaphore, #tpu.memory_space<semaphore_mem>>) src(%dma_wait3A_679 : memref<320000xi32, #tpu.memory_space<hbm>>) dst(%dma_wait3A_675 : memref<128xi32, #tpu.memory_space<vmem>>)
    %dma_wait3A_680 = arith.constant 4864 : i32
    %dma_wait3A_681 = tpu.memref_slice %arg11[%dma_wait3A_680] : memref<5120xi32, #tpu.memory_space<vmem>> -> memref<128xi32, #tpu.memory_space<vmem>>
    %dma_wait3A_682 = arith.constant 4864 : i32
    %dma_wait3A_683 = tpu.memref_slice %arg13[%dma_wait3A_682] : memref<5120xi32, #tpu.memory_space<vmem>> -> memref<128xi32, #tpu.memory_space<vmem>>
    %dma_wait3A_684 = arith.constant 0 : i32
    %dma_wait3A_685 = tpu.memref_slice %arg3[%dma_wait3A_684] : memref<320000xi32, #tpu.memory_space<hbm>> -> memref<320000xi32, #tpu.memory_space<hbm>>
    tpu.wait_indirect_dma semaphore(%arg20 : memref<!tpu.dma_semaphore, #tpu.memory_space<semaphore_mem>>) src(%dma_wait3A_685 : memref<320000xi32, #tpu.memory_space<hbm>>) dst(%dma_wait3A_681 : memref<128xi32, #tpu.memory_space<vmem>>)
    %dma_wait3A_686 = arith.constant 4992 : i32
    %dma_wait3A_687 = tpu.memref_slice %arg11[%dma_wait3A_686] : memref<5120xi32, #tpu.memory_space<vmem>> -> memref<128xi32, #tpu.memory_space<vmem>>
    %dma_wait3A_688 = arith.constant 4992 : i32
    %dma_wait3A_689 = tpu.memref_slice %arg13[%dma_wait3A_688] : memref<5120xi32, #tpu.memory_space<vmem>> -> memref<128xi32, #tpu.memory_space<vmem>>
    %dma_wait3A_690 = arith.constant 0 : i32
    %dma_wait3A_691 = tpu.memref_slice %arg3[%dma_wait3A_690] : memref<320000xi32, #tpu.memory_space<hbm>> -> memref<320000xi32, #tpu.memory_space<hbm>>
    tpu.wait_indirect_dma semaphore(%arg20 : memref<!tpu.dma_semaphore, #tpu.memory_space<semaphore_mem>>) src(%dma_wait3A_691 : memref<320000xi32, #tpu.memory_space<hbm>>) dst(%dma_wait3A_687 : memref<128xi32, #tpu.memory_space<vmem>>)
    %dma_wait3A_692 = tpu.memref_slice %arg4[%add3A_289] : memref<327680xf32, #tpu.memory_space<hbm>> -> memref<5120xf32, #tpu.memory_space<hbm>>
    %dma_wait3A_693 = tpu.memref_slice %arg4[%add3A_289] : memref<327680xf32, #tpu.memory_space<hbm>> -> memref<5120xf32, #tpu.memory_space<hbm>>
    tpu.wait_dma2 semaphore(%arg21 : memref<!tpu.dma_semaphore, #tpu.memory_space<semaphore_mem>>) src(%dma_wait3A_693 : memref<5120xf32, #tpu.memory_space<hbm>>) dst(%arg12 : memref<5120xf32, #tpu.memory_space<vmem>>)
    %dma_wait3A_694 = arith.constant 1 : i32
    %dma_wait3A_695 = arith.constant 0 : i32
    %dma_wait3A_696 = tpu.memref_slice %arg2[%dma_wait3A_694, %dma_wait3A_695] : memref<8x10000xf32, #tpu.memory_space<hbm>> -> memref<1x10000xf32, #tpu.memory_space<hbm>>
    %dma_wait3A_697 = tpu.memref_squeeze %dma_wait3A_696 : memref<1x10000xf32, #tpu.memory_space<hbm>> -> memref<10000xf32, #tpu.memory_space<hbm>>
    %dma_wait3A_698 = arith.constant 0 : i32
    %dma_wait3A_699 = tpu.memref_slice %arg2[%dma_wait3A_694, %dma_wait3A_698] : memref<8x10000xf32, #tpu.memory_space<hbm>> -> memref<1x10000xf32, #tpu.memory_space<hbm>>
    %dma_wait3A_700 = tpu.memref_squeeze %dma_wait3A_699 : memref<1x10000xf32, #tpu.memory_space<hbm>> -> memref<10000xf32, #tpu.memory_space<hbm>>
    tpu.wait_dma2 semaphore(%arg19 : memref<!tpu.dma_semaphore, #tpu.memory_space<semaphore_mem>>) src(%dma_wait3A_700 : memref<10000xf32, #tpu.memory_space<hbm>>) dst(%arg10 : memref<10000xf32, #tpu.memory_space<vmem>>)
    %iota3A_701 = tpu.iota {dimensions = array<i32: 0>} : vector<16xi32>
    %mul3A_702 = arith.constant 16 : i32
    %mul3A_703 = vector.broadcast %mul3A_702 : i32 to vector<16xi32>
    %mul3A_704 = arith.muli %iota3A_701, %mul3A_703 : vector<16xi32>
    %parallel_loop3A_705 = arith.constant 0 : i32
    %parallel_loop3A_706 = arith.constant 20 : i32
    %parallel_loop3A_707 = arith.constant 1 : i32
    scf.for %parallel_loop3A_1198 = %parallel_loop3A_705 to %parallel_loop3A_706 step %parallel_loop3A_707  : i32 {
      %parallel_loop3A_1199 = arith.constant 256 : i32
      %parallel_loop3A_1200 = arith.muli %parallel_loop3A_1198, %parallel_loop3A_1199 : i32
      %parallel_loop3A_1201 = vector.broadcast %parallel_loop3A_1200 : i32 to vector<16xi32>
      %parallel_loop3A_1202 = arith.addi %parallel_loop3A_1201, %mul3A_704 : vector<16xi32>
      %parallel_loop3A_1203 = arith.constant 0 : i32
      %parallel_loop3A_1204 = vector.broadcast %parallel_loop3A_1203 : i32 to vector<16xi32>
      %parallel_loop3A_1205 = arith.addi %parallel_loop3A_1202, %parallel_loop3A_1204 : vector<16xi32>
      %parallel_loop3A_1206 = tpu.vector_load_idx %arg11[%parallel_loop3A_1205] : memref<5120xi32, #tpu.memory_space<vmem>>[vector<16xi32>], vector<16xi32>,
      %parallel_loop3A_1207 = tpu.vector_load_idx %arg10[%parallel_loop3A_1206] : memref<10000xf32, #tpu.memory_space<vmem>>[vector<16xi32>], vector<16xf32>,
      %parallel_loop3A_1208 = arith.constant 1 : i32
      %parallel_loop3A_1209 = vector.broadcast %parallel_loop3A_1208 : i32 to vector<16xi32>
      %parallel_loop3A_1210 = arith.addi %parallel_loop3A_1202, %parallel_loop3A_1209 : vector<16xi32>
      %parallel_loop3A_1211 = tpu.vector_load_idx %arg11[%parallel_loop3A_1210] : memref<5120xi32, #tpu.memory_space<vmem>>[vector<16xi32>], vector<16xi32>,
      %parallel_loop3A_1212 = tpu.vector_load_idx %arg10[%parallel_loop3A_1211] : memref<10000xf32, #tpu.memory_space<vmem>>[vector<16xi32>], vector<16xf32>,
      %parallel_loop3A_1213 = arith.constant 2 : i32
      %parallel_loop3A_1214 = vector.broadcast %parallel_loop3A_1213 : i32 to vector<16xi32>
      %parallel_loop3A_1215 = arith.addi %parallel_loop3A_1202, %parallel_loop3A_1214 : vector<16xi32>
      %parallel_loop3A_1216 = tpu.vector_load_idx %arg11[%parallel_loop3A_1215] : memref<5120xi32, #tpu.memory_space<vmem>>[vector<16xi32>], vector<16xi32>,
      %parallel_loop3A_1217 = tpu.vector_load_idx %arg10[%parallel_loop3A_1216] : memref<10000xf32, #tpu.memory_space<vmem>>[vector<16xi32>], vector<16xf32>,
      %parallel_loop3A_1218 = arith.constant 3 : i32
      %parallel_loop3A_1219 = vector.broadcast %parallel_loop3A_1218 : i32 to vector<16xi32>
      %parallel_loop3A_1220 = arith.addi %parallel_loop3A_1202, %parallel_loop3A_1219 : vector<16xi32>
      %parallel_loop3A_1221 = tpu.vector_load_idx %arg11[%parallel_loop3A_1220] : memref<5120xi32, #tpu.memory_space<vmem>>[vector<16xi32>], vector<16xi32>,
      %parallel_loop3A_1222 = tpu.vector_load_idx %arg10[%parallel_loop3A_1221] : memref<10000xf32, #tpu.memory_space<vmem>>[vector<16xi32>], vector<16xf32>,
      %parallel_loop3A_1223 = arith.constant 4 : i32
      %parallel_loop3A_1224 = vector.broadcast %parallel_loop3A_1223 : i32 to vector<16xi32>
      %parallel_loop3A_1225 = arith.addi %parallel_loop3A_1202, %parallel_loop3A_1224 : vector<16xi32>
      %parallel_loop3A_1226 = tpu.vector_load_idx %arg11[%parallel_loop3A_1225] : memref<5120xi32, #tpu.memory_space<vmem>>[vector<16xi32>], vector<16xi32>,
      %parallel_loop3A_1227 = tpu.vector_load_idx %arg10[%parallel_loop3A_1226] : memref<10000xf32, #tpu.memory_space<vmem>>[vector<16xi32>], vector<16xf32>,
      %parallel_loop3A_1228 = arith.constant 5 : i32
      %parallel_loop3A_1229 = vector.broadcast %parallel_loop3A_1228 : i32 to vector<16xi32>
      %parallel_loop3A_1230 = arith.addi %parallel_loop3A_1202, %parallel_loop3A_1229 : vector<16xi32>
      %parallel_loop3A_1231 = tpu.vector_load_idx %arg11[%parallel_loop3A_1230] : memref<5120xi32, #tpu.memory_space<vmem>>[vector<16xi32>], vector<16xi32>,
      %parallel_loop3A_1232 = tpu.vector_load_idx %arg10[%parallel_loop3A_1231] : memref<10000xf32, #tpu.memory_space<vmem>>[vector<16xi32>], vector<16xf32>,
      %parallel_loop3A_1233 = arith.constant 6 : i32
      %parallel_loop3A_1234 = vector.broadcast %parallel_loop3A_1233 : i32 to vector<16xi32>
      %parallel_loop3A_1235 = arith.addi %parallel_loop3A_1202, %parallel_loop3A_1234 : vector<16xi32>
      %parallel_loop3A_1236 = tpu.vector_load_idx %arg11[%parallel_loop3A_1235] : memref<5120xi32, #tpu.memory_space<vmem>>[vector<16xi32>], vector<16xi32>,
      %parallel_loop3A_1237 = tpu.vector_load_idx %arg10[%parallel_loop3A_1236] : memref<10000xf32, #tpu.memory_space<vmem>>[vector<16xi32>], vector<16xf32>,
      %parallel_loop3A_1238 = arith.constant 7 : i32
      %parallel_loop3A_1239 = vector.broadcast %parallel_loop3A_1238 : i32 to vector<16xi32>
      %parallel_loop3A_1240 = arith.addi %parallel_loop3A_1202, %parallel_loop3A_1239 : vector<16xi32>
      %parallel_loop3A_1241 = tpu.vector_load_idx %arg11[%parallel_loop3A_1240] : memref<5120xi32, #tpu.memory_space<vmem>>[vector<16xi32>], vector<16xi32>,
      %parallel_loop3A_1242 = tpu.vector_load_idx %arg10[%parallel_loop3A_1241] : memref<10000xf32, #tpu.memory_space<vmem>>[vector<16xi32>], vector<16xf32>,
      %parallel_loop3A_1243 = arith.constant 8 : i32
      %parallel_loop3A_1244 = vector.broadcast %parallel_loop3A_1243 : i32 to vector<16xi32>
      %parallel_loop3A_1245 = arith.addi %parallel_loop3A_1202, %parallel_loop3A_1244 : vector<16xi32>
      %parallel_loop3A_1246 = tpu.vector_load_idx %arg11[%parallel_loop3A_1245] : memref<5120xi32, #tpu.memory_space<vmem>>[vector<16xi32>], vector<16xi32>,
      %parallel_loop3A_1247 = tpu.vector_load_idx %arg10[%parallel_loop3A_1246] : memref<10000xf32, #tpu.memory_space<vmem>>[vector<16xi32>], vector<16xf32>,
      %parallel_loop3A_1248 = arith.constant 9 : i32
      %parallel_loop3A_1249 = vector.broadcast %parallel_loop3A_1248 : i32 to vector<16xi32>
      %parallel_loop3A_1250 = arith.addi %parallel_loop3A_1202, %parallel_loop3A_1249 : vector<16xi32>
      %parallel_loop3A_1251 = tpu.vector_load_idx %arg11[%parallel_loop3A_1250] : memref<5120xi32, #tpu.memory_space<vmem>>[vector<16xi32>], vector<16xi32>,
      %parallel_loop3A_1252 = tpu.vector_load_idx %arg10[%parallel_loop3A_1251] : memref<10000xf32, #tpu.memory_space<vmem>>[vector<16xi32>], vector<16xf32>,
      %parallel_loop3A_1253 = arith.constant 10 : i32
      %parallel_loop3A_1254 = vector.broadcast %parallel_loop3A_1253 : i32 to vector<16xi32>
      %parallel_loop3A_1255 = arith.addi %parallel_loop3A_1202, %parallel_loop3A_1254 : vector<16xi32>
      %parallel_loop3A_1256 = tpu.vector_load_idx %arg11[%parallel_loop3A_1255] : memref<5120xi32, #tpu.memory_space<vmem>>[vector<16xi32>], vector<16xi32>,
      %parallel_loop3A_1257 = tpu.vector_load_idx %arg10[%parallel_loop3A_1256] : memref<10000xf32, #tpu.memory_space<vmem>>[vector<16xi32>], vector<16xf32>,
      %parallel_loop3A_1258 = arith.constant 11 : i32
      %parallel_loop3A_1259 = vector.broadcast %parallel_loop3A_1258 : i32 to vector<16xi32>
      %parallel_loop3A_1260 = arith.addi %parallel_loop3A_1202, %parallel_loop3A_1259 : vector<16xi32>
      %parallel_loop3A_1261 = tpu.vector_load_idx %arg11[%parallel_loop3A_1260] : memref<5120xi32, #tpu.memory_space<vmem>>[vector<16xi32>], vector<16xi32>,
      %parallel_loop3A_1262 = tpu.vector_load_idx %arg10[%parallel_loop3A_1261] : memref<10000xf32, #tpu.memory_space<vmem>>[vector<16xi32>], vector<16xf32>,
      %parallel_loop3A_1263 = arith.constant 12 : i32
      %parallel_loop3A_1264 = vector.broadcast %parallel_loop3A_1263 : i32 to vector<16xi32>
      %parallel_loop3A_1265 = arith.addi %parallel_loop3A_1202, %parallel_loop3A_1264 : vector<16xi32>
      %parallel_loop3A_1266 = tpu.vector_load_idx %arg11[%parallel_loop3A_1265] : memref<5120xi32, #tpu.memory_space<vmem>>[vector<16xi32>], vector<16xi32>,
      %parallel_loop3A_1267 = tpu.vector_load_idx %arg10[%parallel_loop3A_1266] : memref<10000xf32, #tpu.memory_space<vmem>>[vector<16xi32>], vector<16xf32>,
      %parallel_loop3A_1268 = arith.constant 13 : i32
      %parallel_loop3A_1269 = vector.broadcast %parallel_loop3A_1268 : i32 to vector<16xi32>
      %parallel_loop3A_1270 = arith.addi %parallel_loop3A_1202, %parallel_loop3A_1269 : vector<16xi32>
      %parallel_loop3A_1271 = tpu.vector_load_idx %arg11[%parallel_loop3A_1270] : memref<5120xi32, #tpu.memory_space<vmem>>[vector<16xi32>], vector<16xi32>,
      %parallel_loop3A_1272 = tpu.vector_load_idx %arg10[%parallel_loop3A_1271] : memref<10000xf32, #tpu.memory_space<vmem>>[vector<16xi32>], vector<16xf32>,
      %parallel_loop3A_1273 = arith.constant 14 : i32
      %parallel_loop3A_1274 = vector.broadcast %parallel_loop3A_1273 : i32 to vector<16xi32>
      %parallel_loop3A_1275 = arith.addi %parallel_loop3A_1202, %parallel_loop3A_1274 : vector<16xi32>
      %parallel_loop3A_1276 = tpu.vector_load_idx %arg11[%parallel_loop3A_1275] : memref<5120xi32, #tpu.memory_space<vmem>>[vector<16xi32>], vector<16xi32>,
      %parallel_loop3A_1277 = tpu.vector_load_idx %arg10[%parallel_loop3A_1276] : memref<10000xf32, #tpu.memory_space<vmem>>[vector<16xi32>], vector<16xf32>,
      %parallel_loop3A_1278 = arith.constant 15 : i32
      %parallel_loop3A_1279 = vector.broadcast %parallel_loop3A_1278 : i32 to vector<16xi32>
      %parallel_loop3A_1280 = arith.addi %parallel_loop3A_1202, %parallel_loop3A_1279 : vector<16xi32>
      %parallel_loop3A_1281 = tpu.vector_load_idx %arg11[%parallel_loop3A_1280] : memref<5120xi32, #tpu.memory_space<vmem>>[vector<16xi32>], vector<16xi32>,
      %parallel_loop3A_1282 = tpu.vector_load_idx %arg10[%parallel_loop3A_1281] : memref<10000xf32, #tpu.memory_space<vmem>>[vector<16xi32>], vector<16xf32>,
      %parallel_loop3A_1283 = arith.maximumf %parallel_loop3A_1207, %parallel_loop3A_1212 : vector<16xf32>
      %parallel_loop3A_1284 = arith.maximumf %parallel_loop3A_1283, %parallel_loop3A_1217 : vector<16xf32>
      %parallel_loop3A_1285 = arith.maximumf %parallel_loop3A_1284, %parallel_loop3A_1222 : vector<16xf32>
      %parallel_loop3A_1286 = arith.maximumf %parallel_loop3A_1285, %parallel_loop3A_1227 : vector<16xf32>
      %parallel_loop3A_1287 = arith.maximumf %parallel_loop3A_1286, %parallel_loop3A_1232 : vector<16xf32>
      %parallel_loop3A_1288 = arith.maximumf %parallel_loop3A_1287, %parallel_loop3A_1237 : vector<16xf32>
      %parallel_loop3A_1289 = arith.maximumf %parallel_loop3A_1288, %parallel_loop3A_1242 : vector<16xf32>
      %parallel_loop3A_1290 = arith.maximumf %parallel_loop3A_1289, %parallel_loop3A_1247 : vector<16xf32>
      %parallel_loop3A_1291 = arith.maximumf %parallel_loop3A_1290, %parallel_loop3A_1252 : vector<16xf32>
      %parallel_loop3A_1292 = arith.maximumf %parallel_loop3A_1291, %parallel_loop3A_1257 : vector<16xf32>
      %parallel_loop3A_1293 = arith.maximumf %parallel_loop3A_1292, %parallel_loop3A_1262 : vector<16xf32>
      %parallel_loop3A_1294 = arith.maximumf %parallel_loop3A_1293, %parallel_loop3A_1267 : vector<16xf32>
      %parallel_loop3A_1295 = arith.maximumf %parallel_loop3A_1294, %parallel_loop3A_1272 : vector<16xf32>
      %parallel_loop3A_1296 = arith.maximumf %parallel_loop3A_1295, %parallel_loop3A_1277 : vector<16xf32>
      %parallel_loop3A_1297 = arith.maximumf %parallel_loop3A_1296, %parallel_loop3A_1282 : vector<16xf32>
      %parallel_loop3A_1298 = arith.subf %parallel_loop3A_1207, %parallel_loop3A_1297 : vector<16xf32>
      %parallel_loop3A_1299 = math.exp %parallel_loop3A_1298 : vector<16xf32>
      %parallel_loop3A_1300 = arith.subf %parallel_loop3A_1212, %parallel_loop3A_1297 : vector<16xf32>
      %parallel_loop3A_1301 = math.exp %parallel_loop3A_1300 : vector<16xf32>
      %parallel_loop3A_1302 = arith.subf %parallel_loop3A_1217, %parallel_loop3A_1297 : vector<16xf32>
      %parallel_loop3A_1303 = math.exp %parallel_loop3A_1302 : vector<16xf32>
      %parallel_loop3A_1304 = arith.subf %parallel_loop3A_1222, %parallel_loop3A_1297 : vector<16xf32>
      %parallel_loop3A_1305 = math.exp %parallel_loop3A_1304 : vector<16xf32>
      %parallel_loop3A_1306 = arith.subf %parallel_loop3A_1227, %parallel_loop3A_1297 : vector<16xf32>
      %parallel_loop3A_1307 = math.exp %parallel_loop3A_1306 : vector<16xf32>
      %parallel_loop3A_1308 = arith.subf %parallel_loop3A_1232, %parallel_loop3A_1297 : vector<16xf32>
      %parallel_loop3A_1309 = math.exp %parallel_loop3A_1308 : vector<16xf32>
      %parallel_loop3A_1310 = arith.subf %parallel_loop3A_1237, %parallel_loop3A_1297 : vector<16xf32>
      %parallel_loop3A_1311 = math.exp %parallel_loop3A_1310 : vector<16xf32>
      %parallel_loop3A_1312 = arith.subf %parallel_loop3A_1242, %parallel_loop3A_1297 : vector<16xf32>
      %parallel_loop3A_1313 = math.exp %parallel_loop3A_1312 : vector<16xf32>
      %parallel_loop3A_1314 = arith.subf %parallel_loop3A_1247, %parallel_loop3A_1297 : vector<16xf32>
      %parallel_loop3A_1315 = math.exp %parallel_loop3A_1314 : vector<16xf32>
      %parallel_loop3A_1316 = arith.subf %parallel_loop3A_1252, %parallel_loop3A_1297 : vector<16xf32>
      %parallel_loop3A_1317 = math.exp %parallel_loop3A_1316 : vector<16xf32>
      %parallel_loop3A_1318 = arith.subf %parallel_loop3A_1257, %parallel_loop3A_1297 : vector<16xf32>
      %parallel_loop3A_1319 = math.exp %parallel_loop3A_1318 : vector<16xf32>
      %parallel_loop3A_1320 = arith.subf %parallel_loop3A_1262, %parallel_loop3A_1297 : vector<16xf32>
      %parallel_loop3A_1321 = math.exp %parallel_loop3A_1320 : vector<16xf32>
      %parallel_loop3A_1322 = arith.subf %parallel_loop3A_1267, %parallel_loop3A_1297 : vector<16xf32>
      %parallel_loop3A_1323 = math.exp %parallel_loop3A_1322 : vector<16xf32>
      %parallel_loop3A_1324 = arith.subf %parallel_loop3A_1272, %parallel_loop3A_1297 : vector<16xf32>
      %parallel_loop3A_1325 = math.exp %parallel_loop3A_1324 : vector<16xf32>
      %parallel_loop3A_1326 = arith.subf %parallel_loop3A_1277, %parallel_loop3A_1297 : vector<16xf32>
      %parallel_loop3A_1327 = math.exp %parallel_loop3A_1326 : vector<16xf32>
      %parallel_loop3A_1328 = arith.subf %parallel_loop3A_1282, %parallel_loop3A_1297 : vector<16xf32>
      %parallel_loop3A_1329 = math.exp %parallel_loop3A_1328 : vector<16xf32>
      %parallel_loop3A_1330 = arith.addf %parallel_loop3A_1299, %parallel_loop3A_1301 : vector<16xf32>
      %parallel_loop3A_1331 = arith.addf %parallel_loop3A_1330, %parallel_loop3A_1303 : vector<16xf32>
      %parallel_loop3A_1332 = arith.addf %parallel_loop3A_1331, %parallel_loop3A_1305 : vector<16xf32>
      %parallel_loop3A_1333 = arith.addf %parallel_loop3A_1332, %parallel_loop3A_1307 : vector<16xf32>
      %parallel_loop3A_1334 = arith.addf %parallel_loop3A_1333, %parallel_loop3A_1309 : vector<16xf32>
      %parallel_loop3A_1335 = arith.addf %parallel_loop3A_1334, %parallel_loop3A_1311 : vector<16xf32>
      %parallel_loop3A_1336 = arith.addf %parallel_loop3A_1335, %parallel_loop3A_1313 : vector<16xf32>
      %parallel_loop3A_1337 = arith.addf %parallel_loop3A_1336, %parallel_loop3A_1315 : vector<16xf32>
      %parallel_loop3A_1338 = arith.addf %parallel_loop3A_1337, %parallel_loop3A_1317 : vector<16xf32>
      %parallel_loop3A_1339 = arith.addf %parallel_loop3A_1338, %parallel_loop3A_1319 : vector<16xf32>
      %parallel_loop3A_1340 = arith.addf %parallel_loop3A_1339, %parallel_loop3A_1321 : vector<16xf32>
      %parallel_loop3A_1341 = arith.addf %parallel_loop3A_1340, %parallel_loop3A_1323 : vector<16xf32>
      %parallel_loop3A_1342 = arith.addf %parallel_loop3A_1341, %parallel_loop3A_1325 : vector<16xf32>
      %parallel_loop3A_1343 = arith.addf %parallel_loop3A_1342, %parallel_loop3A_1327 : vector<16xf32>
      %parallel_loop3A_1344 = arith.addf %parallel_loop3A_1343, %parallel_loop3A_1329 : vector<16xf32>
      %parallel_loop3A_1345 = arith.divf %parallel_loop3A_1299, %parallel_loop3A_1344 : vector<16xf32>
      %parallel_loop3A_1346 = arith.index_cast %parallel_loop3A_1200 : i32 to index
      %parallel_loop3A_1347 = tpu.vector_load %arg12[%parallel_loop3A_1346] {strides = array<i32>} : memref<5120xf32, #tpu.memory_space<vmem>>, vector<16xf32>,
      %parallel_loop3A_1348 = arith.addf %parallel_loop3A_1345, %parallel_loop3A_1347 : vector<16xf32>
      %parallel_loop3A_1349 = arith.constant 0 : i32
      %parallel_loop3A_1350 = vector.broadcast %parallel_loop3A_1349 : i32 to vector<16xi32>
      %parallel_loop3A_1351 = arith.divf %parallel_loop3A_1301, %parallel_loop3A_1344 : vector<16xf32>
      %parallel_loop3A_1352 = arith.constant 16 : i32
      %parallel_loop3A_1353 = arith.addi %parallel_loop3A_1200, %parallel_loop3A_1352 : i32
      %parallel_loop3A_1354 = arith.index_cast %parallel_loop3A_1353 : i32 to index
      %parallel_loop3A_1355 = tpu.vector_load %arg12[%parallel_loop3A_1354] {strides = array<i32>} : memref<5120xf32, #tpu.memory_space<vmem>>, vector<16xf32>,
      %parallel_loop3A_1356 = arith.addf %parallel_loop3A_1351, %parallel_loop3A_1355 : vector<16xf32>
      %parallel_loop3A_1357 = arith.cmpf ogt, %parallel_loop3A_1356, %parallel_loop3A_1348 : vector<16xf32>
      %parallel_loop3A_1358 = arith.constant 1 : i32
      %parallel_loop3A_1359 = vector.broadcast %parallel_loop3A_1358 : i32 to vector<16xi32>
      %parallel_loop3A_1360 = arith.select %parallel_loop3A_1357, %parallel_loop3A_1359, %parallel_loop3A_1350 : vector<16xi1>, vector<16xi32>
      %parallel_loop3A_1361 = arith.select %parallel_loop3A_1357, %parallel_loop3A_1356, %parallel_loop3A_1348 : vector<16xi1>, vector<16xf32>
      %parallel_loop3A_1362 = arith.divf %parallel_loop3A_1303, %parallel_loop3A_1344 : vector<16xf32>
      %parallel_loop3A_1363 = arith.constant 32 : i32
      %parallel_loop3A_1364 = arith.addi %parallel_loop3A_1200, %parallel_loop3A_1363 : i32
      %parallel_loop3A_1365 = arith.index_cast %parallel_loop3A_1364 : i32 to index
      %parallel_loop3A_1366 = tpu.vector_load %arg12[%parallel_loop3A_1365] {strides = array<i32>} : memref<5120xf32, #tpu.memory_space<vmem>>, vector<16xf32>,
      %parallel_loop3A_1367 = arith.addf %parallel_loop3A_1362, %parallel_loop3A_1366 : vector<16xf32>
      %parallel_loop3A_1368 = arith.cmpf ogt, %parallel_loop3A_1367, %parallel_loop3A_1361 : vector<16xf32>
      %parallel_loop3A_1369 = arith.constant 2 : i32
      %parallel_loop3A_1370 = vector.broadcast %parallel_loop3A_1369 : i32 to vector<16xi32>
      %parallel_loop3A_1371 = arith.select %parallel_loop3A_1368, %parallel_loop3A_1370, %parallel_loop3A_1360 : vector<16xi1>, vector<16xi32>
      %parallel_loop3A_1372 = arith.select %parallel_loop3A_1368, %parallel_loop3A_1367, %parallel_loop3A_1361 : vector<16xi1>, vector<16xf32>
      %parallel_loop3A_1373 = arith.divf %parallel_loop3A_1305, %parallel_loop3A_1344 : vector<16xf32>
      %parallel_loop3A_1374 = arith.constant 48 : i32
      %parallel_loop3A_1375 = arith.addi %parallel_loop3A_1200, %parallel_loop3A_1374 : i32
      %parallel_loop3A_1376 = arith.index_cast %parallel_loop3A_1375 : i32 to index
      %parallel_loop3A_1377 = tpu.vector_load %arg12[%parallel_loop3A_1376] {strides = array<i32>} : memref<5120xf32, #tpu.memory_space<vmem>>, vector<16xf32>,
      %parallel_loop3A_1378 = arith.addf %parallel_loop3A_1373, %parallel_loop3A_1377 : vector<16xf32>
      %parallel_loop3A_1379 = arith.cmpf ogt, %parallel_loop3A_1378, %parallel_loop3A_1372 : vector<16xf32>
      %parallel_loop3A_1380 = arith.constant 3 : i32
      %parallel_loop3A_1381 = vector.broadcast %parallel_loop3A_1380 : i32 to vector<16xi32>
      %parallel_loop3A_1382 = arith.select %parallel_loop3A_1379, %parallel_loop3A_1381, %parallel_loop3A_1371 : vector<16xi1>, vector<16xi32>
      %parallel_loop3A_1383 = arith.select %parallel_loop3A_1379, %parallel_loop3A_1378, %parallel_loop3A_1372 : vector<16xi1>, vector<16xf32>
      %parallel_loop3A_1384 = arith.divf %parallel_loop3A_1307, %parallel_loop3A_1344 : vector<16xf32>
      %parallel_loop3A_1385 = arith.constant 64 : i32
      %parallel_loop3A_1386 = arith.addi %parallel_loop3A_1200, %parallel_loop3A_1385 : i32
      %parallel_loop3A_1387 = arith.index_cast %parallel_loop3A_1386 : i32 to index
      %parallel_loop3A_1388 = tpu.vector_load %arg12[%parallel_loop3A_1387] {strides = array<i32>} : memref<5120xf32, #tpu.memory_space<vmem>>, vector<16xf32>,
      %parallel_loop3A_1389 = arith.addf %parallel_loop3A_1384, %parallel_loop3A_1388 : vector<16xf32>
      %parallel_loop3A_1390 = arith.cmpf ogt, %parallel_loop3A_1389, %parallel_loop3A_1383 : vector<16xf32>
      %parallel_loop3A_1391 = arith.constant 4 : i32
      %parallel_loop3A_1392 = vector.broadcast %parallel_loop3A_1391 : i32 to vector<16xi32>
      %parallel_loop3A_1393 = arith.select %parallel_loop3A_1390, %parallel_loop3A_1392, %parallel_loop3A_1382 : vector<16xi1>, vector<16xi32>
      %parallel_loop3A_1394 = arith.select %parallel_loop3A_1390, %parallel_loop3A_1389, %parallel_loop3A_1383 : vector<16xi1>, vector<16xf32>
      %parallel_loop3A_1395 = arith.divf %parallel_loop3A_1309, %parallel_loop3A_1344 : vector<16xf32>
      %parallel_loop3A_1396 = arith.constant 80 : i32
      %parallel_loop3A_1397 = arith.addi %parallel_loop3A_1200, %parallel_loop3A_1396 : i32
      %parallel_loop3A_1398 = arith.index_cast %parallel_loop3A_1397 : i32 to index
      %parallel_loop3A_1399 = tpu.vector_load %arg12[%parallel_loop3A_1398] {strides = array<i32>} : memref<5120xf32, #tpu.memory_space<vmem>>, vector<16xf32>,
      %parallel_loop3A_1400 = arith.addf %parallel_loop3A_1395, %parallel_loop3A_1399 : vector<16xf32>
      %parallel_loop3A_1401 = arith.cmpf ogt, %parallel_loop3A_1400, %parallel_loop3A_1394 : vector<16xf32>
      %parallel_loop3A_1402 = arith.constant 5 : i32
      %parallel_loop3A_1403 = vector.broadcast %parallel_loop3A_1402 : i32 to vector<16xi32>
      %parallel_loop3A_1404 = arith.select %parallel_loop3A_1401, %parallel_loop3A_1403, %parallel_loop3A_1393 : vector<16xi1>, vector<16xi32>
      %parallel_loop3A_1405 = arith.select %parallel_loop3A_1401, %parallel_loop3A_1400, %parallel_loop3A_1394 : vector<16xi1>, vector<16xf32>
      %parallel_loop3A_1406 = arith.divf %parallel_loop3A_1311, %parallel_loop3A_1344 : vector<16xf32>
      %parallel_loop3A_1407 = arith.constant 96 : i32
      %parallel_loop3A_1408 = arith.addi %parallel_loop3A_1200, %parallel_loop3A_1407 : i32
      %parallel_loop3A_1409 = arith.index_cast %parallel_loop3A_1408 : i32 to index
      %parallel_loop3A_1410 = tpu.vector_load %arg12[%parallel_loop3A_1409] {strides = array<i32>} : memref<5120xf32, #tpu.memory_space<vmem>>, vector<16xf32>,
      %parallel_loop3A_1411 = arith.addf %parallel_loop3A_1406, %parallel_loop3A_1410 : vector<16xf32>
      %parallel_loop3A_1412 = arith.cmpf ogt, %parallel_loop3A_1411, %parallel_loop3A_1405 : vector<16xf32>
      %parallel_loop3A_1413 = arith.constant 6 : i32
      %parallel_loop3A_1414 = vector.broadcast %parallel_loop3A_1413 : i32 to vector<16xi32>
      %parallel_loop3A_1415 = arith.select %parallel_loop3A_1412, %parallel_loop3A_1414, %parallel_loop3A_1404 : vector<16xi1>, vector<16xi32>
      %parallel_loop3A_1416 = arith.select %parallel_loop3A_1412, %parallel_loop3A_1411, %parallel_loop3A_1405 : vector<16xi1>, vector<16xf32>
      %parallel_loop3A_1417 = arith.divf %parallel_loop3A_1313, %parallel_loop3A_1344 : vector<16xf32>
      %parallel_loop3A_1418 = arith.constant 112 : i32
      %parallel_loop3A_1419 = arith.addi %parallel_loop3A_1200, %parallel_loop3A_1418 : i32
      %parallel_loop3A_1420 = arith.index_cast %parallel_loop3A_1419 : i32 to index
      %parallel_loop3A_1421 = tpu.vector_load %arg12[%parallel_loop3A_1420] {strides = array<i32>} : memref<5120xf32, #tpu.memory_space<vmem>>, vector<16xf32>,
      %parallel_loop3A_1422 = arith.addf %parallel_loop3A_1417, %parallel_loop3A_1421 : vector<16xf32>
      %parallel_loop3A_1423 = arith.cmpf ogt, %parallel_loop3A_1422, %parallel_loop3A_1416 : vector<16xf32>
      %parallel_loop3A_1424 = arith.constant 7 : i32
      %parallel_loop3A_1425 = vector.broadcast %parallel_loop3A_1424 : i32 to vector<16xi32>
      %parallel_loop3A_1426 = arith.select %parallel_loop3A_1423, %parallel_loop3A_1425, %parallel_loop3A_1415 : vector<16xi1>, vector<16xi32>
      %parallel_loop3A_1427 = arith.select %parallel_loop3A_1423, %parallel_loop3A_1422, %parallel_loop3A_1416 : vector<16xi1>, vector<16xf32>
      %parallel_loop3A_1428 = arith.divf %parallel_loop3A_1315, %parallel_loop3A_1344 : vector<16xf32>
      %parallel_loop3A_1429 = arith.constant 128 : i32
      %parallel_loop3A_1430 = arith.addi %parallel_loop3A_1200, %parallel_loop3A_1429 : i32
      %parallel_loop3A_1431 = arith.index_cast %parallel_loop3A_1430 : i32 to index
      %parallel_loop3A_1432 = tpu.vector_load %arg12[%parallel_loop3A_1431] {strides = array<i32>} : memref<5120xf32, #tpu.memory_space<vmem>>, vector<16xf32>,
      %parallel_loop3A_1433 = arith.addf %parallel_loop3A_1428, %parallel_loop3A_1432 : vector<16xf32>
      %parallel_loop3A_1434 = arith.cmpf ogt, %parallel_loop3A_1433, %parallel_loop3A_1427 : vector<16xf32>
      %parallel_loop3A_1435 = arith.constant 8 : i32
      %parallel_loop3A_1436 = vector.broadcast %parallel_loop3A_1435 : i32 to vector<16xi32>
      %parallel_loop3A_1437 = arith.select %parallel_loop3A_1434, %parallel_loop3A_1436, %parallel_loop3A_1426 : vector<16xi1>, vector<16xi32>
      %parallel_loop3A_1438 = arith.select %parallel_loop3A_1434, %parallel_loop3A_1433, %parallel_loop3A_1427 : vector<16xi1>, vector<16xf32>
      %parallel_loop3A_1439 = arith.divf %parallel_loop3A_1317, %parallel_loop3A_1344 : vector<16xf32>
      %parallel_loop3A_1440 = arith.constant 144 : i32
      %parallel_loop3A_1441 = arith.addi %parallel_loop3A_1200, %parallel_loop3A_1440 : i32
      %parallel_loop3A_1442 = arith.index_cast %parallel_loop3A_1441 : i32 to index
      %parallel_loop3A_1443 = tpu.vector_load %arg12[%parallel_loop3A_1442] {strides = array<i32>} : memref<5120xf32, #tpu.memory_space<vmem>>, vector<16xf32>,
      %parallel_loop3A_1444 = arith.addf %parallel_loop3A_1439, %parallel_loop3A_1443 : vector<16xf32>
      %parallel_loop3A_1445 = arith.cmpf ogt, %parallel_loop3A_1444, %parallel_loop3A_1438 : vector<16xf32>
      %parallel_loop3A_1446 = arith.constant 9 : i32
      %parallel_loop3A_1447 = vector.broadcast %parallel_loop3A_1446 : i32 to vector<16xi32>
      %parallel_loop3A_1448 = arith.select %parallel_loop3A_1445, %parallel_loop3A_1447, %parallel_loop3A_1437 : vector<16xi1>, vector<16xi32>
      %parallel_loop3A_1449 = arith.select %parallel_loop3A_1445, %parallel_loop3A_1444, %parallel_loop3A_1438 : vector<16xi1>, vector<16xf32>
      %parallel_loop3A_1450 = arith.divf %parallel_loop3A_1319, %parallel_loop3A_1344 : vector<16xf32>
      %parallel_loop3A_1451 = arith.constant 160 : i32
      %parallel_loop3A_1452 = arith.addi %parallel_loop3A_1200, %parallel_loop3A_1451 : i32
      %parallel_loop3A_1453 = arith.index_cast %parallel_loop3A_1452 : i32 to index
      %parallel_loop3A_1454 = tpu.vector_load %arg12[%parallel_loop3A_1453] {strides = array<i32>} : memref<5120xf32, #tpu.memory_space<vmem>>, vector<16xf32>,
      %parallel_loop3A_1455 = arith.addf %parallel_loop3A_1450, %parallel_loop3A_1454 : vector<16xf32>
      %parallel_loop3A_1456 = arith.cmpf ogt, %parallel_loop3A_1455, %parallel_loop3A_1449 : vector<16xf32>
      %parallel_loop3A_1457 = arith.constant 10 : i32
      %parallel_loop3A_1458 = vector.broadcast %parallel_loop3A_1457 : i32 to vector<16xi32>
      %parallel_loop3A_1459 = arith.select %parallel_loop3A_1456, %parallel_loop3A_1458, %parallel_loop3A_1448 : vector<16xi1>, vector<16xi32>
      %parallel_loop3A_1460 = arith.select %parallel_loop3A_1456, %parallel_loop3A_1455, %parallel_loop3A_1449 : vector<16xi1>, vector<16xf32>
      %parallel_loop3A_1461 = arith.divf %parallel_loop3A_1321, %parallel_loop3A_1344 : vector<16xf32>
      %parallel_loop3A_1462 = arith.constant 176 : i32
      %parallel_loop3A_1463 = arith.addi %parallel_loop3A_1200, %parallel_loop3A_1462 : i32
      %parallel_loop3A_1464 = arith.index_cast %parallel_loop3A_1463 : i32 to index
      %parallel_loop3A_1465 = tpu.vector_load %arg12[%parallel_loop3A_1464] {strides = array<i32>} : memref<5120xf32, #tpu.memory_space<vmem>>, vector<16xf32>,
      %parallel_loop3A_1466 = arith.addf %parallel_loop3A_1461, %parallel_loop3A_1465 : vector<16xf32>
      %parallel_loop3A_1467 = arith.cmpf ogt, %parallel_loop3A_1466, %parallel_loop3A_1460 : vector<16xf32>
      %parallel_loop3A_1468 = arith.constant 11 : i32
      %parallel_loop3A_1469 = vector.broadcast %parallel_loop3A_1468 : i32 to vector<16xi32>
      %parallel_loop3A_1470 = arith.select %parallel_loop3A_1467, %parallel_loop3A_1469, %parallel_loop3A_1459 : vector<16xi1>, vector<16xi32>
      %parallel_loop3A_1471 = arith.select %parallel_loop3A_1467, %parallel_loop3A_1466, %parallel_loop3A_1460 : vector<16xi1>, vector<16xf32>
      %parallel_loop3A_1472 = arith.divf %parallel_loop3A_1323, %parallel_loop3A_1344 : vector<16xf32>
      %parallel_loop3A_1473 = arith.constant 192 : i32
      %parallel_loop3A_1474 = arith.addi %parallel_loop3A_1200, %parallel_loop3A_1473 : i32
      %parallel_loop3A_1475 = arith.index_cast %parallel_loop3A_1474 : i32 to index
      %parallel_loop3A_1476 = tpu.vector_load %arg12[%parallel_loop3A_1475] {strides = array<i32>} : memref<5120xf32, #tpu.memory_space<vmem>>, vector<16xf32>,
      %parallel_loop3A_1477 = arith.addf %parallel_loop3A_1472, %parallel_loop3A_1476 : vector<16xf32>
      %parallel_loop3A_1478 = arith.cmpf ogt, %parallel_loop3A_1477, %parallel_loop3A_1471 : vector<16xf32>
      %parallel_loop3A_1479 = arith.constant 12 : i32
      %parallel_loop3A_1480 = vector.broadcast %parallel_loop3A_1479 : i32 to vector<16xi32>
      %parallel_loop3A_1481 = arith.select %parallel_loop3A_1478, %parallel_loop3A_1480, %parallel_loop3A_1470 : vector<16xi1>, vector<16xi32>
      %parallel_loop3A_1482 = arith.select %parallel_loop3A_1478, %parallel_loop3A_1477, %parallel_loop3A_1471 : vector<16xi1>, vector<16xf32>
      %parallel_loop3A_1483 = arith.divf %parallel_loop3A_1325, %parallel_loop3A_1344 : vector<16xf32>
      %parallel_loop3A_1484 = arith.constant 208 : i32
      %parallel_loop3A_1485 = arith.addi %parallel_loop3A_1200, %parallel_loop3A_1484 : i32
      %parallel_loop3A_1486 = arith.index_cast %parallel_loop3A_1485 : i32 to index
      %parallel_loop3A_1487 = tpu.vector_load %arg12[%parallel_loop3A_1486] {strides = array<i32>} : memref<5120xf32, #tpu.memory_space<vmem>>, vector<16xf32>,
      %parallel_loop3A_1488 = arith.addf %parallel_loop3A_1483, %parallel_loop3A_1487 : vector<16xf32>
      %parallel_loop3A_1489 = arith.cmpf ogt, %parallel_loop3A_1488, %parallel_loop3A_1482 : vector<16xf32>
      %parallel_loop3A_1490 = arith.constant 13 : i32
      %parallel_loop3A_1491 = vector.broadcast %parallel_loop3A_1490 : i32 to vector<16xi32>
      %parallel_loop3A_1492 = arith.select %parallel_loop3A_1489, %parallel_loop3A_1491, %parallel_loop3A_1481 : vector<16xi1>, vector<16xi32>
      %parallel_loop3A_1493 = arith.select %parallel_loop3A_1489, %parallel_loop3A_1488, %parallel_loop3A_1482 : vector<16xi1>, vector<16xf32>
      %parallel_loop3A_1494 = arith.divf %parallel_loop3A_1327, %parallel_loop3A_1344 : vector<16xf32>
      %parallel_loop3A_1495 = arith.constant 224 : i32
      %parallel_loop3A_1496 = arith.addi %parallel_loop3A_1200, %parallel_loop3A_1495 : i32
      %parallel_loop3A_1497 = arith.index_cast %parallel_loop3A_1496 : i32 to index
      %parallel_loop3A_1498 = tpu.vector_load %arg12[%parallel_loop3A_1497] {strides = array<i32>} : memref<5120xf32, #tpu.memory_space<vmem>>, vector<16xf32>,
      %parallel_loop3A_1499 = arith.addf %parallel_loop3A_1494, %parallel_loop3A_1498 : vector<16xf32>
      %parallel_loop3A_1500 = arith.cmpf ogt, %parallel_loop3A_1499, %parallel_loop3A_1493 : vector<16xf32>
      %parallel_loop3A_1501 = arith.constant 14 : i32
      %parallel_loop3A_1502 = vector.broadcast %parallel_loop3A_1501 : i32 to vector<16xi32>
      %parallel_loop3A_1503 = arith.select %parallel_loop3A_1500, %parallel_loop3A_1502, %parallel_loop3A_1492 : vector<16xi1>, vector<16xi32>
      %parallel_loop3A_1504 = arith.select %parallel_loop3A_1500, %parallel_loop3A_1499, %parallel_loop3A_1493 : vector<16xi1>, vector<16xf32>
      %parallel_loop3A_1505 = arith.divf %parallel_loop3A_1329, %parallel_loop3A_1344 : vector<16xf32>
      %parallel_loop3A_1506 = arith.constant 240 : i32
      %parallel_loop3A_1507 = arith.addi %parallel_loop3A_1200, %parallel_loop3A_1506 : i32
      %parallel_loop3A_1508 = arith.index_cast %parallel_loop3A_1507 : i32 to index
      %parallel_loop3A_1509 = tpu.vector_load %arg12[%parallel_loop3A_1508] {strides = array<i32>} : memref<5120xf32, #tpu.memory_space<vmem>>, vector<16xf32>,
      %parallel_loop3A_1510 = arith.addf %parallel_loop3A_1505, %parallel_loop3A_1509 : vector<16xf32>
      %parallel_loop3A_1511 = arith.cmpf ogt, %parallel_loop3A_1510, %parallel_loop3A_1504 : vector<16xf32>
      %parallel_loop3A_1512 = arith.constant 15 : i32
      %parallel_loop3A_1513 = vector.broadcast %parallel_loop3A_1512 : i32 to vector<16xi32>
      %parallel_loop3A_1514 = arith.select %parallel_loop3A_1511, %parallel_loop3A_1513, %parallel_loop3A_1503 : vector<16xi1>, vector<16xi32>
      %parallel_loop3A_1515 = arith.select %parallel_loop3A_1511, %parallel_loop3A_1510, %parallel_loop3A_1504 : vector<16xi1>, vector<16xf32>
      %parallel_loop3A_1516 = arith.addi %parallel_loop3A_1202, %parallel_loop3A_1514 : vector<16xi32>
      %parallel_loop3A_1517 = tpu.vector_load_idx %arg11[%parallel_loop3A_1516] : memref<5120xi32, #tpu.memory_space<vmem>>[vector<16xi32>], vector<16xi32>,
      %parallel_loop3A_1518 = arith.constant 16 : i32
      %parallel_loop3A_1519 = arith.muli %parallel_loop3A_1198, %parallel_loop3A_1518 : i32
      %parallel_loop3A_1520 = arith.index_cast %parallel_loop3A_1519 : i32 to index
      %parallel_loop3A_1521 = tpu.vector_load %arg15[%parallel_loop3A_1520] {strides = array<i32>} : memref<320xi32, #tpu.memory_space<vmem>>, vector<16xi32>,
      tpu.vector_store %arg15[%parallel_loop3A_1520], %parallel_loop3A_1517 {strides = array<i32>} : memref<320xi32, #tpu.memory_space<vmem>>, vector<16xi32>,
    } {sc.loop_unroll_factor = 2 : i64, sc.parallel_access}
    %dma_start3A_708 = arith.constant 0 : i32
    %dma_start3A_709 = arith.constant 0 : i32
    %dma_start3A_710 = tpu.memref_slice %arg17[%dma_start3A_708, %dma_start3A_709] : memref<320x128xf32, #tpu.memory_space<vmem>> -> memref<16x128xf32, #tpu.memory_space<vmem>>
    %dma_start3A_711 = arith.constant 0 : i32
    %dma_start3A_712 = tpu.memref_slice %arg15[%dma_start3A_711] : memref<320xi32, #tpu.memory_space<vmem>> -> memref<16xi32, #tpu.memory_space<vmem>>
    %dma_start3A_713 = arith.constant 0 : i32
    %dma_start3A_714 = arith.constant 0 : i32
    %dma_start3A_715 = tpu.memref_slice %arg5[%dma_start3A_713, %dma_start3A_714] : memref<10000x128xf32, #tpu.memory_space<hbm>> -> memref<10000x128xf32, #tpu.memory_space<hbm>>
    tpu.enqueue_indirect_dma source(%dma_start3A_715 : memref<10000x128xf32, #tpu.memory_space<hbm>>) target(%dma_start3A_710 : memref<16x128xf32, #tpu.memory_space<vmem>>) offsets(%dma_start3A_712 : memref<16xi32, #tpu.memory_space<vmem>>) semaphore(%arg23 : memref<!tpu.dma_semaphore, #tpu.memory_space<semaphore_mem>>)
    %dma_start3A_716 = arith.constant 16 : i32
    %dma_start3A_717 = arith.constant 0 : i32
    %dma_start3A_718 = tpu.memref_slice %arg17[%dma_start3A_716, %dma_start3A_717] : memref<320x128xf32, #tpu.memory_space<vmem>> -> memref<16x128xf32, #tpu.memory_space<vmem>>
    %dma_start3A_719 = arith.constant 16 : i32
    %dma_start3A_720 = tpu.memref_slice %arg15[%dma_start3A_719] : memref<320xi32, #tpu.memory_space<vmem>> -> memref<16xi32, #tpu.memory_space<vmem>>
    %dma_start3A_721 = arith.constant 0 : i32
    %dma_start3A_722 = arith.constant 0 : i32
    %dma_start3A_723 = tpu.memref_slice %arg5[%dma_start3A_721, %dma_start3A_722] : memref<10000x128xf32, #tpu.memory_space<hbm>> -> memref<10000x128xf32, #tpu.memory_space<hbm>>
    tpu.enqueue_indirect_dma source(%dma_start3A_723 : memref<10000x128xf32, #tpu.memory_space<hbm>>) target(%dma_start3A_718 : memref<16x128xf32, #tpu.memory_space<vmem>>) offsets(%dma_start3A_720 : memref<16xi32, #tpu.memory_space<vmem>>) semaphore(%arg23 : memref<!tpu.dma_semaphore, #tpu.memory_space<semaphore_mem>>)
    %dma_start3A_724 = arith.constant 32 : i32
    %dma_start3A_725 = arith.constant 0 : i32
    %dma_start3A_726 = tpu.memref_slice %arg17[%dma_start3A_724, %dma_start3A_725] : memref<320x128xf32, #tpu.memory_space<vmem>> -> memref<16x128xf32, #tpu.memory_space<vmem>>
    %dma_start3A_727 = arith.constant 32 : i32
    %dma_start3A_728 = tpu.memref_slice %arg15[%dma_start3A_727] : memref<320xi32, #tpu.memory_space<vmem>> -> memref<16xi32, #tpu.memory_space<vmem>>
    %dma_start3A_729 = arith.constant 0 : i32
    %dma_start3A_730 = arith.constant 0 : i32
    %dma_start3A_731 = tpu.memref_slice %arg5[%dma_start3A_729, %dma_start3A_730] : memref<10000x128xf32, #tpu.memory_space<hbm>> -> memref<10000x128xf32, #tpu.memory_space<hbm>>
    tpu.enqueue_indirect_dma source(%dma_start3A_731 : memref<10000x128xf32, #tpu.memory_space<hbm>>) target(%dma_start3A_726 : memref<16x128xf32, #tpu.memory_space<vmem>>) offsets(%dma_start3A_728 : memref<16xi32, #tpu.memory_space<vmem>>) semaphore(%arg23 : memref<!tpu.dma_semaphore, #tpu.memory_space<semaphore_mem>>)
    %dma_start3A_732 = arith.constant 48 : i32
    %dma_start3A_733 = arith.constant 0 : i32
    %dma_start3A_734 = tpu.memref_slice %arg17[%dma_start3A_732, %dma_start3A_733] : memref<320x128xf32, #tpu.memory_space<vmem>> -> memref<16x128xf32, #tpu.memory_space<vmem>>
    %dma_start3A_735 = arith.constant 48 : i32
    %dma_start3A_736 = tpu.memref_slice %arg15[%dma_start3A_735] : memref<320xi32, #tpu.memory_space<vmem>> -> memref<16xi32, #tpu.memory_space<vmem>>
    %dma_start3A_737 = arith.constant 0 : i32
    %dma_start3A_738 = arith.constant 0 : i32
    %dma_start3A_739 = tpu.memref_slice %arg5[%dma_start3A_737, %dma_start3A_738] : memref<10000x128xf32, #tpu.memory_space<hbm>> -> memref<10000x128xf32, #tpu.memory_space<hbm>>
    tpu.enqueue_indirect_dma source(%dma_start3A_739 : memref<10000x128xf32, #tpu.memory_space<hbm>>) target(%dma_start3A_734 : memref<16x128xf32, #tpu.memory_space<vmem>>) offsets(%dma_start3A_736 : memref<16xi32, #tpu.memory_space<vmem>>) semaphore(%arg23 : memref<!tpu.dma_semaphore, #tpu.memory_space<semaphore_mem>>)
    %dma_start3A_740 = arith.constant 64 : i32
    %dma_start3A_741 = arith.constant 0 : i32
    %dma_start3A_742 = tpu.memref_slice %arg17[%dma_start3A_740, %dma_start3A_741] : memref<320x128xf32, #tpu.memory_space<vmem>> -> memref<16x128xf32, #tpu.memory_space<vmem>>
    %dma_start3A_743 = arith.constant 64 : i32
    %dma_start3A_744 = tpu.memref_slice %arg15[%dma_start3A_743] : memref<320xi32, #tpu.memory_space<vmem>> -> memref<16xi32, #tpu.memory_space<vmem>>
    %dma_start3A_745 = arith.constant 0 : i32
    %dma_start3A_746 = arith.constant 0 : i32
    %dma_start3A_747 = tpu.memref_slice %arg5[%dma_start3A_745, %dma_start3A_746] : memref<10000x128xf32, #tpu.memory_space<hbm>> -> memref<10000x128xf32, #tpu.memory_space<hbm>>
    tpu.enqueue_indirect_dma source(%dma_start3A_747 : memref<10000x128xf32, #tpu.memory_space<hbm>>) target(%dma_start3A_742 : memref<16x128xf32, #tpu.memory_space<vmem>>) offsets(%dma_start3A_744 : memref<16xi32, #tpu.memory_space<vmem>>) semaphore(%arg23 : memref<!tpu.dma_semaphore, #tpu.memory_space<semaphore_mem>>)
    %dma_start3A_748 = arith.constant 80 : i32
    %dma_start3A_749 = arith.constant 0 : i32
    %dma_start3A_750 = tpu.memref_slice %arg17[%dma_start3A_748, %dma_start3A_749] : memref<320x128xf32, #tpu.memory_space<vmem>> -> memref<16x128xf32, #tpu.memory_space<vmem>>
    %dma_start3A_751 = arith.constant 80 : i32
    %dma_start3A_752 = tpu.memref_slice %arg15[%dma_start3A_751] : memref<320xi32, #tpu.memory_space<vmem>> -> memref<16xi32, #tpu.memory_space<vmem>>
    %dma_start3A_753 = arith.constant 0 : i32
    %dma_start3A_754 = arith.constant 0 : i32
    %dma_start3A_755 = tpu.memref_slice %arg5[%dma_start3A_753, %dma_start3A_754] : memref<10000x128xf32, #tpu.memory_space<hbm>> -> memref<10000x128xf32, #tpu.memory_space<hbm>>
    tpu.enqueue_indirect_dma source(%dma_start3A_755 : memref<10000x128xf32, #tpu.memory_space<hbm>>) target(%dma_start3A_750 : memref<16x128xf32, #tpu.memory_space<vmem>>) offsets(%dma_start3A_752 : memref<16xi32, #tpu.memory_space<vmem>>) semaphore(%arg23 : memref<!tpu.dma_semaphore, #tpu.memory_space<semaphore_mem>>)
    %dma_start3A_756 = arith.constant 96 : i32
    %dma_start3A_757 = arith.constant 0 : i32
    %dma_start3A_758 = tpu.memref_slice %arg17[%dma_start3A_756, %dma_start3A_757] : memref<320x128xf32, #tpu.memory_space<vmem>> -> memref<16x128xf32, #tpu.memory_space<vmem>>
    %dma_start3A_759 = arith.constant 96 : i32
    %dma_start3A_760 = tpu.memref_slice %arg15[%dma_start3A_759] : memref<320xi32, #tpu.memory_space<vmem>> -> memref<16xi32, #tpu.memory_space<vmem>>
    %dma_start3A_761 = arith.constant 0 : i32
    %dma_start3A_762 = arith.constant 0 : i32
    %dma_start3A_763 = tpu.memref_slice %arg5[%dma_start3A_761, %dma_start3A_762] : memref<10000x128xf32, #tpu.memory_space<hbm>> -> memref<10000x128xf32, #tpu.memory_space<hbm>>
    tpu.enqueue_indirect_dma source(%dma_start3A_763 : memref<10000x128xf32, #tpu.memory_space<hbm>>) target(%dma_start3A_758 : memref<16x128xf32, #tpu.memory_space<vmem>>) offsets(%dma_start3A_760 : memref<16xi32, #tpu.memory_space<vmem>>) semaphore(%arg23 : memref<!tpu.dma_semaphore, #tpu.memory_space<semaphore_mem>>)
    %dma_start3A_764 = arith.constant 112 : i32
    %dma_start3A_765 = arith.constant 0 : i32
    %dma_start3A_766 = tpu.memref_slice %arg17[%dma_start3A_764, %dma_start3A_765] : memref<320x128xf32, #tpu.memory_space<vmem>> -> memref<16x128xf32, #tpu.memory_space<vmem>>
    %dma_start3A_767 = arith.constant 112 : i32
    %dma_start3A_768 = tpu.memref_slice %arg15[%dma_start3A_767] : memref<320xi32, #tpu.memory_space<vmem>> -> memref<16xi32, #tpu.memory_space<vmem>>
    %dma_start3A_769 = arith.constant 0 : i32
    %dma_start3A_770 = arith.constant 0 : i32
    %dma_start3A_771 = tpu.memref_slice %arg5[%dma_start3A_769, %dma_start3A_770] : memref<10000x128xf32, #tpu.memory_space<hbm>> -> memref<10000x128xf32, #tpu.memory_space<hbm>>
    tpu.enqueue_indirect_dma source(%dma_start3A_771 : memref<10000x128xf32, #tpu.memory_space<hbm>>) target(%dma_start3A_766 : memref<16x128xf32, #tpu.memory_space<vmem>>) offsets(%dma_start3A_768 : memref<16xi32, #tpu.memory_space<vmem>>) semaphore(%arg23 : memref<!tpu.dma_semaphore, #tpu.memory_space<semaphore_mem>>)
    %dma_start3A_772 = arith.constant 128 : i32
    %dma_start3A_773 = arith.constant 0 : i32
    %dma_start3A_774 = tpu.memref_slice %arg17[%dma_start3A_772, %dma_start3A_773] : memref<320x128xf32, #tpu.memory_space<vmem>> -> memref<16x128xf32, #tpu.memory_space<vmem>>
    %dma_start3A_775 = arith.constant 128 : i32
    %dma_start3A_776 = tpu.memref_slice %arg15[%dma_start3A_775] : memref<320xi32, #tpu.memory_space<vmem>> -> memref<16xi32, #tpu.memory_space<vmem>>
    %dma_start3A_777 = arith.constant 0 : i32
    %dma_start3A_778 = arith.constant 0 : i32
    %dma_start3A_779 = tpu.memref_slice %arg5[%dma_start3A_777, %dma_start3A_778] : memref<10000x128xf32, #tpu.memory_space<hbm>> -> memref<10000x128xf32, #tpu.memory_space<hbm>>
    tpu.enqueue_indirect_dma source(%dma_start3A_779 : memref<10000x128xf32, #tpu.memory_space<hbm>>) target(%dma_start3A_774 : memref<16x128xf32, #tpu.memory_space<vmem>>) offsets(%dma_start3A_776 : memref<16xi32, #tpu.memory_space<vmem>>) semaphore(%arg23 : memref<!tpu.dma_semaphore, #tpu.memory_space<semaphore_mem>>)
    %dma_start3A_780 = arith.constant 144 : i32
    %dma_start3A_781 = arith.constant 0 : i32
    %dma_start3A_782 = tpu.memref_slice %arg17[%dma_start3A_780, %dma_start3A_781] : memref<320x128xf32, #tpu.memory_space<vmem>> -> memref<16x128xf32, #tpu.memory_space<vmem>>
    %dma_start3A_783 = arith.constant 144 : i32
    %dma_start3A_784 = tpu.memref_slice %arg15[%dma_start3A_783] : memref<320xi32, #tpu.memory_space<vmem>> -> memref<16xi32, #tpu.memory_space<vmem>>
    %dma_start3A_785 = arith.constant 0 : i32
    %dma_start3A_786 = arith.constant 0 : i32
    %dma_start3A_787 = tpu.memref_slice %arg5[%dma_start3A_785, %dma_start3A_786] : memref<10000x128xf32, #tpu.memory_space<hbm>> -> memref<10000x128xf32, #tpu.memory_space<hbm>>
    tpu.enqueue_indirect_dma source(%dma_start3A_787 : memref<10000x128xf32, #tpu.memory_space<hbm>>) target(%dma_start3A_782 : memref<16x128xf32, #tpu.memory_space<vmem>>) offsets(%dma_start3A_784 : memref<16xi32, #tpu.memory_space<vmem>>) semaphore(%arg23 : memref<!tpu.dma_semaphore, #tpu.memory_space<semaphore_mem>>)
    %dma_start3A_788 = arith.constant 160 : i32
    %dma_start3A_789 = arith.constant 0 : i32
    %dma_start3A_790 = tpu.memref_slice %arg17[%dma_start3A_788, %dma_start3A_789] : memref<320x128xf32, #tpu.memory_space<vmem>> -> memref<16x128xf32, #tpu.memory_space<vmem>>
    %dma_start3A_791 = arith.constant 160 : i32
    %dma_start3A_792 = tpu.memref_slice %arg15[%dma_start3A_791] : memref<320xi32, #tpu.memory_space<vmem>> -> memref<16xi32, #tpu.memory_space<vmem>>
    %dma_start3A_793 = arith.constant 0 : i32
    %dma_start3A_794 = arith.constant 0 : i32
    %dma_start3A_795 = tpu.memref_slice %arg5[%dma_start3A_793, %dma_start3A_794] : memref<10000x128xf32, #tpu.memory_space<hbm>> -> memref<10000x128xf32, #tpu.memory_space<hbm>>
    tpu.enqueue_indirect_dma source(%dma_start3A_795 : memref<10000x128xf32, #tpu.memory_space<hbm>>) target(%dma_start3A_790 : memref<16x128xf32, #tpu.memory_space<vmem>>) offsets(%dma_start3A_792 : memref<16xi32, #tpu.memory_space<vmem>>) semaphore(%arg23 : memref<!tpu.dma_semaphore, #tpu.memory_space<semaphore_mem>>)
    %dma_start3A_796 = arith.constant 176 : i32
    %dma_start3A_797 = arith.constant 0 : i32
    %dma_start3A_798 = tpu.memref_slice %arg17[%dma_start3A_796, %dma_start3A_797] : memref<320x128xf32, #tpu.memory_space<vmem>> -> memref<16x128xf32, #tpu.memory_space<vmem>>
    %dma_start3A_799 = arith.constant 176 : i32
    %dma_start3A_800 = tpu.memref_slice %arg15[%dma_start3A_799] : memref<320xi32, #tpu.memory_space<vmem>> -> memref<16xi32, #tpu.memory_space<vmem>>
    %dma_start3A_801 = arith.constant 0 : i32
    %dma_start3A_802 = arith.constant 0 : i32
    %dma_start3A_803 = tpu.memref_slice %arg5[%dma_start3A_801, %dma_start3A_802] : memref<10000x128xf32, #tpu.memory_space<hbm>> -> memref<10000x128xf32, #tpu.memory_space<hbm>>
    tpu.enqueue_indirect_dma source(%dma_start3A_803 : memref<10000x128xf32, #tpu.memory_space<hbm>>) target(%dma_start3A_798 : memref<16x128xf32, #tpu.memory_space<vmem>>) offsets(%dma_start3A_800 : memref<16xi32, #tpu.memory_space<vmem>>) semaphore(%arg23 : memref<!tpu.dma_semaphore, #tpu.memory_space<semaphore_mem>>)
    %dma_start3A_804 = arith.constant 192 : i32
    %dma_start3A_805 = arith.constant 0 : i32
    %dma_start3A_806 = tpu.memref_slice %arg17[%dma_start3A_804, %dma_start3A_805] : memref<320x128xf32, #tpu.memory_space<vmem>> -> memref<16x128xf32, #tpu.memory_space<vmem>>
    %dma_start3A_807 = arith.constant 192 : i32
    %dma_start3A_808 = tpu.memref_slice %arg15[%dma_start3A_807] : memref<320xi32, #tpu.memory_space<vmem>> -> memref<16xi32, #tpu.memory_space<vmem>>
    %dma_start3A_809 = arith.constant 0 : i32
    %dma_start3A_810 = arith.constant 0 : i32
    %dma_start3A_811 = tpu.memref_slice %arg5[%dma_start3A_809, %dma_start3A_810] : memref<10000x128xf32, #tpu.memory_space<hbm>> -> memref<10000x128xf32, #tpu.memory_space<hbm>>
    tpu.enqueue_indirect_dma source(%dma_start3A_811 : memref<10000x128xf32, #tpu.memory_space<hbm>>) target(%dma_start3A_806 : memref<16x128xf32, #tpu.memory_space<vmem>>) offsets(%dma_start3A_808 : memref<16xi32, #tpu.memory_space<vmem>>) semaphore(%arg23 : memref<!tpu.dma_semaphore, #tpu.memory_space<semaphore_mem>>)
    %dma_start3A_812 = arith.constant 208 : i32
    %dma_start3A_813 = arith.constant 0 : i32
    %dma_start3A_814 = tpu.memref_slice %arg17[%dma_start3A_812, %dma_start3A_813] : memref<320x128xf32, #tpu.memory_space<vmem>> -> memref<16x128xf32, #tpu.memory_space<vmem>>
    %dma_start3A_815 = arith.constant 208 : i32
    %dma_start3A_816 = tpu.memref_slice %arg15[%dma_start3A_815] : memref<320xi32, #tpu.memory_space<vmem>> -> memref<16xi32, #tpu.memory_space<vmem>>
    %dma_start3A_817 = arith.constant 0 : i32
    %dma_start3A_818 = arith.constant 0 : i32
    %dma_start3A_819 = tpu.memref_slice %arg5[%dma_start3A_817, %dma_start3A_818] : memref<10000x128xf32, #tpu.memory_space<hbm>> -> memref<10000x128xf32, #tpu.memory_space<hbm>>
    tpu.enqueue_indirect_dma source(%dma_start3A_819 : memref<10000x128xf32, #tpu.memory_space<hbm>>) target(%dma_start3A_814 : memref<16x128xf32, #tpu.memory_space<vmem>>) offsets(%dma_start3A_816 : memref<16xi32, #tpu.memory_space<vmem>>) semaphore(%arg23 : memref<!tpu.dma_semaphore, #tpu.memory_space<semaphore_mem>>)
    %dma_start3A_820 = arith.constant 224 : i32
    %dma_start3A_821 = arith.constant 0 : i32
    %dma_start3A_822 = tpu.memref_slice %arg17[%dma_start3A_820, %dma_start3A_821] : memref<320x128xf32, #tpu.memory_space<vmem>> -> memref<16x128xf32, #tpu.memory_space<vmem>>
    %dma_start3A_823 = arith.constant 224 : i32
    %dma_start3A_824 = tpu.memref_slice %arg15[%dma_start3A_823] : memref<320xi32, #tpu.memory_space<vmem>> -> memref<16xi32, #tpu.memory_space<vmem>>
    %dma_start3A_825 = arith.constant 0 : i32
    %dma_start3A_826 = arith.constant 0 : i32
    %dma_start3A_827 = tpu.memref_slice %arg5[%dma_start3A_825, %dma_start3A_826] : memref<10000x128xf32, #tpu.memory_space<hbm>> -> memref<10000x128xf32, #tpu.memory_space<hbm>>
    tpu.enqueue_indirect_dma source(%dma_start3A_827 : memref<10000x128xf32, #tpu.memory_space<hbm>>) target(%dma_start3A_822 : memref<16x128xf32, #tpu.memory_space<vmem>>) offsets(%dma_start3A_824 : memref<16xi32, #tpu.memory_space<vmem>>) semaphore(%arg23 : memref<!tpu.dma_semaphore, #tpu.memory_space<semaphore_mem>>)
    %dma_start3A_828 = arith.constant 240 : i32
    %dma_start3A_829 = arith.constant 0 : i32
    %dma_start3A_830 = tpu.memref_slice %arg17[%dma_start3A_828, %dma_start3A_829] : memref<320x128xf32, #tpu.memory_space<vmem>> -> memref<16x128xf32, #tpu.memory_space<vmem>>
    %dma_start3A_831 = arith.constant 240 : i32
    %dma_start3A_832 = tpu.memref_slice %arg15[%dma_start3A_831] : memref<320xi32, #tpu.memory_space<vmem>> -> memref<16xi32, #tpu.memory_space<vmem>>
    %dma_start3A_833 = arith.constant 0 : i32
    %dma_start3A_834 = arith.constant 0 : i32
    %dma_start3A_835 = tpu.memref_slice %arg5[%dma_start3A_833, %dma_start3A_834] : memref<10000x128xf32, #tpu.memory_space<hbm>> -> memref<10000x128xf32, #tpu.memory_space<hbm>>
    tpu.enqueue_indirect_dma source(%dma_start3A_835 : memref<10000x128xf32, #tpu.memory_space<hbm>>) target(%dma_start3A_830 : memref<16x128xf32, #tpu.memory_space<vmem>>) offsets(%dma_start3A_832 : memref<16xi32, #tpu.memory_space<vmem>>) semaphore(%arg23 : memref<!tpu.dma_semaphore, #tpu.memory_space<semaphore_mem>>)
    %dma_start3A_836 = arith.constant 256 : i32
    %dma_start3A_837 = arith.constant 0 : i32
    %dma_start3A_838 = tpu.memref_slice %arg17[%dma_start3A_836, %dma_start3A_837] : memref<320x128xf32, #tpu.memory_space<vmem>> -> memref<16x128xf32, #tpu.memory_space<vmem>>
    %dma_start3A_839 = arith.constant 256 : i32
    %dma_start3A_840 = tpu.memref_slice %arg15[%dma_start3A_839] : memref<320xi32, #tpu.memory_space<vmem>> -> memref<16xi32, #tpu.memory_space<vmem>>
    %dma_start3A_841 = arith.constant 0 : i32
    %dma_start3A_842 = arith.constant 0 : i32
    %dma_start3A_843 = tpu.memref_slice %arg5[%dma_start3A_841, %dma_start3A_842] : memref<10000x128xf32, #tpu.memory_space<hbm>> -> memref<10000x128xf32, #tpu.memory_space<hbm>>
    tpu.enqueue_indirect_dma source(%dma_start3A_843 : memref<10000x128xf32, #tpu.memory_space<hbm>>) target(%dma_start3A_838 : memref<16x128xf32, #tpu.memory_space<vmem>>) offsets(%dma_start3A_840 : memref<16xi32, #tpu.memory_space<vmem>>) semaphore(%arg23 : memref<!tpu.dma_semaphore, #tpu.memory_space<semaphore_mem>>)
    %dma_start3A_844 = arith.constant 272 : i32
    %dma_start3A_845 = arith.constant 0 : i32
    %dma_start3A_846 = tpu.memref_slice %arg17[%dma_start3A_844, %dma_start3A_845] : memref<320x128xf32, #tpu.memory_space<vmem>> -> memref<16x128xf32, #tpu.memory_space<vmem>>
    %dma_start3A_847 = arith.constant 272 : i32
    %dma_start3A_848 = tpu.memref_slice %arg15[%dma_start3A_847] : memref<320xi32, #tpu.memory_space<vmem>> -> memref<16xi32, #tpu.memory_space<vmem>>
    %dma_start3A_849 = arith.constant 0 : i32
    %dma_start3A_850 = arith.constant 0 : i32
    %dma_start3A_851 = tpu.memref_slice %arg5[%dma_start3A_849, %dma_start3A_850] : memref<10000x128xf32, #tpu.memory_space<hbm>> -> memref<10000x128xf32, #tpu.memory_space<hbm>>
    tpu.enqueue_indirect_dma source(%dma_start3A_851 : memref<10000x128xf32, #tpu.memory_space<hbm>>) target(%dma_start3A_846 : memref<16x128xf32, #tpu.memory_space<vmem>>) offsets(%dma_start3A_848 : memref<16xi32, #tpu.memory_space<vmem>>) semaphore(%arg23 : memref<!tpu.dma_semaphore, #tpu.memory_space<semaphore_mem>>)
    %dma_start3A_852 = arith.constant 288 : i32
    %dma_start3A_853 = arith.constant 0 : i32
    %dma_start3A_854 = tpu.memref_slice %arg17[%dma_start3A_852, %dma_start3A_853] : memref<320x128xf32, #tpu.memory_space<vmem>> -> memref<16x128xf32, #tpu.memory_space<vmem>>
    %dma_start3A_855 = arith.constant 288 : i32
    %dma_start3A_856 = tpu.memref_slice %arg15[%dma_start3A_855] : memref<320xi32, #tpu.memory_space<vmem>> -> memref<16xi32, #tpu.memory_space<vmem>>
    %dma_start3A_857 = arith.constant 0 : i32
    %dma_start3A_858 = arith.constant 0 : i32
    %dma_start3A_859 = tpu.memref_slice %arg5[%dma_start3A_857, %dma_start3A_858] : memref<10000x128xf32, #tpu.memory_space<hbm>> -> memref<10000x128xf32, #tpu.memory_space<hbm>>
    tpu.enqueue_indirect_dma source(%dma_start3A_859 : memref<10000x128xf32, #tpu.memory_space<hbm>>) target(%dma_start3A_854 : memref<16x128xf32, #tpu.memory_space<vmem>>) offsets(%dma_start3A_856 : memref<16xi32, #tpu.memory_space<vmem>>) semaphore(%arg23 : memref<!tpu.dma_semaphore, #tpu.memory_space<semaphore_mem>>)
    %dma_start3A_860 = arith.constant 304 : i32
    %dma_start3A_861 = arith.constant 0 : i32
    %dma_start3A_862 = tpu.memref_slice %arg17[%dma_start3A_860, %dma_start3A_861] : memref<320x128xf32, #tpu.memory_space<vmem>> -> memref<16x128xf32, #tpu.memory_space<vmem>>
    %dma_start3A_863 = arith.constant 304 : i32
    %dma_start3A_864 = tpu.memref_slice %arg15[%dma_start3A_863] : memref<320xi32, #tpu.memory_space<vmem>> -> memref<16xi32, #tpu.memory_space<vmem>>
    %dma_start3A_865 = arith.constant 0 : i32
    %dma_start3A_866 = arith.constant 0 : i32
    %dma_start3A_867 = tpu.memref_slice %arg5[%dma_start3A_865, %dma_start3A_866] : memref<10000x128xf32, #tpu.memory_space<hbm>> -> memref<10000x128xf32, #tpu.memory_space<hbm>>
    tpu.enqueue_indirect_dma source(%dma_start3A_867 : memref<10000x128xf32, #tpu.memory_space<hbm>>) target(%dma_start3A_862 : memref<16x128xf32, #tpu.memory_space<vmem>>) offsets(%dma_start3A_864 : memref<16xi32, #tpu.memory_space<vmem>>) semaphore(%arg23 : memref<!tpu.dma_semaphore, #tpu.memory_space<semaphore_mem>>)
    %dma_wait3A_868 = arith.constant 0 : i32
    %dma_wait3A_869 = arith.constant 0 : i32
    %dma_wait3A_870 = tpu.memref_slice %arg16[%dma_wait3A_868, %dma_wait3A_869] : memref<320x128xf32, #tpu.memory_space<vmem>> -> memref<16x128xf32, #tpu.memory_space<vmem>>
    %dma_wait3A_871 = arith.constant 0 : i32
    %dma_wait3A_872 = tpu.memref_slice %arg14[%dma_wait3A_871] : memref<320xi32, #tpu.memory_space<vmem>> -> memref<16xi32, #tpu.memory_space<vmem>>
    %dma_wait3A_873 = arith.constant 0 : i32
    %dma_wait3A_874 = arith.constant 0 : i32
    %dma_wait3A_875 = tpu.memref_slice %arg5[%dma_wait3A_873, %dma_wait3A_874] : memref<10000x128xf32, #tpu.memory_space<hbm>> -> memref<10000x128xf32, #tpu.memory_space<hbm>>
    tpu.wait_indirect_dma semaphore(%arg22 : memref<!tpu.dma_semaphore, #tpu.memory_space<semaphore_mem>>) src(%dma_wait3A_875 : memref<10000x128xf32, #tpu.memory_space<hbm>>) dst(%dma_wait3A_870 : memref<16x128xf32, #tpu.memory_space<vmem>>)
    %dma_wait3A_876 = arith.constant 16 : i32
    %dma_wait3A_877 = arith.constant 0 : i32
    %dma_wait3A_878 = tpu.memref_slice %arg16[%dma_wait3A_876, %dma_wait3A_877] : memref<320x128xf32, #tpu.memory_space<vmem>> -> memref<16x128xf32, #tpu.memory_space<vmem>>
    %dma_wait3A_879 = arith.constant 16 : i32
    %dma_wait3A_880 = tpu.memref_slice %arg14[%dma_wait3A_879] : memref<320xi32, #tpu.memory_space<vmem>> -> memref<16xi32, #tpu.memory_space<vmem>>
    %dma_wait3A_881 = arith.constant 0 : i32
    %dma_wait3A_882 = arith.constant 0 : i32
    %dma_wait3A_883 = tpu.memref_slice %arg5[%dma_wait3A_881, %dma_wait3A_882] : memref<10000x128xf32, #tpu.memory_space<hbm>> -> memref<10000x128xf32, #tpu.memory_space<hbm>>
    tpu.wait_indirect_dma semaphore(%arg22 : memref<!tpu.dma_semaphore, #tpu.memory_space<semaphore_mem>>) src(%dma_wait3A_883 : memref<10000x128xf32, #tpu.memory_space<hbm>>) dst(%dma_wait3A_878 : memref<16x128xf32, #tpu.memory_space<vmem>>)
    %dma_wait3A_884 = arith.constant 32 : i32
    %dma_wait3A_885 = arith.constant 0 : i32
    %dma_wait3A_886 = tpu.memref_slice %arg16[%dma_wait3A_884, %dma_wait3A_885] : memref<320x128xf32, #tpu.memory_space<vmem>> -> memref<16x128xf32, #tpu.memory_space<vmem>>
    %dma_wait3A_887 = arith.constant 32 : i32
    %dma_wait3A_888 = tpu.memref_slice %arg14[%dma_wait3A_887] : memref<320xi32, #tpu.memory_space<vmem>> -> memref<16xi32, #tpu.memory_space<vmem>>
    %dma_wait3A_889 = arith.constant 0 : i32
    %dma_wait3A_890 = arith.constant 0 : i32
    %dma_wait3A_891 = tpu.memref_slice %arg5[%dma_wait3A_889, %dma_wait3A_890] : memref<10000x128xf32, #tpu.memory_space<hbm>> -> memref<10000x128xf32, #tpu.memory_space<hbm>>
    tpu.wait_indirect_dma semaphore(%arg22 : memref<!tpu.dma_semaphore, #tpu.memory_space<semaphore_mem>>) src(%dma_wait3A_891 : memref<10000x128xf32, #tpu.memory_space<hbm>>) dst(%dma_wait3A_886 : memref<16x128xf32, #tpu.memory_space<vmem>>)
    %dma_wait3A_892 = arith.constant 48 : i32
    %dma_wait3A_893 = arith.constant 0 : i32
    %dma_wait3A_894 = tpu.memref_slice %arg16[%dma_wait3A_892, %dma_wait3A_893] : memref<320x128xf32, #tpu.memory_space<vmem>> -> memref<16x128xf32, #tpu.memory_space<vmem>>
    %dma_wait3A_895 = arith.constant 48 : i32
    %dma_wait3A_896 = tpu.memref_slice %arg14[%dma_wait3A_895] : memref<320xi32, #tpu.memory_space<vmem>> -> memref<16xi32, #tpu.memory_space<vmem>>
    %dma_wait3A_897 = arith.constant 0 : i32
    %dma_wait3A_898 = arith.constant 0 : i32
    %dma_wait3A_899 = tpu.memref_slice %arg5[%dma_wait3A_897, %dma_wait3A_898] : memref<10000x128xf32, #tpu.memory_space<hbm>> -> memref<10000x128xf32, #tpu.memory_space<hbm>>
    tpu.wait_indirect_dma semaphore(%arg22 : memref<!tpu.dma_semaphore, #tpu.memory_space<semaphore_mem>>) src(%dma_wait3A_899 : memref<10000x128xf32, #tpu.memory_space<hbm>>) dst(%dma_wait3A_894 : memref<16x128xf32, #tpu.memory_space<vmem>>)
    %dma_wait3A_900 = arith.constant 64 : i32
    %dma_wait3A_901 = arith.constant 0 : i32
    %dma_wait3A_902 = tpu.memref_slice %arg16[%dma_wait3A_900, %dma_wait3A_901] : memref<320x128xf32, #tpu.memory_space<vmem>> -> memref<16x128xf32, #tpu.memory_space<vmem>>
    %dma_wait3A_903 = arith.constant 64 : i32
    %dma_wait3A_904 = tpu.memref_slice %arg14[%dma_wait3A_903] : memref<320xi32, #tpu.memory_space<vmem>> -> memref<16xi32, #tpu.memory_space<vmem>>
    %dma_wait3A_905 = arith.constant 0 : i32
    %dma_wait3A_906 = arith.constant 0 : i32
    %dma_wait3A_907 = tpu.memref_slice %arg5[%dma_wait3A_905, %dma_wait3A_906] : memref<10000x128xf32, #tpu.memory_space<hbm>> -> memref<10000x128xf32, #tpu.memory_space<hbm>>
    tpu.wait_indirect_dma semaphore(%arg22 : memref<!tpu.dma_semaphore, #tpu.memory_space<semaphore_mem>>) src(%dma_wait3A_907 : memref<10000x128xf32, #tpu.memory_space<hbm>>) dst(%dma_wait3A_902 : memref<16x128xf32, #tpu.memory_space<vmem>>)
    %dma_wait3A_908 = arith.constant 80 : i32
    %dma_wait3A_909 = arith.constant 0 : i32
    %dma_wait3A_910 = tpu.memref_slice %arg16[%dma_wait3A_908, %dma_wait3A_909] : memref<320x128xf32, #tpu.memory_space<vmem>> -> memref<16x128xf32, #tpu.memory_space<vmem>>
    %dma_wait3A_911 = arith.constant 80 : i32
    %dma_wait3A_912 = tpu.memref_slice %arg14[%dma_wait3A_911] : memref<320xi32, #tpu.memory_space<vmem>> -> memref<16xi32, #tpu.memory_space<vmem>>
    %dma_wait3A_913 = arith.constant 0 : i32
    %dma_wait3A_914 = arith.constant 0 : i32
    %dma_wait3A_915 = tpu.memref_slice %arg5[%dma_wait3A_913, %dma_wait3A_914] : memref<10000x128xf32, #tpu.memory_space<hbm>> -> memref<10000x128xf32, #tpu.memory_space<hbm>>
    tpu.wait_indirect_dma semaphore(%arg22 : memref<!tpu.dma_semaphore, #tpu.memory_space<semaphore_mem>>) src(%dma_wait3A_915 : memref<10000x128xf32, #tpu.memory_space<hbm>>) dst(%dma_wait3A_910 : memref<16x128xf32, #tpu.memory_space<vmem>>)
    %dma_wait3A_916 = arith.constant 96 : i32
    %dma_wait3A_917 = arith.constant 0 : i32
    %dma_wait3A_918 = tpu.memref_slice %arg16[%dma_wait3A_916, %dma_wait3A_917] : memref<320x128xf32, #tpu.memory_space<vmem>> -> memref<16x128xf32, #tpu.memory_space<vmem>>
    %dma_wait3A_919 = arith.constant 96 : i32
    %dma_wait3A_920 = tpu.memref_slice %arg14[%dma_wait3A_919] : memref<320xi32, #tpu.memory_space<vmem>> -> memref<16xi32, #tpu.memory_space<vmem>>
    %dma_wait3A_921 = arith.constant 0 : i32
    %dma_wait3A_922 = arith.constant 0 : i32
    %dma_wait3A_923 = tpu.memref_slice %arg5[%dma_wait3A_921, %dma_wait3A_922] : memref<10000x128xf32, #tpu.memory_space<hbm>> -> memref<10000x128xf32, #tpu.memory_space<hbm>>
    tpu.wait_indirect_dma semaphore(%arg22 : memref<!tpu.dma_semaphore, #tpu.memory_space<semaphore_mem>>) src(%dma_wait3A_923 : memref<10000x128xf32, #tpu.memory_space<hbm>>) dst(%dma_wait3A_918 : memref<16x128xf32, #tpu.memory_space<vmem>>)
    %dma_wait3A_924 = arith.constant 112 : i32
    %dma_wait3A_925 = arith.constant 0 : i32
    %dma_wait3A_926 = tpu.memref_slice %arg16[%dma_wait3A_924, %dma_wait3A_925] : memref<320x128xf32, #tpu.memory_space<vmem>> -> memref<16x128xf32, #tpu.memory_space<vmem>>
    %dma_wait3A_927 = arith.constant 112 : i32
    %dma_wait3A_928 = tpu.memref_slice %arg14[%dma_wait3A_927] : memref<320xi32, #tpu.memory_space<vmem>> -> memref<16xi32, #tpu.memory_space<vmem>>
    %dma_wait3A_929 = arith.constant 0 : i32
    %dma_wait3A_930 = arith.constant 0 : i32
    %dma_wait3A_931 = tpu.memref_slice %arg5[%dma_wait3A_929, %dma_wait3A_930] : memref<10000x128xf32, #tpu.memory_space<hbm>> -> memref<10000x128xf32, #tpu.memory_space<hbm>>
    tpu.wait_indirect_dma semaphore(%arg22 : memref<!tpu.dma_semaphore, #tpu.memory_space<semaphore_mem>>) src(%dma_wait3A_931 : memref<10000x128xf32, #tpu.memory_space<hbm>>) dst(%dma_wait3A_926 : memref<16x128xf32, #tpu.memory_space<vmem>>)
    %dma_wait3A_932 = arith.constant 128 : i32
    %dma_wait3A_933 = arith.constant 0 : i32
    %dma_wait3A_934 = tpu.memref_slice %arg16[%dma_wait3A_932, %dma_wait3A_933] : memref<320x128xf32, #tpu.memory_space<vmem>> -> memref<16x128xf32, #tpu.memory_space<vmem>>
    %dma_wait3A_935 = arith.constant 128 : i32
    %dma_wait3A_936 = tpu.memref_slice %arg14[%dma_wait3A_935] : memref<320xi32, #tpu.memory_space<vmem>> -> memref<16xi32, #tpu.memory_space<vmem>>
    %dma_wait3A_937 = arith.constant 0 : i32
    %dma_wait3A_938 = arith.constant 0 : i32
    %dma_wait3A_939 = tpu.memref_slice %arg5[%dma_wait3A_937, %dma_wait3A_938] : memref<10000x128xf32, #tpu.memory_space<hbm>> -> memref<10000x128xf32, #tpu.memory_space<hbm>>
    tpu.wait_indirect_dma semaphore(%arg22 : memref<!tpu.dma_semaphore, #tpu.memory_space<semaphore_mem>>) src(%dma_wait3A_939 : memref<10000x128xf32, #tpu.memory_space<hbm>>) dst(%dma_wait3A_934 : memref<16x128xf32, #tpu.memory_space<vmem>>)
    %dma_wait3A_940 = arith.constant 144 : i32
    %dma_wait3A_941 = arith.constant 0 : i32
    %dma_wait3A_942 = tpu.memref_slice %arg16[%dma_wait3A_940, %dma_wait3A_941] : memref<320x128xf32, #tpu.memory_space<vmem>> -> memref<16x128xf32, #tpu.memory_space<vmem>>
    %dma_wait3A_943 = arith.constant 144 : i32
    %dma_wait3A_944 = tpu.memref_slice %arg14[%dma_wait3A_943] : memref<320xi32, #tpu.memory_space<vmem>> -> memref<16xi32, #tpu.memory_space<vmem>>
    %dma_wait3A_945 = arith.constant 0 : i32
    %dma_wait3A_946 = arith.constant 0 : i32
    %dma_wait3A_947 = tpu.memref_slice %arg5[%dma_wait3A_945, %dma_wait3A_946] : memref<10000x128xf32, #tpu.memory_space<hbm>> -> memref<10000x128xf32, #tpu.memory_space<hbm>>
    tpu.wait_indirect_dma semaphore(%arg22 : memref<!tpu.dma_semaphore, #tpu.memory_space<semaphore_mem>>) src(%dma_wait3A_947 : memref<10000x128xf32, #tpu.memory_space<hbm>>) dst(%dma_wait3A_942 : memref<16x128xf32, #tpu.memory_space<vmem>>)
    %dma_wait3A_948 = arith.constant 160 : i32
    %dma_wait3A_949 = arith.constant 0 : i32
    %dma_wait3A_950 = tpu.memref_slice %arg16[%dma_wait3A_948, %dma_wait3A_949] : memref<320x128xf32, #tpu.memory_space<vmem>> -> memref<16x128xf32, #tpu.memory_space<vmem>>
    %dma_wait3A_951 = arith.constant 160 : i32
    %dma_wait3A_952 = tpu.memref_slice %arg14[%dma_wait3A_951] : memref<320xi32, #tpu.memory_space<vmem>> -> memref<16xi32, #tpu.memory_space<vmem>>
    %dma_wait3A_953 = arith.constant 0 : i32
    %dma_wait3A_954 = arith.constant 0 : i32
    %dma_wait3A_955 = tpu.memref_slice %arg5[%dma_wait3A_953, %dma_wait3A_954] : memref<10000x128xf32, #tpu.memory_space<hbm>> -> memref<10000x128xf32, #tpu.memory_space<hbm>>
    tpu.wait_indirect_dma semaphore(%arg22 : memref<!tpu.dma_semaphore, #tpu.memory_space<semaphore_mem>>) src(%dma_wait3A_955 : memref<10000x128xf32, #tpu.memory_space<hbm>>) dst(%dma_wait3A_950 : memref<16x128xf32, #tpu.memory_space<vmem>>)
    %dma_wait3A_956 = arith.constant 176 : i32
    %dma_wait3A_957 = arith.constant 0 : i32
    %dma_wait3A_958 = tpu.memref_slice %arg16[%dma_wait3A_956, %dma_wait3A_957] : memref<320x128xf32, #tpu.memory_space<vmem>> -> memref<16x128xf32, #tpu.memory_space<vmem>>
    %dma_wait3A_959 = arith.constant 176 : i32
    %dma_wait3A_960 = tpu.memref_slice %arg14[%dma_wait3A_959] : memref<320xi32, #tpu.memory_space<vmem>> -> memref<16xi32, #tpu.memory_space<vmem>>
    %dma_wait3A_961 = arith.constant 0 : i32
    %dma_wait3A_962 = arith.constant 0 : i32
    %dma_wait3A_963 = tpu.memref_slice %arg5[%dma_wait3A_961, %dma_wait3A_962] : memref<10000x128xf32, #tpu.memory_space<hbm>> -> memref<10000x128xf32, #tpu.memory_space<hbm>>
    tpu.wait_indirect_dma semaphore(%arg22 : memref<!tpu.dma_semaphore, #tpu.memory_space<semaphore_mem>>) src(%dma_wait3A_963 : memref<10000x128xf32, #tpu.memory_space<hbm>>) dst(%dma_wait3A_958 : memref<16x128xf32, #tpu.memory_space<vmem>>)
    %dma_wait3A_964 = arith.constant 192 : i32
    %dma_wait3A_965 = arith.constant 0 : i32
    %dma_wait3A_966 = tpu.memref_slice %arg16[%dma_wait3A_964, %dma_wait3A_965] : memref<320x128xf32, #tpu.memory_space<vmem>> -> memref<16x128xf32, #tpu.memory_space<vmem>>
    %dma_wait3A_967 = arith.constant 192 : i32
    %dma_wait3A_968 = tpu.memref_slice %arg14[%dma_wait3A_967] : memref<320xi32, #tpu.memory_space<vmem>> -> memref<16xi32, #tpu.memory_space<vmem>>
    %dma_wait3A_969 = arith.constant 0 : i32
    %dma_wait3A_970 = arith.constant 0 : i32
    %dma_wait3A_971 = tpu.memref_slice %arg5[%dma_wait3A_969, %dma_wait3A_970] : memref<10000x128xf32, #tpu.memory_space<hbm>> -> memref<10000x128xf32, #tpu.memory_space<hbm>>
    tpu.wait_indirect_dma semaphore(%arg22 : memref<!tpu.dma_semaphore, #tpu.memory_space<semaphore_mem>>) src(%dma_wait3A_971 : memref<10000x128xf32, #tpu.memory_space<hbm>>) dst(%dma_wait3A_966 : memref<16x128xf32, #tpu.memory_space<vmem>>)
    %dma_wait3A_972 = arith.constant 208 : i32
    %dma_wait3A_973 = arith.constant 0 : i32
    %dma_wait3A_974 = tpu.memref_slice %arg16[%dma_wait3A_972, %dma_wait3A_973] : memref<320x128xf32, #tpu.memory_space<vmem>> -> memref<16x128xf32, #tpu.memory_space<vmem>>
    %dma_wait3A_975 = arith.constant 208 : i32
    %dma_wait3A_976 = tpu.memref_slice %arg14[%dma_wait3A_975] : memref<320xi32, #tpu.memory_space<vmem>> -> memref<16xi32, #tpu.memory_space<vmem>>
    %dma_wait3A_977 = arith.constant 0 : i32
    %dma_wait3A_978 = arith.constant 0 : i32
    %dma_wait3A_979 = tpu.memref_slice %arg5[%dma_wait3A_977, %dma_wait3A_978] : memref<10000x128xf32, #tpu.memory_space<hbm>> -> memref<10000x128xf32, #tpu.memory_space<hbm>>
    tpu.wait_indirect_dma semaphore(%arg22 : memref<!tpu.dma_semaphore, #tpu.memory_space<semaphore_mem>>) src(%dma_wait3A_979 : memref<10000x128xf32, #tpu.memory_space<hbm>>) dst(%dma_wait3A_974 : memref<16x128xf32, #tpu.memory_space<vmem>>)
    %dma_wait3A_980 = arith.constant 224 : i32
    %dma_wait3A_981 = arith.constant 0 : i32
    %dma_wait3A_982 = tpu.memref_slice %arg16[%dma_wait3A_980, %dma_wait3A_981] : memref<320x128xf32, #tpu.memory_space<vmem>> -> memref<16x128xf32, #tpu.memory_space<vmem>>
    %dma_wait3A_983 = arith.constant 224 : i32
    %dma_wait3A_984 = tpu.memref_slice %arg14[%dma_wait3A_983] : memref<320xi32, #tpu.memory_space<vmem>> -> memref<16xi32, #tpu.memory_space<vmem>>
    %dma_wait3A_985 = arith.constant 0 : i32
    %dma_wait3A_986 = arith.constant 0 : i32
    %dma_wait3A_987 = tpu.memref_slice %arg5[%dma_wait3A_985, %dma_wait3A_986] : memref<10000x128xf32, #tpu.memory_space<hbm>> -> memref<10000x128xf32, #tpu.memory_space<hbm>>
    tpu.wait_indirect_dma semaphore(%arg22 : memref<!tpu.dma_semaphore, #tpu.memory_space<semaphore_mem>>) src(%dma_wait3A_987 : memref<10000x128xf32, #tpu.memory_space<hbm>>) dst(%dma_wait3A_982 : memref<16x128xf32, #tpu.memory_space<vmem>>)
    %dma_wait3A_988 = arith.constant 240 : i32
    %dma_wait3A_989 = arith.constant 0 : i32
    %dma_wait3A_990 = tpu.memref_slice %arg16[%dma_wait3A_988, %dma_wait3A_989] : memref<320x128xf32, #tpu.memory_space<vmem>> -> memref<16x128xf32, #tpu.memory_space<vmem>>
    %dma_wait3A_991 = arith.constant 240 : i32
    %dma_wait3A_992 = tpu.memref_slice %arg14[%dma_wait3A_991] : memref<320xi32, #tpu.memory_space<vmem>> -> memref<16xi32, #tpu.memory_space<vmem>>
    %dma_wait3A_993 = arith.constant 0 : i32
    %dma_wait3A_994 = arith.constant 0 : i32
    %dma_wait3A_995 = tpu.memref_slice %arg5[%dma_wait3A_993, %dma_wait3A_994] : memref<10000x128xf32, #tpu.memory_space<hbm>> -> memref<10000x128xf32, #tpu.memory_space<hbm>>
    tpu.wait_indirect_dma semaphore(%arg22 : memref<!tpu.dma_semaphore, #tpu.memory_space<semaphore_mem>>) src(%dma_wait3A_995 : memref<10000x128xf32, #tpu.memory_space<hbm>>) dst(%dma_wait3A_990 : memref<16x128xf32, #tpu.memory_space<vmem>>)
    %dma_wait3A_996 = arith.constant 256 : i32
    %dma_wait3A_997 = arith.constant 0 : i32
    %dma_wait3A_998 = tpu.memref_slice %arg16[%dma_wait3A_996, %dma_wait3A_997] : memref<320x128xf32, #tpu.memory_space<vmem>> -> memref<16x128xf32, #tpu.memory_space<vmem>>
    %dma_wait3A_999 = arith.constant 256 : i32
    %dma_wait3A_1000 = tpu.memref_slice %arg14[%dma_wait3A_999] : memref<320xi32, #tpu.memory_space<vmem>> -> memref<16xi32, #tpu.memory_space<vmem>>
    %dma_wait3A_1001 = arith.constant 0 : i32
    %dma_wait3A_1002 = arith.constant 0 : i32
    %dma_wait3A_1003 = tpu.memref_slice %arg5[%dma_wait3A_1001, %dma_wait3A_1002] : memref<10000x128xf32, #tpu.memory_space<hbm>> -> memref<10000x128xf32, #tpu.memory_space<hbm>>
    tpu.wait_indirect_dma semaphore(%arg22 : memref<!tpu.dma_semaphore, #tpu.memory_space<semaphore_mem>>) src(%dma_wait3A_1003 : memref<10000x128xf32, #tpu.memory_space<hbm>>) dst(%dma_wait3A_998 : memref<16x128xf32, #tpu.memory_space<vmem>>)
    %dma_wait3A_1004 = arith.constant 272 : i32
    %dma_wait3A_1005 = arith.constant 0 : i32
    %dma_wait3A_1006 = tpu.memref_slice %arg16[%dma_wait3A_1004, %dma_wait3A_1005] : memref<320x128xf32, #tpu.memory_space<vmem>> -> memref<16x128xf32, #tpu.memory_space<vmem>>
    %dma_wait3A_1007 = arith.constant 272 : i32
    %dma_wait3A_1008 = tpu.memref_slice %arg14[%dma_wait3A_1007] : memref<320xi32, #tpu.memory_space<vmem>> -> memref<16xi32, #tpu.memory_space<vmem>>
    %dma_wait3A_1009 = arith.constant 0 : i32
    %dma_wait3A_1010 = arith.constant 0 : i32
    %dma_wait3A_1011 = tpu.memref_slice %arg5[%dma_wait3A_1009, %dma_wait3A_1010] : memref<10000x128xf32, #tpu.memory_space<hbm>> -> memref<10000x128xf32, #tpu.memory_space<hbm>>
    tpu.wait_indirect_dma semaphore(%arg22 : memref<!tpu.dma_semaphore, #tpu.memory_space<semaphore_mem>>) src(%dma_wait3A_1011 : memref<10000x128xf32, #tpu.memory_space<hbm>>) dst(%dma_wait3A_1006 : memref<16x128xf32, #tpu.memory_space<vmem>>)
    %dma_wait3A_1012 = arith.constant 288 : i32
    %dma_wait3A_1013 = arith.constant 0 : i32
    %dma_wait3A_1014 = tpu.memref_slice %arg16[%dma_wait3A_1012, %dma_wait3A_1013] : memref<320x128xf32, #tpu.memory_space<vmem>> -> memref<16x128xf32, #tpu.memory_space<vmem>>
    %dma_wait3A_1015 = arith.constant 288 : i32
    %dma_wait3A_1016 = tpu.memref_slice %arg14[%dma_wait3A_1015] : memref<320xi32, #tpu.memory_space<vmem>> -> memref<16xi32, #tpu.memory_space<vmem>>
    %dma_wait3A_1017 = arith.constant 0 : i32
    %dma_wait3A_1018 = arith.constant 0 : i32
    %dma_wait3A_1019 = tpu.memref_slice %arg5[%dma_wait3A_1017, %dma_wait3A_1018] : memref<10000x128xf32, #tpu.memory_space<hbm>> -> memref<10000x128xf32, #tpu.memory_space<hbm>>
    tpu.wait_indirect_dma semaphore(%arg22 : memref<!tpu.dma_semaphore, #tpu.memory_space<semaphore_mem>>) src(%dma_wait3A_1019 : memref<10000x128xf32, #tpu.memory_space<hbm>>) dst(%dma_wait3A_1014 : memref<16x128xf32, #tpu.memory_space<vmem>>)
    %dma_wait3A_1020 = arith.constant 304 : i32
    %dma_wait3A_1021 = arith.constant 0 : i32
    %dma_wait3A_1022 = tpu.memref_slice %arg16[%dma_wait3A_1020, %dma_wait3A_1021] : memref<320x128xf32, #tpu.memory_space<vmem>> -> memref<16x128xf32, #tpu.memory_space<vmem>>
    %dma_wait3A_1023 = arith.constant 304 : i32
    %dma_wait3A_1024 = tpu.memref_slice %arg14[%dma_wait3A_1023] : memref<320xi32, #tpu.memory_space<vmem>> -> memref<16xi32, #tpu.memory_space<vmem>>
    %dma_wait3A_1025 = arith.constant 0 : i32
    %dma_wait3A_1026 = arith.constant 0 : i32
    %dma_wait3A_1027 = tpu.memref_slice %arg5[%dma_wait3A_1025, %dma_wait3A_1026] : memref<10000x128xf32, #tpu.memory_space<hbm>> -> memref<10000x128xf32, #tpu.memory_space<hbm>>
    tpu.wait_indirect_dma semaphore(%arg22 : memref<!tpu.dma_semaphore, #tpu.memory_space<semaphore_mem>>) src(%dma_wait3A_1027 : memref<10000x128xf32, #tpu.memory_space<hbm>>) dst(%dma_wait3A_1022 : memref<16x128xf32, #tpu.memory_space<vmem>>)
    %dma_wait3A_1028 = arith.constant 0 : i32
    %dma_wait3A_1029 = arith.constant 0 : i32
    %dma_wait3A_1030 = tpu.memref_slice %arg17[%dma_wait3A_1028, %dma_wait3A_1029] : memref<320x128xf32, #tpu.memory_space<vmem>> -> memref<16x128xf32, #tpu.memory_space<vmem>>
    %dma_wait3A_1031 = arith.constant 0 : i32
    %dma_wait3A_1032 = tpu.memref_slice %arg15[%dma_wait3A_1031] : memref<320xi32, #tpu.memory_space<vmem>> -> memref<16xi32, #tpu.memory_space<vmem>>
    %dma_wait3A_1033 = arith.constant 0 : i32
    %dma_wait3A_1034 = arith.constant 0 : i32
    %dma_wait3A_1035 = tpu.memref_slice %arg5[%dma_wait3A_1033, %dma_wait3A_1034] : memref<10000x128xf32, #tpu.memory_space<hbm>> -> memref<10000x128xf32, #tpu.memory_space<hbm>>
    tpu.wait_indirect_dma semaphore(%arg23 : memref<!tpu.dma_semaphore, #tpu.memory_space<semaphore_mem>>) src(%dma_wait3A_1035 : memref<10000x128xf32, #tpu.memory_space<hbm>>) dst(%dma_wait3A_1030 : memref<16x128xf32, #tpu.memory_space<vmem>>)
    %dma_wait3A_1036 = arith.constant 16 : i32
    %dma_wait3A_1037 = arith.constant 0 : i32
    %dma_wait3A_1038 = tpu.memref_slice %arg17[%dma_wait3A_1036, %dma_wait3A_1037] : memref<320x128xf32, #tpu.memory_space<vmem>> -> memref<16x128xf32, #tpu.memory_space<vmem>>
    %dma_wait3A_1039 = arith.constant 16 : i32
    %dma_wait3A_1040 = tpu.memref_slice %arg15[%dma_wait3A_1039] : memref<320xi32, #tpu.memory_space<vmem>> -> memref<16xi32, #tpu.memory_space<vmem>>
    %dma_wait3A_1041 = arith.constant 0 : i32
    %dma_wait3A_1042 = arith.constant 0 : i32
    %dma_wait3A_1043 = tpu.memref_slice %arg5[%dma_wait3A_1041, %dma_wait3A_1042] : memref<10000x128xf32, #tpu.memory_space<hbm>> -> memref<10000x128xf32, #tpu.memory_space<hbm>>
    tpu.wait_indirect_dma semaphore(%arg23 : memref<!tpu.dma_semaphore, #tpu.memory_space<semaphore_mem>>) src(%dma_wait3A_1043 : memref<10000x128xf32, #tpu.memory_space<hbm>>) dst(%dma_wait3A_1038 : memref<16x128xf32, #tpu.memory_space<vmem>>)
    %dma_wait3A_1044 = arith.constant 32 : i32
    %dma_wait3A_1045 = arith.constant 0 : i32
    %dma_wait3A_1046 = tpu.memref_slice %arg17[%dma_wait3A_1044, %dma_wait3A_1045] : memref<320x128xf32, #tpu.memory_space<vmem>> -> memref<16x128xf32, #tpu.memory_space<vmem>>
    %dma_wait3A_1047 = arith.constant 32 : i32
    %dma_wait3A_1048 = tpu.memref_slice %arg15[%dma_wait3A_1047] : memref<320xi32, #tpu.memory_space<vmem>> -> memref<16xi32, #tpu.memory_space<vmem>>
    %dma_wait3A_1049 = arith.constant 0 : i32
    %dma_wait3A_1050 = arith.constant 0 : i32
    %dma_wait3A_1051 = tpu.memref_slice %arg5[%dma_wait3A_1049, %dma_wait3A_1050] : memref<10000x128xf32, #tpu.memory_space<hbm>> -> memref<10000x128xf32, #tpu.memory_space<hbm>>
    tpu.wait_indirect_dma semaphore(%arg23 : memref<!tpu.dma_semaphore, #tpu.memory_space<semaphore_mem>>) src(%dma_wait3A_1051 : memref<10000x128xf32, #tpu.memory_space<hbm>>) dst(%dma_wait3A_1046 : memref<16x128xf32, #tpu.memory_space<vmem>>)
    %dma_wait3A_1052 = arith.constant 48 : i32
    %dma_wait3A_1053 = arith.constant 0 : i32
    %dma_wait3A_1054 = tpu.memref_slice %arg17[%dma_wait3A_1052, %dma_wait3A_1053] : memref<320x128xf32, #tpu.memory_space<vmem>> -> memref<16x128xf32, #tpu.memory_space<vmem>>
    %dma_wait3A_1055 = arith.constant 48 : i32
    %dma_wait3A_1056 = tpu.memref_slice %arg15[%dma_wait3A_1055] : memref<320xi32, #tpu.memory_space<vmem>> -> memref<16xi32, #tpu.memory_space<vmem>>
    %dma_wait3A_1057 = arith.constant 0 : i32
    %dma_wait3A_1058 = arith.constant 0 : i32
    %dma_wait3A_1059 = tpu.memref_slice %arg5[%dma_wait3A_1057, %dma_wait3A_1058] : memref<10000x128xf32, #tpu.memory_space<hbm>> -> memref<10000x128xf32, #tpu.memory_space<hbm>>
    tpu.wait_indirect_dma semaphore(%arg23 : memref<!tpu.dma_semaphore, #tpu.memory_space<semaphore_mem>>) src(%dma_wait3A_1059 : memref<10000x128xf32, #tpu.memory_space<hbm>>) dst(%dma_wait3A_1054 : memref<16x128xf32, #tpu.memory_space<vmem>>)
    %dma_wait3A_1060 = arith.constant 64 : i32
    %dma_wait3A_1061 = arith.constant 0 : i32
    %dma_wait3A_1062 = tpu.memref_slice %arg17[%dma_wait3A_1060, %dma_wait3A_1061] : memref<320x128xf32, #tpu.memory_space<vmem>> -> memref<16x128xf32, #tpu.memory_space<vmem>>
    %dma_wait3A_1063 = arith.constant 64 : i32
    %dma_wait3A_1064 = tpu.memref_slice %arg15[%dma_wait3A_1063] : memref<320xi32, #tpu.memory_space<vmem>> -> memref<16xi32, #tpu.memory_space<vmem>>
    %dma_wait3A_1065 = arith.constant 0 : i32
    %dma_wait3A_1066 = arith.constant 0 : i32
    %dma_wait3A_1067 = tpu.memref_slice %arg5[%dma_wait3A_1065, %dma_wait3A_1066] : memref<10000x128xf32, #tpu.memory_space<hbm>> -> memref<10000x128xf32, #tpu.memory_space<hbm>>
    tpu.wait_indirect_dma semaphore(%arg23 : memref<!tpu.dma_semaphore, #tpu.memory_space<semaphore_mem>>) src(%dma_wait3A_1067 : memref<10000x128xf32, #tpu.memory_space<hbm>>) dst(%dma_wait3A_1062 : memref<16x128xf32, #tpu.memory_space<vmem>>)
    %dma_wait3A_1068 = arith.constant 80 : i32
    %dma_wait3A_1069 = arith.constant 0 : i32
    %dma_wait3A_1070 = tpu.memref_slice %arg17[%dma_wait3A_1068, %dma_wait3A_1069] : memref<320x128xf32, #tpu.memory_space<vmem>> -> memref<16x128xf32, #tpu.memory_space<vmem>>
    %dma_wait3A_1071 = arith.constant 80 : i32
    %dma_wait3A_1072 = tpu.memref_slice %arg15[%dma_wait3A_1071] : memref<320xi32, #tpu.memory_space<vmem>> -> memref<16xi32, #tpu.memory_space<vmem>>
    %dma_wait3A_1073 = arith.constant 0 : i32
    %dma_wait3A_1074 = arith.constant 0 : i32
    %dma_wait3A_1075 = tpu.memref_slice %arg5[%dma_wait3A_1073, %dma_wait3A_1074] : memref<10000x128xf32, #tpu.memory_space<hbm>> -> memref<10000x128xf32, #tpu.memory_space<hbm>>
    tpu.wait_indirect_dma semaphore(%arg23 : memref<!tpu.dma_semaphore, #tpu.memory_space<semaphore_mem>>) src(%dma_wait3A_1075 : memref<10000x128xf32, #tpu.memory_space<hbm>>) dst(%dma_wait3A_1070 : memref<16x128xf32, #tpu.memory_space<vmem>>)
    %dma_wait3A_1076 = arith.constant 96 : i32
    %dma_wait3A_1077 = arith.constant 0 : i32
    %dma_wait3A_1078 = tpu.memref_slice %arg17[%dma_wait3A_1076, %dma_wait3A_1077] : memref<320x128xf32, #tpu.memory_space<vmem>> -> memref<16x128xf32, #tpu.memory_space<vmem>>
    %dma_wait3A_1079 = arith.constant 96 : i32
    %dma_wait3A_1080 = tpu.memref_slice %arg15[%dma_wait3A_1079] : memref<320xi32, #tpu.memory_space<vmem>> -> memref<16xi32, #tpu.memory_space<vmem>>
    %dma_wait3A_1081 = arith.constant 0 : i32
    %dma_wait3A_1082 = arith.constant 0 : i32
    %dma_wait3A_1083 = tpu.memref_slice %arg5[%dma_wait3A_1081, %dma_wait3A_1082] : memref<10000x128xf32, #tpu.memory_space<hbm>> -> memref<10000x128xf32, #tpu.memory_space<hbm>>
    tpu.wait_indirect_dma semaphore(%arg23 : memref<!tpu.dma_semaphore, #tpu.memory_space<semaphore_mem>>) src(%dma_wait3A_1083 : memref<10000x128xf32, #tpu.memory_space<hbm>>) dst(%dma_wait3A_1078 : memref<16x128xf32, #tpu.memory_space<vmem>>)
    %dma_wait3A_1084 = arith.constant 112 : i32
    %dma_wait3A_1085 = arith.constant 0 : i32
    %dma_wait3A_1086 = tpu.memref_slice %arg17[%dma_wait3A_1084, %dma_wait3A_1085] : memref<320x128xf32, #tpu.memory_space<vmem>> -> memref<16x128xf32, #tpu.memory_space<vmem>>
    %dma_wait3A_1087 = arith.constant 112 : i32
    %dma_wait3A_1088 = tpu.memref_slice %arg15[%dma_wait3A_1087] : memref<320xi32, #tpu.memory_space<vmem>> -> memref<16xi32, #tpu.memory_space<vmem>>
    %dma_wait3A_1089 = arith.constant 0 : i32
    %dma_wait3A_1090 = arith.constant 0 : i32
    %dma_wait3A_1091 = tpu.memref_slice %arg5[%dma_wait3A_1089, %dma_wait3A_1090] : memref<10000x128xf32, #tpu.memory_space<hbm>> -> memref<10000x128xf32, #tpu.memory_space<hbm>>
    tpu.wait_indirect_dma semaphore(%arg23 : memref<!tpu.dma_semaphore, #tpu.memory_space<semaphore_mem>>) src(%dma_wait3A_1091 : memref<10000x128xf32, #tpu.memory_space<hbm>>) dst(%dma_wait3A_1086 : memref<16x128xf32, #tpu.memory_space<vmem>>)
    %dma_wait3A_1092 = arith.constant 128 : i32
    %dma_wait3A_1093 = arith.constant 0 : i32
    %dma_wait3A_1094 = tpu.memref_slice %arg17[%dma_wait3A_1092, %dma_wait3A_1093] : memref<320x128xf32, #tpu.memory_space<vmem>> -> memref<16x128xf32, #tpu.memory_space<vmem>>
    %dma_wait3A_1095 = arith.constant 128 : i32
    %dma_wait3A_1096 = tpu.memref_slice %arg15[%dma_wait3A_1095] : memref<320xi32, #tpu.memory_space<vmem>> -> memref<16xi32, #tpu.memory_space<vmem>>
    %dma_wait3A_1097 = arith.constant 0 : i32
    %dma_wait3A_1098 = arith.constant 0 : i32
    %dma_wait3A_1099 = tpu.memref_slice %arg5[%dma_wait3A_1097, %dma_wait3A_1098] : memref<10000x128xf32, #tpu.memory_space<hbm>> -> memref<10000x128xf32, #tpu.memory_space<hbm>>
    tpu.wait_indirect_dma semaphore(%arg23 : memref<!tpu.dma_semaphore, #tpu.memory_space<semaphore_mem>>) src(%dma_wait3A_1099 : memref<10000x128xf32, #tpu.memory_space<hbm>>) dst(%dma_wait3A_1094 : memref<16x128xf32, #tpu.memory_space<vmem>>)
    %dma_wait3A_1100 = arith.constant 144 : i32
    %dma_wait3A_1101 = arith.constant 0 : i32
    %dma_wait3A_1102 = tpu.memref_slice %arg17[%dma_wait3A_1100, %dma_wait3A_1101] : memref<320x128xf32, #tpu.memory_space<vmem>> -> memref<16x128xf32, #tpu.memory_space<vmem>>
    %dma_wait3A_1103 = arith.constant 144 : i32
    %dma_wait3A_1104 = tpu.memref_slice %arg15[%dma_wait3A_1103] : memref<320xi32, #tpu.memory_space<vmem>> -> memref<16xi32, #tpu.memory_space<vmem>>
    %dma_wait3A_1105 = arith.constant 0 : i32
    %dma_wait3A_1106 = arith.constant 0 : i32
    %dma_wait3A_1107 = tpu.memref_slice %arg5[%dma_wait3A_1105, %dma_wait3A_1106] : memref<10000x128xf32, #tpu.memory_space<hbm>> -> memref<10000x128xf32, #tpu.memory_space<hbm>>
    tpu.wait_indirect_dma semaphore(%arg23 : memref<!tpu.dma_semaphore, #tpu.memory_space<semaphore_mem>>) src(%dma_wait3A_1107 : memref<10000x128xf32, #tpu.memory_space<hbm>>) dst(%dma_wait3A_1102 : memref<16x128xf32, #tpu.memory_space<vmem>>)
    %dma_wait3A_1108 = arith.constant 160 : i32
    %dma_wait3A_1109 = arith.constant 0 : i32
    %dma_wait3A_1110 = tpu.memref_slice %arg17[%dma_wait3A_1108, %dma_wait3A_1109] : memref<320x128xf32, #tpu.memory_space<vmem>> -> memref<16x128xf32, #tpu.memory_space<vmem>>
    %dma_wait3A_1111 = arith.constant 160 : i32
    %dma_wait3A_1112 = tpu.memref_slice %arg15[%dma_wait3A_1111] : memref<320xi32, #tpu.memory_space<vmem>> -> memref<16xi32, #tpu.memory_space<vmem>>
    %dma_wait3A_1113 = arith.constant 0 : i32
    %dma_wait3A_1114 = arith.constant 0 : i32
    %dma_wait3A_1115 = tpu.memref_slice %arg5[%dma_wait3A_1113, %dma_wait3A_1114] : memref<10000x128xf32, #tpu.memory_space<hbm>> -> memref<10000x128xf32, #tpu.memory_space<hbm>>
    tpu.wait_indirect_dma semaphore(%arg23 : memref<!tpu.dma_semaphore, #tpu.memory_space<semaphore_mem>>) src(%dma_wait3A_1115 : memref<10000x128xf32, #tpu.memory_space<hbm>>) dst(%dma_wait3A_1110 : memref<16x128xf32, #tpu.memory_space<vmem>>)
    %dma_wait3A_1116 = arith.constant 176 : i32
    %dma_wait3A_1117 = arith.constant 0 : i32
    %dma_wait3A_1118 = tpu.memref_slice %arg17[%dma_wait3A_1116, %dma_wait3A_1117] : memref<320x128xf32, #tpu.memory_space<vmem>> -> memref<16x128xf32, #tpu.memory_space<vmem>>
    %dma_wait3A_1119 = arith.constant 176 : i32
    %dma_wait3A_1120 = tpu.memref_slice %arg15[%dma_wait3A_1119] : memref<320xi32, #tpu.memory_space<vmem>> -> memref<16xi32, #tpu.memory_space<vmem>>
    %dma_wait3A_1121 = arith.constant 0 : i32
    %dma_wait3A_1122 = arith.constant 0 : i32
    %dma_wait3A_1123 = tpu.memref_slice %arg5[%dma_wait3A_1121, %dma_wait3A_1122] : memref<10000x128xf32, #tpu.memory_space<hbm>> -> memref<10000x128xf32, #tpu.memory_space<hbm>>
    tpu.wait_indirect_dma semaphore(%arg23 : memref<!tpu.dma_semaphore, #tpu.memory_space<semaphore_mem>>) src(%dma_wait3A_1123 : memref<10000x128xf32, #tpu.memory_space<hbm>>) dst(%dma_wait3A_1118 : memref<16x128xf32, #tpu.memory_space<vmem>>)
    %dma_wait3A_1124 = arith.constant 192 : i32
    %dma_wait3A_1125 = arith.constant 0 : i32
    %dma_wait3A_1126 = tpu.memref_slice %arg17[%dma_wait3A_1124, %dma_wait3A_1125] : memref<320x128xf32, #tpu.memory_space<vmem>> -> memref<16x128xf32, #tpu.memory_space<vmem>>
    %dma_wait3A_1127 = arith.constant 192 : i32
    %dma_wait3A_1128 = tpu.memref_slice %arg15[%dma_wait3A_1127] : memref<320xi32, #tpu.memory_space<vmem>> -> memref<16xi32, #tpu.memory_space<vmem>>
    %dma_wait3A_1129 = arith.constant 0 : i32
    %dma_wait3A_1130 = arith.constant 0 : i32
    %dma_wait3A_1131 = tpu.memref_slice %arg5[%dma_wait3A_1129, %dma_wait3A_1130] : memref<10000x128xf32, #tpu.memory_space<hbm>> -> memref<10000x128xf32, #tpu.memory_space<hbm>>
    tpu.wait_indirect_dma semaphore(%arg23 : memref<!tpu.dma_semaphore, #tpu.memory_space<semaphore_mem>>) src(%dma_wait3A_1131 : memref<10000x128xf32, #tpu.memory_space<hbm>>) dst(%dma_wait3A_1126 : memref<16x128xf32, #tpu.memory_space<vmem>>)
    %dma_wait3A_1132 = arith.constant 208 : i32
    %dma_wait3A_1133 = arith.constant 0 : i32
    %dma_wait3A_1134 = tpu.memref_slice %arg17[%dma_wait3A_1132, %dma_wait3A_1133] : memref<320x128xf32, #tpu.memory_space<vmem>> -> memref<16x128xf32, #tpu.memory_space<vmem>>
    %dma_wait3A_1135 = arith.constant 208 : i32
    %dma_wait3A_1136 = tpu.memref_slice %arg15[%dma_wait3A_1135] : memref<320xi32, #tpu.memory_space<vmem>> -> memref<16xi32, #tpu.memory_space<vmem>>
    %dma_wait3A_1137 = arith.constant 0 : i32
    %dma_wait3A_1138 = arith.constant 0 : i32
    %dma_wait3A_1139 = tpu.memref_slice %arg5[%dma_wait3A_1137, %dma_wait3A_1138] : memref<10000x128xf32, #tpu.memory_space<hbm>> -> memref<10000x128xf32, #tpu.memory_space<hbm>>
    tpu.wait_indirect_dma semaphore(%arg23 : memref<!tpu.dma_semaphore, #tpu.memory_space<semaphore_mem>>) src(%dma_wait3A_1139 : memref<10000x128xf32, #tpu.memory_space<hbm>>) dst(%dma_wait3A_1134 : memref<16x128xf32, #tpu.memory_space<vmem>>)
    %dma_wait3A_1140 = arith.constant 224 : i32
    %dma_wait3A_1141 = arith.constant 0 : i32
    %dma_wait3A_1142 = tpu.memref_slice %arg17[%dma_wait3A_1140, %dma_wait3A_1141] : memref<320x128xf32, #tpu.memory_space<vmem>> -> memref<16x128xf32, #tpu.memory_space<vmem>>
    %dma_wait3A_1143 = arith.constant 224 : i32
    %dma_wait3A_1144 = tpu.memref_slice %arg15[%dma_wait3A_1143] : memref<320xi32, #tpu.memory_space<vmem>> -> memref<16xi32, #tpu.memory_space<vmem>>
    %dma_wait3A_1145 = arith.constant 0 : i32
    %dma_wait3A_1146 = arith.constant 0 : i32
    %dma_wait3A_1147 = tpu.memref_slice %arg5[%dma_wait3A_1145, %dma_wait3A_1146] : memref<10000x128xf32, #tpu.memory_space<hbm>> -> memref<10000x128xf32, #tpu.memory_space<hbm>>
    tpu.wait_indirect_dma semaphore(%arg23 : memref<!tpu.dma_semaphore, #tpu.memory_space<semaphore_mem>>) src(%dma_wait3A_1147 : memref<10000x128xf32, #tpu.memory_space<hbm>>) dst(%dma_wait3A_1142 : memref<16x128xf32, #tpu.memory_space<vmem>>)
    %dma_wait3A_1148 = arith.constant 240 : i32
    %dma_wait3A_1149 = arith.constant 0 : i32
    %dma_wait3A_1150 = tpu.memref_slice %arg17[%dma_wait3A_1148, %dma_wait3A_1149] : memref<320x128xf32, #tpu.memory_space<vmem>> -> memref<16x128xf32, #tpu.memory_space<vmem>>
    %dma_wait3A_1151 = arith.constant 240 : i32
    %dma_wait3A_1152 = tpu.memref_slice %arg15[%dma_wait3A_1151] : memref<320xi32, #tpu.memory_space<vmem>> -> memref<16xi32, #tpu.memory_space<vmem>>
    %dma_wait3A_1153 = arith.constant 0 : i32
    %dma_wait3A_1154 = arith.constant 0 : i32
    %dma_wait3A_1155 = tpu.memref_slice %arg5[%dma_wait3A_1153, %dma_wait3A_1154] : memref<10000x128xf32, #tpu.memory_space<hbm>> -> memref<10000x128xf32, #tpu.memory_space<hbm>>
    tpu.wait_indirect_dma semaphore(%arg23 : memref<!tpu.dma_semaphore, #tpu.memory_space<semaphore_mem>>) src(%dma_wait3A_1155 : memref<10000x128xf32, #tpu.memory_space<hbm>>) dst(%dma_wait3A_1150 : memref<16x128xf32, #tpu.memory_space<vmem>>)
    %dma_wait3A_1156 = arith.constant 256 : i32
    %dma_wait3A_1157 = arith.constant 0 : i32
    %dma_wait3A_1158 = tpu.memref_slice %arg17[%dma_wait3A_1156, %dma_wait3A_1157] : memref<320x128xf32, #tpu.memory_space<vmem>> -> memref<16x128xf32, #tpu.memory_space<vmem>>
    %dma_wait3A_1159 = arith.constant 256 : i32
    %dma_wait3A_1160 = tpu.memref_slice %arg15[%dma_wait3A_1159] : memref<320xi32, #tpu.memory_space<vmem>> -> memref<16xi32, #tpu.memory_space<vmem>>
    %dma_wait3A_1161 = arith.constant 0 : i32
    %dma_wait3A_1162 = arith.constant 0 : i32
    %dma_wait3A_1163 = tpu.memref_slice %arg5[%dma_wait3A_1161, %dma_wait3A_1162] : memref<10000x128xf32, #tpu.memory_space<hbm>> -> memref<10000x128xf32, #tpu.memory_space<hbm>>
    tpu.wait_indirect_dma semaphore(%arg23 : memref<!tpu.dma_semaphore, #tpu.memory_space<semaphore_mem>>) src(%dma_wait3A_1163 : memref<10000x128xf32, #tpu.memory_space<hbm>>) dst(%dma_wait3A_1158 : memref<16x128xf32, #tpu.memory_space<vmem>>)
    %dma_wait3A_1164 = arith.constant 272 : i32
    %dma_wait3A_1165 = arith.constant 0 : i32
    %dma_wait3A_1166 = tpu.memref_slice %arg17[%dma_wait3A_1164, %dma_wait3A_1165] : memref<320x128xf32, #tpu.memory_space<vmem>> -> memref<16x128xf32, #tpu.memory_space<vmem>>
    %dma_wait3A_1167 = arith.constant 272 : i32
    %dma_wait3A_1168 = tpu.memref_slice %arg15[%dma_wait3A_1167] : memref<320xi32, #tpu.memory_space<vmem>> -> memref<16xi32, #tpu.memory_space<vmem>>
    %dma_wait3A_1169 = arith.constant 0 : i32
    %dma_wait3A_1170 = arith.constant 0 : i32
    %dma_wait3A_1171 = tpu.memref_slice %arg5[%dma_wait3A_1169, %dma_wait3A_1170] : memref<10000x128xf32, #tpu.memory_space<hbm>> -> memref<10000x128xf32, #tpu.memory_space<hbm>>
    tpu.wait_indirect_dma semaphore(%arg23 : memref<!tpu.dma_semaphore, #tpu.memory_space<semaphore_mem>>) src(%dma_wait3A_1171 : memref<10000x128xf32, #tpu.memory_space<hbm>>) dst(%dma_wait3A_1166 : memref<16x128xf32, #tpu.memory_space<vmem>>)
    %dma_wait3A_1172 = arith.constant 288 : i32
    %dma_wait3A_1173 = arith.constant 0 : i32
    %dma_wait3A_1174 = tpu.memref_slice %arg17[%dma_wait3A_1172, %dma_wait3A_1173] : memref<320x128xf32, #tpu.memory_space<vmem>> -> memref<16x128xf32, #tpu.memory_space<vmem>>
    %dma_wait3A_1175 = arith.constant 288 : i32
    %dma_wait3A_1176 = tpu.memref_slice %arg15[%dma_wait3A_1175] : memref<320xi32, #tpu.memory_space<vmem>> -> memref<16xi32, #tpu.memory_space<vmem>>
    %dma_wait3A_1177 = arith.constant 0 : i32
    %dma_wait3A_1178 = arith.constant 0 : i32
    %dma_wait3A_1179 = tpu.memref_slice %arg5[%dma_wait3A_1177, %dma_wait3A_1178] : memref<10000x128xf32, #tpu.memory_space<hbm>> -> memref<10000x128xf32, #tpu.memory_space<hbm>>
    tpu.wait_indirect_dma semaphore(%arg23 : memref<!tpu.dma_semaphore, #tpu.memory_space<semaphore_mem>>) src(%dma_wait3A_1179 : memref<10000x128xf32, #tpu.memory_space<hbm>>) dst(%dma_wait3A_1174 : memref<16x128xf32, #tpu.memory_space<vmem>>)
    %dma_wait3A_1180 = arith.constant 304 : i32
    %dma_wait3A_1181 = arith.constant 0 : i32
    %dma_wait3A_1182 = tpu.memref_slice %arg17[%dma_wait3A_1180, %dma_wait3A_1181] : memref<320x128xf32, #tpu.memory_space<vmem>> -> memref<16x128xf32, #tpu.memory_space<vmem>>
    %dma_wait3A_1183 = arith.constant 304 : i32
    %dma_wait3A_1184 = tpu.memref_slice %arg15[%dma_wait3A_1183] : memref<320xi32, #tpu.memory_space<vmem>> -> memref<16xi32, #tpu.memory_space<vmem>>
    %dma_wait3A_1185 = arith.constant 0 : i32
    %dma_wait3A_1186 = arith.constant 0 : i32
    %dma_wait3A_1187 = tpu.memref_slice %arg5[%dma_wait3A_1185, %dma_wait3A_1186] : memref<10000x128xf32, #tpu.memory_space<hbm>> -> memref<10000x128xf32, #tpu.memory_space<hbm>>
    tpu.wait_indirect_dma semaphore(%arg23 : memref<!tpu.dma_semaphore, #tpu.memory_space<semaphore_mem>>) src(%dma_wait3A_1187 : memref<10000x128xf32, #tpu.memory_space<hbm>>) dst(%dma_wait3A_1182 : memref<16x128xf32, #tpu.memory_space<vmem>>)
    %lt3A_1188 = arith.constant 31 : i32
    %lt3A_1189 = arith.cmpi slt, %add3A, %lt3A_1188 : i32
    %convert_element_type3A_1190 = arith.extui %lt3A_1189 : i1 to i32
    %cond3A_1191 = arith.constant 0 : i32
    %cond3A_1192 = arith.cmpi ne, %convert_element_type3A_1190, %cond3A_1191 : i32
    scf.if %cond3A_1192 {
      "tpu.region"() ({
        %run_scoped3A = tpu.sem_alloc : memref<!tpu.dma_semaphore, #tpu.memory_space<semaphore_mem>>
        %dma_start3A_1198 = tpu.memref_slice %arg6[%mul3A_2] : memref<10000xi32, #tpu.memory_space<hbm>> -> memref<320xi32, #tpu.memory_space<hbm>>
        %dma_start3A_1199 = tpu.memref_slice %arg6[%mul3A_2] : memref<10000xi32, #tpu.memory_space<hbm>> -> memref<320xi32, #tpu.memory_space<hbm>>
        tpu.enqueue_dma source(%arg14 : memref<320xi32, #tpu.memory_space<vmem>>) target(%dma_start3A_1199 : memref<320xi32, #tpu.memory_space<hbm>>) target_semaphore(%run_scoped3A : memref<!tpu.dma_semaphore, #tpu.memory_space<semaphore_mem>>)
        %dma_wait3A_1200 = tpu.memref_slice %arg6[%mul3A_2] : memref<10000xi32, #tpu.memory_space<hbm>> -> memref<320xi32, #tpu.memory_space<hbm>>
        %dma_wait3A_1201 = tpu.memref_slice %arg6[%mul3A_2] : memref<10000xi32, #tpu.memory_space<hbm>> -> memref<320xi32, #tpu.memory_space<hbm>>
        tpu.wait_dma2 semaphore(%run_scoped3A : memref<!tpu.dma_semaphore, #tpu.memory_space<semaphore_mem>>) src(%arg14 : memref<320xi32, #tpu.memory_space<vmem>>) dst(%dma_wait3A_1201 : memref<320xi32, #tpu.memory_space<hbm>>)
        tpu.yield
      }) : () -> ()
      "tpu.region"() ({
        %run_scoped3A = tpu.sem_alloc : memref<!tpu.dma_semaphore, #tpu.memory_space<semaphore_mem>>
        %dma_start3A_1198 = tpu.memref_slice %arg7[%mul3A_2] : memref<10000xi32, #tpu.memory_space<hbm>> -> memref<320xi32, #tpu.memory_space<hbm>>
        %dma_start3A_1199 = tpu.memref_slice %arg7[%mul3A_2] : memref<10000xi32, #tpu.memory_space<hbm>> -> memref<320xi32, #tpu.memory_space<hbm>>
        tpu.enqueue_dma source(%arg15 : memref<320xi32, #tpu.memory_space<vmem>>) target(%dma_start3A_1199 : memref<320xi32, #tpu.memory_space<hbm>>) target_semaphore(%run_scoped3A : memref<!tpu.dma_semaphore, #tpu.memory_space<semaphore_mem>>)
        %dma_wait3A_1200 = tpu.memref_slice %arg7[%mul3A_2] : memref<10000xi32, #tpu.memory_space<hbm>> -> memref<320xi32, #tpu.memory_space<hbm>>
        %dma_wait3A_1201 = tpu.memref_slice %arg7[%mul3A_2] : memref<10000xi32, #tpu.memory_space<hbm>> -> memref<320xi32, #tpu.memory_space<hbm>>
        tpu.wait_dma2 semaphore(%run_scoped3A : memref<!tpu.dma_semaphore, #tpu.memory_space<semaphore_mem>>) src(%arg15 : memref<320xi32, #tpu.memory_space<vmem>>) dst(%dma_wait3A_1201 : memref<320xi32, #tpu.memory_space<hbm>>)
        tpu.yield
      }) : () -> ()
      "tpu.region"() ({
        %run_scoped3A = tpu.sem_alloc : memref<!tpu.dma_semaphore, #tpu.memory_space<semaphore_mem>>
        %dma_start3A_1198 = arith.constant 0 : i32
        %dma_start3A_1199 = tpu.memref_slice %arg8[%mul3A_2, %dma_start3A_1198] : memref<10000x256xf32, #tpu.memory_space<hbm>> -> memref<320x128xf32, #tpu.memory_space<hbm>>
        %dma_start3A_1200 = arith.constant 0 : i32
        %dma_start3A_1201 = tpu.memref_slice %arg8[%mul3A_2, %dma_start3A_1200] : memref<10000x256xf32, #tpu.memory_space<hbm>> -> memref<320x128xf32, #tpu.memory_space<hbm>>
        tpu.enqueue_dma source(%arg16 : memref<320x128xf32, #tpu.memory_space<vmem>>) target(%dma_start3A_1201 : memref<320x128xf32, #tpu.memory_space<hbm>>) target_semaphore(%run_scoped3A : memref<!tpu.dma_semaphore, #tpu.memory_space<semaphore_mem>>)
        %dma_wait3A_1202 = arith.constant 0 : i32
        %dma_wait3A_1203 = tpu.memref_slice %arg8[%mul3A_2, %dma_wait3A_1202] : memref<10000x256xf32, #tpu.memory_space<hbm>> -> memref<320x128xf32, #tpu.memory_space<hbm>>
        %dma_wait3A_1204 = arith.constant 0 : i32
        %dma_wait3A_1205 = tpu.memref_slice %arg8[%mul3A_2, %dma_wait3A_1204] : memref<10000x256xf32, #tpu.memory_space<hbm>> -> memref<320x128xf32, #tpu.memory_space<hbm>>
        tpu.wait_dma2 semaphore(%run_scoped3A : memref<!tpu.dma_semaphore, #tpu.memory_space<semaphore_mem>>) src(%arg16 : memref<320x128xf32, #tpu.memory_space<vmem>>) dst(%dma_wait3A_1205 : memref<320x128xf32, #tpu.memory_space<hbm>>)
        tpu.yield
      }) : () -> ()
      "tpu.region"() ({
        %run_scoped3A = tpu.sem_alloc : memref<!tpu.dma_semaphore, #tpu.memory_space<semaphore_mem>>
        %dma_start3A_1198 = arith.constant 128 : i32
        %dma_start3A_1199 = tpu.memref_slice %arg8[%mul3A_2, %dma_start3A_1198] : memref<10000x256xf32, #tpu.memory_space<hbm>> -> memref<320x128xf32, #tpu.memory_space<hbm>>
        %dma_start3A_1200 = arith.constant 128 : i32
        %dma_start3A_1201 = tpu.memref_slice %arg8[%mul3A_2, %dma_start3A_1200] : memref<10000x256xf32, #tpu.memory_space<hbm>> -> memref<320x128xf32, #tpu.memory_space<hbm>>
        tpu.enqueue_dma source(%arg17 : memref<320x128xf32, #tpu.memory_space<vmem>>) target(%dma_start3A_1201 : memref<320x128xf32, #tpu.memory_space<hbm>>) target_semaphore(%run_scoped3A : memref<!tpu.dma_semaphore, #tpu.memory_space<semaphore_mem>>)
        %dma_wait3A_1202 = arith.constant 128 : i32
        %dma_wait3A_1203 = tpu.memref_slice %arg8[%mul3A_2, %dma_wait3A_1202] : memref<10000x256xf32, #tpu.memory_space<hbm>> -> memref<320x128xf32, #tpu.memory_space<hbm>>
        %dma_wait3A_1204 = arith.constant 128 : i32
        %dma_wait3A_1205 = tpu.memref_slice %arg8[%mul3A_2, %dma_wait3A_1204] : memref<10000x256xf32, #tpu.memory_space<hbm>> -> memref<320x128xf32, #tpu.memory_space<hbm>>
        tpu.wait_dma2 semaphore(%run_scoped3A : memref<!tpu.dma_semaphore, #tpu.memory_space<semaphore_mem>>) src(%arg17 : memref<320x128xf32, #tpu.memory_space<vmem>>) dst(%dma_wait3A_1205 : memref<320x128xf32, #tpu.memory_space<hbm>>)
        tpu.yield
      }) : () -> ()
    } else {
    }
    %eq3A_1193 = arith.constant 31 : i32
    %eq3A_1194 = arith.cmpi eq, %add3A, %eq3A_1193 : i32
    %convert_element_type3A_1195 = arith.extui %eq3A_1194 : i1 to i32
    %cond3A_1196 = arith.constant 0 : i32
    %cond3A_1197 = arith.cmpi ne, %convert_element_type3A_1195, %cond3A_1196 : i32
    scf.if %cond3A_1197 {
      "tpu.region"() ({
        %run_scoped3A = tpu.sem_alloc : memref<!tpu.dma_semaphore, #tpu.memory_space<semaphore_mem>>
        %dma_start3A_1198 = arith.constant 0 : i32
        %dma_start3A_1199 = tpu.memref_slice %arg14[%dma_start3A_1198] : memref<320xi32, #tpu.memory_space<vmem>> -> memref<80xi32, #tpu.memory_space<vmem>>
        %dma_start3A_1200 = tpu.memref_slice %arg6[%mul3A_2] : memref<10000xi32, #tpu.memory_space<hbm>> -> memref<80xi32, #tpu.memory_space<hbm>>
        %dma_start3A_1201 = tpu.memref_slice %arg6[%mul3A_2] : memref<10000xi32, #tpu.memory_space<hbm>> -> memref<80xi32, #tpu.memory_space<hbm>>
        %dma_start3A_1202 = arith.constant 0 : i32
        %dma_start3A_1203 = tpu.memref_slice %arg14[%dma_start3A_1202] : memref<320xi32, #tpu.memory_space<vmem>> -> memref<80xi32, #tpu.memory_space<vmem>>
        tpu.enqueue_dma source(%dma_start3A_1203 : memref<80xi32, #tpu.memory_space<vmem>>) target(%dma_start3A_1201 : memref<80xi32, #tpu.memory_space<hbm>>) target_semaphore(%run_scoped3A : memref<!tpu.dma_semaphore, #tpu.memory_space<semaphore_mem>>)
        %dma_wait3A_1204 = arith.constant 0 : i32
        %dma_wait3A_1205 = tpu.memref_slice %arg14[%dma_wait3A_1204] : memref<320xi32, #tpu.memory_space<vmem>> -> memref<80xi32, #tpu.memory_space<vmem>>
        %dma_wait3A_1206 = tpu.memref_slice %arg6[%mul3A_2] : memref<10000xi32, #tpu.memory_space<hbm>> -> memref<80xi32, #tpu.memory_space<hbm>>
        %dma_wait3A_1207 = tpu.memref_slice %arg6[%mul3A_2] : memref<10000xi32, #tpu.memory_space<hbm>> -> memref<80xi32, #tpu.memory_space<hbm>>
        %dma_wait3A_1208 = arith.constant 0 : i32
        %dma_wait3A_1209 = tpu.memref_slice %arg14[%dma_wait3A_1208] : memref<320xi32, #tpu.memory_space<vmem>> -> memref<80xi32, #tpu.memory_space<vmem>>
        tpu.wait_dma2 semaphore(%run_scoped3A : memref<!tpu.dma_semaphore, #tpu.memory_space<semaphore_mem>>) src(%dma_wait3A_1209 : memref<80xi32, #tpu.memory_space<vmem>>) dst(%dma_wait3A_1207 : memref<80xi32, #tpu.memory_space<hbm>>)
        tpu.yield
      }) : () -> ()
      "tpu.region"() ({
        %run_scoped3A = tpu.sem_alloc : memref<!tpu.dma_semaphore, #tpu.memory_space<semaphore_mem>>
        %dma_start3A_1198 = arith.constant 0 : i32
        %dma_start3A_1199 = tpu.memref_slice %arg15[%dma_start3A_1198] : memref<320xi32, #tpu.memory_space<vmem>> -> memref<80xi32, #tpu.memory_space<vmem>>
        %dma_start3A_1200 = tpu.memref_slice %arg7[%mul3A_2] : memref<10000xi32, #tpu.memory_space<hbm>> -> memref<80xi32, #tpu.memory_space<hbm>>
        %dma_start3A_1201 = tpu.memref_slice %arg7[%mul3A_2] : memref<10000xi32, #tpu.memory_space<hbm>> -> memref<80xi32, #tpu.memory_space<hbm>>
        %dma_start3A_1202 = arith.constant 0 : i32
        %dma_start3A_1203 = tpu.memref_slice %arg15[%dma_start3A_1202] : memref<320xi32, #tpu.memory_space<vmem>> -> memref<80xi32, #tpu.memory_space<vmem>>
        tpu.enqueue_dma source(%dma_start3A_1203 : memref<80xi32, #tpu.memory_space<vmem>>) target(%dma_start3A_1201 : memref<80xi32, #tpu.memory_space<hbm>>) target_semaphore(%run_scoped3A : memref<!tpu.dma_semaphore, #tpu.memory_space<semaphore_mem>>)
        %dma_wait3A_1204 = arith.constant 0 : i32
        %dma_wait3A_1205 = tpu.memref_slice %arg15[%dma_wait3A_1204] : memref<320xi32, #tpu.memory_space<vmem>> -> memref<80xi32, #tpu.memory_space<vmem>>
        %dma_wait3A_1206 = tpu.memref_slice %arg7[%mul3A_2] : memref<10000xi32, #tpu.memory_space<hbm>> -> memref<80xi32, #tpu.memory_space<hbm>>
        %dma_wait3A_1207 = tpu.memref_slice %arg7[%mul3A_2] : memref<10000xi32, #tpu.memory_space<hbm>> -> memref<80xi32, #tpu.memory_space<hbm>>
        %dma_wait3A_1208 = arith.constant 0 : i32
        %dma_wait3A_1209 = tpu.memref_slice %arg15[%dma_wait3A_1208] : memref<320xi32, #tpu.memory_space<vmem>> -> memref<80xi32, #tpu.memory_space<vmem>>
        tpu.wait_dma2 semaphore(%run_scoped3A : memref<!tpu.dma_semaphore, #tpu.memory_space<semaphore_mem>>) src(%dma_wait3A_1209 : memref<80xi32, #tpu.memory_space<vmem>>) dst(%dma_wait3A_1207 : memref<80xi32, #tpu.memory_space<hbm>>)
        tpu.yield
      }) : () -> ()
      "tpu.region"() ({
        %run_scoped3A = tpu.sem_alloc : memref<!tpu.dma_semaphore, #tpu.memory_space<semaphore_mem>>
        %dma_start3A_1198 = arith.constant 0 : i32
        %dma_start3A_1199 = arith.constant 0 : i32
        %dma_start3A_1200 = tpu.memref_slice %arg16[%dma_start3A_1198, %dma_start3A_1199] : memref<320x128xf32, #tpu.memory_space<vmem>> -> memref<80x128xf32, #tpu.memory_space<vmem>>
        %dma_start3A_1201 = arith.constant 0 : i32
        %dma_start3A_1202 = tpu.memref_slice %arg8[%mul3A_2, %dma_start3A_1201] : memref<10000x256xf32, #tpu.memory_space<hbm>> -> memref<80x128xf32, #tpu.memory_space<hbm>>
        %dma_start3A_1203 = arith.constant 0 : i32
        %dma_start3A_1204 = tpu.memref_slice %arg8[%mul3A_2, %dma_start3A_1203] : memref<10000x256xf32, #tpu.memory_space<hbm>> -> memref<80x128xf32, #tpu.memory_space<hbm>>
        %dma_start3A_1205 = arith.constant 0 : i32
        %dma_start3A_1206 = arith.constant 0 : i32
        %dma_start3A_1207 = tpu.memref_slice %arg16[%dma_start3A_1205, %dma_start3A_1206] : memref<320x128xf32, #tpu.memory_space<vmem>> -> memref<80x128xf32, #tpu.memory_space<vmem>>
        tpu.enqueue_dma source(%dma_start3A_1207 : memref<80x128xf32, #tpu.memory_space<vmem>>) target(%dma_start3A_1204 : memref<80x128xf32, #tpu.memory_space<hbm>>) target_semaphore(%run_scoped3A : memref<!tpu.dma_semaphore, #tpu.memory_space<semaphore_mem>>)
        %dma_wait3A_1208 = arith.constant 0 : i32
        %dma_wait3A_1209 = arith.constant 0 : i32
        %dma_wait3A_1210 = tpu.memref_slice %arg16[%dma_wait3A_1208, %dma_wait3A_1209] : memref<320x128xf32, #tpu.memory_space<vmem>> -> memref<80x128xf32, #tpu.memory_space<vmem>>
        %dma_wait3A_1211 = arith.constant 0 : i32
        %dma_wait3A_1212 = tpu.memref_slice %arg8[%mul3A_2, %dma_wait3A_1211] : memref<10000x256xf32, #tpu.memory_space<hbm>> -> memref<80x128xf32, #tpu.memory_space<hbm>>
        %dma_wait3A_1213 = arith.constant 0 : i32
        %dma_wait3A_1214 = tpu.memref_slice %arg8[%mul3A_2, %dma_wait3A_1213] : memref<10000x256xf32, #tpu.memory_space<hbm>> -> memref<80x128xf32, #tpu.memory_space<hbm>>
        %dma_wait3A_1215 = arith.constant 0 : i32
        %dma_wait3A_1216 = arith.constant 0 : i32
        %dma_wait3A_1217 = tpu.memref_slice %arg16[%dma_wait3A_1215, %dma_wait3A_1216] : memref<320x128xf32, #tpu.memory_space<vmem>> -> memref<80x128xf32, #tpu.memory_space<vmem>>
        tpu.wait_dma2 semaphore(%run_scoped3A : memref<!tpu.dma_semaphore, #tpu.memory_space<semaphore_mem>>) src(%dma_wait3A_1217 : memref<80x128xf32, #tpu.memory_space<vmem>>) dst(%dma_wait3A_1214 : memref<80x128xf32, #tpu.memory_space<hbm>>)
        tpu.yield
      }) : () -> ()
      "tpu.region"() ({
        %run_scoped3A = tpu.sem_alloc : memref<!tpu.dma_semaphore, #tpu.memory_space<semaphore_mem>>
        %dma_start3A_1198 = arith.constant 0 : i32
        %dma_start3A_1199 = arith.constant 0 : i32
        %dma_start3A_1200 = tpu.memref_slice %arg17[%dma_start3A_1198, %dma_start3A_1199] : memref<320x128xf32, #tpu.memory_space<vmem>> -> memref<80x128xf32, #tpu.memory_space<vmem>>
        %dma_start3A_1201 = arith.constant 128 : i32
        %dma_start3A_1202 = tpu.memref_slice %arg8[%mul3A_2, %dma_start3A_1201] : memref<10000x256xf32, #tpu.memory_space<hbm>> -> memref<80x128xf32, #tpu.memory_space<hbm>>
        %dma_start3A_1203 = arith.constant 128 : i32
        %dma_start3A_1204 = tpu.memref_slice %arg8[%mul3A_2, %dma_start3A_1203] : memref<10000x256xf32, #tpu.memory_space<hbm>> -> memref<80x128xf32, #tpu.memory_space<hbm>>
        %dma_start3A_1205 = arith.constant 0 : i32
        %dma_start3A_1206 = arith.constant 0 : i32
        %dma_start3A_1207 = tpu.memref_slice %arg17[%dma_start3A_1205, %dma_start3A_1206] : memref<320x128xf32, #tpu.memory_space<vmem>> -> memref<80x128xf32, #tpu.memory_space<vmem>>
        tpu.enqueue_dma source(%dma_start3A_1207 : memref<80x128xf32, #tpu.memory_space<vmem>>) target(%dma_start3A_1204 : memref<80x128xf32, #tpu.memory_space<hbm>>) target_semaphore(%run_scoped3A : memref<!tpu.dma_semaphore, #tpu.memory_space<semaphore_mem>>)
        %dma_wait3A_1208 = arith.constant 0 : i32
        %dma_wait3A_1209 = arith.constant 0 : i32
        %dma_wait3A_1210 = tpu.memref_slice %arg17[%dma_wait3A_1208, %dma_wait3A_1209] : memref<320x128xf32, #tpu.memory_space<vmem>> -> memref<80x128xf32, #tpu.memory_space<vmem>>
        %dma_wait3A_1211 = arith.constant 128 : i32
        %dma_wait3A_1212 = tpu.memref_slice %arg8[%mul3A_2, %dma_wait3A_1211] : memref<10000x256xf32, #tpu.memory_space<hbm>> -> memref<80x128xf32, #tpu.memory_space<hbm>>
        %dma_wait3A_1213 = arith.constant 128 : i32
        %dma_wait3A_1214 = tpu.memref_slice %arg8[%mul3A_2, %dma_wait3A_1213] : memref<10000x256xf32, #tpu.memory_space<hbm>> -> memref<80x128xf32, #tpu.memory_space<hbm>>
        %dma_wait3A_1215 = arith.constant 0 : i32
        %dma_wait3A_1216 = arith.constant 0 : i32
        %dma_wait3A_1217 = tpu.memref_slice %arg17[%dma_wait3A_1215, %dma_wait3A_1216] : memref<320x128xf32, #tpu.memory_space<vmem>> -> memref<80x128xf32, #tpu.memory_space<vmem>>
        tpu.wait_dma2 semaphore(%run_scoped3A : memref<!tpu.dma_semaphore, #tpu.memory_space<semaphore_mem>>) src(%dma_wait3A_1217 : memref<80x128xf32, #tpu.memory_space<vmem>>) dst(%dma_wait3A_1214 : memref<80x128xf32, #tpu.memory_space<hbm>>)
        tpu.yield
      }) : () -> ()
    } else {
    }
    return
  }
}

module attributes {stable_mosaic.version = 14 : i64} {
  func.func @_u_body(%arg0: memref<8x128xf32, #tpu.memory_space<vmem>>, %arg1: memref<10000x128xf32, #tpu.memory_space<vmem>>, %arg2: memref<327680xf32, #tpu.memory_space<vmem>>, %arg3: memref<8x10000xf32, #tpu.memory_space<vmem>>, %arg4: memref<327680xf32, #tpu.memory_space<vmem>>) attributes {dimension_semantics = [], scalar_prefetch = 0 : i64, scratch_operands = 0 : i64, tpu.core_type = #tpu.core_type<tc>} {
    %get3A = arith.constant 0 : index
    %get3A_0 = arith.constant 0 : index
    %get3A_1 = vector.load %arg0[%get3A, %get3A_0] : memref<8x128xf32, #tpu.memory_space<vmem>>, vector<8x128xf32>
    %get3A_2 = arith.constant 0 : index
    %get3A_3 = arith.constant 0 : index
    %get3A_4 = vector.load %arg1[%get3A_2, %get3A_3] : memref<10000x128xf32, #tpu.memory_space<vmem>>, vector<10000x128xf32>
    %dot_general3A = arith.constant dense<0.000000e+00> : vector<8x10000xf32>
    %dot_general3A_5 = tpu.matmul %get3A_1, %get3A_4, %dot_general3A {dimension_numbers = #tpu.dot_dimension_numbers<[1], [1], [0], [0], [0, 0, 1, 0], [], []>, transpose_lhs_hint = false} : vector<8x128xf32>, vector<10000x128xf32>, vector<8x10000xf32> -> vector<8x10000xf32>
    %swap3A = arith.constant 0 : index
    %swap3A_6 = arith.constant 0 : index
    %swap3A_7 = vector.load %arg3[%swap3A, %swap3A_6] : memref<8x10000xf32, #tpu.memory_space<vmem>>, vector<8x10000xf32>
    tpu.vector_store %arg3[%swap3A, %swap3A_6], %dot_general3A_5 {strides = array<i32>} : memref<8x10000xf32, #tpu.memory_space<vmem>>, vector<8x10000xf32>,
    %get3A_8 = arith.constant 0 : index
    %get3A_9 = vector.load %arg2[%get3A_8] : memref<327680xf32, #tpu.memory_space<vmem>>, vector<327680xf32>
    %swap3A_10 = arith.constant 0 : index
    %swap3A_11 = vector.load %arg4[%swap3A_10] : memref<327680xf32, #tpu.memory_space<vmem>>, vector<327680xf32>
    tpu.vector_store %arg4[%swap3A_10], %get3A_9 {strides = array<i32>} : memref<327680xf32, #tpu.memory_space<vmem>>, vector<327680xf32>,
    return
  }
}

</mosaic_0001>

<sc_bundles>
// kernel: kernel.4.cloned.1.call-start
scs
__scs_entry_jumppad:
0x0: {  	(pc) =	sbr.rel $0x88, $3  }
0x1: {  	(tag) =	ssettag $0x0;
	lr =	simm.s32 $0x1  }
0x2: {  	[smem:$0x3F9E] =	sst lr;
	_ =	strace $0xD0000000  }
0x3: {  	_ = 	snop  }
0x4: {  	_ = 	snop  }
0x5: {  	_ = 	snop  }
0x6: {  	_ = 	snop  }
0x7: {  	_ = 	snop  }
__scs_overlays_trampoline_lowered:
0x8: {  	[smem:$0x3FAD] =	sst s0  }
0x9: {  	[smem:$0x3FAE] =	sst s1  }
0xa: {  	[smem:$0x3FAF] =	sst s2  }
0xb: {  	[smem:$0x3FB0] =	sst s3  }
0xc: {  	[smem:$0x3FB1] =	sst s4  }
0xd: {  	[smem:$0x3FB2] =	sst s5  }
0xe: {  	[smem:$0x3FB3] =	sst s6  }
0xf: {  	[smem:$0x3FB4] =	sst s7  }
0x10: {  	[smem:$0x3FB5] =	sst s8  }
0x11: {  	[smem:$0x3FB6] =	sst s9;
	s0 =	simm.s32 @!p0 $0x0  }
0x12: {  	s1 =	sld [smem:$0x3F9C];
	s0 =	simm.s32 @p0 $0x1  }
0x13: {  	[smem:$0x3FB7] =	sst s0;
	s0 =	simm.s32 @!p1 $0x0  }
0x14: {  	s2 =	sld [smem:$0x3F9B];
	s0 =	simm.s32 @p1 $0x1  }
0x15: {  	[smem:$0x3FB8] =	sst s0;
	s0 =	simm.s32 @!p2 $0x0  }
0x16: {  	s3 =	sld [smem:$0x3FDB];
	s0 =	simm.s32 @p2 $0x1  }
0x17: {  	s4 =	simm.s32 $0x1BF5;
	[smem:$0x3FBA] =	sst s0  }
0x18: {  	s0 =	sld [smem:$0x3F9D];
	_ =	swait.ge [sflag:s4], $0x0  }
0x19: {  	s7 =	sld [smem:$0x3F9E]  }
0x1a: {  	s8 =	sadd.s32 $0xFFFFE003, lr  }
0x1b: {  	s9 =	sadd.s32 $0xFFFFFEF7, lr;
	s5 =	simm.s32 $0xFFFFFFFF;
	p2 =	slt.u32 s8, $0xFFFFF086  }
0x1c: {  	p1 =	slt.u32 s9, $0xF7A;
	s5 =	simm.s32 @!p2 $0x0  }
0x1d: {  	s5 =	simm.s32 @p1 $0x1;
	p0 =	seq.s32 s7, s2  }
0x1e: {  	s7 =	smul.u32 @!p0 $0xF7A, s2;
	p2 =	seq.s32 @!p0 s5, $0x0  }
0x1f: {  	s9 =	smul.u32 $0xF7A, s1;
	s8 =	simm.s32 @!p0 $0x1BF5;
	p2 =	por !p2, p0  }
0x20: {  	[sflag:s8] =	ssyncset.s32 @!p0 $0xFFFFF086;
	s6 =	sadd.s32 @!p0 s3, s7;
	s7 =	simm.s32 @!p0 $0x108  }
0x21: {  	s3 =	sadd.s32 s3, s9;
	s6 =	sadd.s32 @!p0 $0x88, s6;
	s7 =	simm.s32 @p2 $0x1082  }
0x22: {  	[simem:s7], [sflag:s8] =	dma.local @!p0 [hbm:s6], $0xF7A  }
0x23: {  	s9 =	sor.u32 $0xD0000000, s2;
	s6 =	simm.s32 $0x108;
	_ =	swait.ge @!p0 [sflag:s8], $0x0  }
0x24: {  	s3 =	sadd.s32 $0x88, s3;
	s6 =	simm.s32 @!p1 $0x1082;
	[sflag:s4] =	ssyncset.s32 $0xFFFFF086  }
0x25: {  	[simem:s6], [sflag:s4] =	dma.local [hbm:s3], $0xF7A  }
0x26: {  	[smem:$0x3F9E] =	sst s1;
	(tag) =	ssettag s2;
	_ =	strace s9  }
0x27: {  	s1 =	sld [smem:$0x3FAE]  }
0x28: {  	s2 =	sld [smem:$0x3FAF]  }
0x29: {  	s4 =	sld [smem:$0x3FB1]  }
0x2a: {  	p0 =	seq.s32 s5, $0x0;
	s5 =	sld [smem:$0x3FB2]  }
0x2b: {  	s6 =	sld [smem:$0x3FB3]  }
0x2c: {  	s7 =	sld [smem:$0x3FB4]  }
0x2d: {  	s3 =	simm.s32 $0x108;
	s8 =	sld [smem:$0x3FB5]  }
0x2e: {  	s3 =	simm.s32 @!p0 $0x1082;
	s9 =	sld [smem:$0x3FB6]  }
0x2f: {  	lr =	sadd.s32 s0, s3;
	s0 =	sld [smem:$0x3FAD]  }
0x30: {  	s3 =	sld [smem:$0x3FB0]  }
0x31: {  	[smem:$0x3FB9] =	sst s10  }
0x32: {  	s10 =	sld [smem:$0x3FB7];
	_ =	sdelay $0x3  }
0x33: {  	p0 =	seq.s32 s10, $0x1;
	s10 =	sld [smem:$0x3FB9];
	_ =	sdelay $0x3  }
0x34: {  	[smem:$0x3FB9] =	sst s10  }
0x35: {  	s10 =	sld [smem:$0x3FB8];
	_ =	sdelay $0x3  }
0x36: {  	p1 =	seq.s32 s10, $0x1;
	s10 =	sld [smem:$0x3FB9];
	_ =	sdelay $0x3  }
0x37: {  	[smem:$0x3FB9] =	sst s10  }
0x38: {  	s10 =	sld [smem:$0x3FBA]  }
0x39: {  	_ = 	snop;
	(pc) =	sbr.ind lr, $3  }
0x3a: {  	_ = 	snop  }
0x3b: {  	_ = 	snop  }
0x3c: {  	p2 =	seq.s32 s10, $0x1;
	s10 =	sld [smem:$0x3FB9]  }
0x3d: {  	_ =	shalt  }
0x3e: {  	_ =	shalt  }
0x3f: {  	_ =	shalt  }
0x40: {  	_ =	shalt  }
0x41: {  	_ =	shalt  }
0x42: {  	_ =	shalt  }
0x43: {  	_ =	shalt  }
0x44: {  	_ =	shalt  }
0x45: {  	_ =	shalt  }
0x46: {  	_ =	shalt  }
0x47: {  	_ =	shalt  }
0x48: {  	_ =	shalt  }
0x49: {  	_ =	shalt  }
0x4a: {  	_ =	shalt  }
0x4b: {  	_ =	shalt  }
0x4c: {  	_ =	shalt  }
0x4d: {  	_ =	shalt  }
0x4e: {  	_ =	shalt  }
0x4f: {  	_ =	shalt  }
0x50: {  	_ =	shalt  }
0x51: {  	_ =	shalt  }
0x52: {  	_ =	shalt  }
0x53: {  	_ =	shalt  }
0x54: {  	_ =	shalt  }
0x55: {  	_ =	shalt  }
0x56: {  	_ =	shalt  }
0x57: {  	_ =	shalt  }
0x58: {  	_ =	shalt  }
0x59: {  	_ =	shalt  }
0x5a: {  	_ =	shalt  }
0x5b: {  	_ =	shalt  }
0x5c: {  	_ =	shalt  }
0x5d: {  	_ =	shalt  }
0x5e: {  	_ =	shalt  }
0x5f: {  	_ =	shalt  }
0x60: {  	_ =	shalt  }
0x61: {  	_ =	shalt  }
0x62: {  	_ =	shalt  }
0x63: {  	_ =	shalt  }
0x64: {  	_ =	shalt  }
0x65: {  	_ =	shalt  }
0x66: {  	_ =	shalt  }
0x67: {  	_ =	shalt  }
0x68: {  	_ =	shalt  }
0x69: {  	_ =	shalt  }
0x6a: {  	_ =	shalt  }
0x6b: {  	_ =	shalt  }
0x6c: {  	_ =	shalt  }
0x6d: {  	_ =	shalt  }
0x6e: {  	_ =	shalt  }
0x6f: {  	_ =	shalt  }
0x70: {  	_ =	shalt  }
0x71: {  	_ =	shalt  }
0x72: {  	_ =	shalt  }
0x73: {  	_ =	shalt  }
0x74: {  	_ =	shalt  }
0x75: {  	_ =	shalt  }
0x76: {  	_ =	shalt  }
0x77: {  	_ =	shalt  }
0x78: {  	_ =	shalt  }
0x79: {  	_ =	shalt  }
0x7a: {  	_ =	shalt  }
0x7b: {  	_ =	shalt  }
0x7c: {  	_ =	shalt  }
0x7d: {  	_ =	shalt  }
0x7e: {  	_ =	shalt  }
0x7f: {  	_ =	shalt  }
0x80: {  	_ =	shalt  }
0x81: {  	_ =	shalt  }
0x82: {  	_ =	shalt  }
0x83: {  	_ =	shalt  }
0x84: {  	_ =	shalt  }
0x85: {  	_ =	shalt  }
0x86: {  	_ =	shalt  }
0x87: {  	_ =	shalt  }
.Lfunc_end0:
.L_simem_size_0:
called_computation_lowered:
.L_overlay_start_0:
0x88: {  	s2 =	sld [smem:$0x3FD9]  }
0x89: {  	s3 =	sld [smem:$0x3FFE];
	_ =	sdelay $0x1  }
0x8a: {  	s1 =	srdreg.scid  }
0x8b: {  	s0 =	sand.u32 $0x1, s1  }
0x8c: {  	s14 =	sshll.u32 s0, $0xA;
	s2 =	sadd.s32 s3, s2  }
0x8d: {  	s2 =	sadd.s32 s2, s14  }
0x8e: {  	[smem:$0x3FC5] =	sst s2  }
0x8f: {  	_ = 	snop  }
0x90: {  	s2 =	sld [smem:$0x3FD0];
	_ =	sdelay $0x2  }
0x91: {  	s4 =	simm.s32 $0xA;
	s5 =	simm.s32 $0x10;
	s15 =	sld [smem:$0x3FC9]  }
0x92: {  	[smem:s5], [sflag:s4] =	dma.local [hbm:s2], $0x1  }
0x93: {  	_ =	swait.eq [sflag:s4], $0x1  }
0x94: {  	[sflag:s4] =	ssyncset.done $0x0  }
0x95: {  	s16 =	sld [smem:$0x10];
	[sflag:s4] =	ssyncadd.s32 $0xFFFFFFFF  }
0x96: {  	s17 =	sld [smem:$0x11];
	(tm) =	ssettm $0x1  }
0x97: {  	s18 =	sld [smem:$0x3FFB];
	_ =	sdelay $0x3  }
0x98: {  	_ =	strace s18  }
0x99: {  	s5 =	sld [smem:$0x3FFC];
	_ =	sdelay $0x3  }
0x9a: {  	_ =	strace s5  }
0x9b: {  	s5 =	sld [smem:$0x3FFD];
	_ =	sdelay $0x3  }
0x9c: {  	_ =	strace s5  }
0x9d: {  	_ =	strace $0x8FFFFFFF  }
0x9e: {  	s19 =	sld [smem:$0x3FDB];
	_ =	sdelay $0x1  }
0x9f: {  	s6 =	simm.s32 $_scs_section_size  }
0xa0: {  	s7 =	simm.s32 $_size__tile_overlayer_lowered;
	s8 =	simm.s32 $_tile_overlayer_lowered  }
0xa1: {  	s22 =	simm.s32 $0x1BFF;
	s21 =	sshll.u32 s8, $0x1;
	s5 =	sadd.s32 s6, s19  }
0xa2: {  	s9 =	simm.s32 $0x0;
	s20 =	sshll.u32 s7, $0x1;
	s7 =	sadd.s32 s21, s5  }
0xa3: {  	[timem:s9], [sflag:s22] =	dma.local [hbm:s7], s20  }
0xa4: {  	_ =	swait.ge [sflag:s22], s20  }
0xa5: {  	s6 =	ssub.s32 $0x0, s20;
	[sflag:s22] =	ssyncset.done $0x0  }
0xa6: {  	[sflag:s22] =	ssyncadd.s32 s6;
	_ =	sdelay $0x1  }
0xa7: {  	s23 =	simm.s32 $0x1B8B  }
0xa8: {  	_ =	swait.ge [sflag:s23], $0x1  }
0xa9: {  	[sflag:s23] =	ssyncset.done $0x0  }
0xaa: {  	s25 =	simm.s32 $0x1B8E;
	s24 =	sld [smem:$0x3FFE];
	[sflag:s23] =	ssyncadd.s32 $0xFFFFFFFF  }
0xab: {  	s26 =	simm.s32 $execute0_lowered;
	[smem:$0x3FD2] =	sst s25  }
0xac: {  	s7 =	sshll.u32 s26, $0x1;
	_ =	strace $0x80000046;
	[dreg:$0x1] =	wrdreg $0xFFFFFFFF  }
0xad: {  	s28 =	simm.s32 $_size_execute0_lowered;
	s5 =	sadd.s32 s5, s7;
	[dreg:$0x0] =	wrdreg $0x0  }
0xae: {  	s7 =	sshll.u32 s28, $0x1;
	[dreg:$0x2] =	wrdreg s5  }
0xaf: {  	[dreg:$0x3] =	wrdreg s7  }
0xb0: {  	[dreg:$0x4] =	wrdreg $0xC0  }
0xb1: {  	_ =	task [dreg:s9], $0x5FFFF  }
0xb2: {  	[dreg:$0x1] =	wrdreg $0xFFFFFFFF  }
0xb3: {  	[dreg:$0x0] =	wrdreg $0x60  }
0xb4: {  	[dreg:$0x2] =	wrdreg s24  }
0xb5: {  	[dreg:$0x3] =	wrdreg s15  }
0xb6: {  	[dreg:$0x4] =	wrdreg s16  }
0xb7: {  	[dreg:$0x5] =	wrdreg s17  }
0xb8: {  	[dreg:$0x6] =	wrdreg $0x9  }
0xb9: {  	_ =	task.clear_ibuf [dreg:s9], $0x7FFFF;
	_ =	strace $0x90000046  }
0xba: {  	s29 =	simm.s32 $0x9;
	_ =	strace $0x80000048  }
0xbb: {  	_ =	swait.ge [sflag:s29], $0x1  }
0xbc: {  	[sflag:s29] =	ssyncadd.s32 $0xFFFFFFFF  }
0xbd: {  	_ =	strace $0x90000048  }
0xbe: {  	_ =	sfence  }
0xbf: {  	s30 =	sld [smem:$0x0];
	_ =	sdelay $0x2  }
0xc0: {  	s31 =	sshll.u32 s1, $0xD;
	s1 =	sshrl.u32 s1, $0x2  }
0xc1: {  	s3 =	sand.u32 $0x4000, s31;
	s1 =	sadd.s32 s1, s30  }
0xc2: {  	s0 =	sor.u32 s3, s0;
	s1 =	sshll.u32 s1, $0x11  }
0xc3: {  	s0 =	sor.u32 s1, s0  }
0xc4: {  	s0 =	sadd.s32 $0x8F2B, s0  }
0xc5: {  	[sflag:s0] =	ssyncadd.remote.s32 $0x1  }
0xc6: {  	_ =	sfence.sel $0xFFFF  }
0xc7: {  	[dreg:$0x0] =	wrdreg $0xFFFFFFFF;
	(pc) =	sbr.abs _section_cstart, $3  }
0xc8: {  	[dreg:$0x1] =	wrdreg $0xFFFFFFFF  }
0xc9: {  	_ =	task.clear_ibuf [dreg:s9], $0x2FFFF;
	_ =	strace $0x9FFFFFFF  }
0xca: {  	(tm) =	ssettm $0x7FFFFFFF  }
0xcb: {  	_ =	shalt  }
tec
execute0_lowered:
.L_overlay_start_1:
0x0: {  	(tag) =	ssettag $0x1  }
0x1: {  	s0 =	rddreg [dreg:$0x0]  }
0x2: {  	s1 =	rddreg [dreg:$0x1]  }
0x3: {  	s2 =	rddreg [dreg:$0x2];
	s3 =	srdreg.scid;
	v0 =	vlaneseq.u32  }
0x4: {  	s4 =	rddreg [dreg:$0x3];
	s5 =	sand.u32 $0x1, s3;
	s3 =	simm.s32 $0x0;
	v9 =	vmul.u32 $0x10, v0  }
0x5: {  	s6 =	stileid.u32;
	[smem:$0x7FF] =	sst s3  }
0x6: {  	s14 =	simm.s32 $0x6300;
	s28 =	simm.s32 $0x4;
	_ =	strace $0x80000047;
	v50 =	vor.u32 $0xC, v9;
	[tilespmem:$0x1FFD0] =	vst v9  }
0x7: {  	s29 =	simm.s32 $0x7700;
	s30 =	simm.s32 $0x3;
	s31 =	simm.s32 $0x2;
	v32 =	vor.u32 $0x9, v9;
	[tilespmem:$0x1FEE0] =	vst v50  }
0x8: {  	s6 =	sshll.u32 s6, $0x1;
	s8 =	sadd.s32 $0x15E00, s0;
	s19 =	sadd.s32 $0x15E10, s0;
	v51 =	vor.u32 $0x8, v9;
	[tilespmem:$0x1FEF0] =	vst v32  }
0x9: {  	s22 =	sadd.s32 $0xBBA0, s0;
	s15 =	sadd.s32 $0x4D8, s2;
	s16 =	sadd.s32 $0x18AD8, s0;
	v54 =	vor.u32 $0xA, v9;
	[tilespmem:$0x1FF00] =	vst v51  }
0xa: {  	s17 =	sadd.s32 $0x4D800, s4;
	s6 =	sor.u32 s5, s6;
	s9 =	ssub.s32 $0x2, s5;
	v40 =	vor.u32 $0xB, v9;
	[tilespmem:$0x1FF10] =	vst v54  }
0xb: {  	s5 =	sadd.s32 $0x2000, s0;
	s7 =	smul.u32 $0x1400, s6;
	[dreg:$0x5] =	wrdreg s8;
	v45 =	vor.u32 $0xD, v9;
	[tilespmem:$0x1FF20] =	vst v40  }
0xc: {  	s18 =	smul.u32 $0x28, s6;
	s11 =	sshrl.u32 s9, $0x1;
	[dreg:$0x6] =	wrdreg s19;
	v53 =	vor.u32 $0xE, v9;
	[tilespmem:$0x1FF30] =	vst v45  }
0xd: {  	s21 =	smul.u32 $0x2800, s6;
	[dreg:$0x9] =	wrdreg s22;
	p0 =	seq.s32 s6, $0x1F;
	v47 =	vor.u32 $0xF, v9;
	[tilespmem:$0x1FF40] =	vst v53  }
0xe: {  	s22 =	simm.s32 $0x2780;
	v58 =	vor.u32 $0x2, v9;
	s8 =	simm.s32 $0x5;
	s9 =	ssub.s32 s9, s11;
	[tilespmem:$0x1FF50] =	vst v47  }
0xf: {  	v59 =	vor.u32 $0x3, v9;
	[tilespmem:$0x1FF70] =	vst v58;
	s7 =	sshrl.u32 s7, $0x3;
	s12 =	sadd.s32 s18, s0;
	s24 =	sadd.s32 s2, s18  }
0x10: {  	v60 =	vor.u32 $0x4, v9;
	[tilespmem:$0x1FF80] =	vst v59;
	s13 =	sadd.s32 s4, s21;
	s18 =	sadd.s32 $0x4D880, s4;
	s19 =	smax.u32 s9, $0x1  }
0x11: {  	v61 =	vor.u32 $0x5, v9;
	[tilespmem:$0x1FF90] =	vst v60;
	s2 =	simm.s32 $0x10;
	s9 =	simm.s32 $0x0;
	s10 =	sadd.s32 s7, s0  }
0x12: {  	v1 =	vand.u32 $0x7, v0;
	v62 =	vor.u32 $0x6, v9;
	[tilespmem:$0x1FFA0] =	vst v61;
	s7 =	sadd.s32 s5, s7;
	[dreg:$0xb] =	wrdreg s24;
	s25 =	sadd.s32 $0x18600, s12  }
0x13: {  	v38 =	vmul.u32 $0x10, v1;
	v57 =	vor.u32 $0x7, v9;
	[tilespmem:$0x1FFB0] =	vst v62;
	s26 =	sadd.s32 $0x80, s13;
	s24 =	simm.s32 $0x4F00;
	[dreg:$0xc] =	wrdreg s25  }
0x14: {  	v8 =	vor.u32 $0x1, v9;
	[tilespmem:$0x1FFC0] =	vst v57;
	s0 =	simm.s32 $0x6;
	s20 =	sadd.s32 $0xBE00, s10;
	[dreg:$0xd] =	wrdreg s26  }
0x15: {  	v21 =	vor.u32 $0xFFFFFF80, v38;
	[tilespmem:$0x1FFF0] =	vst v8;
	s7 =	sadd.s32 $0x4E20, s7;
	s23 =	sadd.s32 $0x10E00, s10;
	[dreg:$0x7] =	wrdreg s20  }
0x16: {  	v18 =	vor.u32 $0xFFFFFE80, v38;
	[tilespmem:$0x1FF60] =	vst v21;
	s25 =	simm.s32 $0x7;
	s26 =	simm.s32 $0x1;
	[dreg:$0x8] =	wrdreg s7  }
0x17: {  	v55 =	vimm.s32 $0x0;
	[tilespmem:$0x1FFE0] =	vst v18;
	[dreg:$0xa] =	wrdreg s23;
	s20 =	simm.s32 $0x80;
	s23 =	simm.s32 $0x8B10  }
.LBB2_1:
0x18: {  	s4 =	rddreg [dreg:$0x5];
	s6 =	simm.s32 $0x400  }
0x19: {  	[tilespmem:s3], [sflag:$0x1] =	stream.strided.gather [hbm4b:s4+s20], $0x2780, s6, s20, $0x38;
	[tilespmem:$0x1CE00] =	vst v63  }
.Ltmp0:
0x1a: {  	_ = 	snop;
	(pc) =	sbr.rel @!p0 .LBB2_2-.Ltmp0, $4  }
0x1b: {  	s12 =	rddreg [dreg:$0x6]  }
0x1c: {  	[tilespmem:s22], [sflag:$0x2] =	stream.strided.gather [hbm4b:s12+s20], $0x2780, s6, s20, $0x38;
	[tilespmem:$0x1CE00] =	vst v63  }
0x1d: {  	s21 =	rddreg [dreg:$0x7]  }
0x1e: {  	[tilespmem:s14], [sflag:$0x4] =	stream.linear.gather [hbm4b:s21+s3], $0x1400, $0x38;
	[tilespmem:$0x1CE00] =	vst v63  }
0x1f: {  	s4 =	rddreg [dreg:$0x9]  }
0x20: {  	[tilespmem:s24], [sflag:$0x7] =	stream.linear.gather [hbm4b:s4+s3], $0x500, $0x38;
	[tilespmem:$0x1CE00] =	vst v63  }
0x21: {  	_ =	swait.ge [sflag:s25], $0x500  }
0x22: {  	[sflag:s25] =	ssyncset.done $0x0  }
0x23: {  	s4 =	simm.s32 $0x5400;
	[sflag:s25] =	ssyncadd.s32 $0xFFFFFB00  }
0x24: {  	s6 =	simm.s32 $0x500;
	[tilespmem:s4+$0x0] =	vst v55  }
.LBB2_4:
0x25: {  	s6 =	sadd.s32 $0x10, s6  }
0x26: {  	p1 =	slt.u32 s6, $0x13F0  }
.Ltmp1:
0x27: {  	_ = 	snop;
	(pc) =	sbr.rel @p1 .LBB2_4-.Ltmp1, $3  }
0x28: {  	_ =	sdelay $0x1  }
0x29: {  	s4 =	sadd.s32 $0x10, s4  }
0x2a: {  	[tilespmem:s4+$0x0] =	vst v55  }
.Ltmp2:
0x2b: {  	_ = 	snop;
	(pc) =	sbr.rel .LBB2_5-.Ltmp2, $1  }
0x2c: {  	_ =	sdelay $0x3  }
.LBB2_2:
0x2d: {  	s4 =	rddreg [dreg:$0x8]  }
0x2e: {  	[tilespmem:s24], [sflag:$0x7] =	stream.linear.gather [hbm4b:s4+s3], $0x1400, $0x38;
	[tilespmem:$0x1CE00] =	vst v63  }
0x2f: {  	_ =	swait.ge [sflag:s25], $0x1400  }
0x30: {  	[sflag:s25] =	ssyncset.done $0x0  }
0x31: {  	[sflag:s25] =	ssyncadd.s32 $0xFFFFEC00  }
.LBB2_5:
0x32: {  	_ =	swait.ge [sflag:s26], $0x2780;
	s4 =	simm.s32 $0x100  }
0x33: {  	[sflag:s26] =	ssyncset.done $0x0;
	v0 =	vor.u32 s4, v47  }
0x34: {  	v1 =	vor.u32 s4, v53;
	[sflag:s26] =	ssyncadd.s32 $0xFFFFD880  }
0x35: {  	v2 =	vor.u32 s4, v45;
	_ =	swait.ge [sflag:s28], $0x1400  }
0x36: {  	v3 =	vor.u32 s4, v50;
	[sflag:s28] =	ssyncset.done $0x0  }
0x37: {  	v4 =	vor.u32 s4, v40;
	[sflag:s28] =	ssyncadd.s32 $0xFFFFEC00  }
0x38: {  	v5 =	vor.u32 s4, v54;
	v0 =	vld.idx.msk [tilespmem:v0+s24+$0x0], $0xffff  }
0x39: {  	v6 =	vor.u32 s4, v32;
	v11 =	vor.u32 s4, v9;
	v1 =	vld.idx.msk [tilespmem:v1+s24+$0x0], $0xffff  }
0x3a: {  	v7 =	vor.u32 s4, v51;
	v2 =	vld.idx.msk [tilespmem:v2+s24+$0x0], $0xffff;
	[tilespmem:$0x1FDA0] =	vst v11  }
0x3b: {  	v20 =	vmov v9;
	v9 =	vmov v8;
	v8 =	vor.u32 s4, v8;
	v3 =	vld.idx.msk [tilespmem:v3+s24+$0x0], $0xffff  }
0x3c: {  	v19 =	vmov v9;
	v9 =	vand.u32 v21, v11;
	v4 =	vld.idx.msk [tilespmem:v4+s24+$0x0], $0xffff  }
0x3d: {  	v10 =	vor.u32 s4, v58;
	v5 =	vld.idx.msk [tilespmem:v5+s24+$0x0], $0xffff  }
0x3e: {  	v11 =	vor.u32 s4, v59;
	v6 =	vld.idx.msk [tilespmem:v6+s24+$0x0], $0xffff  }
0x3f: {  	v12 =	vor.u32 s4, v60;
	v7 =	vld.idx.msk [tilespmem:v7+s24+$0x0], $0xffff  }
0x40: {  	v13 =	vor.u32 s4, v61;
	v8 =	vld.idx.msk [tilespmem:v8+s24+$0x0], $0xffff  }
0x41: {  	v14 =	vor.u32 s4, v62;
	v9 =	vld.idx.msk [tilespmem:v9+s24+$0x0], $0xffff  }
0x42: {  	v15 =	vor.u32 s4, v57;
	v10 =	vld.idx.msk [tilespmem:v10+s24+$0x0], $0xffff  }
0x43: {  	v11 =	vld.idx.msk [tilespmem:v11+s24+$0x0], $0xffff  }
0x44: {  	v12 =	vld.idx.msk [tilespmem:v12+s24+$0x0], $0xffff  }
0x45: {  	v13 =	vld.idx.msk [tilespmem:v13+s24+$0x0], $0xffff  }
0x46: {  	v14 =	vld.idx.msk [tilespmem:v14+s24+$0x0], $0xffff  }
0x47: {  	v15 =	vld.idx.msk [tilespmem:v15+s24+$0x0], $0xffff  }
0x48: {  	v8 =	vld.idx.msk [tilespmem:v8+s3+$0x0], $0xffff  }
0x49: {  	v9 =	vld.idx.msk [tilespmem:v9+s3+$0x0], $0xffff  }
0x4a: {  	v10 =	vld.idx.msk [tilespmem:v10+s3+$0x0], $0xffff  }
0x4b: {  	v11 =	vld.idx.msk [tilespmem:v11+s3+$0x0], $0xffff  }
0x4c: {  	v12 =	vld.idx.msk [tilespmem:v12+s3+$0x0], $0xffff  }
0x4d: {  	v13 =	vld.idx.msk [tilespmem:v13+s3+$0x0], $0xffff  }
0x4e: {  	v14 =	vld.idx.msk [tilespmem:v14+s3+$0x0], $0xffff;
	v16 =	vmax.f32 v9, v8  }
0x4f: {  	v15 =	vld.idx.msk [tilespmem:v15+s3+$0x0], $0xffff;
	v16 =	vmax.f32 v16, v10  }
0x50: {  	v7 =	vld.idx.msk [tilespmem:v7+s3+$0x0], $0xffff;
	v16 =	vmax.f32 v16, v11  }
0x51: {  	s10 =	simm.s32 $0x0;
	v6 =	vld.idx.msk [tilespmem:v6+s3+$0x0], $0xffff;
	v16 =	vmax.f32 v16, v12  }
0x52: {  	v17 =	vor.u32 s10, v20;
	v5 =	vld.idx.msk [tilespmem:v5+s3+$0x0], $0xffff;
	v16 =	vmax.f32 v16, v13  }
0x53: {  	v23 =	vor.u32 s10, v61;
	v4 =	vld.idx.msk [tilespmem:v4+s3+$0x0], $0xffff;
	[tilespmem:$0x1FD80] =	vst v17;
	v16 =	vmax.f32 v16, v14  }
0x54: {  	v17 =	vand.u32 v18, v17;
	v3 =	vld.idx.msk [tilespmem:v3+s3+$0x0], $0xffff;
	v16 =	vmax.f32 v16, v15  }
0x55: {  	v48 =	vmov v18;
	v18 =	vor.u32 s10, v19;
	v2 =	vld.idx.msk [tilespmem:v2+s3+$0x0], $0xffff;
	v16 =	vmax.f32 v16, v7  }
0x56: {  	v24 =	vor.u32 s10, v62;
	v1 =	vld.idx.msk [tilespmem:v1+s3+$0x0], $0xffff;
	v16 =	vmax.f32 v16, v6  }
0x57: {  	v52 =	vmov v19;
	v19 =	vor.u32 s10, v58;
	v0 =	vld.idx.msk [tilespmem:v0+s3+$0x0], $0xffff;
	v16 =	vmax.f32 v16, v5  }
0x58: {  	v23 =	vld.idx.msk [tilespmem:v23+s24+$0x0], $0xffff;
	v16 =	vmax.f32 v16, v4  }
0x59: {  	v56 =	vmov v20;
	v20 =	vor.u32 s10, v59;
	v17 =	vld.idx.msk [tilespmem:v17+s24+$0x0], $0xffff;
	v16 =	vmax.f32 v16, v3  }
0x5a: {  	v22 =	vor.u32 s10, v60;
	v18 =	vld.idx.msk [tilespmem:v18+s24+$0x0], $0xffff;
	v16 =	vmax.f32 v16, v2  }
0x5b: {  	v24 =	vld.idx.msk [tilespmem:v24+s24+$0x0], $0xffff;
	v16 =	vmax.f32 v16, v1  }
0x5c: {  	v19 =	vld.idx.msk [tilespmem:v19+s24+$0x0], $0xffff;
	v25 =	vmax.f32 v16, v0  }
0x5d: {  	v9 =	vsub.f32 v9, v25  }
0x5e: {  	v16 =	vld.idx.msk [tilespmem:v20+s24+$0x0], $0xffff;
	v8 =	vsub.f32 v8, v25  }
0x5f: {  	v22 =	vld.idx.msk [tilespmem:v22+s24+$0x0], $0xffff;
	v9 =	vmul.f32 $1.442695020e+00, v9  }
0x60: {  	v30 =	vld.idx.msk [tilespmem:v23+s3+$0x0], $0xffff;
	v20 =	vor.u32 s10, v57;
	v10 =	vsub.f32 v10, v25;
	v8 =	vmul.f32 $1.442695020e+00, v8  }
0x61: {  	v26 =	vor.u32 s10, v51;
	v27 =	vld.idx.msk [tilespmem:v17+s3+$0x0], $0xffff;
	(erf) = vpow2.f32 v9  }
0x62: {  	v11 =	vsub.f32 v11, v25;
	v10 =	vmul.f32 $1.442695020e+00, v10;
	v9 =	vld.idx.msk [tilespmem:v18+s3+$0x0], $0xffff;
	(erf) = vpow2.f32 v8  }
0x63: {  	v24 =	vld.idx.msk [tilespmem:v24+s3+$0x0], $0xffff;
	v8 =	vor.u32 s10, v32  }
0x64: {  	v28 =	vld.idx.msk [tilespmem:v19+s3+$0x0], $0xffff;
	v19 =	vor.u32 s10, v45;
	v11 =	vmul.f32 $1.442695020e+00, v11;
	(erf) = vpow2.f32 v10  }
0x65: {  	v12 =	vsub.f32 v12, v25;
	v18 =	vld.idx.msk [tilespmem:v20+s24+$0x0], $0xffff  }
0x66: {  	v13 =	vsub.f32 v13, v25;
	v10 =	vor.u32 s10, v54;
	v29 =	vld.idx.msk [tilespmem:v16+s3+$0x0], $0xffff;
	(erf) = vpow2.f32 v11  }
0x67: {  	v12 =	vmul.f32 $1.442695020e+00, v12;
	v16 =	vld.idx.msk [tilespmem:v26+s24+$0x0], $0xffff;
	v11 =	vor.u32 s10, v40;
	v17 =	vmax.f32 v27, v9  }
0x68: {  	v14 =	vsub.f32 v14, v25;
	v8 =	vld.idx.msk [tilespmem:v8+s24+$0x0], $0xffff  }
0x69: {  	v34 =	vld.idx.msk [tilespmem:v19+s24+$0x0], $0xffff;
	v13 =	vmul.f32 $1.442695020e+00, v13;
	(erf) = vpow2.f32 v12;
	v12 =	vor.u32 s10, v50  }
0x6a: {  	v15 =	vsub.f32 v15, v25;
	v26 =	vld.idx.msk [tilespmem:v22+s3+$0x0], $0xffff;
	v20 =	vmax.f32 v17, v28;
	v17 =	vpop (erf)  }
0x6b: {  	v7 =	vsub.f32 v7, v25;
	v14 =	vmul.f32 $1.442695020e+00, v14;
	(erf) = vpow2.f32 v13;
	v10 =	vld.idx.msk [tilespmem:v10+s24+$0x0], $0xffff;
	v22 =	vpop (erf)  }
0x6c: {  	v13 =	vor.u32 s10, v53;
	v20 =	vmax.f32 v20, v29;
	v11 =	vld.idx.msk [tilespmem:v11+s24+$0x0], $0xffff;
	v31 =	vadd.f32 v22, v17  }
0x6d: {  	v15 =	vmul.f32 $1.442695020e+00, v15;
	(erf) = vpow2.f32 v14;
	v14 =	vor.u32 s10, v47;
	v46 =	vld.idx.msk [tilespmem:v18+s3+$0x0], $0xffff;
	v23 =	vpop (erf)  }
0x6e: {  	v6 =	vsub.f32 v6, v25;
	v12 =	vld.idx.msk [tilespmem:v12+s24+$0x0], $0xffff;
	v31 =	vadd.f32 v31, v23  }
0x6f: {  	v7 =	vmul.f32 $1.442695020e+00, v7;
	(erf) = vpow2.f32 v15;
	v18 =	vmax.f32 v20, v26;
	v33 =	vld.idx.msk [tilespmem:v16+s3+$0x0], $0xffff;
	v20 =	vpop (erf)  }
0x70: {  	v6 =	vmul.f32 $1.442695020e+00, v6;
	v16 =	vadd.f32 v31, v20;
	v31 =	vld.idx.msk [tilespmem:v8+s3+$0x0], $0xffff  }
0x71: {  	v5 =	vsub.f32 v5, v25;
	(erf) = vpow2.f32 v7;
	v8 =	vld.idx.msk [tilespmem:v13+s24+$0x0], $0xffff  }
0x72: {  	v4 =	vsub.f32 v4, v25;
	(erf) = vpow2.f32 v6;
	v6 =	vld.idx.msk [tilespmem:v14+s24+$0x0], $0xffff;
	v19 =	vpop (erf)  }
0x73: {  	v5 =	vmul.f32 $1.442695020e+00, v5;
	v13 =	vadd.f32 v16, v19  }
0x74: {  	v4 =	vmul.f32 $1.442695020e+00, v4;
	v15 =	vmax.f32 v18, v30;
	v18 =	vpop (erf)  }
0x75: {  	(erf) = vpow2.f32 v5;
	v7 =	vmax.f32 v15, v24;
	v35 =	vld.idx.msk [tilespmem:v10+s3+$0x0], $0xffff;
	v10 =	vadd.f32 v13, v18  }
0x76: {  	v3 =	vsub.f32 v3, v25;
	v2 =	vsub.f32 v2, v25;
	v7 =	vmax.f32 v7, v46;
	v36 =	vld.idx.msk [tilespmem:v11+s3+$0x0], $0xffff;
	v16 =	vpop (erf)  }
0x77: {  	(erf) = vpow2.f32 v4;
	v5 =	vmax.f32 v7, v33;
	v12 =	vld.idx.msk [tilespmem:v12+s3+$0x0], $0xffff;
	v7 =	vadd.f32 v10, v16  }
0x78: {  	v1 =	vsub.f32 v1, v25;
	v0 =	vsub.f32 v0, v25;
	v3 =	vmul.f32 $1.442695020e+00, v3;
	v34 =	vld.idx.msk [tilespmem:v34+s3+$0x0], $0xffff;
	v15 =	vpop (erf)  }
0x79: {  	v2 =	vmul.f32 $1.442695020e+00, v2;
	v4 =	vmax.f32 v5, v31;
	v5 =	vadd.f32 v7, v15;
	v25 =	vld.idx.msk [tilespmem:v8+s3+$0x0], $0xffff  }
0x7a: {  	v1 =	vmul.f32 $1.442695020e+00, v1;
	(erf) = vpow2.f32 v3;
	v37 =	vld.idx.msk [tilespmem:v6+s3+$0x0], $0xffff;
	v3 =	vmax.f32 v4, v35;
	v14 =	vpop (erf)  }
0x7b: {  	(erf) = vpow2.f32 v2;
	v2 =	vmax.f32 v3, v36;
	v4 =	vadd.f32 v5, v14  }
0x7c: {  	v0 =	vmul.f32 $1.442695020e+00, v0;
	(erf) = vpow2.f32 v1;
	v13 =	vpop (erf);
	v1 =	vmax.f32 v2, v12  }
0x7d: {  	v1 =	vmax.f32 v1, v34;
	v3 =	vadd.f32 v4, v13  }
0x7e: {  	(erf) = vpow2.f32 v0;
	v8 =	vpop (erf);
	v0 =	vmax.f32 v1, v25  }
0x7f: {  	v2 =	vadd.f32 v3, v8;
	v38 =	vmax.f32 v0, v37  }
0x80: {  	v11 =	vpop (erf);
	v1 =	vsub.f32 v27, v38  }
0x81: {  	v0 =	vadd.f32 v2, v11;
	v2 =	vsub.f32 v9, v38  }
0x82: {  	v3 =	vsub.f32 v28, v38;
	v1 =	vmul.f32 $1.442695020e+00, v1  }
0x83: {  	v5 =	vsub.f32 v29, v38;
	v2 =	vmul.f32 $1.442695020e+00, v2  }
0x84: {  	v7 =	vpop (erf);
	v3 =	vmul.f32 $1.442695020e+00, v3;
	(erf) = vpow2.f32 v1  }
0x85: {  	v0 =	vadd.f32 v0, v7;
	v1 =	vmul.f32 $1.442695020e+00, v5;
	(erf) = vpow2.f32 v2  }
0x86: {  	v4 =	vpop (erf);
	(erf) = vpow2.f32 v3  }
0x87: {  	v6 =	vsub.f32 v26, v38;
	v0 =	vadd.f32 v0, v4;
	(erf) = vpow2.f32 v1  }
0x88: {  	v10 =	vpop (erf)  }
0x89: {  	s11 =	simm.s32 $0x6400;
	v2 =	vmul.f32 $1.442695020e+00, v6;
	v0 =	vadd.f32 v0, v10  }
0x8a: {  	v9 =	vpop (erf);
	v5 =	vsub.f32 v33, v38;
	v3 =	vld [tilespmem:s11+$0xFFFFFF00]  }
0x8b: {  	(erf) = vpow2.f32 v2;
	v2 =	vsub.f32 v46, v38;
	v0 =	vadd.f32 v0, v9;
	_ =	sdelay $0x1  }
0x8c: {  	(erf) = vrcp.f32 v0;
	v6 =	vpop (erf)  }
0x8d: {  	v26 =	vld [tilespmem:s11+$0x10];
	v27 =	vsub.f32 v31, v38;
	v12 =	vsub.f32 v12, v38;
	v29 =	vmul.f32 $1.442695020e+00, v5;
	v5 =	vpop (erf)  }
0x8e: {  	v1 =	vsub.f32 v24, v38;
	v24 =	vld [tilespmem:s11+$0x0];
	v28 =	vmul.f32 $1.442695020e+00, v2;
	v0 =	vsub.f32 v30, v38;
	[tilespmem:$0x1FDB0] =	vst v3;
	v2 =	vpop (erf)  }
0x8f: {  	v34 =	vsub.f32 v34, v38;
	v25 =	vsub.f32 v25, v38;
	v27 =	vmul.f32 $1.442695020e+00, v27;
	v31 =	vld [tilespmem:s11+$0x20];
	[tilespmem:$0x1FDC0] =	vst v2;
	v63 =	vpop (erf)  }
0x90: {  	v49 =	vmovc v32;
	v37 =	vsub.f32 v37, v38;
	v1 =	vmul.f32 $1.442695020e+00, v1;
	v0 =	vmul.f32 $1.442695020e+00, v0;
	v32 =	vld [tilespmem:s11+$0x30];
	[tilespmem:$0x1FDD0] =	vst v63  }
0x91: {  	v34 =	vmul.f32 $1.442695020e+00, v34;
	v25 =	vmul.f32 $1.442695020e+00, v25;
	v30 =	vsub.f32 v35, v38;
	v33 =	vld [tilespmem:s11+$0x40]  }
0x92: {  	v37 =	vmul.f32 $1.442695020e+00, v37;
	(erf) = vpow2.f32 v0;
	v0 =	vsub.f32 v36, v38;
	v35 =	vld [tilespmem:s11+$0x50]  }
0x93: {  	s6 =	simm.s32 $0x300;
	v30 =	vmul.f32 $1.442695020e+00, v30;
	(erf) = vpow2.f32 v1;
	v36 =	vld [tilespmem:s11+$0x60]  }
0x94: {  	v43 =	vor.u32 s6, v50;
	(erf) = vpow2.f32 v28;
	v28 =	vmul.f32 $1.442695020e+00, v0;
	v1 =	vpop (erf);
	v39 =	vld [tilespmem:s11+$0x80]  }
0x95: {  	v38 =	vor.u32 s6, v53;
	(erf) = vpow2.f32 v29;
	v29 =	vmul.f32 $1.442695020e+00, v12;
	v41 =	vld [tilespmem:s11+$0xB0];
	v12 =	vpop (erf)  }
0x96: {  	v46 =	vor.u32 s6, v52;
	v42 =	vld [tilespmem:s11+$0xC0];
	(erf) = vpow2.f32 v27;
	v22 =	vmul.f32 v12, v22  }
0x97: {  	v3 =	vmovc v40;
	v40 =	vadd.f32 v5, v6;
	v44 =	vld [tilespmem:s11+$0xD0];
	v17 =	vmul.f32 v12, v17;
	v23 =	vmul.f32 v12, v23  }
0x98: {  	v27 =	vld [tilespmem:s11+$0x70];
	(erf) = vpow2.f32 v30;
	v22 =	vadd.f32 v22, v26;
	v26 =	vor.u32 s6, v47  }
0x99: {  	v30 =	vld [tilespmem:s11+$0xA0];
	v17 =	vadd.f32 v17, v24;
	v23 =	vadd.f32 v23, v31;
	v31 =	vor.u32 s6, v45  }
0x9a: {  	v0 =	vor.u32 s6, v56;
	v38 =	vld.idx.msk [tilespmem:v38+s24+$0x0], $0xffff;
	v20 =	vmul.f32 v12, v20;
	(erf) = vpow2.f32 v28  }
0x9b: {  	v28 =	vor.u32 s6, v3;
	v50 =	vmul.f32 v12, v19;
	v24 =	vld [tilespmem:s11+$0x90];
	vm0 =	vgt.f32 v22, v17  }
0x9c: {  	v20 =	vadd.f32 v20, v32;
	v45 =	vor.u32 s6, v54;
	v22 =	vsel vm0, v22, v17;
	v17 =	vld [tilespmem:s11+$0xE0]  }
0x9d: {  	vm1 =	vgt.f32 v23, v22;
	v19 =	vld.idx.msk [tilespmem:v26+s24+$0x0], $0xffff;
	v26 =	vadd.f32 v40, v2;
	v40 =	vor.u32 s6, v49  }
0x9e: {  	v32 =	vadd.f32 v50, v33;
	v50 =	vor.u32 s6, v51;
	v22 =	vsel vm1, v23, v22;
	v31 =	vld.idx.msk [tilespmem:v31+s24+$0x0], $0xffff;
	[tilespmem:$0x1FE00] =	vst v0  }
0x9f: {  	v18 =	vmul.f32 v12, v18;
	v16 =	vmul.f32 v12, v16;
	vm2 =	vgt.f32 v20, v22;
	v43 =	vld.idx.msk [tilespmem:v43+s24+$0x0], $0xffff  }
0xa0: {  	(erf) = vpow2.f32 v29;
	v29 =	vld.idx.msk [tilespmem:v28+s24+$0x0], $0xffff;
	v20 =	vsel vm2, v20, v22;
	v22 =	vand.u32 v21, v0  }
0xa1: {  	v18 =	vadd.f32 v18, v35;
	v28 =	vor.u32 s6, v58;
	v35 =	vld.idx.msk [tilespmem:v45+s24+$0x0], $0xffff;
	vm3 =	vgt.f32 v32, v20  }
0xa2: {  	v15 =	vmul.f32 v12, v15;
	v20 =	vsel vm3, v32, v20;
	v32 =	vld.idx.msk [tilespmem:v40+s24+$0x0], $0xffff;
	v40 =	vor.u32 s6, v59  }
0xa3: {  	v14 =	vmul.f32 v12, v14;
	v13 =	vmul.f32 v12, v13;
	v45 =	vor.u32 s6, v60;
	v33 =	vld.idx.msk [tilespmem:v50+s24+$0x0], $0xffff  }
0xa4: {  	v16 =	vadd.f32 v16, v36;
	v2 =	vmovc v49;
	v49 =	vor.u32 s6, v61;
	v36 =	vld.idx.msk [tilespmem:v46+s24+$0x0], $0xffff;
	vm4 =	vgt.f32 v18, v20  }
0xa5: {  	v11 =	vmul.f32 v12, v11;
	v18 =	vsel vm4, v18, v20;
	v20 =	vld.idx.msk [tilespmem:v22+s24+$0x0], $0xffff;
	v22 =	vor.u32 s6, v62  }
0xa6: {  	v15 =	vadd.f32 v15, v27;
	v50 =	vor.u32 s6, v57;
	v27 =	vld.idx.msk [tilespmem:v28+s24+$0x0], $0xffff;
	vm5 =	vgt.f32 v16, v18  }
0xa7: {  	v10 =	vmul.f32 v12, v10;
	(erf) = vpow2.f32 v34;
	v16 =	vsel vm5, v16, v18;
	v18 =	vld.idx.msk [tilespmem:v40+s24+$0x0], $0xffff  }
0xa8: {  	v14 =	vadd.f32 v14, v39;
	(erf) = vpow2.f32 v25;
	v28 =	vld.idx.msk [tilespmem:v45+s24+$0x0], $0xffff;
	vm7 =	vgt.f32 v15, v16  }
0xa9: {  	v13 =	vadd.f32 v13, v24;
	v26 =	vadd.f32 v26, v63;
	v15 =	vsel vm7, v15, v16;
	v16 =	vld.idx.msk [tilespmem:v49+s24+$0x0], $0xffff  }
0xaa: {  	v24 =	vmul.f32 v12, v8;
	v8 =	vsel vm0, $0x1, v55;
	vm8 =	vgt.f32 v14, v15;
	v22 =	vld.idx.msk [tilespmem:v22+s24+$0x0], $0xffff  }
0xab: {  	v25 =	vadd.f32 v26, v1;
	v26 =	vsel vm1, $0x2, v8;
	v14 =	vsel vm8, v14, v15;
	v15 =	vld.idx.msk [tilespmem:v50+s24+$0x0], $0xffff  }
0xac: {  	v24 =	vadd.f32 v24, v30;
	v26 =	vsel vm2, $0x3, v26;
	v36 =	vld.idx.msk [tilespmem:v36+s3+$0x0], $0xffff;
	vm6 =	vgt.f32 v13, v14  }
0xad: {  	v11 =	vadd.f32 v11, v41;
	v8 =	vpop (erf);
	v26 =	vsel vm3, $0x4, v26;
	v13 =	vsel vm6, v13, v14;
	v20 =	vld.idx.msk [tilespmem:v20+s3+$0x0], $0xffff  }
0xae: {  	v25 =	vadd.f32 v25, v8;
	v14 =	vmul.f32 v12, v7;
	v30 =	vld.idx.msk [tilespmem:v27+s3+$0x0], $0xffff;
	vm2 =	vgt.f32 v24, v13  }
0xaf: {  	(erf) = vpow2.f32 v37;
	v26 =	vsel vm4, $0x5, v26;
	v7 =	vpop (erf);
	v13 =	vsel vm2, v24, v13;
	v37 =	vld.idx.msk [tilespmem:v18+s3+$0x0], $0xffff  }
0xb0: {  	v39 =	vld.idx.msk [tilespmem:v28+s3+$0x0], $0xffff;
	v24 =	vadd.f32 v25, v7;
	v25 =	vsel vm5, $0x6, v26;
	v14 =	vadd.f32 v14, v42  }
0xb1: {  	vm0 =	vgt.f32 v11, v13;
	v18 =	vmul.f32 v12, v4;
	v4 =	vpop (erf);
	v40 =	vld.idx.msk [tilespmem:v16+s3+$0x0], $0xffff;
	v16 =	vsel vm7, $0x7, v25  }
0xb2: {  	v11 =	vsel vm0, v11, v13;
	v24 =	vadd.f32 v24, v4;
	v22 =	vld.idx.msk [tilespmem:v22+s3+$0x0], $0xffff;
	v25 =	vmax.f32 v20, v36  }
0xb3: {  	v9 =	vmul.f32 v12, v9;
	v26 =	vpop (erf);
	vm1 =	vgt.f32 v14, v11;
	v41 =	vld.idx.msk [tilespmem:v15+s3+$0x0], $0xffff;
	v13 =	vmax.f32 v25, v30  }
0xb4: {  	v42 =	vld.idx.msk [tilespmem:v33+s3+$0x0], $0xffff;
	v15 =	vsel vm8, $0x8, v16;
	v16 =	vadd.f32 v24, v26;
	v13 =	vmax.f32 v13, v37  }
0xb5: {  	s12 =	simm.s32 $0x200;
	v27 =	vpop (erf);
	v33 =	vadd.f32 v18, v44;
	v44 =	vld.idx.msk [tilespmem:v32+s3+$0x0], $0xffff;
	v24 =	vsel vm6, $0x9, v15;
	v13 =	vmax.f32 v13, v39  }
0xb6: {  	v45 =	vld.idx.msk [tilespmem:v35+s3+$0x0], $0xffff;
	v15 =	vadd.f32 v16, v27;
	v16 =	vor.u32 s12, v56;
	v13 =	vmax.f32 v13, v40  }
0xb7: {  	v12 =	vor.u32 s12, v52;
	v11 =	vsel vm1, v14, v11;
	v14 =	vld.idx.msk [tilespmem:v29+s3+$0x0], $0xffff;
	v28 =	vpop (erf);
	[tilespmem:$0x1FD90] =	vst v16;
	v13 =	vmax.f32 v13, v22  }
0xb8: {  	v49 =	vand.u32 v48, v16;
	v16 =	vadd.f32 v15, v28;
	v15 =	vld.idx.msk [tilespmem:v43+s3+$0x0], $0xffff;
	v13 =	vmax.f32 v13, v41  }
0xb9: {  	v23 =	vmov v1;
	v29 =	vpop (erf);
	v18 =	vld.idx.msk [tilespmem:v31+s3+$0x0], $0xffff;
	v13 =	vmax.f32 v13, v42  }
0xba: {  	v25 =	vpop (erf);
	v31 =	vsel vm2, $0xA, v24;
	v24 =	vadd.f32 v16, v29;
	v16 =	vld.idx.msk [tilespmem:v38+s3+$0x0], $0xffff;
	v52 =	vmax.f32 v13, v44  }
0xbb: {  	v63 =	vor.u32 s12, v59;
	v56 =	vor.u32 s12, v58;
	v1 =	vpop (erf);
	v13 =	vld.idx.msk [tilespmem:v19+s3+$0x0], $0xffff;
	v19 =	vmax.f32 v52, v45  }
0xbc: {  	v0 =	vmovc v47;
	v47 =	vor.u32 s12, v61;
	v38 =	vld [tilespmem:s11+$0xF0];
	v50 =	vadd.f32 v24, v25;
	[tilespmem:$0x1FE70] =	vst v1;
	v19 =	vmax.f32 v19, v14  }
0xbd: {  	v10 =	vadd.f32 v10, v17;
	v17 =	vor.u32 s12, v60;
	v12 =	vld.idx.msk [tilespmem:v12+s24+$0x0], $0xffff;
	v19 =	vmax.f32 v19, v15  }
0xbe: {  	vm2 =	vgt.f32 v33, v11;
	v52 =	vadd.f32 v50, v1;
	v19 =	vmax.f32 v19, v18  }
0xbf: {  	v34 =	vpop (erf);
	v31 =	vsel vm0, $0xB, v31;
	v46 =	vld.idx.msk [tilespmem:v49+s24+$0x0], $0xffff;
	v49 =	vor.u32 s12, v62;
	v19 =	vmax.f32 v19, v16  }
0xc0: {  	v11 =	vsel vm2, v33, v11;
	v33 =	vld.idx.msk [tilespmem:v56+s24+$0x0], $0xffff;
	v56 =	vadd.f32 v52, v34;
	v50 =	vmax.f32 v19, v13  }
0xc1: {  	v21 =	vpop (erf);
	vm0 =	vgt.f32 v10, v11;
	v9 =	vadd.f32 v9, v38;
	v20 =	vsub.f32 v20, v50  }
0xc2: {  	v48 =	vld [tilespmem:s11+$0xFFFFFF10];
	[tilespmem:$0x1FE90] =	vst v21;
	v19 =	vsel vm1, $0xC, v31;
	v35 =	vadd.f32 v56, v21;
	v36 =	vsub.f32 v36, v50  }
0xc3: {  	v31 =	vld.idx.msk [tilespmem:v63+s24+$0x0], $0xffff;
	v63 =	vor.u32 s12, v57;
	v30 =	vsub.f32 v30, v50;
	v20 =	vmul.f32 $1.442695020e+00, v20  }
0xc4: {  	v56 =	vld.idx.msk [tilespmem:v49+s24+$0x0], $0xffff;
	v19 =	vsel vm2, $0xD, v19;
	(erf) = vrcp.f32 v35;
	v49 =	vmul.f32 $1.442695020e+00, v36  }
0xc5: {  	(erf) = vpow2.f32 v20;
	v20 =	vld.idx.msk [tilespmem:v12+s3+$0x0], $0xffff;
	v12 =	vmul.f32 $1.442695020e+00, v30;
	v30 =	vsub.f32 v37, v50  }
0xc6: {  	v10 =	vsel vm0, v10, v11;
	v17 =	vld.idx.msk [tilespmem:v17+s24+$0x0], $0xffff;
	v19 =	vsel vm0, $0xE, v19  }
0xc7: {  	v52 =	vld.idx.msk [tilespmem:v47+s24+$0x0], $0xffff;
	vm0 =	vgt.f32 v9, v10;
	(erf) = vpow2.f32 v49;
	v10 =	vmul.f32 $1.442695020e+00, v30  }
0xc8: {  	v11 =	vor.u32 s12, v51;
	v36 =	vld.idx.msk [tilespmem:v46+s3+$0x0], $0xffff;
	(erf) = vpow2.f32 v12  }
0xc9: {  	(erf) = vpow2.f32 v10;
	v10 =	vld [tilespmem:$0x1FDA0]  }
0xca: {  	v43 =	vld.idx.msk [tilespmem:v63+s24+$0x0], $0xffff  }
0xcb: {  	v37 =	vld.idx.msk [tilespmem:v33+s3+$0x0], $0xffff;
	v30 =	vsub.f32 v39, v50  }
0xcc: {  	v9 =	vor.u32 s12, v2;
	v39 =	vld.idx.msk [tilespmem:v31+s3+$0x0], $0xffff  }
0xcd: {  	v12 =	vsel vm0, $0xF, v19;
	v31 =	vld.idx.msk [tilespmem:v11+s24+$0x0], $0xffff;
	v11 =	vmul.f32 $1.442695020e+00, v30  }
0xce: {  	v33 =	vld [tilespmem:$0x1FF30];
	v19 =	vor.u32 s12, v54;
	v10 =	vadd.s32 v10, v12  }
0xcf: {  	(erf) = vpow2.f32 v11;
	v11 =	vld [tilespmem:$0x1FEE0];
	[tilespmem:$0x1FEC0] =	vst v10  }
0xd0: {  	v30 =	vsub.f32 v40, v50;
	v40 =	vld.idx.msk [tilespmem:v17+s3+$0x0], $0xffff  }
0xd1: {  	v17 =	vld.idx.msk [tilespmem:v9+s24+$0x0], $0xffff  }
0xd2: {  	v32 =	vmov v51;
	v51 =	vor.u32 s12, v0;
	v38 =	vld.idx.msk [tilespmem:v52+s3+$0x0], $0xffff  }
0xd3: {  	v41 =	vsub.f32 v41, v50;
	v12 =	vor.u32 s12, v3;
	v9 =	vsub.f32 v22, v50;
	v19 =	vld.idx.msk [tilespmem:v19+s24+$0x0], $0xffff  }
0xd4: {  	v21 =	vmul.f32 $1.442695020e+00, v30;
	v30 =	vor.u32 s12, v33;
	v10 =	vmax.f32 v36, v20;
	v46 =	vld.idx.msk [tilespmem:v56+s3+$0x0], $0xffff  }
0xd5: {  	v42 =	vsub.f32 v42, v50;
	v22 =	vor.u32 s12, v11;
	v10 =	vmax.f32 v10, v37;
	v43 =	vld.idx.msk [tilespmem:v43+s3+$0x0], $0xffff  }
0xd6: {  	v44 =	vsub.f32 v44, v50;
	v35 =	vpop (erf);
	v56 =	vmov v0;
	v0 =	vld [tilespmem:$0x1FDB0];
	v11 =	vmul.f32 $1.442695020e+00, v9  }
0xd7: {  	v45 =	vsub.f32 v45, v50;
	v18 =	vsub.f32 v18, v50;
	(erf) = vpow2.f32 v21;
	v52 =	vld.idx.msk [tilespmem:v31+s3+$0x0], $0xffff;
	v9 =	vpop (erf)  }
0xd8: {  	v21 =	vor.u32 s12, v53;
	v47 =	vmax.f32 v10, v39;
	v49 =	vld.idx.msk [tilespmem:v12+s24+$0x0], $0xffff;
	v12 =	vmul.f32 $1.442695020e+00, v41;
	v10 =	vpop (erf)  }
0xd9: {  	v6 =	vmul.f32 v35, v6;
	v30 =	vld.idx.msk [tilespmem:v30+s24+$0x0], $0xffff;
	(erf) = vpow2.f32 v11;
	v41 =	vadd.f32 v10, v9  }
0xda: {  	v16 =	vsub.f32 v16, v50;
	v13 =	vsub.f32 v13, v50;
	v42 =	vmul.f32 $1.442695020e+00, v42;
	v22 =	vld.idx.msk [tilespmem:v22+s24+$0x0], $0xffff;
	v11 =	vpop (erf)  }
0xdb: {  	v63 =	vmovc v3;
	(erf) = vpow2.f32 v12;
	v3 =	vadd.f32 v6, v0;
	v0 =	vld [tilespmem:$0x1FDC0];
	v41 =	vadd.f32 v41, v11  }
0xdc: {  	v44 =	vmul.f32 $1.442695020e+00, v44;
	v5 =	vmul.f32 v35, v5;
	v47 =	vmax.f32 v47, v40;
	v6 =	vld.idx.msk [tilespmem:v51+s24+$0x0], $0xffff;
	v12 =	vpop (erf)  }
0xdd: {  	v31 =	vmax.f32 v47, v38;
	(erf) = vpow2.f32 v42;
	v47 =	vld.idx.msk [tilespmem:v21+s24+$0x0], $0xffff;
	v41 =	vadd.f32 v41, v12  }
0xde: {  	v21 =	vmul.f32 $1.442695020e+00, v45;
	v42 =	vld.idx.msk [tilespmem:v17+s3+$0x0], $0xffff;
	v17 =	vmax.f32 v31, v46;
	v31 =	vsub.f32 v14, v50;
	v14 =	vpop (erf)  }
0xdf: {  	v24 =	vmovc v2;
	(erf) = vpow2.f32 v44;
	v45 =	vld.idx.msk [tilespmem:v19+s3+$0x0], $0xffff;
	v17 =	vmax.f32 v17, v43;
	v41 =	vadd.f32 v41, v14  }
0xe0: {  	v44 =	vsub.f32 v15, v50;
	v15 =	vpop (erf);
	v19 =	vmul.f32 $1.442695020e+00, v31;
	v2 =	vmul.f32 v35, v0;
	v0 =	vld [tilespmem:$0x1FDD0]  }
0xe1: {  	v5 =	vadd.f32 v5, v48;
	v48 =	vld.idx.msk [tilespmem:v49+s3+$0x0], $0xffff;
	v31 =	vadd.f32 v41, v15  }
0xe2: {  	(erf) = vpow2.f32 v21;
	v44 =	vmul.f32 $1.442695020e+00, v44;
	v21 =	vmax.f32 v17, v52;
	v49 =	vld [tilespmem:s11+$0xFFFFFF30];
	v17 =	vpop (erf)  }
0xe3: {  	v18 =	vmul.f32 $1.442695020e+00, v18;
	(erf) = vpow2.f32 v19;
	v41 =	vld [tilespmem:s11+$0xFFFFFF20];
	v31 =	vadd.f32 v31, v17  }
0xe4: {  	v16 =	vmul.f32 $1.442695020e+00, v16;
	v21 =	vmax.f32 v21, v42;
	v51 =	vld.idx.msk [tilespmem:v22+s3+$0x0], $0xffff;
	(erf) = vpow2.f32 v44;
	v19 =	vpop (erf)  }
0xe5: {  	v13 =	vmul.f32 $1.442695020e+00, v13;
	v44 =	vld.idx.msk [tilespmem:v30+s3+$0x0], $0xffff;
	(erf) = vpow2.f32 v18;
	v22 =	vadd.f32 v31, v19  }
0xe6: {  	v47 =	vld.idx.msk [tilespmem:v47+s3+$0x0], $0xffff;
	(erf) = vpow2.f32 v16  }
0xe7: {  	v30 =	vmax.f32 v21, v45;
	v21 =	vpop (erf);
	(erf) = vpow2.f32 v13;
	v13 =	vld [tilespmem:s11+$0xFFFFFF50]  }
0xe8: {  	v2 =	vadd.f32 v2, v41;
	v41 =	vld.idx.msk [tilespmem:v6+s3+$0x0], $0xffff;
	v31 =	vadd.f32 v22, v21  }
0xe9: {  	v8 =	vmul.f32 v35, v8;
	vm0 =	vgt.f32 v5, v3;
	v1 =	vmul.f32 v35, v0;
	v6 =	vld [tilespmem:s11+$0xFFFFFF40];
	v22 =	vpop (erf)  }
0xea: {  	v3 =	vsel vm0, v5, v3;
	v5 =	vmax.f32 v30, v48;
	v18 =	vadd.f32 v31, v22  }
0xeb: {  	v0 =	vmul.f32 v35, v23;
	v1 =	vadd.f32 v1, v49;
	v5 =	vmax.f32 v5, v51;
	v30 =	vpop (erf)  }
0xec: {  	v5 =	vmax.f32 v5, v44;
	vm1 =	vgt.f32 v2, v3;
	v16 =	vadd.f32 v18, v30  }
0xed: {  	v5 =	vmax.f32 v5, v47;
	v8 =	vadd.f32 v8, v13;
	v2 =	vsel vm1, v2, v3;
	v31 =	vpop (erf)  }
0xee: {  	v49 =	vmax.f32 v5, v41;
	v0 =	vadd.f32 v0, v6;
	v3 =	vadd.f32 v16, v31  }
0xef: {  	vm2 =	vgt.f32 v1, v2;
	v5 =	vsub.f32 v36, v49;
	v18 =	vpop (erf);
	v16 =	vsub.f32 v20, v49  }
0xf0: {  	v1 =	vsel vm2, v1, v2;
	v2 =	vsub.f32 v37, v49;
	v3 =	vadd.f32 v3, v18  }
0xf1: {  	v50 =	vsub.f32 v39, v49;
	v40 =	vsub.f32 v40, v49;
	v5 =	vmul.f32 $1.442695020e+00, v5;
	v6 =	vpop (erf)  }
0xf2: {  	vm3 =	vgt.f32 v0, v1;
	v20 =	vmul.f32 $1.442695020e+00, v16;
	v3 =	vadd.f32 v3, v6  }
0xf3: {  	v2 =	vmul.f32 $1.442695020e+00, v2;
	v36 =	vsel vm3, v0, v1;
	(erf) = vpow2.f32 v5;
	v16 =	vpop (erf)  }
0xf4: {  	v5 =	vmul.f32 $1.442695020e+00, v50;
	(erf) = vpow2.f32 v20;
	v3 =	vadd.f32 v3, v16  }
0xf5: {  	v1 =	vsub.f32 v52, v49;
	v20 =	vmul.f32 $1.442695020e+00, v40;
	(erf) = vpow2.f32 v2;
	v13 =	vpop (erf)  }
0xf6: {  	(erf) = vpow2.f32 v5;
	v2 =	vadd.f32 v3, v13;
	v3 =	vsub.f32 v38, v49  }
0xf7: {  	v5 =	vsub.f32 v46, v49;
	(erf) = vpow2.f32 v20;
	v20 =	vsub.f32 v43, v49  }
0xf8: {  	(erf) = vrcp.f32 v2;
	v0 =	vmul.f32 $1.442695020e+00, v3;
	v3 =	vsub.f32 v42, v49  }
0xf9: {  	v2 =	vmul.f32 $1.442695020e+00, v5;
	v5 =	vmul.f32 $1.442695020e+00, v20  }
0xfa: {  	v1 =	vmul.f32 $1.442695020e+00, v1  }
0xfb: {  	(erf) = vpow2.f32 v0  }
0xfc: {  	v0 =	vmul.f32 $1.442695020e+00, v3;
	(erf) = vpow2.f32 v2;
	v3 =	vpop (erf)  }
0xfd: {  	(erf) = vpow2.f32 v5;
	v5 =	vpop (erf)  }
0xfe: {  	s14 =	simm.s32 $0x6600;
	v20 =	vsub.f32 v45, v49;
	(erf) = vpow2.f32 v1;
	v1 =	vpop (erf)  }
0xff: {  	v48 =	vsub.f32 v48, v49;
	v39 =	vld [tilespmem:s14+$0x0];
	v50 =	vsub.f32 v44, v49;
	v23 =	vpop (erf)  }
0x100: {  	v42 =	vld [tilespmem:s14+$0x10];
	v2 =	vmul.f32 $1.442695020e+00, v20;
	v20 =	vsub.f32 v51, v49;
	(erf) = vpow2.f32 v0;
	[tilespmem:$0x1FEA0] =	vst v23;
	v0 =	vpop (erf)  }
0x101: {  	v7 =	vmul.f32 v35, v7;
	v37 =	vmul.f32 $1.442695020e+00, v48;
	v51 =	vsub.f32 v47, v49;
	v52 =	vld [tilespmem:s11+$0xFFFFFF60];
	[tilespmem:$0x1FEB0] =	vst v0  }
0x102: {  	v41 =	vsub.f32 v41, v49;
	v38 =	vmul.f32 $1.442695020e+00, v50;
	v20 =	vmul.f32 $1.442695020e+00, v20;
	v50 =	vld [tilespmem:s14+$0x20]  }
0x103: {  	v40 =	vmul.f32 $1.442695020e+00, v51;
	(erf) = vpow2.f32 v2;
	v51 =	vld [tilespmem:s14+$0x30]  }
0x104: {  	v41 =	vmul.f32 $1.442695020e+00, v41;
	v48 =	vadd.f32 v5, v3;
	(erf) = vpow2.f32 v37;
	v46 =	vpop (erf);
	v37 =	vld [tilespmem:s11+$0xFFFFFF70]  }
0x105: {  	vm4 =	vgt.f32 v8, v36;
	(erf) = vpow2.f32 v20;
	v9 =	vmul.f32 v46, v9;
	v20 =	vld [tilespmem:s11+$0xFFFFFF80]  }
0x106: {  	v44 =	vadd.f32 v48, v1;
	v10 =	vmul.f32 v46, v10;
	(erf) = vpow2.f32 v38;
	v45 =	vld [tilespmem:s14+$0x90]  }
0x107: {  	s7 =	simm.s32 $0x500;
	(erf) = vpow2.f32 v40;
	v9 =	vadd.f32 v9, v39;
	v39 =	vsel vm4, v8, v36;
	v36 =	vld [tilespmem:s11+$0xFFFFFF90]  }
0x108: {  	v10 =	vadd.f32 v10, v42;
	(erf) = vpow2.f32 v41;
	v41 =	vor.u32 s7, v53;
	v53 =	vld [tilespmem:$0x1FEE0]  }
0x109: {  	v11 =	vmul.f32 v46, v11;
	v12 =	vmul.f32 v46, v12;
	v38 =	vadd.f32 v7, v52;
	v52 =	vld [tilespmem:s14+$0x40]  }
0x10a: {  	v15 =	vmul.f32 v46, v15;
	v7 =	vadd.f32 v44, v23;
	vm5 =	vgt.f32 v10, v9;
	v23 =	vld [tilespmem:$0x1FFE0]  }
0x10b: {  	v22 =	vmul.f32 v46, v22;
	v11 =	vadd.f32 v11, v50;
	v8 =	vsel vm5, v10, v9;
	v9 =	vld [tilespmem:s14+$0x50]  }
0x10c: {  	v40 =	vmul.f32 v35, v4;
	v10 =	vadd.f32 v12, v51;
	v12 =	vmul.f32 v46, v14;
	v14 =	vld [tilespmem:s11+$0xFFFFFFA0]  }
0x10d: {  	v22 =	vadd.f32 v22, v45;
	vm6 =	vgt.f32 v11, v8;
	v42 =	vor.u32 s7, v53;
	v53 =	vld [tilespmem:$0x1FF60]  }
0x10e: {  	v51 =	vsel vm5, $0x1, v55;
	v4 =	vadd.f32 v7, v0;
	v7 =	vsel vm6, v11, v8;
	v8 =	vld [tilespmem:s14+$0x60]  }
0x10f: {  	v45 =	vsel vm6, $0x2, v51;
	v51 =	vld [tilespmem:s14+$0xC0];
	vm7 =	vgt.f32 v10, v7;
	v11 =	vadd.f32 v12, v52  }
0x110: {  	v7 =	vsel vm7, v10, v7;
	v10 =	vld [tilespmem:s14+$0x70]  }
0x111: {  	v12 =	vld [tilespmem:s11+$0xFFFFFFB0];
	v9 =	vadd.f32 v15, v9;
	v15 =	vmul.f32 v46, v17;
	vm8 =	vgt.f32 v11, v7  }
0x112: {  	v17 =	vor.u32 s7, v56;
	v56 =	vld [tilespmem:s14+$0x80];
	v7 =	vsel vm8, v11, v7  }
0x113: {  	v52 =	vld [tilespmem:s14+$0xD0];
	vm9 =	vgt.f32 v9, v7;
	v8 =	vadd.f32 v15, v8;
	v15 =	vmul.f32 v46, v19  }
0x114: {  	v21 =	vmul.f32 v46, v21;
	v11 =	vld [tilespmem:s11+$0xFFFFFFC0];
	v7 =	vsel vm9, v9, v7  }
0x115: {  	v2 =	vmovc v33;
	v19 =	vor.u32 s7, v33;
	v33 =	vld [tilespmem:s14+$0xA0];
	vm10 =	vgt.f32 v8, v7;
	v15 =	vadd.f32 v15, v10  }
0x116: {  	v9 =	vld [tilespmem:s11+$0xFFFFFFD0];
	v7 =	vsel vm10, v8, v7  }
0x117: {  	v43 =	vor.u32 s7, v24;
	v21 =	vadd.f32 v21, v56;
	v56 =	vld [tilespmem:$0x1FFD0];
	vm11 =	vgt.f32 v15, v7  }
0x118: {  	v47 =	vor.u32 s7, v63;
	v49 =	vor.u32 s7, v58;
	v7 =	vsel vm11, v15, v7;
	v15 =	vld [tilespmem:s14+$0xB0]  }
0x119: {  	v48 =	vor.u32 s7, v32;
	v30 =	vmul.f32 v46, v30;
	v10 =	vld [tilespmem:s11+$0xFFFFFFE0];
	vm12 =	vgt.f32 v21, v7  }
0x11a: {  	v31 =	vmul.f32 v46, v31;
	v18 =	vmul.f32 v46, v18;
	v8 =	vld [tilespmem:s11+$0xFFFFFFF0];
	v7 =	vsel vm12, v21, v7  }
0x11b: {  	v6 =	vmul.f32 v46, v6;
	v16 =	vmul.f32 v46, v16;
	v21 =	vld [tilespmem:s14+$0xF0];
	vm5 =	vgt.f32 v22, v7  }
0x11c: {  	v30 =	vadd.f32 v30, v33;
	v33 =	vor.u32 s7, v56;
	v7 =	vsel vm5, v22, v7;
	v22 =	vld [tilespmem:s14+$0xE0]  }
0x11d: {  	v44 =	vor.u32 s7, v54;
	v45 =	vsel vm7, $0x3, v45;
	v31 =	vadd.f32 v31, v15;
	v15 =	vld.idx.msk [tilespmem:v17+s24+$0x0], $0xffff;
	[tilespmem:$0x1FDE0] =	vst v33  }
0x11e: {  	v13 =	vmul.f32 v46, v13;
	v45 =	vsel vm8, $0x4, v45;
	vm6 =	vgt.f32 v30, v7;
	v17 =	vld.idx.msk [tilespmem:v41+s24+$0x0], $0xffff  }
0x11f: {  	v45 =	vsel vm9, $0x5, v45;
	v7 =	vsel vm6, v30, v7;
	v30 =	vand.u32 v53, v33;
	v33 =	vld [tilespmem:$0x1FFF0]  }
0x120: {  	v18 =	vadd.f32 v18, v51;
	v41 =	vsel vm10, $0x6, v45;
	v53 =	vld.idx.msk [tilespmem:v19+s24+$0x0], $0xffff;
	vm7 =	vgt.f32 v31, v7  }
0x121: {  	v6 =	vadd.f32 v6, v52;
	v42 =	vld.idx.msk [tilespmem:v42+s24+$0x0], $0xffff;
	v19 =	vsel vm11, $0x7, v41;
	v7 =	vsel vm7, v31, v7  }
0x122: {  	v52 =	vor.u32 s7, v59;
	v41 =	vld.idx.msk [tilespmem:v44+s24+$0x0], $0xffff;
	v19 =	vsel vm12, $0x8, v19;
	vm15 =	vgt.f32 v18, v7  }
0x123: {  	v31 =	vld.idx.msk [tilespmem:v47+s24+$0x0], $0xffff;
	v19 =	vsel vm5, $0x9, v19;
	v16 =	vadd.f32 v16, v22;
	v7 =	vsel vm15, v18, v7  }
0x124: {  	v22 =	vld.idx.msk [tilespmem:v48+s24+$0x0], $0xffff;
	v19 =	vsel vm6, $0xA, v19;
	v45 =	vor.u32 s7, v33;
	vm5 =	vgt.f32 v6, v7  }
0x125: {  	v50 =	vor.u32 s7, v60;
	v18 =	vld.idx.msk [tilespmem:v43+s24+$0x0], $0xffff;
	v19 =	vsel vm7, $0xB, v19;
	v6 =	vsel vm5, v6, v7  }
0x126: {  	v13 =	vadd.f32 v13, v21;
	v21 =	vld.idx.msk [tilespmem:v30+s24+$0x0], $0xffff;
	v7 =	vsel vm15, $0xC, v19;
	vm6 =	vgt.f32 v16, v6  }
0x127: {  	v19 =	vor.u32 s7, v61;
	v7 =	vsel vm5, $0xD, v7;
	v6 =	vsel vm6, v16, v6;
	v16 =	vld.idx.msk [tilespmem:v49+s24+$0x0], $0xffff  }
0x128: {  	s21 =	simm.s32 $0x400;
	v30 =	vor.u32 s7, v62;
	v51 =	vsel vm6, $0xE, v7;
	vm6 =	vgt.f32 v13, v6;
	v13 =	vld.idx.msk [tilespmem:v52+s24+$0x0], $0xffff  }
0x129: {  	v52 =	vor.u32 s21, v56;
	v44 =	vld.idx.msk [tilespmem:v45+s24+$0x0], $0xffff  }
0x12a: {  	v26 =	vmul.f32 v35, v26;
	v45 =	vor.u32 s7, v57;
	v47 =	vand.u32 v23, v52;
	v23 =	vld [tilespmem:$0x1FE00]  }
0x12b: {  	v27 =	vmul.f32 v35, v27;
	v25 =	vmul.f32 v35, v25;
	v56 =	vld.idx.msk [tilespmem:v50+s24+$0x0], $0xffff;
	[tilespmem:$0x1FDF0] =	vst v52  }
0x12c: {  	v37 =	vadd.f32 v40, v37;
	v20 =	vadd.f32 v26, v20;
	v48 =	vor.u32 s21, v58;
	v7 =	vpop (erf);
	v19 =	vld.idx.msk [tilespmem:v19+s24+$0x0], $0xffff  }
0x12d: {  	v43 =	vor.u32 s21, v33;
	vm5 =	vgt.f32 v38, v39;
	v58 =	vadd.f32 v4, v7;
	v30 =	vld.idx.msk [tilespmem:v30+s24+$0x0], $0xffff  }
0x12e: {  	v49 =	vor.u32 s21, v62;
	v38 =	vsel vm5, v38, v39;
	v6 =	vsel vm6, $0xF, v51;
	v4 =	vpop (erf);
	v21 =	vld.idx.msk [tilespmem:v21+s3+$0x0], $0xffff  }
0x12f: {  	v0 =	vmovc v54;
	v6 =	vadd.s32 v23, v6;
	v23 =	vor.u32 s21, v59;
	v45 =	vld.idx.msk [tilespmem:v45+s24+$0x0], $0xffff;
	v59 =	vadd.f32 v58, v4  }
0x130: {  	v50 =	vor.u32 s21, v60;
	v52 =	vor.u32 s21, v61;
	vm6 =	vgt.f32 v37, v38;
	v51 =	vpop (erf);
	v40 =	vld.idx.msk [tilespmem:v16+s3+$0x0], $0xffff  }
0x131: {  	v16 =	vmul.f32 v35, v28;
	v28 =	vsel vm6, v37, v38;
	v60 =	vadd.f32 v59, v51;
	v26 =	vld.idx.msk [tilespmem:v13+s3+$0x0], $0xffff  }
0x132: {  	v61 =	vpop (erf);
	v13 =	vadd.f32 v27, v36;
	v27 =	vsel vm0, $0x1, v55;
	vm0 =	vgt.f32 v20, v28;
	v44 =	vld.idx.msk [tilespmem:v44+s3+$0x0], $0xffff  }
0x133: {  	v54 =	vmovc v24;
	v24 =	vld [tilespmem:$0x1FE70];
	[tilespmem:$0x1FE10] =	vst v61;
	v14 =	vadd.f32 v16, v14;
	v16 =	vsel vm1, $0x2, v27;
	v20 =	vsel vm0, v20, v28  }
0x134: {  	v33 =	vpop (erf);
	v62 =	vadd.f32 v60, v61;
	v27 =	vld.idx.msk [tilespmem:v19+s3+$0x0], $0xffff;
	v19 =	vmul.f32 v35, v29;
	vm1 =	vgt.f32 v13, v20  }
0x135: {  	v11 =	vadd.f32 v25, v11;
	v37 =	vld.idx.msk [tilespmem:v56+s3+$0x0], $0xffff;
	[tilespmem:$0x1FE20] =	vst v33;
	v16 =	vsel vm2, $0x3, v16;
	v13 =	vsel vm1, v13, v20  }
0x136: {  	v29 =	vpop (erf);
	v36 =	vld.idx.msk [tilespmem:v30+s3+$0x0], $0xffff;
	v28 =	vadd.f32 v62, v33;
	vm2 =	vgt.f32 v14, v13;
	v12 =	vadd.f32 v19, v12  }
0x137: {  	v16 =	vsel vm3, $0x4, v16;
	v13 =	vsel vm2, v14, v13;
	v30 =	vmax.f32 v21, v44;
	v38 =	vld.idx.msk [tilespmem:v45+s3+$0x0], $0xffff;
	[tilespmem:$0x1FE30] =	vst v29  }
0x138: {  	v20 =	vadd.f32 v28, v29;
	v29 =	vpop (erf);
	vm3 =	vgt.f32 v12, v13;
	v55 =	vmax.f32 v30, v40;
	v22 =	vld.idx.msk [tilespmem:v22+s3+$0x0], $0xffff  }
0x139: {  	v18 =	vld.idx.msk [tilespmem:v18+s3+$0x0], $0xffff;
	[tilespmem:$0x1FE40] =	vst v29;
	v61 =	vsel vm3, v12, v13;
	v28 =	vmax.f32 v55, v26  }
0x13a: {  	v16 =	vsel vm4, $0x5, v16;
	vm4 =	vgt.f32 v11, v61;
	v19 =	vmax.f32 v28, v37;
	v28 =	vld [tilespmem:s14+$0xFFFFFF00]  }
0x13b: {  	v20 =	vadd.f32 v20, v29;
	v29 =	vpop (erf);
	v11 =	vsel vm4, v11, v61;
	v61 =	vor.u32 s21, v2;
	v2 =	vld [tilespmem:$0x1FEB0]  }
0x13c: {  	v56 =	vmax.f32 v19, v27;
	v19 =	vld.idx.msk [tilespmem:v41+s3+$0x0], $0xffff;
	[tilespmem:$0x1FE50] =	vst v29  }
0x13d: {  	v58 =	vadd.f32 v20, v29;
	v29 =	vpop (erf);
	v41 =	vld [tilespmem:s14+$0xFFFFFF10]  }
0x13e: {  	v14 =	vmax.f32 v56, v36;
	v20 =	vld.idx.msk [tilespmem:v31+s3+$0x0], $0xffff;
	[tilespmem:$0x1FE60] =	vst v29  }
0x13f: {  	v59 =	vsel vm5, $0x6, v16;
	v14 =	vmax.f32 v14, v38;
	v16 =	vld.idx.msk [tilespmem:v42+s3+$0x0], $0xffff  }
0x140: {  	v25 =	vadd.f32 v58, v29;
	v29 =	vpop (erf);
	v42 =	vor.u32 s21, v0;
	v0 =	vld [tilespmem:$0x1FE90];
	v14 =	vmax.f32 v14, v22  }
0x141: {  	v31 =	vmax.f32 v14, v18;
	v14 =	vld.idx.msk [tilespmem:v53+s3+$0x0], $0xffff;
	[tilespmem:$0x1FE80] =	vst v29  }
0x142: {  	v24 =	vmul.f32 v35, v24;
	v13 =	vld.idx.msk [tilespmem:v17+s3+$0x0], $0xffff  }
0x143: {  	v12 =	vld.idx.msk [tilespmem:v15+s3+$0x0], $0xffff  }
0x144: {  	v9 =	vadd.f32 v24, v9;
	v24 =	vld [tilespmem:s14+$0xFFFFFF20]  }
0x145: {  	v62 =	vld.idx.msk [tilespmem:v47+s24+$0x0], $0xffff  }
0x146: {  	v23 =	vld.idx.msk [tilespmem:v23+s24+$0x0], $0xffff  }
0x147: {  	v45 =	vor.u32 s21, v57;
	v60 =	vsel vm6, $0x7, v59;
	v57 =	vld.idx.msk [tilespmem:v50+s24+$0x0], $0xffff  }
0x148: {  	v39 =	vsel vm0, $0x8, v60;
	v25 =	vadd.f32 v25, v29;
	v50 =	vld [tilespmem:$0x1FEE0]  }
0x149: {  	v39 =	vsel vm1, $0x9, v39;
	v55 =	vpop (erf);
	v17 =	vmax.f32 v31, v19;
	v31 =	vmul.f32 v35, v34;
	v59 =	vld.idx.msk [tilespmem:v52+s24+$0x0], $0xffff  }
0x14a: {  	vm0 =	vgt.f32 v9, v11;
	v49 =	vld.idx.msk [tilespmem:v49+s24+$0x0], $0xffff;
	v15 =	vadd.f32 v25, v55;
	v17 =	vmax.f32 v17, v20  }
0x14b: {  	v10 =	vadd.f32 v31, v10;
	v31 =	vor.u32 s21, v54;
	v17 =	vmax.f32 v17, v16;
	v54 =	vld.idx.msk [tilespmem:v48+s24+$0x0], $0xffff  }
0x14c: {  	v11 =	vsel vm0, v9, v11;
	(erf) = vrcp.f32 v15;
	v15 =	vld.idx.msk [tilespmem:v43+s24+$0x0], $0xffff;
	v17 =	vmax.f32 v17, v14  }
0x14d: {  	v9 =	vsel vm2, $0xA, v39;
	v53 =	vmul.f32 v35, v0;
	v35 =	vld [tilespmem:s14+$0xFFFFFF30];
	v17 =	vmax.f32 v17, v13  }
0x14e: {  	v56 =	vor.u32 s21, v63;
	v9 =	vsel vm3, $0xB, v9;
	v0 =	vld [tilespmem:$0x1FF40];
	v17 =	vmax.f32 v17, v12  }
0x14f: {  	v60 =	vsel vm4, $0xC, v9;
	v25 =	vor.u32 s21, v32;
	v21 =	vsub.f32 v21, v17;
	v9 =	vld.idx.msk [tilespmem:v62+s3+$0x0], $0xffff  }
0x150: {  	vm1 =	vgt.f32 v10, v11;
	v58 =	vor.u32 s21, v50;
	v44 =	vsub.f32 v44, v17;
	v62 =	vld.idx.msk [tilespmem:v45+s24+$0x0], $0xffff  }
0x151: {  	v8 =	vadd.f32 v53, v8;
	v10 =	vsel vm1, v10, v11;
	v23 =	vld.idx.msk [tilespmem:v23+s3+$0x0], $0xffff;
	v21 =	vmul.f32 $1.442695020e+00, v21  }
0x152: {  	v40 =	vsub.f32 v40, v17;
	v26 =	vsub.f32 v26, v17;
	v39 =	vld.idx.msk [tilespmem:v49+s3+$0x0], $0xffff;
	v44 =	vmul.f32 $1.442695020e+00, v44  }
0x153: {  	v38 =	vsub.f32 v38, v17;
	v22 =	vsub.f32 v22, v17;
	v43 =	vld.idx.msk [tilespmem:v54+s3+$0x0], $0xffff;
	(erf) = vpow2.f32 v21  }
0x154: {  	v11 =	vmul.f32 $1.442695020e+00, v40;
	v21 =	vsel vm0, $0xD, v60;
	v15 =	vld.idx.msk [tilespmem:v15+s3+$0x0], $0xffff;
	(erf) = vpow2.f32 v44  }
0x155: {  	v52 =	vld.idx.msk [tilespmem:v58+s24+$0x0], $0xffff;
	vm0 =	vgt.f32 v8, v10;
	v8 =	vmul.f32 $1.442695020e+00, v26;
	v10 =	vsub.f32 v37, v17  }
0x156: {  	v26 =	vor.u32 s21, v0;
	v0 =	vld [tilespmem:$0x1FF50];
	v21 =	vsel vm1, $0xE, v21;
	(erf) = vpow2.f32 v11  }
0x157: {  	v32 =	vpop (erf);
	v30 =	vsel vm0, $0xF, v21;
	v21 =	vld.idx.msk [tilespmem:v25+s24+$0x0], $0xffff;
	v10 =	vmul.f32 $1.442695020e+00, v10;
	v11 =	vsub.f32 v27, v17  }
0x158: {  	v18 =	vsub.f32 v18, v17;
	v25 =	vld.idx.msk [tilespmem:v57+s3+$0x0], $0xffff;
	v3 =	vmul.f32 v32, v3;
	(erf) = vpow2.f32 v8  }
0x159: {  	v5 =	vmul.f32 v32, v5;
	v27 =	vld.idx.msk [tilespmem:v31+s24+$0x0], $0xffff;
	v11 =	vmul.f32 $1.442695020e+00, v11;
	v8 =	vmax.f32 v9, v15  }
0x15a: {  	v31 =	vsub.f32 v36, v17;
	v36 =	vld.idx.msk [tilespmem:v59+s3+$0x0], $0xffff;
	v1 =	vmul.f32 v32, v1;
	(erf) = vpow2.f32 v10  }
0x15b: {  	v3 =	vadd.f32 v3, v28;
	v5 =	vadd.f32 v5, v41;
	v28 =	vld.idx.msk [tilespmem:v42+s24+$0x0], $0xffff;
	v10 =	vmax.f32 v8, v43  }
0x15c: {  	v31 =	vmul.f32 $1.442695020e+00, v31;
	v41 =	vld.idx.msk [tilespmem:v56+s24+$0x0], $0xffff;
	(erf) = vpow2.f32 v11;
	v10 =	vmax.f32 v10, v23;
	v8 =	vpop (erf)  }
0x15d: {  	v19 =	vsub.f32 v19, v17;
	v24 =	vadd.f32 v1, v24;
	v1 =	vld.idx.msk [tilespmem:v61+s24+$0x0], $0xffff;
	v63 =	vor.u32 s21, v0;
	v11 =	vpop (erf)  }
0x15e: {  	v38 =	vmul.f32 $1.442695020e+00, v38;
	v0 =	vld [tilespmem:$0x1FEA0];
	(erf) = vpow2.f32 v31;
	v48 =	vadd.f32 v11, v8  }
0x15f: {  	v20 =	vsub.f32 v20, v17;
	v22 =	vmul.f32 $1.442695020e+00, v22;
	v26 =	vld.idx.msk [tilespmem:v26+s24+$0x0], $0xffff;
	v49 =	vmax.f32 v10, v25;
	v10 =	vpop (erf)  }
0x160: {  	v18 =	vmul.f32 $1.442695020e+00, v18;
	v31 =	vld.idx.msk [tilespmem:v62+s3+$0x0], $0xffff;
	(erf) = vpow2.f32 v38;
	v42 =	vadd.f32 v48, v10  }
0x161: {  	v16 =	vsub.f32 v16, v17;
	v14 =	vsub.f32 v14, v17;
	v57 =	vld.idx.msk [tilespmem:v52+s3+$0x0], $0xffff;
	(erf) = vpow2.f32 v22;
	v58 =	vpop (erf)  }
0x162: {  	v13 =	vsub.f32 v13, v17;
	(erf) = vpow2.f32 v18;
	v18 =	vld.idx.msk [tilespmem:v63+s24+$0x0], $0xffff;
	v54 =	vadd.f32 v42, v58  }
0x163: {  	v12 =	vsub.f32 v12, v17;
	v19 =	vmul.f32 $1.442695020e+00, v19;
	v16 =	vmul.f32 $1.442695020e+00, v16;
	v21 =	vld.idx.msk [tilespmem:v21+s3+$0x0], $0xffff;
	v59 =	vpop (erf)  }
0x164: {  	v13 =	vmul.f32 $1.442695020e+00, v13;
	vm0 =	vgt.f32 v5, v3;
	v22 =	vld.idx.msk [tilespmem:v27+s3+$0x0], $0xffff;
	v34 =	vadd.f32 v54, v59  }
0x165: {  	v3 =	vsel vm0, v5, v3;
	v5 =	vmul.f32 $1.442695020e+00, v20;
	v53 =	vmax.f32 v49, v36;
	v28 =	vld.idx.msk [tilespmem:v28+s3+$0x0], $0xffff;
	v60 =	vpop (erf)  }
0x166: {  	v27 =	vmax.f32 v53, v39;
	(erf) = vpow2.f32 v19;
	v56 =	vld.idx.msk [tilespmem:v41+s3+$0x0], $0xffff;
	v20 =	vadd.f32 v34, v60  }
0x167: {  	v0 =	vmul.f32 v32, v0;
	v27 =	vmax.f32 v27, v31;
	v19 =	vld [tilespmem:s14+$0xFFFFFF40];
	(erf) = vpow2.f32 v5;
	v61 =	vpop (erf)  }
0x168: {  	v27 =	vmax.f32 v27, v21;
	(erf) = vpow2.f32 v16;
	v16 =	vld.idx.msk [tilespmem:v1+s3+$0x0], $0xffff;
	v20 =	vadd.f32 v20, v61  }
0x169: {  	v35 =	vadd.f32 v0, v35;
	v0 =	vmul.f32 $1.442695020e+00, v14;
	v17 =	vld.idx.msk [tilespmem:v26+s3+$0x0], $0xffff;
	v27 =	vmax.f32 v27, v22;
	v62 =	vpop (erf)  }
0x16a: {  	v12 =	vmul.f32 $1.442695020e+00, v12;
	v26 =	vld.idx.msk [tilespmem:v18+s3+$0x0], $0xffff;
	v14 =	vadd.f32 v20, v62;
	v20 =	vmax.f32 v27, v28  }
0x16b: {  	v2 =	vmul.f32 v32, v2;
	(erf) = vpow2.f32 v0;
	v1 =	vpop (erf);
	v0 =	vmax.f32 v20, v56  }
0x16c: {  	v7 =	vmul.f32 v32, v7;
	v5 =	vld [tilespmem:s14+$0xFFFFFF50];
	v14 =	vadd.f32 v14, v1;
	v0 =	vmax.f32 v0, v57  }
0x16d: {  	vm1 =	vgt.f32 v24, v3;
	(erf) = vpow2.f32 v13;
	v63 =	vpop (erf);
	v0 =	vmax.f32 v0, v16  }
0x16e: {  	(erf) = vpow2.f32 v12;
	v14 =	vadd.f32 v14, v63;
	v12 =	vmax.f32 v0, v17  }
0x16f: {  	v3 =	vsel vm1, v24, v3;
	v18 =	vadd.f32 v2, v19;
	v2 =	vpop (erf);
	v12 =	vmax.f32 v12, v26  }
0x170: {  	vm2 =	vgt.f32 v35, v3;
	v13 =	vadd.f32 v14, v2;
	v9 =	vsub.f32 v9, v12  }
0x171: {  	v7 =	vadd.f32 v7, v5;
	v20 =	vld [tilespmem:$0x1FEC0];
	v0 =	vpop (erf);
	v14 =	vsel vm2, v35, v3  }
0x172: {  	vm3 =	vgt.f32 v18, v14;
	v5 =	vadd.f32 v13, v0;
	v9 =	vmul.f32 $1.442695020e+00, v9  }
0x173: {  	v3 =	vpop (erf);
	v14 =	vsel vm3, v18, v14  }
0x174: {  	v18 =	vsub.f32 v23, v12;
	v5 =	vadd.f32 v5, v3;
	(erf) = vpow2.f32 v9;
	v9 =	vld [tilespmem:s14+$0xFFFFFF70]  }
0x175: {  	v13 =	vsub.f32 v15, v12;
	v15 =	vmul.f32 v32, v4;
	v4 =	vpop (erf)  }
0x176: {  	v19 =	vsub.f32 v43, v12;
	v5 =	vadd.f32 v5, v4  }
0x177: {  	v23 =	vsub.f32 v25, v12;
	v13 =	vmul.f32 $1.442695020e+00, v13  }
0x178: {  	v24 =	vld [tilespmem:s14+$0xFFFFFF60];
	v27 =	vsub.f32 v36, v12;
	v19 =	vmul.f32 $1.442695020e+00, v19;
	v25 =	vmul.f32 $1.442695020e+00, v18;
	v18 =	vpop (erf)  }
0x179: {  	v20 =	vld.idx.msk [tilespmem:v20+s24+$0x0], $0xffff;
	(erf) = vpow2.f32 v13;
	[tilespmem:$0x1FED0] =	vst v9;
	v9 =	vmul.f32 $1.442695020e+00, v23;
	v23 =	vadd.f32 v5, v18  }
0x17a: {  	v13 =	vmul.f32 $1.442695020e+00, v27;
	v27 =	vsub.f32 v39, v12;
	(erf) = vpow2.f32 v19;
	v35 =	vld [tilespmem:s14+$0xFFFFFF80];
	v5 =	vpop (erf)  }
0x17b: {  	v19 =	vsub.f32 v31, v12;
	(erf) = vpow2.f32 v25;
	v38 =	vld [tilespmem:s14+$0xFFFFFF90];
	v23 =	vadd.f32 v23, v5  }
0x17c: {  	v21 =	vsub.f32 v21, v12;
	v25 =	vld.idx.msk [tilespmem:v6+s24+$0x0], $0xffff;
	v6 =	vmul.f32 $1.442695020e+00, v27;
	(erf) = vpow2.f32 v9  }
0x17d: {  	v43 =	vld [tilespmem:s14+$0xFFFFFFA0];
	v9 =	vmul.f32 $1.442695020e+00, v19;
	v19 =	vsub.f32 v22, v12;
	(erf) = vrcp.f32 v23  }
0x17e: {  	v21 =	vmul.f32 $1.442695020e+00, v21;
	v39 =	vld [tilespmem:s14+$0xFFFFFFB0];
	v22 =	vsub.f32 v28, v12;
	(erf) = vpow2.f32 v13  }
0x17f: {  	v36 =	vld [tilespmem:s14+$0xFFFFFFC0];
	v13 =	vmul.f32 $1.442695020e+00, v19;
	v19 =	vsub.f32 v56, v12;
	(erf) = vpow2.f32 v6  }
0x180: {  	v33 =	vld [tilespmem:s14+$0xFFFFFFD0];
	v6 =	vmul.f32 $1.442695020e+00, v22;
	v22 =	vsub.f32 v57, v12;
	(erf) = vpow2.f32 v9  }
0x181: {  	v16 =	vsub.f32 v16, v12;
	v31 =	vld [tilespmem:s14+$0xFFFFFFE0];
	v37 =	vpop (erf);
	v9 =	vmul.f32 $1.442695020e+00, v19;
	(erf) = vpow2.f32 v21  }
0x182: {  	s4 =	simm.s32 $0x6800;
	v17 =	vsub.f32 v17, v12;
	v29 =	vld [tilespmem:s14+$0xFFFFFFF0];
	v41 =	vpop (erf);
	v19 =	vmul.f32 $1.442695020e+00, v22;
	(erf) = vpow2.f32 v13  }
0x183: {  	vm4 =	vgt.f32 v7, v14;
	v42 =	vld [tilespmem:s4+$0xFFFFFF00];
	v34 =	vpop (erf);
	v13 =	vmul.f32 $1.442695020e+00, v16;
	(erf) = vpow2.f32 v6  }
0x184: {  	v21 =	vld [tilespmem:s4+$0x0];
	v27 =	vpop (erf);
	v16 =	vadd.f32 v41, v37;
	v6 =	vsub.f32 v26, v12;
	(erf) = vpow2.f32 v9  }
0x185: {  	v17 =	vmul.f32 $1.442695020e+00, v17;
	v7 =	vsel vm4, v7, v14;
	v22 =	vld [tilespmem:s4+$0x10];
	v26 =	vpop (erf);
	(erf) = vpow2.f32 v19  }
0x186: {  	v40 =	vld [tilespmem:s4+$0xFFFFFF10];
	v16 =	vadd.f32 v16, v34;
	v19 =	vmul.f32 $1.442695020e+00, v6;
	(erf) = vpow2.f32 v13;
	v9 =	vpop (erf)  }
0x187: {  	v28 =	vld [tilespmem:s4+$0xFFFFFF20];
	v6 =	vadd.f32 v15, v24;
	v13 =	vmul.f32 v9, v8;
	v11 =	vmul.f32 v9, v11;
	v47 =	vpop (erf)  }
0x188: {  	v12 =	vld [tilespmem:s4+$0x20];
	v16 =	vadd.f32 v16, v27;
	(erf) = vpow2.f32 v17;
	v8 =	vmul.f32 v32, v51;
	v54 =	vpop (erf)  }
0x189: {  	s10 =	simm.s32 $0x8B30;
	s6 =	simm.s32 $0x8B30;
	s12 =	simm.s32 $0x600;
	[tilespmem:s23+$0x0] =	vst v20;
	v15 =	vld [tilespmem:s4+$0x30];
	v10 =	vmul.f32 v9, v10;
	vm5 =	vgt.f32 v6, v7;
	v13 =	vadd.f32 v13, v21;
	v20 =	vpop (erf)  }
0x18a: {  	s11 =	simm.s32 $0x4;
	s7 =	simm.s32 $0x8B10;
	s21 =	simm.s32 $0x0;
	[tilespmem:s6+$0x0] =	vst v25;
	v17 =	vadd.f32 v11, v22;
	v11 =	vadd.f32 v16, v26;
	v16 =	vld [tilespmem:s4+$0x40];
	(erf) = vpow2.f32 v19;
	v48 =	vpop (erf)  }
.LBB2_6:
0x18b: {  	v14 =	vld [tilespmem:s4+$0xFFFFFF30]  }
0x18c: {  	v52 =	vld [tilespmem:$0x1FF40]  }
0x18d: {  	v21 =	vld [tilespmem:s4+$0x50]  }
0x18e: {  	v22 =	vld [tilespmem:s4+$0xFFFFFF40]  }
0x18f: {  	v51 =	vld [tilespmem:$0x1FF30]  }
0x190: {  	v25 =	vld [tilespmem:s4+$0x60]  }
0x191: {  	v45 =	vld [tilespmem:$0x1FF20]  }
0x192: {  	[tilespmem:$0x1FCF0] =	vst v34;
	v34 =	vld [tilespmem:$0x1FF00]  }
0x193: {  	v44 =	vld [tilespmem:$0x1FEF0]  }
0x194: {  	[tilespmem:$0x1FCC0] =	vst v41;
	v46 =	vmov v39;
	v39 =	vld [tilespmem:$0x1FFC0]  }
0x195: {  	[tilespmem:$0x1FCB0] =	vst v37;
	v56 =	vld [tilespmem:s4+$0x90]  }
0x196: {  	[tilespmem:$0x1FD30] =	vst v26;
	v23 =	vmul.f32 v9, v58;
	v37 =	vld [tilespmem:$0x1FFD0]  }
0x197: {  	v41 =	vld [tilespmem:$0x1FFF0];
	v6 =	vsel vm5, v6, v7;
	vm6 =	vgt.f32 v17, v13;
	[tilespmem:$0x1FD00] =	vst v28  }
0x198: {  	s14 =	sadd.s32 $0x100, s12;
	v7 =	vld [tilespmem:$0x1FE10];
	v17 =	vsel vm6, v17, v13;
	v26 =	vadd.f32 v10, v12;
	v15 =	vadd.f32 v23, v15;
	[tilespmem:$0x1FD20] =	vst v14  }
0x199: {  	v23 =	vor.u32 s14, v50;
	v49 =	vmov v50;
	v50 =	vld [tilespmem:$0x1FF10];
	v14 =	vpop (erf);
	[tilespmem:$0x1FD40] =	vst v22;
	v22 =	vmul.f32 v9, v59  }
0x19a: {  	v28 =	vld [tilespmem:s4+$0x70];
	v19 =	vor.u32 s14, v52;
	[tilespmem:$0x1FC30] =	vst v14;
	v14 =	vmov v38;
	v13 =	vpop (erf);
	vm7 =	vgt.f32 v26, v17  }
0x19b: {  	v38 =	vld [tilespmem:$0x1FF50];
	v12 =	vpop (erf);
	v17 =	vsel vm7, v26, v17;
	v16 =	vadd.f32 v22, v16;
	v22 =	vmul.f32 v9, v60  }
0x19c: {  	[tilespmem:$0x1FCD0] =	vst v42;
	v42 =	vld [tilespmem:$0x1FF90];
	v10 =	vpop (erf);
	vm8 =	vgt.f32 v15, v17  }
0x19d: {  	[tilespmem:$0x1FC50] =	vst v10;
	v10 =	vld [tilespmem:s4+$0xFFFFFF50];
	v15 =	vsel vm8, v15, v17;
	v21 =	vadd.f32 v22, v21;
	v22 =	vmul.f32 v9, v61  }
0x19e: {  	v17 =	vld [tilespmem:s4+$0xFFFFFF70];
	vm9 =	vgt.f32 v16, v15  }
0x19f: {  	v19 =	vld.idx.msk [tilespmem:v19+s24+$0x0], $0xffff;
	v15 =	vsel vm9, v16, v15;
	v22 =	vadd.f32 v22, v25;
	v25 =	vmul.f32 v9, v62  }
0x1a0: {  	[tilespmem:$0x1FD70] =	vst v20;
	v20 =	vor.u32 s14, v38;
	v16 =	vld [tilespmem:s4+$0x80]  }
0x1a1: {  	[tilespmem:$0x1FD10] =	vst v27;
	vm10 =	vgt.f32 v21, v15;
	v25 =	vadd.f32 v25, v28;
	v28 =	vld [tilespmem:$0x1FF60]  }
0x1a2: {  	v21 =	vsel vm10, v21, v15;
	[tilespmem:$0x1FD50] =	vst v10;
	v10 =	vpop (erf);
	v15 =	vmov v36;
	v36 =	vld [tilespmem:$0x1FF70]  }
0x1a3: {  	v1 =	vmul.f32 v9, v1;
	v27 =	vor.u32 s14, v45;
	vm11 =	vgt.f32 v22, v21;
	[tilespmem:$0x1FC60] =	vst v10;
	v10 =	vld [tilespmem:s4+$0xFFFFFF60]  }
0x1a4: {  	[tilespmem:$0x1FCA0] =	vst v30;
	v2 =	vmul.f32 v9, v2;
	v62 =	vor.u32 s14, v37;
	v21 =	vsel vm11, v22, v21;
	v22 =	vld [tilespmem:s4+$0xA0]  }
0x1a5: {  	vm12 =	vgt.f32 v25, v21;
	v1 =	vadd.f32 v1, v16;
	v16 =	vmul.f32 v9, v63;
	v63 =	vld.idx.msk [tilespmem:v20+s24+$0x0], $0xffff  }
0x1a6: {  	[tilespmem:$0x1FC40] =	vst v12;
	v12 =	vimm.s32 $0x0;
	v21 =	vsel vm12, v25, v21;
	v25 =	vld [tilespmem:s4+$0xB0];
	v30 =	vand.u32 v28, v62  }
0x1a7: {  	vm13 =	vgt.f32 v1, v21;
	v16 =	vadd.f32 v16, v56;
	v56 =	vld [tilespmem:s4+$0xF0];
	v28 =	vsel vm6, $0x1, v12  }
0x1a8: {  	[tilespmem:$0x1FC80] =	vst v55;
	v24 =	vor.u32 s14, v51;
	v1 =	vsel vm13, v1, v21;
	v21 =	vsel vm7, $0x2, v28;
	v28 =	vld.idx.msk [tilespmem:v27+s24+$0x0], $0xffff  }
0x1a9: {  	[tilespmem:$0x1FC70] =	vst v31;
	v0 =	vmul.f32 v9, v0;
	v3 =	vmul.f32 v9, v3;
	v27 =	vld [tilespmem:$0x1FFA0]  }
0x1aa: {  	v31 =	vor.u32 s14, v34;
	v53 =	vor.u32 s14, v44;
	v55 =	vor.u32 s14, v39;
	[tilespmem:$0x1FD60] =	vst v10;
	v10 =	vmovc v35;
	v35 =	vld [tilespmem:s4+$0xC0]  }
0x1ab: {  	v7 =	vmul.f32 v32, v7;
	vm6 =	vgt.f32 v16, v1;
	v2 =	vadd.f32 v2, v22;
	v22 =	vld [tilespmem:s4+$0xE0]  }
0x1ac: {  	v60 =	vmovc v33;
	v33 =	vor.u32 s14, v41;
	v21 =	vsel vm8, $0x3, v21;
	v1 =	vsel vm6, v16, v1;
	v16 =	vld [tilespmem:s4+$0xD0]  }
0x1ad: {  	[tilespmem:$0x1FC90] =	vst v29;
	v26 =	vor.u32 s14, v50;
	v29 =	vor.u32 s14, v36;
	v20 =	vsel vm9, $0x4, v21;
	v21 =	vld.idx.msk [tilespmem:v24+s24+$0x0], $0xffff  }
0x1ae: {  	v7 =	vadd.f32 v7, v10;
	v10 =	vld [tilespmem:$0x1FC30];
	vm7 =	vgt.f32 v2, v1;
	v0 =	vadd.f32 v0, v25  }
0x1af: {  	v20 =	vsel vm10, $0x5, v20;
	v25 =	vld.idx.msk [tilespmem:v23+s24+$0x0], $0xffff;
	v1 =	vsel vm7, v2, v1;
	v2 =	vmul.f32 v9, v4  }
0x1b0: {  	v4 =	vsel vm11, $0x6, v20;
	v20 =	vld.idx.msk [tilespmem:v31+s24+$0x0], $0xffff;
	vm14 =	vgt.f32 v0, v1;
	v3 =	vadd.f32 v3, v35  }
0x1b1: {  	v23 =	vld.idx.msk [tilespmem:v30+s24+$0x0], $0xffff;
	v4 =	vsel vm12, $0x7, v4;
	v0 =	vsel vm14, v0, v1;
	v1 =	vmul.f32 v9, v18  }
0x1b2: {  	v31 =	vld [tilespmem:$0x1FFB0];
	v4 =	vsel vm13, $0x8, v4;
	v2 =	vadd.f32 v2, v16;
	vm15 =	vgt.f32 v3, v0  }
0x1b3: {  	v4 =	vsel vm6, $0x9, v4;
	v1 =	vadd.f32 v1, v22;
	v22 =	vld.idx.msk [tilespmem:v33+s24+$0x0], $0xffff;
	v0 =	vsel vm15, v3, v0  }
0x1b4: {  	v24 =	vld.idx.msk [tilespmem:v29+s24+$0x0], $0xffff;
	v4 =	vsel vm7, $0xA, v4;
	v3 =	vmul.f32 v9, v5;
	vm6 =	vgt.f32 v2, v0  }
0x1b5: {  	v57 =	vor.u32 s14, v42;
	v35 =	vld.idx.msk [tilespmem:v26+s24+$0x0], $0xffff;
	v4 =	vsel vm14, $0xB, v4;
	v0 =	vsel vm6, v2, v0  }
0x1b6: {  	v16 =	vld [tilespmem:$0x1FF80];
	v2 =	vsel vm15, $0xC, v4;
	v3 =	vadd.f32 v3, v56;
	vm7 =	vgt.f32 v1, v0  }
0x1b7: {  	v33 =	vld.idx.msk [tilespmem:v55+s24+$0x0], $0xffff;
	v2 =	vsel vm6, $0xD, v2;
	v0 =	vsel vm7, v1, v0  }
0x1b8: {  	v18 =	vor.u32 s14, v27;
	v9 =	vld.idx.msk [tilespmem:v53+s24+$0x0], $0xffff;
	v2 =	vsel vm7, $0xE, v2;
	vm6 =	vgt.f32 v3, v0  }
0x1b9: {  	v3 =	vsel vm6, $0xF, v2;
	v2 =	vld [tilespmem:$0x1FFE0]  }
0x1ba: {  	v56 =	vor.u32 s12, v42;
	v42 =	vld.idx.msk [tilespmem:v57+s24+$0x0], $0xffff  }
0x1bb: {  	v55 =	vor.u32 s12, v27;
	v5 =	vor.u32 s14, v16;
	v27 =	vld.idx.msk [tilespmem:v22+s3+$0x0], $0xffff  }
0x1bc: {  	v30 =	vor.u32 s12, v41;
	v1 =	vor.u32 s14, v31;
	v22 =	vld [tilespmem:$0x1FED0]  }
0x1bd: {  	v4 =	vor.u32 s12, v37;
	v41 =	vor.u32 s12, v16;
	v16 =	vor.u32 s12, v34;
	v34 =	vld.idx.msk [tilespmem:v18+s24+$0x0], $0xffff  }
0x1be: {  	v29 =	vand.u32 v2, v4;
	v2 =	vld [tilespmem:$0x1FDE0]  }
0x1bf: {  	v18 =	vor.u32 s12, v50;
	v50 =	vld.idx.msk [tilespmem:v23+s3+$0x0], $0xffff  }
0x1c0: {  	v26 =	vld.idx.msk [tilespmem:v5+s24+$0x0], $0xffff  }
0x1c1: {  	v0 =	vmov v62;
	v62 =	vor.u32 s12, v44;
	v44 =	vld.idx.msk [tilespmem:v1+s24+$0x0], $0xffff;
	v8 =	vadd.f32 v8, v22  }
0x1c2: {  	v22 =	vmov v17;
	v17 =	vld [tilespmem:$0x1FE20]  }
0x1c3: {  	[tilespmem:$0x1FED0] =	vst v22;
	v22 =	vld [tilespmem:$0x1FE30];
	vm6 =	vgt.f32 v8, v6;
	v37 =	vadd.s32 v2, v3  }
0x1c4: {  	v6 =	vsel vm6, v8, v6;
	v8 =	vld [tilespmem:$0x1FD70]  }
0x1c5: {  	v11 =	vadd.f32 v11, v47;
	v57 =	vld.idx.msk [tilespmem:v24+s3+$0x0], $0xffff  }
0x1c6: {  	v24 =	vld.idx.msk [tilespmem:v42+s3+$0x0], $0xffff  }
0x1c7: {  	v11 =	vadd.f32 v11, v54;
	v5 =	vor.u32 s12, v45;
	v23 =	vld.idx.msk [tilespmem:v34+s3+$0x0], $0xffff  }
0x1c8: {  	v1 =	vor.u32 s12, v52;
	v17 =	vmul.f32 v32, v17;
	v22 =	vmul.f32 v32, v22;
	v37 =	vld.idx.msk [tilespmem:v37+s24+$0x0], $0xffff  }
0x1c9: {  	v3 =	vor.u32 s12, v49;
	v26 =	vld.idx.msk [tilespmem:v26+s3+$0x0], $0xffff;
	v8 =	vadd.f32 v11, v8;
	v11 =	vsel vm0, $0x1, v12  }
0x1ca: {  	v52 =	vmovc v47;
	v17 =	vadd.f32 v17, v14;
	v14 =	vld [tilespmem:$0x1FE40];
	v45 =	vadd.f32 v22, v43;
	v11 =	vsel vm1, $0x2, v11  }
0x1cb: {  	v49 =	vmovc v13;
	vm0 =	vgt.f32 v7, v6;
	v22 =	vld.idx.msk [tilespmem:v44+s3+$0x0], $0xffff;
	v13 =	vadd.f32 v8, v48;
	v8 =	vsel vm2, $0x3, v11  }
0x1cc: {  	s6 =	sadd.s32 $0x20, s6;
	v47 =	vmovc v10;
	v2 =	vor.u32 s12, v51;
	v51 =	vmovc v54;
	v6 =	vsel vm0, v7, v6;
	v54 =	vsel vm3, $0x4, v8;
	v8 =	vld [tilespmem:$0x1FC40]  }
0x1cd: {  	vm2 =	vgt.f32 v17, v6;
	v12 =	vadd.f32 v13, v47;
	v13 =	vld [tilespmem:$0x1FE50];
	[tilespmem:s6+$0x0] =	vst v37  }
0x1ce: {  	v6 =	vsel vm2, v17, v6;
	v7 =	vld.idx.msk [tilespmem:v33+s3+$0x0], $0xffff  }
0x1cf: {  	[tilespmem:$0x1FE30] =	vst v49;
	vm1 =	vgt.f32 v45, v6;
	v12 =	vadd.f32 v12, v49;
	v49 =	vld.idx.msk [tilespmem:v28+s3+$0x0], $0xffff  }
0x1d0: {  	v11 =	vmax.f32 v50, v27;
	v28 =	vsel vm1, v45, v6;
	v6 =	vld [tilespmem:$0x1FC50]  }
0x1d1: {  	v11 =	vmax.f32 v11, v57;
	v43 =	vmov v8;
	v8 =	vld.idx.msk [tilespmem:v20+s3+$0x0], $0xffff  }
0x1d2: {  	v14 =	vmul.f32 v32, v14;
	v20 =	vld.idx.msk [tilespmem:v9+s3+$0x0], $0xffff;
	v9 =	vmax.f32 v11, v26  }
0x1d3: {  	v9 =	vmax.f32 v9, v24  }
0x1d4: {  	v11 =	vadd.f32 v14, v46;
	v10 =	vadd.f32 v12, v43;
	v12 =	vld.idx.msk [tilespmem:v21+s3+$0x0], $0xffff;
	v9 =	vmax.f32 v9, v23  }
0x1d5: {  	v14 =	vsel vm4, $0x5, v54;
	v13 =	vmul.f32 v32, v13;
	v21 =	vld [tilespmem:$0x1FC60];
	v54 =	vmovc v6;
	v6 =	vmax.f32 v9, v22  }
0x1d6: {  	v17 =	vld.idx.msk [tilespmem:v35+s3+$0x0], $0xffff;
	v6 =	vmax.f32 v6, v7  }
0x1d7: {  	v13 =	vadd.f32 v13, v15;
	v15 =	vmax.f32 v6, v8;
	v6 =	vld [tilespmem:$0x1FE60];
	_ =	sdelay $0x1  }
0x1d8: {  	v45 =	vld.idx.msk [tilespmem:v25+s3+$0x0], $0xffff;
	v10 =	vadd.f32 v10, v54  }
0x1d9: {  	v9 =	vld.idx.msk [tilespmem:v19+s3+$0x0], $0xffff;
	v25 =	vmov v21  }
0x1da: {  	v14 =	vsel vm5, $0x6, v14;
	v21 =	vld.idx.msk [tilespmem:v29+s24+$0x0], $0xffff;
	v15 =	vmax.f32 v15, v20;
	v10 =	vadd.f32 v10, v25  }
0x1db: {  	v59 =	vpop (erf);
	vm3 =	vgt.f32 v11, v28;
	v15 =	vmax.f32 v15, v17;
	v19 =	vmul.f32 v32, v6;
	v6 =	vld.idx.msk [tilespmem:v63+s3+$0x0], $0xffff  }
0x1dc: {  	v11 =	vsel vm3, v11, v28;
	v15 =	vmax.f32 v15, v49;
	v10 =	vadd.f32 v10, v59  }
0x1dd: {  	v58 =	vpop (erf);
	v14 =	vsel vm6, $0x7, v14;
	vm4 =	vgt.f32 v13, v11;
	v15 =	vmax.f32 v15, v45  }
0x1de: {  	v11 =	vsel vm4, v13, v11;
	v13 =	vmovc v59;
	v63 =	vmax.f32 v15, v12;
	v10 =	vadd.f32 v10, v58  }
0x1df: {  	v14 =	vsel vm0, $0x8, v14;
	v29 =	vld [tilespmem:$0x1FE80];
	[tilespmem:$0x1FE80] =	vst v13;
	v13 =	vmax.f32 v63, v9;
	v19 =	vadd.f32 v19, v60  }
0x1e0: {  	v14 =	vsel vm2, $0x9, v14;
	v15 =	vmovc v48;
	(erf) = vrcp.f32 v10;
	v10 =	vld [tilespmem:$0x1FC80];
	v42 =	vmax.f32 v13, v6  }
0x1e1: {  	[tilespmem:$0x1FE10] =	vst v15;
	vm0 =	vgt.f32 v19, v11;
	v13 =	vsel vm1, $0xA, v14;
	v14 =	vld [tilespmem:$0x1FC70];
	v15 =	vsub.f32 v50, v42  }
0x1e2: {  	v19 =	vsel vm0, v19, v11;
	v11 =	vld.idx.msk [tilespmem:v21+s3+$0x0], $0xffff  }
0x1e3: {  	v21 =	vmul.f32 $1.442695020e+00, v15;
	v15 =	vld [tilespmem:$0x1FC90]  }
0x1e4: {  	v29 =	vmul.f32 v32, v29  }
0x1e5: {  	[tilespmem:$0x1FE60] =	vst v25;
	v25 =	vld.idx.msk [tilespmem:v30+s24+$0x0], $0xffff  }
0x1e6: {  	v10 =	vmul.f32 v32, v10;
	v14 =	vadd.f32 v29, v14  }
0x1e7: {  	v53 =	vor.u32 s12, v39;
	v39 =	vld.idx.msk [tilespmem:v56+s24+$0x0], $0xffff  }
0x1e8: {  	v18 =	vld.idx.msk [tilespmem:v18+s24+$0x0], $0xffff;
	v13 =	vsel vm3, $0xB, v13;
	vm1 =	vgt.f32 v14, v19;
	v10 =	vadd.f32 v10, v15  }
0x1e9: {  	[tilespmem:$0x1FE20] =	vst v47;
	v5 =	vld.idx.msk [tilespmem:v5+s24+$0x0], $0xffff;
	v47 =	vsel vm4, $0xC, v13;
	v19 =	vsel vm1, v14, v19  }
0x1ea: {  	(erf) = vpow2.f32 v21;
	v21 =	vsel vm0, $0xD, v47;
	vm0 =	vgt.f32 v10, v19;
	v10 =	vld [tilespmem:$0x1FD80]  }
0x1eb: {  	v27 =	vsub.f32 v27, v42;
	v19 =	vld [tilespmem:$0x1FCA0]  }
0x1ec: {  	v3 =	vld.idx.msk [tilespmem:v3+s24+$0x0], $0xffff  }
0x1ed: {  	v36 =	vor.u32 s12, v36;
	v13 =	vld.idx.msk [tilespmem:v25+s3+$0x0], $0xffff;
	v25 =	vmul.f32 $1.442695020e+00, v27  }
0x1ee: {  	v2 =	vld.idx.msk [tilespmem:v2+s24+$0x0], $0xffff  }
0x1ef: {  	(erf) = vpow2.f32 v25;
	v25 =	vld.idx.msk [tilespmem:v16+s24+$0x0], $0xffff  }
0x1f0: {  	v31 =	vor.u32 s12, v31;
	v16 =	vsel vm1, $0xE, v21;
	v21 =	vadd.s32 v10, v19;
	v19 =	vld [tilespmem:$0x1FD90]  }
0x1f1: {  	v46 =	vld.idx.msk [tilespmem:v55+s24+$0x0], $0xffff  }
0x1f2: {  	v28 =	vld.idx.msk [tilespmem:v36+s24+$0x0], $0xffff  }
0x1f3: {  	[tilespmem:$0x1FE50] =	vst v54;
	v54 =	vld.idx.msk [tilespmem:v39+s3+$0x0], $0xffff;
	v27 =	vsub.f32 v57, v42  }
0x1f4: {  	v30 =	vld.idx.msk [tilespmem:v41+s24+$0x0], $0xffff;
	v26 =	vsub.f32 v26, v42  }
0x1f5: {  	v29 =	vld.idx.msk [tilespmem:v31+s24+$0x0], $0xffff;
	v27 =	vmul.f32 $1.442695020e+00, v27;
	v10 =	vmov v19;
	v19 =	vsub.f32 v24, v42  }
0x1f6: {  	v24 =	vmov v4;
	[tilespmem:$0x1FD80] =	vst v10;
	v10 =	vmul.f32 $1.442695020e+00, v26;
	v26 =	vld [tilespmem:$0x1FDF0]  }
0x1f7: {  	(erf) = vpow2.f32 v27;
	[tilespmem:$0x1FDF0] =	vst v24;
	v24 =	vld [tilespmem:$0x1FCB0];
	v19 =	vmul.f32 $1.442695020e+00, v19  }
0x1f8: {  	v31 =	vld.idx.msk [tilespmem:v53+s24+$0x0], $0xffff;
	(erf) = vpow2.f32 v10  }
0x1f9: {  	v32 =	vpop (erf);
	(erf) = vpow2.f32 v19;
	v19 =	vld [tilespmem:$0x1FCD0]  }
0x1fa: {  	v15 =	vld.idx.msk [tilespmem:v28+s3+$0x0], $0xffff  }
0x1fb: {  	v4 =	vld.idx.msk [tilespmem:v62+s24+$0x0], $0xffff;
	v26 =	vmov v26  }
0x1fc: {  	v24 =	vmul.f32 v32, v24;
	[tilespmem:$0x1FD90] =	vst v26;
	v26 =	vld [tilespmem:$0x1FCC0]  }
0x1fd: {  	[tilespmem:$0x1FCE0] =	vst v40;
	v23 =	vsub.f32 v23, v42;
	v14 =	vld.idx.msk [tilespmem:v30+s3+$0x0], $0xffff  }
0x1fe: {  	v22 =	vsub.f32 v22, v42;
	v24 =	vadd.f32 v24, v19;
	v19 =	vld [tilespmem:$0x1FCE0]  }
0x1ff: {  	[tilespmem:$0x1FDE0] =	vst v0;
	v0 =	vor.u32 s12, v38;
	v27 =	vsub.f32 v7, v42;
	v30 =	vsel vm0, $0xF, v16;
	v16 =	vld.idx.msk [tilespmem:v46+s3+$0x0], $0xffff  }
0x200: {  	v23 =	vmul.f32 $1.442695020e+00, v23;
	v22 =	vmul.f32 $1.442695020e+00, v22;
	v48 =	vld.idx.msk [tilespmem:v29+s3+$0x0], $0xffff;
	v29 =	vsub.f32 v20, v42  }
0x201: {  	v7 =	vpop (erf);
	v53 =	vld.idx.msk [tilespmem:v25+s3+$0x0], $0xffff;
	v25 =	vmul.f32 $1.442695020e+00, v27;
	v10 =	vmax.f32 v11, v13;
	v26 =	vmul.f32 v32, v26  }
0x202: {  	v28 =	vld [tilespmem:$0x1FCF0];
	v10 =	vmax.f32 v10, v15;
	(erf) = vpow2.f32 v23;
	v23 =	vsub.f32 v8, v42;
	v8 =	vpop (erf)  }
0x203: {  	v27 =	vadd.f32 v8, v7;
	v26 =	vadd.f32 v26, v19;
	v19 =	vld.idx.msk [tilespmem:v31+s3+$0x0], $0xffff;
	v31 =	vmax.f32 v10, v14  }
0x204: {  	(erf) = vpow2.f32 v22;
	v20 =	vld.idx.msk [tilespmem:v4+s3+$0x0], $0xffff;
	v4 =	vmul.f32 $1.442695020e+00, v23;
	v22 =	vmax.f32 v31, v54  }
0x205: {  	v10 =	vpop (erf);
	(erf) = vpow2.f32 v25;
	v25 =	vsub.f32 v17, v42;
	v17 =	vld [tilespmem:$0x1FD00];
	v22 =	vmax.f32 v22, v16  }
0x206: {  	v55 =	vmov v58;
	v58 =	vpop (erf);
	(erf) = vpow2.f32 v4;
	v4 =	vmax.f32 v22, v48;
	v22 =	vld [tilespmem:$0x1FD10]  }
0x207: {  	v23 =	vadd.f32 v27, v10  }
0x208: {  	v61 =	vld [tilespmem:s4+$0xFFFFFF90];
	v28 =	vmul.f32 v32, v28  }
0x209: {  	v0 =	vld.idx.msk [tilespmem:v0+s24+$0x0], $0xffff;
	vm0 =	vgt.f32 v26, v24;
	v23 =	vadd.f32 v23, v58  }
0x20a: {  	v59 =	vpop (erf);
	v27 =	vadd.f32 v28, v17;
	v17 =	vld.idx.msk [tilespmem:v18+s3+$0x0], $0xffff;
	v18 =	vmul.f32 $1.442695020e+00, v29;
	v28 =	vsub.f32 v49, v42  }
0x20b: {  	v29 =	vmul.f32 v32, v22;
	v22 =	vld.idx.msk [tilespmem:v5+s3+$0x0], $0xffff;
	v5 =	vmul.f32 $1.442695020e+00, v25;
	v25 =	vadd.f32 v23, v59  }
0x20c: {  	v1 =	vld.idx.msk [tilespmem:v1+s24+$0x0], $0xffff;
	v60 =	vpop (erf);
	(erf) = vpow2.f32 v18;
	v18 =	vsel vm0, v26, v24  }
0x20d: {  	v38 =	vmovc v61;
	v24 =	vmul.f32 $1.442695020e+00, v28;
	v23 =	vld.idx.msk [tilespmem:v3+s3+$0x0], $0xffff;
	v3 =	vmax.f32 v4, v19;
	v25 =	vadd.f32 v25, v60  }
0x20e: {  	v61 =	vpop (erf);
	v26 =	vld.idx.msk [tilespmem:v2+s3+$0x0], $0xffff;
	v4 =	vsub.f32 v45, v42;
	v2 =	vmax.f32 v3, v53;
	(erf) = vpow2.f32 v5  }
0x20f: {  	v5 =	vadd.f32 v25, v61;
	v25 =	vmax.f32 v2, v20;
	v2 =	vsub.f32 v9, v42;
	v9 =	vld [tilespmem:$0x1FD20]  }
0x210: {  	v3 =	vsub.f32 v12, v42;
	v4 =	vmul.f32 $1.442695020e+00, v4  }
0x211: {  	(erf) = vpow2.f32 v24  }
0x212: {  	vm1 =	vgt.f32 v27, v18;
	v62 =	vpop (erf);
	v3 =	vmul.f32 $1.442695020e+00, v3;
	v24 =	vld.idx.msk [tilespmem:v0+s3+$0x0], $0xffff;
	(erf) = vpow2.f32 v4  }
0x213: {  	v4 =	vsub.f32 v6, v42;
	v6 =	vld [tilespmem:$0x1FD30];
	v0 =	vmax.f32 v25, v17;
	v5 =	vadd.f32 v5, v62  }
0x214: {  	v12 =	vld.idx.msk [tilespmem:v1+s3+$0x0], $0xffff;
	v1 =	vpop (erf);
	(erf) = vpow2.f32 v3;
	v3 =	vsel vm1, v27, v18;
	v9 =	vadd.f32 v29, v9  }
0x215: {  	v18 =	vld [tilespmem:$0x1FD40];
	v25 =	vmul.f32 $1.442695020e+00, v2;
	v0 =	vmax.f32 v0, v22;
	v5 =	vadd.f32 v5, v1  }
0x216: {  	v4 =	vmul.f32 $1.442695020e+00, v4;
	v27 =	vmax.f32 v0, v23;
	v63 =	vpop (erf);
	vm2 =	vgt.f32 v9, v3  }
0x217: {  	(erf) = vpow2.f32 v25;
	v5 =	vadd.f32 v5, v63;
	v9 =	vsel vm2, v9, v3;
	v3 =	vld [tilespmem:$0x1FD50]  }
0x218: {  	v25 =	vmax.f32 v27, v26;
	v6 =	vmul.f32 v32, v6;
	v2 =	vpop (erf)  }
0x219: {  	(erf) = vpow2.f32 v4;
	v4 =	vmax.f32 v25, v12;
	v5 =	vadd.f32 v5, v2  }
0x21a: {  	v6 =	vadd.f32 v6, v18;
	v18 =	vmul.f32 v32, v52;
	v0 =	vpop (erf);
	v27 =	vmax.f32 v4, v24  }
0x21b: {  	v15 =	vsub.f32 v15, v27;
	v57 =	vadd.f32 v5, v0  }
0x21c: {  	vm3 =	vgt.f32 v6, v9;
	v5 =	vsub.f32 v11, v27;
	v25 =	vadd.f32 v18, v3;
	v3 =	vpop (erf)  }
0x21d: {  	v11 =	vsub.f32 v13, v27;
	v28 =	vsel vm3, v6, v9;
	v34 =	vadd.f32 v57, v3  }
0x21e: {  	v9 =	vsub.f32 v14, v27;
	v14 =	vsub.f32 v54, v27;
	v5 =	vmul.f32 $1.442695020e+00, v5;
	v4 =	vpop (erf)  }
0x21f: {  	v6 =	vmul.f32 $1.442695020e+00, v11;
	v11 =	vmul.f32 $1.442695020e+00, v15;
	v15 =	vadd.f32 v34, v4  }
0x220: {  	v16 =	vsub.f32 v16, v27;
	v9 =	vmul.f32 $1.442695020e+00, v9;
	(erf) = vpow2.f32 v5;
	v18 =	vpop (erf)  }
0x221: {  	v14 =	vmul.f32 $1.442695020e+00, v14;
	(erf) = vpow2.f32 v6;
	v15 =	vadd.f32 v15, v18  }
0x222: {  	v6 =	vmul.f32 $1.442695020e+00, v16;
	(erf) = vpow2.f32 v11;
	v5 =	vpop (erf)  }
0x223: {  	v40 =	vld [tilespmem:s4+$0xFFFFFF80];
	v16 =	vsub.f32 v48, v27;
	(erf) = vpow2.f32 v9;
	v15 =	vadd.f32 v15, v5  }
0x224: {  	v33 =	vld [tilespmem:s4+$0xFFFFFFD0];
	v11 =	vsub.f32 v19, v27;
	(erf) = vpow2.f32 v14  }
0x225: {  	[tilespmem:$0x1FE40] =	vst v43;
	v43 =	vld [tilespmem:s4+$0xFFFFFFA0];
	v9 =	vmul.f32 $1.442695020e+00, v16;
	v16 =	vsub.f32 v53, v27;
	(erf) = vrcp.f32 v15  }
0x226: {  	v21 =	vld.idx.msk [tilespmem:v21+s24+$0x0], $0xffff;
	v11 =	vmul.f32 $1.442695020e+00, v11;
	v14 =	vsub.f32 v20, v27;
	(erf) = vpow2.f32 v6  }
0x227: {  	v36 =	vld [tilespmem:s4+$0xFFFFFFC0];
	v15 =	vmul.f32 $1.442695020e+00, v16;
	v16 =	vsub.f32 v17, v27;
	(erf) = vpow2.f32 v9  }
0x228: {  	v39 =	vld [tilespmem:s4+$0xFFFFFFB0];
	v6 =	vmul.f32 $1.442695020e+00, v14;
	v14 =	vsub.f32 v22, v27;
	(erf) = vpow2.f32 v11  }
0x229: {  	v50 =	vld [tilespmem:$0x1FEE0];
	v37 =	vpop (erf);
	v9 =	vmul.f32 $1.442695020e+00, v16;
	v16 =	vsub.f32 v23, v27;
	(erf) = vpow2.f32 v15  }
0x22a: {  	v31 =	vld [tilespmem:s4+$0xFFFFFFE0];
	v41 =	vpop (erf);
	v11 =	vmul.f32 $1.442695020e+00, v14;
	v14 =	vsub.f32 v26, v27;
	(erf) = vpow2.f32 v6  }
0x22b: {  	v29 =	vld [tilespmem:s4+$0xFFFFFFF0];
	[tilespmem:s7+$0xFFFFFFF0] =	vst v21;
	s4 =	sadd.s32 $0x200, s4;
	v12 =	vsub.f32 v12, v27;
	v34 =	vpop (erf);
	v15 =	vmul.f32 $1.442695020e+00, v16;
	(erf) = vpow2.f32 v9  }
0x22c: {  	v42 =	vld [tilespmem:s4+$0xFFFFFF00];
	v20 =	vsub.f32 v24, v27;
	v27 =	vpop (erf);
	v6 =	vmul.f32 $1.442695020e+00, v14;
	(erf) = vpow2.f32 v11  }
0x22d: {  	v19 =	vld [tilespmem:s4+$0x10];
	v14 =	vadd.f32 v41, v37;
	v26 =	vpop (erf);
	(erf) = vpow2.f32 v15  }
0x22e: {  	(erf) = vpow2.f32 v6;
	v6 =	vld [tilespmem:$0x1FD60]  }
0x22f: {  	s11 =	sadd.s32 $0x2, s11;
	v16 =	vld [tilespmem:s4+$0x0];
	v11 =	vadd.f32 v14, v34;
	v9 =	vpop (erf)  }
0x230: {  	p1 =	slt.u32 s11, $0x12;
	v35 =	vmov v40;
	v17 =	vmul.f32 $1.442695020e+00, v12;
	v21 =	vmul.f32 v9, v8;
	v8 =	vld [tilespmem:$0x1FD70]  }
.Ltmp3:
0x231: {  	v40 =	vld [tilespmem:s4+$0xFFFFFF10];
	v13 =	vmul.f32 v32, v51;
	v14 =	vmul.f32 $1.442695020e+00, v20;
	v11 =	vadd.f32 v11, v27;
	v47 =	vpop (erf);
	(pc) =	sbr.rel @p1 .LBB2_6-.Ltmp3, $4  }
0x232: {  	vm4 =	vgt.f32 v25, v28;
	v12 =	vld [tilespmem:s4+$0x20];
	v10 =	vmul.f32 v9, v10;
	v54 =	vpop (erf);
	(erf) = vpow2.f32 v17  }
0x233: {  	v15 =	vld [tilespmem:s4+$0x30];
	v11 =	vadd.f32 v11, v26;
	v20 =	vpop (erf);
	v6 =	vadd.f32 v13, v6;
	v13 =	vmul.f32 v9, v7  }
0x234: {  	v17 =	vadd.f32 v21, v19;
	v48 =	vpop (erf);
	(erf) = vpow2.f32 v14;
	v7 =	vsel vm4, v25, v28;
	v28 =	vld [tilespmem:s4+$0xFFFFFF20]  }
0x235: {  	s12 =	sadd.s32 $0x200, s12;
	s7 =	smov.u32 s10;
	s10 =	smov.u32 s6;
	v8 =	vmul.f32 v32, v8;
	v13 =	vadd.f32 v13, v16;
	v16 =	vld [tilespmem:s4+$0x40];
	vm5 =	vgt.f32 v6, v7  }
0x236: {  	_ = 	snop  }
0x237: {  	v10 =	vadd.f32 v10, v12;
	vm7 =	vgt.f32 v17, v13;
	v12 =	vmul.f32 v9, v58  }
0x238: {  	v13 =	vsel vm7, v17, v13  }
0x239: {  	v12 =	vadd.f32 v12, v15;
	vm6 =	vgt.f32 v10, v13;
	v15 =	vimm.s32 $0x0  }
0x23a: {  	v14 =	vld [tilespmem:s4+$0x50];
	v15 =	vsel vm6, $0xFFFFFFFF, v15  }
0x23b: {  	[tilespmem:$0x1FC20] =	vst v15;
	v15 =	vmul.f32 v9, v59  }
0x23c: {  	v10 =	vsel vm6, v10, v13;
	v13 =	vld [tilespmem:s4+$0x60]  }
0x23d: {  	v21 =	vmul.f32 v9, v60;
	vm8 =	vgt.f32 v12, v10;
	v15 =	vadd.f32 v15, v16  }
0x23e: {  	v10 =	vsel vm8, v12, v10;
	v12 =	vld [tilespmem:s4+$0x70]  }
0x23f: {  	v22 =	vmul.f32 v9, v61;
	v14 =	vadd.f32 v21, v14;
	vm9 =	vgt.f32 v15, v10  }
0x240: {  	v10 =	vsel vm9, v15, v10;
	v15 =	vld [tilespmem:s4+$0x80]  }
0x241: {  	v23 =	vmul.f32 v9, v62;
	v13 =	vadd.f32 v22, v13;
	vm10 =	vgt.f32 v14, v10  }
0x242: {  	v11 =	vadd.f32 v11, v47;
	v10 =	vsel vm10, v14, v10;
	v14 =	vld [tilespmem:s4+$0x90]  }
0x243: {  	v1 =	vmul.f32 v9, v1;
	v12 =	vadd.f32 v23, v12;
	vm11 =	vgt.f32 v13, v10  }
0x244: {  	v11 =	vadd.f32 v11, v54;
	v10 =	vsel vm11, v13, v10  }
0x245: {  	v13 =	vld [tilespmem:s4+$0xA0];
	vm12 =	vgt.f32 v12, v10;
	v1 =	vadd.f32 v1, v15;
	v15 =	vmul.f32 v9, v63  }
0x246: {  	v11 =	vadd.f32 v11, v20;
	v10 =	vsel vm12, v12, v10  }
0x247: {  	v25 =	vld [tilespmem:s4+$0xB0];
	vm13 =	vgt.f32 v1, v10;
	v14 =	vadd.f32 v15, v14  }
0x248: {  	v19 =	vld [tilespmem:s4+$0xC0];
	v15 =	vmul.f32 v9, v2;
	v1 =	vsel vm13, v1, v10  }
0x249: {  	v24 =	vadd.f32 v11, v48;
	v46 =	vld [tilespmem:$0x1FC20];
	vm14 =	vgt.f32 v14, v1  }
0x24a: {  	v0 =	vmul.f32 v9, v0;
	v11 =	vpop (erf);
	v13 =	vadd.f32 v15, v13;
	v1 =	vsel vm14, v14, v1;
	v14 =	vld [tilespmem:s4+$0xD0]  }
0x24b: {  	v3 =	vmul.f32 v9, v3;
	v16 =	vadd.f32 v24, v11  }
0x24c: {  	v4 =	vmul.f32 v9, v4;
	v0 =	vadd.f32 v0, v25;
	v12 =	vpop (erf);
	vm15 =	vgt.f32 v13, v1  }
0x24d: {  	v21 =	vimm.s32 $0x0;
	v10 =	vadd.f32 v16, v12;
	v13 =	vsel vm15, v13, v1  }
0x24e: {  	v44 =	vsel vm7, $0x1, v21;
	v3 =	vadd.f32 v3, v19;
	vm6 =	vgt.f32 v0, v13  }
0x24f: {  	vm7 =	vnez.u8 v46;
	v2 =	vpop (erf);
	v13 =	vsel vm6, v0, v13;
	v4 =	vadd.f32 v4, v14;
	v14 =	vld [tilespmem:s4+$0xF0]  }
0x250: {  	v16 =	vsel vm7, $0x2, v44;
	v15 =	vadd.f32 v10, v2;
	vm7 =	vgt.f32 v3, v13  }
0x251: {  	v5 =	vmul.f32 v9, v5;
	v45 =	vld [tilespmem:s4+$0xE0];
	v10 =	vpop (erf);
	v13 =	vsel vm7, v3, v13  }
0x252: {  	v15 =	vadd.f32 v15, v10;
	v3 =	vsel vm8, $0x3, v16;
	vm8 =	vgt.f32 v4, v13  }
0x253: {  	v18 =	vmul.f32 v9, v18;
	v1 =	vpop (erf);
	v4 =	vsel vm8, v4, v13;
	v13 =	vld [tilespmem:$0x1FE10]  }
0x254: {  	v15 =	vadd.f32 v15, v1;
	v16 =	vsel vm9, $0x4, v3;
	v5 =	vadd.f32 v5, v14;
	v14 =	vld [tilespmem:$0x1FED0]  }
0x255: {  	v0 =	vpop (erf);
	v9 =	vsel vm10, $0x5, v16  }
0x256: {  	v49 =	vadd.f32 v18, v45;
	v15 =	vadd.f32 v15, v0;
	v9 =	vsel vm11, $0x6, v9  }
0x257: {  	v6 =	vsel vm5, v6, v7;
	v3 =	vpop (erf);
	v9 =	vsel vm12, $0x7, v9  }
0x258: {  	v15 =	vadd.f32 v15, v3;
	vm12 =	vgt.f32 v49, v4;
	v9 =	vsel vm13, $0x8, v9  }
0x259: {  	v9 =	vsel vm14, $0x9, v9;
	v13 =	vmul.f32 v32, v13;
	v8 =	vadd.f32 v8, v14  }
0x25a: {  	v4 =	vsel vm12, v49, v4;
	(erf) = vrcp.f32 v15;
	v9 =	vsel vm15, $0xA, v9  }
0x25b: {  	v9 =	vsel vm6, $0xB, v9;
	v7 =	vadd.f32 v13, v35;
	v13 =	vld [tilespmem:$0x1FE20];
	vm9 =	vgt.f32 v8, v6  }
0x25c: {  	vm13 =	vgt.f32 v5, v4;
	v5 =	vsel vm7, $0xC, v9;
	v4 =	vsel vm9, v8, v6  }
0x25d: {  	v5 =	vsel vm8, $0xD, v5;
	vm7 =	vgt.f32 v7, v4  }
0x25e: {  	v7 =	vsel vm7, v7, v4;
	v4 =	vsel vm12, $0xE, v5;
	v5 =	vld [tilespmem:$0x1FE30];
	_ =	sdelay $0x1  }
0x25f: {  	v8 =	vld [tilespmem:$0x1FE40];
	v13 =	vmul.f32 v32, v13  }
0x260: {  	v9 =	vld [tilespmem:$0x1FDE0]  }
0x261: {  	v6 =	vadd.f32 v13, v38  }
0x262: {  	v5 =	vmul.f32 v32, v5  }
0x263: {  	v15 =	vld [tilespmem:$0x1FE50];
	v4 =	vsel vm13, $0xF, v4;
	vm6 =	vgt.f32 v6, v7  }
0x264: {  	v8 =	vmul.f32 v32, v8;
	v6 =	vsel vm6, v6, v7;
	v7 =	vpop (erf);
	v5 =	vadd.f32 v5, v43  }
0x265: {  	v4 =	vadd.s32 v9, v4;
	v9 =	vmul.f32 v7, v37;
	v13 =	vmul.f32 v7, v41  }
0x266: {  	v14 =	vld [tilespmem:s4+$0xFFFFFF30];
	v8 =	vadd.f32 v8, v39;
	v51 =	vmul.f32 v7, v34;
	vm8 =	vgt.f32 v5, v6  }
0x267: {  	v5 =	vsel vm8, v5, v6;
	v6 =	vadd.f32 v9, v42;
	v9 =	vadd.f32 v13, v40  }
0x268: {  	v15 =	vmul.f32 v32, v15;
	v53 =	vmul.f32 v7, v27;
	v13 =	vld [tilespmem:s4+$0xFFFFFF40]  }
0x269: {  	v16 =	vadd.f32 v51, v28;
	vm10 =	vgt.f32 v8, v5;
	vm12 =	vgt.f32 v9, v6  }
0x26a: {  	v15 =	vadd.f32 v15, v36;
	v5 =	vsel vm10, v8, v5;
	v8 =	vld [tilespmem:s4+$0xFFFFFF50];
	v6 =	vsel vm12, v9, v6  }
0x26b: {  	v52 =	vld [tilespmem:$0x1FE60];
	v14 =	vadd.f32 v53, v14;
	v9 =	vmul.f32 v7, v26;
	vm13 =	vgt.f32 v16, v6  }
0x26c: {  	v56 =	vld [tilespmem:s4+$0xFFFFFF60];
	v57 =	vmul.f32 v7, v47;
	v6 =	vsel vm13, v16, v6  }
0x26d: {  	vm11 =	vgt.f32 v15, v5;
	v9 =	vadd.f32 v9, v13;
	vm14 =	vgt.f32 v14, v6  }
0x26e: {  	v5 =	vsel vm11, v15, v5;
	v6 =	vsel vm14, v14, v6  }
0x26f: {  	v15 =	vmul.f32 v7, v54;
	v14 =	vld [tilespmem:s4+$0xFFFFFF70];
	v8 =	vadd.f32 v57, v8;
	vm15 =	vgt.f32 v9, v6  }
0x270: {  	v17 =	vmul.f32 v32, v52;
	v59 =	vmul.f32 v32, v55;
	v6 =	vsel vm15, v9, v6  }
0x271: {  	v58 =	vld [tilespmem:s4+$0xFFFFFF80];
	v9 =	vadd.f32 v15, v56;
	v15 =	vsel vm0, $0x1, v21;
	vm0 =	vgt.f32 v8, v6  }
0x272: {  	v17 =	vadd.f32 v17, v33;
	v60 =	vmul.f32 v7, v20;
	v6 =	vsel vm0, v8, v6;
	v8 =	vld [tilespmem:s4+$0xFFFFFF90]  }
0x273: {  	v61 =	vmul.f32 v7, v48;
	v11 =	vmul.f32 v7, v11;
	v15 =	vsel vm1, $0x2, v15  }
0x274: {  	v15 =	vsel vm2, $0x3, v15;
	v14 =	vadd.f32 v60, v14;
	vm2 =	vgt.f32 v9, v6  }
0x275: {  	v62 =	vld [tilespmem:s4+$0xFFFFFFA0];
	v12 =	vmul.f32 v7, v12;
	v2 =	vmul.f32 v7, v2;
	v6 =	vsel vm2, v9, v6  }
0x276: {  	v13 =	vld [tilespmem:$0x1FE80];
	v15 =	vsel vm3, $0x4, v15;
	v9 =	vadd.f32 v61, v58;
	vm3 =	vgt.f32 v14, v6  }
0x277: {  	v10 =	vmul.f32 v7, v10;
	v6 =	vsel vm3, v14, v6;
	v8 =	vadd.f32 v11, v8;
	v11 =	vld [tilespmem:s4+$0xFFFFFFB0]  }
0x278: {  	v1 =	vmul.f32 v7, v1;
	v14 =	vsel vm4, $0x5, v15;
	vm4 =	vgt.f32 v9, v6  }
0x279: {  	v0 =	vmul.f32 v7, v0;
	v14 =	vsel vm5, $0x6, v14;
	v6 =	vsel vm4, v9, v6;
	v9 =	vld [tilespmem:s4+$0xFFFFFFC0]  }
0x27a: {  	v12 =	vadd.f32 v12, v62;
	v14 =	vsel vm9, $0x7, v14;
	vm9 =	vgt.f32 v8, v6  }
0x27b: {  	v63 =	vsel vm12, $0x1, v21;
	v13 =	vmul.f32 v32, v13;
	v6 =	vsel vm9, v8, v6;
	v8 =	vld [tilespmem:s4+$0xFFFFFFD0]  }
0x27c: {  	vm1 =	vgt.f32 v17, v5;
	vm12 =	vgt.f32 v12, v6;
	v2 =	vadd.f32 v2, v11  }
0x27d: {  	v6 =	vsel vm12, v12, v6;
	v11 =	vsel vm7, $0x8, v14;
	v12 =	vsel vm13, $0x2, v63  }
0x27e: {  	v9 =	vadd.f32 v10, v9;
	v12 =	vsel vm14, $0x3, v12;
	vm14 =	vgt.f32 v2, v6  }
0x27f: {  	v2 =	vsel vm14, v2, v6;
	v6 =	vsel vm6, $0x9, v11;
	v11 =	vsel vm15, $0x4, v12  }
0x280: {  	v13 =	vadd.f32 v13, v31;
	v10 =	vld [tilespmem:s4+$0xFFFFFFE0];
	v1 =	vadd.f32 v1, v8;
	v8 =	vsel vm0, $0x5, v11  }
0x281: {  	v6 =	vsel vm8, $0xA, v6;
	vm8 =	vgt.f32 v9, v2;
	v8 =	vsel vm2, $0x6, v8  }
0x282: {  	v5 =	vsel vm1, v17, v5;
	v2 =	vsel vm8, v9, v2;
	v9 =	vld [tilespmem:s4+$0xFFFFFFF0];
	v8 =	vsel vm3, $0x7, v8  }
0x283: {  	v3 =	vmul.f32 v7, v3;
	vm5 =	vgt.f32 v13, v5;
	v8 =	vsel vm4, $0x8, v8  }
0x284: {  	v15 =	vadd.f32 v59, v29;
	v5 =	vsel vm5, v13, v5;
	v7 =	vsel vm9, $0x9, v8  }
0x285: {  	v0 =	vadd.f32 v0, v10;
	v7 =	vsel vm12, $0xA, v7;
	vm12 =	vgt.f32 v1, v2  }
0x286: {  	vm13 =	vgt.f32 v15, v5;
	v1 =	vsel vm12, v1, v2  }
0x287: {  	v5 =	vsel vm14, $0xB, v7;
	v3 =	vadd.f32 v3, v9;
	vm14 =	vgt.f32 v0, v1  }
0x288: {  	v0 =	vsel vm14, v0, v1  }
0x289: {  	v6 =	vsel vm10, $0xB, v6;
	vm15 =	vgt.f32 v3, v0;
	v0 =	vld [tilespmem:$0x1FD90]  }
0x28a: {  	v6 =	vsel vm11, $0xC, v6  }
0x28b: {  	v6 =	vsel vm1, $0xD, v6;
	v2 =	vsel vm8, $0xC, v5;
	v5 =	vld [tilespmem:$0x1FD80]  }
0x28c: {  	v6 =	vsel vm5, $0xE, v6;
	v2 =	vsel vm12, $0xD, v2  }
0x28d: {  	v1 =	vsel vm13, $0xF, v6;
	v2 =	vsel vm14, $0xE, v2  }
0x28e: {  	v0 =	vadd.s32 v0, v1;
	v1 =	vsel vm15, $0xF, v2;
	v2 =	vld [tilespmem:$0x1FDF0];
	_ =	sdelay $0x1  }
0x28f: {  	v5 =	vadd.s32 v5, v30;
	_ =	sdelay $0x2  }
0x290: {  	v1 =	vadd.s32 v2, v1;
	_ =	sdelay $0x1  }
0x291: {  	v3 =	vld.idx.msk [tilespmem:v5+s24+$0x0], $0xffff  }
0x292: {  	v2 =	vld.idx.msk [tilespmem:v4+s24+$0x0], $0xffff  }
0x293: {  	v0 =	vld.idx.msk [tilespmem:v0+s24+$0x0], $0xffff  }
0x294: {  	v1 =	vld.idx.msk [tilespmem:v1+s24+$0x0], $0xffff;
	_ =	sdelay $0x1  }
0x295: {  	s12 =	sadd.s32 $0x20, s6;
	[tilespmem:s7+$0xFFFFFFF0] =	vst v3  }
0x296: {  	[tilespmem:s12+$0x0] =	vst v2  }
0x297: {  	[tilespmem:s10+$0xFFFFFFF0] =	vst v0  }
0x298: {  	[tilespmem:s12+$0xFFFFFFF0] =	vst v1  }
0x299: {  	v54 =	vld [tilespmem:$0x1FFD0]  }
0x29a: {  	v53 =	vld [tilespmem:$0x1FF60];
	_ =	sdelay $0x2  }
0x29b: {  	s4 =	simm.s32 $0x100;
	v0 =	vld [tilespmem:s23+$0x0]  }
0x29c: {  	v1 =	vor.u32 s4, v54  }
0x29d: {  	v1 =	vand.u32 v53, v1;
	_ =	sdelay $0x1  }
0x29e: {  	v57 =	vld [tilespmem:$0x1FFF0]  }
0x29f: {  	v58 =	vld [tilespmem:$0x1FF70];
	v0 =	vshll.u32 v0, $0x4  }
0x2a0: {  	v59 =	vld [tilespmem:$0x1FF80];
	v5 =	vadd.s32 $0x27100, v0  }
0x2a1: {  	v60 =	vld [tilespmem:$0x1FF90];
	[tilespmem:v1+s29+$0x0] =	vst.idx.msk $0xffff, v5  }
0x2a2: {  	v61 =	vld [tilespmem:$0x1FFA0]  }
0x2a3: {  	v2 =	vor.u32 s4, v57  }
0x2a4: {  	v3 =	vor.u32 s4, v58  }
0x2a5: {  	v4 =	vor.u32 s4, v59  }
0x2a6: {  	v6 =	vor.u32 s4, v60  }
0x2a7: {  	v1 =	vadd.s32 $0x27101, v0;
	v5 =	vor.u32 s4, v61  }
0x2a8: {  	[tilespmem:v2+s29+$0x0] =	vst.idx.msk $0xffff, v1;
	v1 =	vadd.s32 $0x27102, v0  }
0x2a9: {  	v62 =	vld [tilespmem:$0x1FFB0];
	[tilespmem:v3+s29+$0x0] =	vst.idx.msk $0xffff, v1;
	v1 =	vadd.s32 $0x27103, v0  }
0x2aa: {  	v63 =	vld [tilespmem:$0x1FFC0];
	[tilespmem:v4+s29+$0x0] =	vst.idx.msk $0xffff, v1;
	v1 =	vadd.s32 $0x27104, v0  }
0x2ab: {  	v51 =	vld [tilespmem:$0x1FF00];
	[tilespmem:v6+s29+$0x0] =	vst.idx.msk $0xffff, v1;
	v1 =	vadd.s32 $0x27105, v0  }
0x2ac: {  	v32 =	vld [tilespmem:$0x1FEF0];
	[tilespmem:v5+s29+$0x0] =	vst.idx.msk $0xffff, v1  }
0x2ad: {  	v38 =	vld [tilespmem:$0x1FF10]  }
0x2ae: {  	v2 =	vor.u32 s4, v62  }
0x2af: {  	v3 =	vor.u32 s4, v63  }
0x2b0: {  	v4 =	vor.u32 s4, v51  }
0x2b1: {  	v6 =	vor.u32 s4, v32  }
0x2b2: {  	v1 =	vadd.s32 $0x27106, v0;
	v5 =	vor.u32 s4, v38  }
0x2b3: {  	[tilespmem:v2+s29+$0x0] =	vst.idx.msk $0xffff, v1;
	v1 =	vadd.s32 $0x27107, v0  }
0x2b4: {  	v40 =	vld [tilespmem:$0x1FF20];
	[tilespmem:v3+s29+$0x0] =	vst.idx.msk $0xffff, v1;
	v1 =	vadd.s32 $0x27108, v0  }
0x2b5: {  	[tilespmem:v4+s29+$0x0] =	vst.idx.msk $0xffff, v1;
	v1 =	vadd.s32 $0x27109, v0  }
0x2b6: {  	v55 =	vld [tilespmem:$0x1FF30];
	[tilespmem:v6+s29+$0x0] =	vst.idx.msk $0xffff, v1;
	v1 =	vadd.s32 $0x2710A, v0  }
0x2b7: {  	v46 =	vld [tilespmem:$0x1FF40];
	[tilespmem:v5+s29+$0x0] =	vst.idx.msk $0xffff, v1  }
0x2b8: {  	v47 =	vld [tilespmem:$0x1FF50]  }
0x2b9: {  	v2 =	vor.u32 s4, v40;
	v56 =	vld [tilespmem:$0x1FFE0]  }
0x2ba: {  	v3 =	vor.u32 s4, v50  }
0x2bb: {  	v4 =	vor.u32 s4, v55  }
0x2bc: {  	s14 =	simm.s32 $0x0;
	v7 =	vld [tilespmem:s23+$0xFFFFFFF0];
	v6 =	vor.u32 s4, v46  }
0x2bd: {  	v8 =	vor.u32 s14, v54;
	v1 =	vadd.s32 $0x2710B, v0;
	v5 =	vor.u32 s4, v47  }
0x2be: {  	[tilespmem:v2+s29+$0x0] =	vst.idx.msk $0xffff, v1;
	v1 =	vadd.s32 $0x2710C, v0;
	v8 =	vand.u32 v56, v8  }
0x2bf: {  	v2 =	vor.u32 s14, v57;
	[tilespmem:v3+s29+$0x0] =	vst.idx.msk $0xffff, v1;
	v1 =	vadd.s32 $0x2710D, v0  }
0x2c0: {  	v3 =	vor.u32 s14, v58;
	[tilespmem:v4+s29+$0x0] =	vst.idx.msk $0xffff, v1;
	v1 =	vadd.s32 $0x2710E, v0  }
0x2c1: {  	v7 =	vshll.u32 v7, $0x4;
	v4 =	vor.u32 s14, v59;
	v0 =	vadd.s32 $0x2710F, v0;
	[tilespmem:v6+s29+$0x0] =	vst.idx.msk $0xffff, v1  }
0x2c2: {  	v1 =	vor.u32 s14, v60;
	v6 =	vadd.s32 $0x27100, v7;
	[tilespmem:v5+s29+$0x0] =	vst.idx.msk $0xffff, v0  }
0x2c3: {  	v0 =	vor.u32 s14, v61;
	v5 =	vadd.s32 $0x27101, v7;
	[tilespmem:v8+s29+$0x0] =	vst.idx.msk $0xffff, v6  }
0x2c4: {  	v9 =	vor.u32 s14, v62;
	v6 =	vadd.s32 $0x27102, v7;
	[tilespmem:v2+s29+$0x0] =	vst.idx.msk $0xffff, v5  }
0x2c5: {  	v8 =	vadd.s32 $0x27103, v7;
	[tilespmem:v3+s29+$0x0] =	vst.idx.msk $0xffff, v6  }
0x2c6: {  	v10 =	vadd.s32 $0x27105, v7;
	v11 =	vor.u32 s14, v63;
	v2 =	vadd.s32 $0x27104, v7;
	[tilespmem:v4+s29+$0x0] =	vst.idx.msk $0xffff, v8  }
0x2c7: {  	v12 =	vadd.s32 $0x27106, v7;
	v14 =	vadd.s32 $0x27107, v7;
	v15 =	vor.u32 s14, v51;
	[tilespmem:v1+s29+$0x0] =	vst.idx.msk $0xffff, v2  }
0x2c8: {  	v13 =	vor.u32 s14, v32;
	v5 =	vadd.s32 $0x2710A, v7;
	v6 =	vadd.s32 $0x2710B, v7;
	[tilespmem:v0+s29+$0x0] =	vst.idx.msk $0xffff, v10  }
0x2c9: {  	v3 =	vadd.s32 $0x2710C, v7;
	v8 =	vadd.s32 $0x27108, v7;
	[tilespmem:v9+s29+$0x0] =	vst.idx.msk $0xffff, v12;
	v12 =	vor.u32 s14, v38  }
0x2ca: {  	v4 =	vadd.s32 $0x27109, v7;
	v2 =	vadd.s32 $0x2710D, v7;
	v10 =	vor.u32 s14, v40  }
0x2cb: {  	v1 =	vadd.s32 $0x2710F, v7;
	v0 =	vadd.s32 $0x2710E, v7;
	[tilespmem:v11+s29+$0x0] =	vst.idx.msk $0xffff, v14;
	v11 =	vor.u32 s14, v50  }
0x2cc: {  	s6 =	simm.s32 $0x8B30;
	v7 =	vor.u32 s14, v47;
	v9 =	vor.u32 s14, v55;
	[tilespmem:v15+s29+$0x0] =	vst.idx.msk $0xffff, v8;
	v8 =	vor.u32 s14, v46  }
.LBB2_8:
0x2cd: {  	v14 =	vld [tilespmem:s6+$0x0];
	[tilespmem:v13+s29+$0x0] =	vst.idx.msk $0xffff, v4;
	s4 =	sadd.s32 $0x200, s4  }
0x2ce: {  	v4 =	vld [tilespmem:s6+$0xFFFFFFF0];
	s7 =	sadd.s32 $0xFFFFFF00, s4;
	v13 =	vor.u32 s4, v54;
	[tilespmem:v12+s29+$0x0] =	vst.idx.msk $0xffff, v5  }
0x2cf: {  	v5 =	vor.u32 s7, v54;
	v15 =	vor.u32 s7, v57;
	v12 =	vand.u32 v53, v13;
	[tilespmem:v10+s29+$0x0] =	vst.idx.msk $0xffff, v6  }
0x2d0: {  	v17 =	vor.u32 s7, v58;
	v16 =	vand.u32 v56, v5;
	v5 =	vor.u32 s4, v57;
	[tilespmem:v11+s29+$0x0] =	vst.idx.msk $0xffff, v3  }
0x2d1: {  	v18 =	vor.u32 s7, v59;
	v19 =	vor.u32 s7, v60;
	v3 =	vor.u32 s4, v58;
	[tilespmem:v9+s29+$0x0] =	vst.idx.msk $0xffff, v2  }
0x2d2: {  	v20 =	vor.u32 s7, v61;
	v2 =	vor.u32 s4, v59;
	v9 =	vshll.u32 v14, $0x4;
	[tilespmem:v8+s29+$0x0] =	vst.idx.msk $0xffff, v0  }
0x2d3: {  	v8 =	vshll.u32 v4, $0x4;
	v0 =	vadd.s32 $0x27100, v9;
	v4 =	vor.u32 s4, v60;
	[tilespmem:v7+s29+$0x0] =	vst.idx.msk $0xffff, v1  }
0x2d4: {  	v1 =	vor.u32 s4, v61;
	v7 =	vadd.s32 $0x27100, v8;
	[tilespmem:v12+s29+$0x0] =	vst.idx.msk $0xffff, v0;
	v0 =	vadd.s32 $0x27101, v9  }
0x2d5: {  	v14 =	vadd.s32 $0x27101, v8;
	[tilespmem:v5+s29+$0x0] =	vst.idx.msk $0xffff, v0;
	v0 =	vadd.s32 $0x27102, v9;
	v5 =	vor.u32 s4, v62  }
0x2d6: {  	v21 =	vadd.s32 $0x27102, v8;
	[tilespmem:v3+s29+$0x0] =	vst.idx.msk $0xffff, v0;
	v0 =	vadd.s32 $0x27103, v9;
	v3 =	vor.u32 s4, v63  }
0x2d7: {  	v22 =	vadd.s32 $0x27103, v8;
	[tilespmem:v2+s29+$0x0] =	vst.idx.msk $0xffff, v0;
	v0 =	vadd.s32 $0x27104, v9;
	v2 =	vor.u32 s4, v51  }
0x2d8: {  	v6 =	vor.u32 s4, v32;
	v23 =	vadd.s32 $0x27104, v8;
	[tilespmem:v4+s29+$0x0] =	vst.idx.msk $0xffff, v0;
	v0 =	vadd.s32 $0x27105, v9  }
0x2d9: {  	v24 =	vadd.s32 $0x27105, v8;
	[tilespmem:v1+s29+$0x0] =	vst.idx.msk $0xffff, v0;
	v0 =	vadd.s32 $0x27106, v9;
	v1 =	vor.u32 s4, v38  }
0x2da: {  	v10 =	vor.u32 s4, v40;
	v25 =	vadd.s32 $0x27106, v8;
	[tilespmem:v5+s29+$0x0] =	vst.idx.msk $0xffff, v0;
	v0 =	vadd.s32 $0x27107, v9  }
0x2db: {  	v11 =	vor.u32 s4, v50;
	v26 =	vadd.s32 $0x27107, v8;
	[tilespmem:v3+s29+$0x0] =	vst.idx.msk $0xffff, v0;
	v0 =	vadd.s32 $0x27108, v9  }
0x2dc: {  	s21 =	sadd.s32 $0x2, s21;
	v27 =	vadd.s32 $0x27108, v8;
	v12 =	vor.u32 s4, v55;
	[tilespmem:v2+s29+$0x0] =	vst.idx.msk $0xffff, v0;
	v0 =	vadd.s32 $0x27109, v9  }
0x2dd: {  	p1 =	slt.u32 s21, $0x12;
	v13 =	vor.u32 s4, v46;
	v4 =	vadd.s32 $0x27109, v8;
	[tilespmem:v6+s29+$0x0] =	vst.idx.msk $0xffff, v0;
	v0 =	vadd.s32 $0x2710A, v9  }
0x2de: {  	v28 =	vor.u32 s4, v47;
	v5 =	vadd.s32 $0x2710A, v8;
	[tilespmem:v1+s29+$0x0] =	vst.idx.msk $0xffff, v0;
	v0 =	vadd.s32 $0x2710B, v9  }
0x2df: {  	v3 =	vadd.s32 $0x2710C, v8;
	v6 =	vadd.s32 $0x2710B, v8;
	v1 =	vadd.s32 $0x2710C, v9;
	[tilespmem:v10+s29+$0x0] =	vst.idx.msk $0xffff, v0  }
0x2e0: {  	v2 =	vadd.s32 $0x2710D, v8;
	v0 =	vadd.s32 $0x2710E, v8;
	v10 =	vadd.s32 $0x2710D, v9;
	[tilespmem:v11+s29+$0x0] =	vst.idx.msk $0xffff, v1  }
0x2e1: {  	v29 =	vor.u32 s7, v62;
	v1 =	vadd.s32 $0x2710F, v8;
	v8 =	vadd.s32 $0x2710E, v9;
	[tilespmem:v12+s29+$0x0] =	vst.idx.msk $0xffff, v10  }
0x2e2: {  	v30 =	vor.u32 s7, v63;
	v31 =	vor.u32 s7, v51;
	[tilespmem:v13+s29+$0x0] =	vst.idx.msk $0xffff, v8;
	v8 =	vadd.s32 $0x2710F, v9  }
0x2e3: {  	v12 =	vor.u32 s7, v38;
	v10 =	vor.u32 s7, v40;
	v13 =	vor.u32 s7, v32;
	[tilespmem:v28+s29+$0x0] =	vst.idx.msk $0xffff, v8  }
0x2e4: {  	v11 =	vor.u32 s7, v50;
	v9 =	vor.u32 s7, v55;
	v8 =	vor.u32 s7, v46;
	[tilespmem:v16+s29+$0x0] =	vst.idx.msk $0xffff, v7  }
0x2e5: {  	v7 =	vor.u32 s7, v47;
	[tilespmem:v15+s29+$0x0] =	vst.idx.msk $0xffff, v14  }
0x2e6: {  	[tilespmem:v17+s29+$0x0] =	vst.idx.msk $0xffff, v21  }
0x2e7: {  	[tilespmem:v18+s29+$0x0] =	vst.idx.msk $0xffff, v22  }
.Ltmp4:
0x2e8: {  	[tilespmem:v19+s29+$0x0] =	vst.idx.msk $0xffff, v23;
	(pc) =	sbr.rel @p1 .LBB2_8-.Ltmp4, $4  }
0x2e9: {  	[tilespmem:v20+s29+$0x0] =	vst.idx.msk $0xffff, v24  }
0x2ea: {  	[tilespmem:v29+s29+$0x0] =	vst.idx.msk $0xffff, v25  }
0x2eb: {  	[tilespmem:v30+s29+$0x0] =	vst.idx.msk $0xffff, v26  }
0x2ec: {  	s6 =	sadd.s32 $0x20, s6;
	[tilespmem:v31+s29+$0x0] =	vst.idx.msk $0xffff, v27  }
0x2ed: {  	_ =	sdelay $0x3  }
0x2ee: {  	[tilespmem:v13+s29+$0x0] =	vst.idx.msk $0xffff, v4  }
0x2ef: {  	[tilespmem:v12+s29+$0x0] =	vst.idx.msk $0xffff, v5  }
0x2f0: {  	[tilespmem:v10+s29+$0x0] =	vst.idx.msk $0xffff, v6  }
0x2f1: {  	[tilespmem:v11+s29+$0x0] =	vst.idx.msk $0xffff, v3  }
0x2f2: {  	[tilespmem:v9+s29+$0x0] =	vst.idx.msk $0xffff, v2  }
0x2f3: {  	[tilespmem:v8+s29+$0x0] =	vst.idx.msk $0xffff, v0  }
0x2f4: {  	[tilespmem:v7+s29+$0x0] =	vst.idx.msk $0xffff, v1  }
0x2f5: {  	[tilespmem:s24], [sflag:$0x3] =	stream.indirect.gather [hbm4b:s5+s20], $0x1, s29, s20, $0xb8;
	[tilespmem:$0x1CE00] =	vst v63  }
0x2f6: {  	s4 =	simm.s32 $0x7780;
	s6 =	simm.s32 $0x4F80  }
0x2f7: {  	[tilespmem:s6], [sflag:$0x3] =	stream.indirect.gather [hbm4b:s5+s20], $0x1, s4, s20, $0xb8;
	[tilespmem:$0x1CE00] =	vst v63  }
0x2f8: {  	s7 =	simm.s32 $0x7800;
	s10 =	simm.s32 $0x5000  }
0x2f9: {  	[tilespmem:s10], [sflag:$0x3] =	stream.indirect.gather [hbm4b:s5+s20], $0x1, s7, s20, $0xb8;
	[tilespmem:$0x1CE00] =	vst v63  }
0x2fa: {  	s11 =	simm.s32 $0x7880;
	s12 =	simm.s32 $0x5080  }
0x2fb: {  	[tilespmem:s12], [sflag:$0x3] =	stream.indirect.gather [hbm4b:s5+s20], $0x1, s11, s20, $0xb8;
	[tilespmem:$0x1CE00] =	vst v63  }
0x2fc: {  	s14 =	simm.s32 $0x7900;
	s21 =	simm.s32 $0x5100  }
0x2fd: {  	[tilespmem:s21], [sflag:$0x3] =	stream.indirect.gather [hbm4b:s5+s20], $0x1, s14, s20, $0xb8;
	[tilespmem:$0x1CE00] =	vst v63  }
0x2fe: {  	s7 =	simm.s32 $0x7980;
	s10 =	simm.s32 $0x5180  }
0x2ff: {  	[tilespmem:s10], [sflag:$0x3] =	stream.indirect.gather [hbm4b:s5+s20], $0x1, s7, s20, $0xb8;
	[tilespmem:$0x1CE00] =	vst v63  }
0x300: {  	s11 =	simm.s32 $0x7A00;
	s12 =	simm.s32 $0x5200  }
0x301: {  	[tilespmem:s12], [sflag:$0x3] =	stream.indirect.gather [hbm4b:s5+s20], $0x1, s11, s20, $0xb8;
	[tilespmem:$0x1CE00] =	vst v63  }
0x302: {  	s14 =	simm.s32 $0x7A80;
	s21 =	simm.s32 $0x5280  }
0x303: {  	[tilespmem:s21], [sflag:$0x3] =	stream.indirect.gather [hbm4b:s5+s20], $0x1, s14, s20, $0xb8;
	[tilespmem:$0x1CE00] =	vst v63  }
0x304: {  	s7 =	simm.s32 $0x7B00;
	s10 =	simm.s32 $0x5300  }
0x305: {  	[tilespmem:s10], [sflag:$0x3] =	stream.indirect.gather [hbm4b:s5+s20], $0x1, s7, s20, $0xb8;
	[tilespmem:$0x1CE00] =	vst v63  }
0x306: {  	s11 =	simm.s32 $0x7B80;
	s12 =	simm.s32 $0x5380  }
0x307: {  	[tilespmem:s12], [sflag:$0x3] =	stream.indirect.gather [hbm4b:s5+s20], $0x1, s11, s20, $0xb8;
	[tilespmem:$0x1CE00] =	vst v63  }
0x308: {  	s14 =	simm.s32 $0x7C00;
	s21 =	simm.s32 $0x5400  }
0x309: {  	[tilespmem:s21], [sflag:$0x3] =	stream.indirect.gather [hbm4b:s5+s20], $0x1, s14, s20, $0xb8;
	[tilespmem:$0x1CE00] =	vst v63  }
0x30a: {  	s7 =	simm.s32 $0x7C80;
	s10 =	simm.s32 $0x5480  }
0x30b: {  	[tilespmem:s10], [sflag:$0x3] =	stream.indirect.gather [hbm4b:s5+s20], $0x1, s7, s20, $0xb8;
	[tilespmem:$0x1CE00] =	vst v63  }
0x30c: {  	s11 =	simm.s32 $0x7D00;
	s12 =	simm.s32 $0x5500  }
0x30d: {  	[tilespmem:s12], [sflag:$0x3] =	stream.indirect.gather [hbm4b:s5+s20], $0x1, s11, s20, $0xb8;
	[tilespmem:$0x1CE00] =	vst v63  }
0x30e: {  	s14 =	simm.s32 $0x7D80;
	s21 =	simm.s32 $0x5580  }
0x30f: {  	[tilespmem:s21], [sflag:$0x3] =	stream.indirect.gather [hbm4b:s5+s20], $0x1, s14, s20, $0xb8;
	[tilespmem:$0x1CE00] =	vst v63  }
0x310: {  	s7 =	simm.s32 $0x7E00;
	s10 =	simm.s32 $0x5600  }
0x311: {  	[tilespmem:s10], [sflag:$0x3] =	stream.indirect.gather [hbm4b:s5+s20], $0x1, s7, s20, $0xb8;
	[tilespmem:$0x1CE00] =	vst v63  }
0x312: {  	s11 =	simm.s32 $0x7E80;
	s12 =	simm.s32 $0x5680  }
0x313: {  	[tilespmem:s12], [sflag:$0x3] =	stream.indirect.gather [hbm4b:s5+s20], $0x1, s11, s20, $0xb8;
	[tilespmem:$0x1CE00] =	vst v63  }
0x314: {  	s14 =	simm.s32 $0x7F00;
	s21 =	simm.s32 $0x5700  }
0x315: {  	[tilespmem:s21], [sflag:$0x3] =	stream.indirect.gather [hbm4b:s5+s20], $0x1, s14, s20, $0xb8;
	[tilespmem:$0x1CE00] =	vst v63  }
0x316: {  	s7 =	simm.s32 $0x7F80;
	s10 =	simm.s32 $0x5780  }
0x317: {  	[tilespmem:s10], [sflag:$0x3] =	stream.indirect.gather [hbm4b:s5+s20], $0x1, s7, s20, $0xb8;
	[tilespmem:$0x1CE00] =	vst v63  }
0x318: {  	s11 =	simm.s32 $0x8000;
	s12 =	simm.s32 $0x5800  }
0x319: {  	[tilespmem:s12], [sflag:$0x3] =	stream.indirect.gather [hbm4b:s5+s20], $0x1, s11, s20, $0xb8;
	[tilespmem:$0x1CE00] =	vst v63  }
0x31a: {  	s14 =	simm.s32 $0x8080;
	s21 =	simm.s32 $0x5880  }
0x31b: {  	[tilespmem:s21], [sflag:$0x3] =	stream.indirect.gather [hbm4b:s5+s20], $0x1, s14, s20, $0xb8;
	[tilespmem:$0x1CE00] =	vst v63  }
0x31c: {  	s7 =	simm.s32 $0x8100;
	s10 =	simm.s32 $0x5900  }
0x31d: {  	[tilespmem:s10], [sflag:$0x3] =	stream.indirect.gather [hbm4b:s5+s20], $0x1, s7, s20, $0xb8;
	[tilespmem:$0x1CE00] =	vst v63  }
0x31e: {  	s11 =	simm.s32 $0x8180;
	s12 =	simm.s32 $0x5980  }
0x31f: {  	[tilespmem:s12], [sflag:$0x3] =	stream.indirect.gather [hbm4b:s5+s20], $0x1, s11, s20, $0xb8;
	[tilespmem:$0x1CE00] =	vst v63  }
0x320: {  	s14 =	simm.s32 $0x8200;
	s21 =	simm.s32 $0x5A00  }
0x321: {  	[tilespmem:s21], [sflag:$0x3] =	stream.indirect.gather [hbm4b:s5+s20], $0x1, s14, s20, $0xb8;
	[tilespmem:$0x1CE00] =	vst v63  }
0x322: {  	s7 =	simm.s32 $0x8280;
	s10 =	simm.s32 $0x5A80  }
0x323: {  	[tilespmem:s10], [sflag:$0x3] =	stream.indirect.gather [hbm4b:s5+s20], $0x1, s7, s20, $0xb8;
	[tilespmem:$0x1CE00] =	vst v63  }
0x324: {  	s11 =	simm.s32 $0x8300;
	s12 =	simm.s32 $0x5B00  }
0x325: {  	[tilespmem:s12], [sflag:$0x3] =	stream.indirect.gather [hbm4b:s5+s20], $0x1, s11, s20, $0xb8;
	[tilespmem:$0x1CE00] =	vst v63  }
0x326: {  	s14 =	simm.s32 $0x8380;
	s21 =	simm.s32 $0x5B80  }
0x327: {  	[tilespmem:s21], [sflag:$0x3] =	stream.indirect.gather [hbm4b:s5+s20], $0x1, s14, s20, $0xb8;
	[tilespmem:$0x1CE00] =	vst v63  }
0x328: {  	s7 =	simm.s32 $0x8400;
	s10 =	simm.s32 $0x5C00  }
0x329: {  	[tilespmem:s10], [sflag:$0x3] =	stream.indirect.gather [hbm4b:s5+s20], $0x1, s7, s20, $0xb8;
	[tilespmem:$0x1CE00] =	vst v63  }
0x32a: {  	s11 =	simm.s32 $0x8480;
	s12 =	simm.s32 $0x5C80  }
0x32b: {  	[tilespmem:s12], [sflag:$0x3] =	stream.indirect.gather [hbm4b:s5+s20], $0x1, s11, s20, $0xb8;
	[tilespmem:$0x1CE00] =	vst v63  }
0x32c: {  	s14 =	simm.s32 $0x8500;
	s21 =	simm.s32 $0x5D00  }
0x32d: {  	[tilespmem:s21], [sflag:$0x3] =	stream.indirect.gather [hbm4b:s5+s20], $0x1, s14, s20, $0xb8;
	[tilespmem:$0x1CE00] =	vst v63  }
0x32e: {  	s7 =	simm.s32 $0x8580;
	s10 =	simm.s32 $0x5D80  }
0x32f: {  	[tilespmem:s10], [sflag:$0x3] =	stream.indirect.gather [hbm4b:s5+s20], $0x1, s7, s20, $0xb8;
	[tilespmem:$0x1CE00] =	vst v63  }
0x330: {  	s11 =	simm.s32 $0x8600;
	s12 =	simm.s32 $0x5E00  }
0x331: {  	[tilespmem:s12], [sflag:$0x3] =	stream.indirect.gather [hbm4b:s5+s20], $0x1, s11, s20, $0xb8;
	[tilespmem:$0x1CE00] =	vst v63  }
0x332: {  	s14 =	simm.s32 $0x8680;
	s21 =	simm.s32 $0x5E80  }
0x333: {  	[tilespmem:s21], [sflag:$0x3] =	stream.indirect.gather [hbm4b:s5+s20], $0x1, s14, s20, $0xb8;
	[tilespmem:$0x1CE00] =	vst v63  }
0x334: {  	s7 =	simm.s32 $0x8700;
	s10 =	simm.s32 $0x5F00  }
0x335: {  	[tilespmem:s10], [sflag:$0x3] =	stream.indirect.gather [hbm4b:s5+s20], $0x1, s7, s20, $0xb8;
	[tilespmem:$0x1CE00] =	vst v63  }
0x336: {  	s11 =	simm.s32 $0x8780;
	s12 =	simm.s32 $0x5F80  }
0x337: {  	[tilespmem:s12], [sflag:$0x3] =	stream.indirect.gather [hbm4b:s5+s20], $0x1, s11, s20, $0xb8;
	[tilespmem:$0x1CE00] =	vst v63  }
0x338: {  	s14 =	simm.s32 $0x8800;
	s21 =	simm.s32 $0x6000  }
0x339: {  	[tilespmem:s21], [sflag:$0x3] =	stream.indirect.gather [hbm4b:s5+s20], $0x1, s14, s20, $0xb8;
	[tilespmem:$0x1CE00] =	vst v63  }
0x33a: {  	s7 =	simm.s32 $0x8880;
	s10 =	simm.s32 $0x6080  }
0x33b: {  	[tilespmem:s10], [sflag:$0x3] =	stream.indirect.gather [hbm4b:s5+s20], $0x1, s7, s20, $0xb8;
	[tilespmem:$0x1CE00] =	vst v63  }
0x33c: {  	s11 =	simm.s32 $0x8900;
	s12 =	simm.s32 $0x6100  }
0x33d: {  	[tilespmem:s12], [sflag:$0x3] =	stream.indirect.gather [hbm4b:s5+s20], $0x1, s11, s20, $0xb8;
	[tilespmem:$0x1CE00] =	vst v63  }
0x33e: {  	s14 =	simm.s32 $0x8980;
	s21 =	simm.s32 $0x6180  }
0x33f: {  	[tilespmem:s21], [sflag:$0x3] =	stream.indirect.gather [hbm4b:s5+s20], $0x1, s14, s20, $0xb8;
	[tilespmem:$0x1CE00] =	vst v63  }
0x340: {  	s6 =	simm.s32 $0x8A00;
	s7 =	simm.s32 $0x6200  }
0x341: {  	[tilespmem:s7], [sflag:$0x3] =	stream.indirect.gather [hbm4b:s5+s20], $0x1, s6, s20, $0xb8;
	[tilespmem:$0x1CE00] =	vst v63  }
0x342: {  	s10 =	simm.s32 $0x8A80;
	s11 =	simm.s32 $0x6280  }
0x343: {  	[tilespmem:s11], [sflag:$0x3] =	stream.indirect.gather [hbm4b:s5+s20], $0x1, s10, s20, $0xb8;
	[tilespmem:$0x1CE00] =	vst v63  }
0x344: {  	s4 =	simm.s32 $0x0;
	s12 =	rddreg [dreg:$0xa];
	s14 =	simm.s32 $0x6300  }
0x345: {  	[tilespmem:s14], [sflag:$0x4] =	stream.linear.gather [hbm4b:s12+s4], $0x1400, $0x38;
	[tilespmem:$0x1CE00] =	vst v63  }
0x346: {  	s21 =	simm.s32 $0x8B00;
	s7 =	simm.s32 $0x8E00  }
0x347: {  	[tilespmem:s7], [sflag:$0x5] =	stream.indirect.gather [hbm4b:s1+s2], $0x80, s21, s2, $0xb8;
	[tilespmem:$0x1CE00] =	vst v63  }
0x348: {  	s10 =	simm.s32 $0x8B10;
	s11 =	simm.s32 $0x9600  }
0x349: {  	[tilespmem:s11], [sflag:$0x5] =	stream.indirect.gather [hbm4b:s1+s2], $0x80, s10, s2, $0xb8;
	[tilespmem:$0x1CE00] =	vst v63  }
0x34a: {  	s12 =	simm.s32 $0x8B20;
	s21 =	simm.s32 $0x9E00  }
0x34b: {  	[tilespmem:s21], [sflag:$0x5] =	stream.indirect.gather [hbm4b:s1+s2], $0x80, s12, s2, $0xb8;
	[tilespmem:$0x1CE00] =	vst v63  }
0x34c: {  	s10 =	simm.s32 $0x8B30;
	s11 =	simm.s32 $0xA600  }
0x34d: {  	[tilespmem:s11], [sflag:$0x5] =	stream.indirect.gather [hbm4b:s1+s2], $0x80, s10, s2, $0xb8;
	[tilespmem:$0x1CE00] =	vst v63  }
0x34e: {  	s12 =	simm.s32 $0x8B40;
	s21 =	simm.s32 $0xAE00  }
0x34f: {  	[tilespmem:s21], [sflag:$0x5] =	stream.indirect.gather [hbm4b:s1+s2], $0x80, s12, s2, $0xb8;
	[tilespmem:$0x1CE00] =	vst v63  }
0x350: {  	s10 =	simm.s32 $0x8B50;
	s11 =	simm.s32 $0xB600  }
0x351: {  	[tilespmem:s11], [sflag:$0x5] =	stream.indirect.gather [hbm4b:s1+s2], $0x80, s10, s2, $0xb8;
	[tilespmem:$0x1CE00] =	vst v63  }
0x352: {  	s12 =	simm.s32 $0x8B60;
	s21 =	simm.s32 $0xBE00  }
0x353: {  	[tilespmem:s21], [sflag:$0x5] =	stream.indirect.gather [hbm4b:s1+s2], $0x80, s12, s2, $0xb8;
	[tilespmem:$0x1CE00] =	vst v63  }
0x354: {  	s10 =	simm.s32 $0x8B70;
	s11 =	simm.s32 $0xC600  }
0x355: {  	[tilespmem:s11], [sflag:$0x5] =	stream.indirect.gather [hbm4b:s1+s2], $0x80, s10, s2, $0xb8;
	[tilespmem:$0x1CE00] =	vst v63  }
0x356: {  	s12 =	simm.s32 $0x8B80;
	s21 =	simm.s32 $0xCE00  }
0x357: {  	[tilespmem:s21], [sflag:$0x5] =	stream.indirect.gather [hbm4b:s1+s2], $0x80, s12, s2, $0xb8;
	[tilespmem:$0x1CE00] =	vst v63  }
0x358: {  	s10 =	simm.s32 $0x8B90;
	s11 =	simm.s32 $0xD600  }
0x359: {  	[tilespmem:s11], [sflag:$0x5] =	stream.indirect.gather [hbm4b:s1+s2], $0x80, s10, s2, $0xb8;
	[tilespmem:$0x1CE00] =	vst v63  }
0x35a: {  	s12 =	simm.s32 $0x8BA0;
	s21 =	simm.s32 $0xDE00  }
0x35b: {  	[tilespmem:s21], [sflag:$0x5] =	stream.indirect.gather [hbm4b:s1+s2], $0x80, s12, s2, $0xb8;
	[tilespmem:$0x1CE00] =	vst v63  }
0x35c: {  	s10 =	simm.s32 $0x8BB0;
	s11 =	simm.s32 $0xE600  }
0x35d: {  	[tilespmem:s11], [sflag:$0x5] =	stream.indirect.gather [hbm4b:s1+s2], $0x80, s10, s2, $0xb8;
	[tilespmem:$0x1CE00] =	vst v63  }
0x35e: {  	s12 =	simm.s32 $0x8BC0;
	s21 =	simm.s32 $0xEE00  }
0x35f: {  	[tilespmem:s21], [sflag:$0x5] =	stream.indirect.gather [hbm4b:s1+s2], $0x80, s12, s2, $0xb8;
	[tilespmem:$0x1CE00] =	vst v63  }
0x360: {  	s10 =	simm.s32 $0x8BD0;
	s11 =	simm.s32 $0xF600  }
0x361: {  	[tilespmem:s11], [sflag:$0x5] =	stream.indirect.gather [hbm4b:s1+s2], $0x80, s10, s2, $0xb8;
	[tilespmem:$0x1CE00] =	vst v63  }
0x362: {  	s12 =	simm.s32 $0x8BE0;
	s21 =	simm.s32 $0xFE00  }
0x363: {  	[tilespmem:s21], [sflag:$0x5] =	stream.indirect.gather [hbm4b:s1+s2], $0x80, s12, s2, $0xb8;
	[tilespmem:$0x1CE00] =	vst v63  }
0x364: {  	s10 =	simm.s32 $0x8BF0;
	s11 =	simm.s32 $0x10600  }
0x365: {  	[tilespmem:s11], [sflag:$0x5] =	stream.indirect.gather [hbm4b:s1+s2], $0x80, s10, s2, $0xb8;
	[tilespmem:$0x1CE00] =	vst v63  }
0x366: {  	s12 =	simm.s32 $0x8C00;
	s21 =	simm.s32 $0x10E00  }
0x367: {  	[tilespmem:s21], [sflag:$0x5] =	stream.indirect.gather [hbm4b:s1+s2], $0x80, s12, s2, $0xb8;
	[tilespmem:$0x1CE00] =	vst v63  }
0x368: {  	s10 =	simm.s32 $0x8C10;
	s11 =	simm.s32 $0x11600  }
0x369: {  	[tilespmem:s11], [sflag:$0x5] =	stream.indirect.gather [hbm4b:s1+s2], $0x80, s10, s2, $0xb8;
	[tilespmem:$0x1CE00] =	vst v63  }
0x36a: {  	s12 =	simm.s32 $0x8C20;
	s21 =	simm.s32 $0x11E00  }
0x36b: {  	[tilespmem:s21], [sflag:$0x5] =	stream.indirect.gather [hbm4b:s1+s2], $0x80, s12, s2, $0xb8;
	[tilespmem:$0x1CE00] =	vst v63  }
0x36c: {  	s10 =	simm.s32 $0x8C30;
	s11 =	simm.s32 $0x12600  }
0x36d: {  	[tilespmem:s11], [sflag:$0x5] =	stream.indirect.gather [hbm4b:s1+s2], $0x80, s10, s2, $0xb8;
	[tilespmem:$0x1CE00] =	vst v63  }
0x36e: {  	_ =	swait.ge [sflag:s30], $0x80  }
0x36f: {  	[sflag:s30] =	ssyncset.done $0x0  }
0x370: {  	[sflag:s30] =	ssyncadd.s32 $0xFFFFFF80  }
0x371: {  	_ =	swait.ge [sflag:s30], $0x80  }
0x372: {  	[sflag:s30] =	ssyncset.done $0x0  }
0x373: {  	[sflag:s30] =	ssyncadd.s32 $0xFFFFFF80  }
0x374: {  	_ =	swait.ge [sflag:s30], $0x80  }
0x375: {  	[sflag:s30] =	ssyncset.done $0x0  }
0x376: {  	[sflag:s30] =	ssyncadd.s32 $0xFFFFFF80  }
0x377: {  	_ =	swait.ge [sflag:s30], $0x80  }
0x378: {  	[sflag:s30] =	ssyncset.done $0x0  }
0x379: {  	[sflag:s30] =	ssyncadd.s32 $0xFFFFFF80  }
0x37a: {  	_ =	swait.ge [sflag:s30], $0x80  }
0x37b: {  	[sflag:s30] =	ssyncset.done $0x0  }
0x37c: {  	[sflag:s30] =	ssyncadd.s32 $0xFFFFFF80  }
0x37d: {  	_ =	swait.ge [sflag:s30], $0x80  }
0x37e: {  	[sflag:s30] =	ssyncset.done $0x0  }
0x37f: {  	[sflag:s30] =	ssyncadd.s32 $0xFFFFFF80  }
0x380: {  	_ =	swait.ge [sflag:s30], $0x80  }
0x381: {  	[sflag:s30] =	ssyncset.done $0x0  }
0x382: {  	[sflag:s30] =	ssyncadd.s32 $0xFFFFFF80  }
0x383: {  	_ =	swait.ge [sflag:s30], $0x80  }
0x384: {  	[sflag:s30] =	ssyncset.done $0x0  }
0x385: {  	[sflag:s30] =	ssyncadd.s32 $0xFFFFFF80  }
0x386: {  	_ =	swait.ge [sflag:s30], $0x80  }
0x387: {  	[sflag:s30] =	ssyncset.done $0x0  }
0x388: {  	[sflag:s30] =	ssyncadd.s32 $0xFFFFFF80  }
0x389: {  	_ =	swait.ge [sflag:s30], $0x80  }
0x38a: {  	[sflag:s30] =	ssyncset.done $0x0  }
0x38b: {  	[sflag:s30] =	ssyncadd.s32 $0xFFFFFF80  }
0x38c: {  	_ =	swait.ge [sflag:s30], $0x80  }
0x38d: {  	[sflag:s30] =	ssyncset.done $0x0  }
0x38e: {  	[sflag:s30] =	ssyncadd.s32 $0xFFFFFF80  }
0x38f: {  	_ =	swait.ge [sflag:s30], $0x80  }
0x390: {  	[sflag:s30] =	ssyncset.done $0x0  }
0x391: {  	[sflag:s30] =	ssyncadd.s32 $0xFFFFFF80  }
0x392: {  	_ =	swait.ge [sflag:s30], $0x80  }
0x393: {  	[sflag:s30] =	ssyncset.done $0x0  }
0x394: {  	[sflag:s30] =	ssyncadd.s32 $0xFFFFFF80  }
0x395: {  	_ =	swait.ge [sflag:s30], $0x80  }
0x396: {  	[sflag:s30] =	ssyncset.done $0x0  }
0x397: {  	[sflag:s30] =	ssyncadd.s32 $0xFFFFFF80  }
0x398: {  	_ =	swait.ge [sflag:s30], $0x80  }
0x399: {  	[sflag:s30] =	ssyncset.done $0x0  }
0x39a: {  	[sflag:s30] =	ssyncadd.s32 $0xFFFFFF80  }
0x39b: {  	_ =	swait.ge [sflag:s30], $0x80  }
0x39c: {  	[sflag:s30] =	ssyncset.done $0x0  }
0x39d: {  	[sflag:s30] =	ssyncadd.s32 $0xFFFFFF80  }
0x39e: {  	_ =	swait.ge [sflag:s30], $0x80  }
0x39f: {  	[sflag:s30] =	ssyncset.done $0x0  }
0x3a0: {  	[sflag:s30] =	ssyncadd.s32 $0xFFFFFF80  }
0x3a1: {  	_ =	swait.ge [sflag:s30], $0x80  }
0x3a2: {  	[sflag:s30] =	ssyncset.done $0x0  }
0x3a3: {  	[sflag:s30] =	ssyncadd.s32 $0xFFFFFF80  }
0x3a4: {  	_ =	swait.ge [sflag:s30], $0x80  }
0x3a5: {  	[sflag:s30] =	ssyncset.done $0x0  }
0x3a6: {  	[sflag:s30] =	ssyncadd.s32 $0xFFFFFF80  }
0x3a7: {  	_ =	swait.ge [sflag:s30], $0x80  }
0x3a8: {  	[sflag:s30] =	ssyncset.done $0x0  }
0x3a9: {  	[sflag:s30] =	ssyncadd.s32 $0xFFFFFF80  }
0x3aa: {  	_ =	swait.ge [sflag:s30], $0x80  }
0x3ab: {  	[sflag:s30] =	ssyncset.done $0x0  }
0x3ac: {  	[sflag:s30] =	ssyncadd.s32 $0xFFFFFF80  }
0x3ad: {  	_ =	swait.ge [sflag:s30], $0x80  }
0x3ae: {  	[sflag:s30] =	ssyncset.done $0x0  }
0x3af: {  	[sflag:s30] =	ssyncadd.s32 $0xFFFFFF80  }
0x3b0: {  	_ =	swait.ge [sflag:s30], $0x80  }
0x3b1: {  	[sflag:s30] =	ssyncset.done $0x0  }
0x3b2: {  	[sflag:s30] =	ssyncadd.s32 $0xFFFFFF80  }
0x3b3: {  	_ =	swait.ge [sflag:s30], $0x80  }
0x3b4: {  	[sflag:s30] =	ssyncset.done $0x0  }
0x3b5: {  	[sflag:s30] =	ssyncadd.s32 $0xFFFFFF80  }
0x3b6: {  	_ =	swait.ge [sflag:s30], $0x80  }
0x3b7: {  	[sflag:s30] =	ssyncset.done $0x0  }
0x3b8: {  	[sflag:s30] =	ssyncadd.s32 $0xFFFFFF80  }
0x3b9: {  	_ =	swait.ge [sflag:s30], $0x80  }
0x3ba: {  	[sflag:s30] =	ssyncset.done $0x0  }
0x3bb: {  	[sflag:s30] =	ssyncadd.s32 $0xFFFFFF80  }
0x3bc: {  	_ =	swait.ge [sflag:s30], $0x80  }
0x3bd: {  	[sflag:s30] =	ssyncset.done $0x0  }
0x3be: {  	[sflag:s30] =	ssyncadd.s32 $0xFFFFFF80  }
0x3bf: {  	_ =	swait.ge [sflag:s30], $0x80  }
0x3c0: {  	[sflag:s30] =	ssyncset.done $0x0  }
0x3c1: {  	[sflag:s30] =	ssyncadd.s32 $0xFFFFFF80  }
0x3c2: {  	_ =	swait.ge [sflag:s30], $0x80  }
0x3c3: {  	[sflag:s30] =	ssyncset.done $0x0  }
0x3c4: {  	[sflag:s30] =	ssyncadd.s32 $0xFFFFFF80  }
0x3c5: {  	_ =	swait.ge [sflag:s30], $0x80  }
0x3c6: {  	[sflag:s30] =	ssyncset.done $0x0  }
0x3c7: {  	[sflag:s30] =	ssyncadd.s32 $0xFFFFFF80  }
0x3c8: {  	_ =	swait.ge [sflag:s30], $0x80  }
0x3c9: {  	[sflag:s30] =	ssyncset.done $0x0  }
0x3ca: {  	[sflag:s30] =	ssyncadd.s32 $0xFFFFFF80  }
0x3cb: {  	_ =	swait.ge [sflag:s30], $0x80  }
0x3cc: {  	[sflag:s30] =	ssyncset.done $0x0  }
0x3cd: {  	[sflag:s30] =	ssyncadd.s32 $0xFFFFFF80  }
0x3ce: {  	_ =	swait.ge [sflag:s30], $0x80  }
0x3cf: {  	[sflag:s30] =	ssyncset.done $0x0  }
0x3d0: {  	[sflag:s30] =	ssyncadd.s32 $0xFFFFFF80  }
0x3d1: {  	_ =	swait.ge [sflag:s30], $0x80  }
0x3d2: {  	[sflag:s30] =	ssyncset.done $0x0  }
0x3d3: {  	[sflag:s30] =	ssyncadd.s32 $0xFFFFFF80  }
0x3d4: {  	_ =	swait.ge [sflag:s30], $0x80  }
0x3d5: {  	[sflag:s30] =	ssyncset.done $0x0  }
0x3d6: {  	[sflag:s30] =	ssyncadd.s32 $0xFFFFFF80  }
0x3d7: {  	_ =	swait.ge [sflag:s30], $0x80  }
0x3d8: {  	[sflag:s30] =	ssyncset.done $0x0  }
0x3d9: {  	[sflag:s30] =	ssyncadd.s32 $0xFFFFFF80  }
0x3da: {  	_ =	swait.ge [sflag:s30], $0x80  }
0x3db: {  	[sflag:s30] =	ssyncset.done $0x0  }
0x3dc: {  	[sflag:s30] =	ssyncadd.s32 $0xFFFFFF80  }
0x3dd: {  	_ =	swait.ge [sflag:s30], $0x80  }
0x3de: {  	[sflag:s30] =	ssyncset.done $0x0  }
0x3df: {  	[sflag:s30] =	ssyncadd.s32 $0xFFFFFF80  }
0x3e0: {  	_ =	swait.ge [sflag:s30], $0x80  }
0x3e1: {  	[sflag:s30] =	ssyncset.done $0x0  }
0x3e2: {  	[sflag:s30] =	ssyncadd.s32 $0xFFFFFF80  }
0x3e3: {  	_ =	swait.ge [sflag:s30], $0x80  }
0x3e4: {  	[sflag:s30] =	ssyncset.done $0x0  }
0x3e5: {  	[sflag:s30] =	ssyncadd.s32 $0xFFFFFF80  }
0x3e6: {  	s12 =	simm.s32 $0x100;
	_ =	swait.ge [sflag:s28], $0x1400  }
0x3e7: {  	v0 =	vor.u32 s12, v47;
	[sflag:s28] =	ssyncset.done $0x0  }
0x3e8: {  	v1 =	vor.u32 s12, v46;
	[sflag:s28] =	ssyncadd.s32 $0xFFFFEC00  }
0x3e9: {  	v2 =	vor.u32 s12, v55;
	_ =	swait.ge [sflag:s31], $0x2780  }
0x3ea: {  	v3 =	vor.u32 s12, v50;
	[sflag:s31] =	ssyncset.done $0x0  }
0x3eb: {  	v4 =	vor.u32 s12, v40;
	[sflag:s31] =	ssyncadd.s32 $0xFFFFD880  }
0x3ec: {  	v5 =	vor.u32 s12, v38;
	v0 =	vld.idx.msk [tilespmem:v0+s24+$0x0], $0xffff  }
0x3ed: {  	v6 =	vor.u32 s12, v32;
	v1 =	vld.idx.msk [tilespmem:v1+s24+$0x0], $0xffff  }
0x3ee: {  	v7 =	vor.u32 s12, v51;
	v2 =	vld.idx.msk [tilespmem:v2+s24+$0x0], $0xffff  }
0x3ef: {  	v21 =	vor.u32 s12, v54;
	v8 =	vor.u32 s12, v57;
	v3 =	vld.idx.msk [tilespmem:v3+s24+$0x0], $0xffff  }
0x3f0: {  	v9 =	vand.u32 v53, v21;
	v4 =	vld.idx.msk [tilespmem:v4+s24+$0x0], $0xffff  }
0x3f1: {  	v10 =	vor.u32 s12, v58;
	v5 =	vld.idx.msk [tilespmem:v5+s24+$0x0], $0xffff  }
0x3f2: {  	v11 =	vor.u32 s12, v59;
	v6 =	vld.idx.msk [tilespmem:v6+s24+$0x0], $0xffff  }
0x3f3: {  	v12 =	vor.u32 s12, v60;
	v7 =	vld.idx.msk [tilespmem:v7+s24+$0x0], $0xffff  }
0x3f4: {  	v13 =	vor.u32 s12, v61;
	v8 =	vld.idx.msk [tilespmem:v8+s24+$0x0], $0xffff  }
0x3f5: {  	v14 =	vor.u32 s12, v62;
	v9 =	vld.idx.msk [tilespmem:v9+s24+$0x0], $0xffff  }
0x3f6: {  	v15 =	vor.u32 s12, v63;
	v10 =	vld.idx.msk [tilespmem:v10+s24+$0x0], $0xffff  }
0x3f7: {  	v11 =	vld.idx.msk [tilespmem:v11+s24+$0x0], $0xffff  }
0x3f8: {  	v12 =	vld.idx.msk [tilespmem:v12+s24+$0x0], $0xffff  }
0x3f9: {  	v13 =	vld.idx.msk [tilespmem:v13+s24+$0x0], $0xffff  }
0x3fa: {  	v14 =	vld.idx.msk [tilespmem:v14+s24+$0x0], $0xffff  }
0x3fb: {  	v15 =	vld.idx.msk [tilespmem:v15+s24+$0x0], $0xffff  }
0x3fc: {  	v8 =	vld.idx.msk [tilespmem:v8+s22+$0x0], $0xffff  }
0x3fd: {  	v9 =	vld.idx.msk [tilespmem:v9+s22+$0x0], $0xffff  }
0x3fe: {  	v10 =	vld.idx.msk [tilespmem:v10+s22+$0x0], $0xffff  }
0x3ff: {  	v11 =	vld.idx.msk [tilespmem:v11+s22+$0x0], $0xffff  }
0x400: {  	v12 =	vld.idx.msk [tilespmem:v12+s22+$0x0], $0xffff  }
0x401: {  	v13 =	vld.idx.msk [tilespmem:v13+s22+$0x0], $0xffff  }
0x402: {  	v14 =	vld.idx.msk [tilespmem:v14+s22+$0x0], $0xffff;
	v16 =	vmax.f32 v9, v8  }
0x403: {  	v15 =	vld.idx.msk [tilespmem:v15+s22+$0x0], $0xffff;
	v16 =	vmax.f32 v16, v10  }
0x404: {  	v7 =	vld.idx.msk [tilespmem:v7+s22+$0x0], $0xffff;
	v16 =	vmax.f32 v16, v11  }
0x405: {  	v6 =	vld.idx.msk [tilespmem:v6+s22+$0x0], $0xffff;
	v16 =	vmax.f32 v16, v12  }
0x406: {  	v17 =	vor.u32 s4, v54;
	v5 =	vld.idx.msk [tilespmem:v5+s22+$0x0], $0xffff;
	v16 =	vmax.f32 v16, v13  }
0x407: {  	v19 =	vor.u32 s4, v58;
	v4 =	vld.idx.msk [tilespmem:v4+s22+$0x0], $0xffff;
	[tilespmem:$0x1FA90] =	vst v17;
	v16 =	vmax.f32 v16, v14  }
0x408: {  	v17 =	vand.u32 v56, v17;
	v3 =	vld.idx.msk [tilespmem:v3+s22+$0x0], $0xffff;
	v16 =	vmax.f32 v16, v15  }
0x409: {  	v18 =	vor.u32 s4, v57;
	v2 =	vld.idx.msk [tilespmem:v2+s22+$0x0], $0xffff;
	v16 =	vmax.f32 v16, v7  }
0x40a: {  	v23 =	vor.u32 s4, v61;
	v1 =	vld.idx.msk [tilespmem:v1+s22+$0x0], $0xffff;
	v16 =	vmax.f32 v16, v6  }
0x40b: {  	v24 =	vor.u32 s4, v62;
	v0 =	vld.idx.msk [tilespmem:v0+s22+$0x0], $0xffff;
	v16 =	vmax.f32 v16, v5  }
0x40c: {  	v19 =	vld.idx.msk [tilespmem:v19+s24+$0x0], $0xffff;
	v16 =	vmax.f32 v16, v4  }
0x40d: {  	v20 =	vor.u32 s4, v59;
	v17 =	vld.idx.msk [tilespmem:v17+s24+$0x0], $0xffff;
	v16 =	vmax.f32 v16, v3  }
0x40e: {  	v22 =	vor.u32 s4, v60;
	v18 =	vld.idx.msk [tilespmem:v18+s24+$0x0], $0xffff;
	v16 =	vmax.f32 v16, v2  }
0x40f: {  	v23 =	vld.idx.msk [tilespmem:v23+s24+$0x0], $0xffff;
	v16 =	vmax.f32 v16, v1  }
0x410: {  	v24 =	vld.idx.msk [tilespmem:v24+s24+$0x0], $0xffff;
	v25 =	vmax.f32 v16, v0  }
0x411: {  	v9 =	vsub.f32 v9, v25  }
0x412: {  	v16 =	vld.idx.msk [tilespmem:v20+s24+$0x0], $0xffff;
	v8 =	vsub.f32 v8, v25  }
0x413: {  	v22 =	vld.idx.msk [tilespmem:v22+s24+$0x0], $0xffff;
	v9 =	vmul.f32 $1.442695020e+00, v9  }
0x414: {  	v28 =	vld.idx.msk [tilespmem:v19+s22+$0x0], $0xffff;
	v20 =	vor.u32 s4, v63;
	v10 =	vsub.f32 v10, v25;
	v8 =	vmul.f32 $1.442695020e+00, v8  }
0x415: {  	v26 =	vor.u32 s4, v51;
	v27 =	vld.idx.msk [tilespmem:v17+s22+$0x0], $0xffff;
	(erf) = vpow2.f32 v9  }
0x416: {  	v11 =	vsub.f32 v11, v25;
	v10 =	vmul.f32 $1.442695020e+00, v10;
	v9 =	vld.idx.msk [tilespmem:v18+s22+$0x0], $0xffff;
	(erf) = vpow2.f32 v8  }
0x417: {  	v30 =	vld.idx.msk [tilespmem:v23+s22+$0x0], $0xffff;
	v8 =	vor.u32 s4, v32  }
0x418: {  	v19 =	vor.u32 s4, v55;
	v24 =	vld.idx.msk [tilespmem:v24+s22+$0x0], $0xffff;
	v11 =	vmul.f32 $1.442695020e+00, v11;
	(erf) = vpow2.f32 v10  }
0x419: {  	v12 =	vsub.f32 v12, v25;
	v18 =	vld.idx.msk [tilespmem:v20+s24+$0x0], $0xffff  }
0x41a: {  	v13 =	vsub.f32 v13, v25;
	v10 =	vor.u32 s4, v38;
	v29 =	vld.idx.msk [tilespmem:v16+s22+$0x0], $0xffff;
	(erf) = vpow2.f32 v11  }
0x41b: {  	v12 =	vmul.f32 $1.442695020e+00, v12;
	v16 =	vld.idx.msk [tilespmem:v26+s24+$0x0], $0xffff;
	v11 =	vor.u32 s4, v40;
	v17 =	vmax.f32 v27, v9  }
0x41c: {  	v14 =	vsub.f32 v14, v25;
	v8 =	vld.idx.msk [tilespmem:v8+s24+$0x0], $0xffff  }
0x41d: {  	v34 =	vld.idx.msk [tilespmem:v19+s24+$0x0], $0xffff;
	v13 =	vmul.f32 $1.442695020e+00, v13;
	(erf) = vpow2.f32 v12;
	v12 =	vor.u32 s4, v50  }
0x41e: {  	v15 =	vsub.f32 v15, v25;
	v26 =	vld.idx.msk [tilespmem:v22+s22+$0x0], $0xffff;
	v20 =	vmax.f32 v17, v28;
	v17 =	vpop (erf)  }
0x41f: {  	v7 =	vsub.f32 v7, v25;
	v14 =	vmul.f32 $1.442695020e+00, v14;
	(erf) = vpow2.f32 v13;
	v10 =	vld.idx.msk [tilespmem:v10+s24+$0x0], $0xffff;
	v22 =	vpop (erf)  }
0x420: {  	v13 =	vor.u32 s4, v46;
	v20 =	vmax.f32 v20, v29;
	v11 =	vld.idx.msk [tilespmem:v11+s24+$0x0], $0xffff;
	v31 =	vadd.f32 v22, v17  }
0x421: {  	v15 =	vmul.f32 $1.442695020e+00, v15;
	(erf) = vpow2.f32 v14;
	v14 =	vor.u32 s4, v47;
	v44 =	vld.idx.msk [tilespmem:v18+s22+$0x0], $0xffff;
	v23 =	vpop (erf)  }
0x422: {  	v6 =	vsub.f32 v6, v25;
	v12 =	vld.idx.msk [tilespmem:v12+s24+$0x0], $0xffff;
	v31 =	vadd.f32 v31, v23  }
0x423: {  	v7 =	vmul.f32 $1.442695020e+00, v7;
	(erf) = vpow2.f32 v15;
	v18 =	vmax.f32 v20, v26;
	v33 =	vld.idx.msk [tilespmem:v16+s22+$0x0], $0xffff;
	v20 =	vpop (erf)  }
0x424: {  	v6 =	vmul.f32 $1.442695020e+00, v6;
	v16 =	vadd.f32 v31, v20;
	v31 =	vld.idx.msk [tilespmem:v8+s22+$0x0], $0xffff  }
0x425: {  	v5 =	vsub.f32 v5, v25;
	(erf) = vpow2.f32 v7;
	v8 =	vld.idx.msk [tilespmem:v13+s24+$0x0], $0xffff  }
0x426: {  	v4 =	vsub.f32 v4, v25;
	(erf) = vpow2.f32 v6;
	v6 =	vld.idx.msk [tilespmem:v14+s24+$0x0], $0xffff;
	v19 =	vpop (erf)  }
0x427: {  	v5 =	vmul.f32 $1.442695020e+00, v5;
	v13 =	vadd.f32 v16, v19  }
0x428: {  	v3 =	vsub.f32 v3, v25;
	v4 =	vmul.f32 $1.442695020e+00, v4;
	v15 =	vmax.f32 v18, v30;
	v18 =	vpop (erf)  }
0x429: {  	(erf) = vpow2.f32 v5;
	v7 =	vmax.f32 v15, v24;
	v35 =	vld.idx.msk [tilespmem:v10+s22+$0x0], $0xffff;
	v10 =	vadd.f32 v13, v18  }
0x42a: {  	v2 =	vsub.f32 v2, v25;
	v3 =	vmul.f32 $1.442695020e+00, v3;
	v7 =	vmax.f32 v7, v44;
	v36 =	vld.idx.msk [tilespmem:v11+s22+$0x0], $0xffff;
	v16 =	vpop (erf)  }
0x42b: {  	(erf) = vpow2.f32 v4;
	v5 =	vmax.f32 v7, v33;
	v12 =	vld.idx.msk [tilespmem:v12+s22+$0x0], $0xffff;
	v7 =	vadd.f32 v10, v16  }
0x42c: {  	v1 =	vsub.f32 v1, v25;
	v0 =	vsub.f32 v0, v25;
	v2 =	vmul.f32 $1.442695020e+00, v2;
	v34 =	vld.idx.msk [tilespmem:v34+s22+$0x0], $0xffff;
	v15 =	vpop (erf)  }
0x42d: {  	(erf) = vpow2.f32 v3;
	v4 =	vmax.f32 v5, v31;
	v5 =	vadd.f32 v7, v15;
	v25 =	vld.idx.msk [tilespmem:v8+s22+$0x0], $0xffff  }
0x42e: {  	v1 =	vmul.f32 $1.442695020e+00, v1;
	v37 =	vld.idx.msk [tilespmem:v6+s22+$0x0], $0xffff;
	v3 =	vmax.f32 v4, v35;
	v14 =	vpop (erf)  }
0x42f: {  	(erf) = vpow2.f32 v2;
	v2 =	vmax.f32 v3, v36;
	v4 =	vadd.f32 v5, v14  }
0x430: {  	v0 =	vmul.f32 $1.442695020e+00, v0;
	(erf) = vpow2.f32 v1;
	v13 =	vpop (erf);
	v1 =	vmax.f32 v2, v12  }
0x431: {  	v1 =	vmax.f32 v1, v34;
	v3 =	vadd.f32 v4, v13  }
0x432: {  	(erf) = vpow2.f32 v0;
	v8 =	vpop (erf);
	v0 =	vmax.f32 v1, v25  }
0x433: {  	v2 =	vadd.f32 v3, v8;
	v45 =	vmax.f32 v0, v37  }
0x434: {  	v11 =	vpop (erf);
	v1 =	vsub.f32 v27, v45  }
0x435: {  	v0 =	vadd.f32 v2, v11;
	v2 =	vsub.f32 v9, v45  }
0x436: {  	v7 =	vpop (erf);
	v3 =	vsub.f32 v28, v45;
	v1 =	vmul.f32 $1.442695020e+00, v1  }
0x437: {  	v5 =	vsub.f32 v29, v45;
	v0 =	vadd.f32 v0, v7;
	v2 =	vmul.f32 $1.442695020e+00, v2  }
0x438: {  	v4 =	vpop (erf);
	v6 =	vsub.f32 v26, v45;
	v3 =	vmul.f32 $1.442695020e+00, v3;
	(erf) = vpow2.f32 v1  }
0x439: {  	v1 =	vmul.f32 $1.442695020e+00, v5;
	v0 =	vadd.f32 v0, v4;
	(erf) = vpow2.f32 v2  }
0x43a: {  	v10 =	vpop (erf);
	v2 =	vmul.f32 $1.442695020e+00, v6;
	(erf) = vpow2.f32 v3  }
0x43b: {  	v0 =	vadd.f32 v0, v10;
	(erf) = vpow2.f32 v1  }
0x43c: {  	v9 =	vpop (erf);
	(erf) = vpow2.f32 v2  }
0x43d: {  	s21 =	simm.s32 $0x6400;
	v0 =	vadd.f32 v0, v9  }
0x43e: {  	v5 =	vsub.f32 v33, v45;
	v3 =	vld [tilespmem:s21+$0xFFFFFF00];
	v1 =	vsub.f32 v24, v45  }
0x43f: {  	v2 =	vsub.f32 v44, v45;
	(erf) = vrcp.f32 v0;
	v0 =	vsub.f32 v30, v45  }
0x440: {  	v1 =	vmul.f32 $1.442695020e+00, v1  }
0x441: {  	v0 =	vmul.f32 $1.442695020e+00, v0;
	v6 =	vpop (erf)  }
0x442: {  	v26 =	vld [tilespmem:s21+$0x10];
	v29 =	vmul.f32 $1.442695020e+00, v5;
	v5 =	vpop (erf)  }
0x443: {  	v49 =	vmov v32;
	v24 =	vld [tilespmem:s21+$0x0];
	v28 =	vmul.f32 $1.442695020e+00, v2;
	[tilespmem:$0x1FAB0] =	vst v3;
	(erf) = vpow2.f32 v0;
	v2 =	vpop (erf)  }
0x444: {  	s7 =	simm.s32 $0x300;
	v27 =	vsub.f32 v31, v45;
	v34 =	vsub.f32 v34, v45;
	v31 =	vld [tilespmem:s21+$0x20];
	[tilespmem:$0x1FAC0] =	vst v2;
	(erf) = vpow2.f32 v1;
	v1 =	vpop (erf)  }
0x445: {  	v43 =	vor.u32 s7, v50;
	v12 =	vsub.f32 v12, v45;
	v25 =	vsub.f32 v25, v45;
	v32 =	vld [tilespmem:s21+$0x30];
	[tilespmem:$0x1FAD0] =	vst v1;
	v48 =	vpop (erf)  }
0x446: {  	v37 =	vsub.f32 v37, v45;
	v27 =	vmul.f32 $1.442695020e+00, v27;
	v34 =	vmul.f32 $1.442695020e+00, v34;
	v33 =	vld [tilespmem:s21+$0x40];
	[tilespmem:$0x1FAE0] =	vst v48  }
0x447: {  	v25 =	vmul.f32 $1.442695020e+00, v25;
	v30 =	vsub.f32 v35, v45;
	(erf) = vpow2.f32 v28;
	v35 =	vld [tilespmem:s21+$0x50]  }
0x448: {  	v52 =	vmovc v38;
	v37 =	vmul.f32 $1.442695020e+00, v37;
	v0 =	vsub.f32 v36, v45;
	(erf) = vpow2.f32 v29;
	v36 =	vld [tilespmem:s21+$0x60]  }
0x449: {  	v38 =	vor.u32 s7, v46;
	v29 =	vmul.f32 $1.442695020e+00, v12;
	(erf) = vpow2.f32 v27;
	v27 =	vld [tilespmem:s21+$0x70];
	v12 =	vpop (erf)  }
0x44a: {  	v30 =	vmul.f32 $1.442695020e+00, v30;
	v45 =	vor.u32 s7, v52;
	v39 =	vld [tilespmem:s21+$0x80];
	v22 =	vmul.f32 v12, v22  }
0x44b: {  	v3 =	vmovc v52;
	v52 =	vor.u32 s7, v57;
	v28 =	vmul.f32 $1.442695020e+00, v0;
	v41 =	vld [tilespmem:s21+$0xB0];
	v17 =	vmul.f32 v12, v17  }
0x44c: {  	v42 =	vld [tilespmem:s21+$0xC0];
	v23 =	vmul.f32 v12, v23;
	v22 =	vadd.f32 v22, v26;
	v26 =	vor.u32 s7, v47  }
0x44d: {  	v0 =	vmovc v40;
	v40 =	vadd.f32 v5, v6;
	v44 =	vld [tilespmem:s21+$0xD0];
	(erf) = vpow2.f32 v30;
	v17 =	vadd.f32 v17, v24  }
0x44e: {  	v38 =	vld.idx.msk [tilespmem:v38+s24+$0x0], $0xffff;
	v20 =	vmul.f32 v12, v20;
	v23 =	vadd.f32 v23, v31;
	v31 =	vor.u32 s7, v55  }
0x44f: {  	v30 =	vld [tilespmem:s21+$0xA0];
	(erf) = vpow2.f32 v28;
	v28 =	vor.u32 s7, v0;
	vm0 =	vgt.f32 v22, v17  }
0x450: {  	v18 =	vmul.f32 v12, v18;
	v24 =	vld [tilespmem:s21+$0x90];
	v20 =	vadd.f32 v20, v32;
	v22 =	vsel vm0, v22, v17  }
0x451: {  	v32 =	vmul.f32 v12, v19;
	vm1 =	vgt.f32 v23, v22;
	v19 =	vld.idx.msk [tilespmem:v26+s24+$0x0], $0xffff;
	v26 =	vadd.f32 v40, v2  }
0x452: {  	v17 =	vld [tilespmem:s21+$0xE0];
	v22 =	vsel vm1, v23, v22;
	v40 =	vor.u32 s7, v49;
	v23 =	vmovc v49;
	v49 =	vor.u32 s7, v54  }
0x453: {  	v16 =	vmul.f32 v12, v16;
	v15 =	vmul.f32 v12, v15;
	v31 =	vld.idx.msk [tilespmem:v31+s24+$0x0], $0xffff;
	[tilespmem:$0x1FB10] =	vst v49  }
0x454: {  	(erf) = vpow2.f32 v29;
	v29 =	vor.u32 s7, v58;
	vm2 =	vgt.f32 v20, v22;
	v43 =	vld.idx.msk [tilespmem:v43+s24+$0x0], $0xffff  }
0x455: {  	v32 =	vadd.f32 v32, v33;
	v20 =	vsel vm2, v20, v22;
	v22 =	vand.u32 v53, v49;
	v28 =	vld.idx.msk [tilespmem:v28+s24+$0x0], $0xffff  }
0x456: {  	v14 =	vmul.f32 v12, v14;
	v18 =	vadd.f32 v18, v35;
	v33 =	vor.u32 s7, v51;
	v35 =	vld.idx.msk [tilespmem:v45+s24+$0x0], $0xffff  }
0x457: {  	v16 =	vadd.f32 v16, v36;
	v45 =	vor.u32 s7, v60;
	v36 =	vld.idx.msk [tilespmem:v52+s24+$0x0], $0xffff;
	vm3 =	vgt.f32 v32, v20  }
0x458: {  	v13 =	vmul.f32 v12, v13;
	v20 =	vsel vm3, v32, v20;
	v32 =	vld.idx.msk [tilespmem:v40+s24+$0x0], $0xffff;
	v40 =	vor.u32 s7, v59  }
0x459: {  	v15 =	vadd.f32 v15, v27;
	v2 =	vmovc v46;
	v46 =	vor.u32 s7, v61;
	v27 =	vld.idx.msk [tilespmem:v29+s24+$0x0], $0xffff;
	vm4 =	vgt.f32 v18, v20  }
0x45a: {  	v11 =	vmul.f32 v12, v11;
	v18 =	vsel vm4, v18, v20;
	v20 =	vld.idx.msk [tilespmem:v22+s24+$0x0], $0xffff;
	v22 =	vor.u32 s7, v62  }
0x45b: {  	(erf) = vpow2.f32 v34;
	v33 =	vld.idx.msk [tilespmem:v33+s24+$0x0], $0xffff;
	v49 =	vor.u32 s7, v63;
	vm5 =	vgt.f32 v16, v18  }
0x45c: {  	v14 =	vadd.f32 v14, v39;
	v13 =	vadd.f32 v13, v24;
	v29 =	vld.idx.msk [tilespmem:v45+s24+$0x0], $0xffff;
	v16 =	vsel vm5, v16, v18  }
0x45d: {  	v24 =	vmul.f32 v12, v8;
	v8 =	vimm.s32 $0x0;
	vm7 =	vgt.f32 v15, v16;
	v18 =	vld.idx.msk [tilespmem:v40+s24+$0x0], $0xffff  }
0x45e: {  	v8 =	vsel vm0, $0x1, v8;
	v26 =	vadd.f32 v26, v1;
	v15 =	vsel vm7, v15, v16;
	v16 =	vld.idx.msk [tilespmem:v46+s24+$0x0], $0xffff  }
0x45f: {  	v10 =	vmul.f32 v12, v10;
	(erf) = vpow2.f32 v25;
	vm8 =	vgt.f32 v14, v15;
	v22 =	vld.idx.msk [tilespmem:v22+s24+$0x0], $0xffff  }
0x460: {  	v11 =	vadd.f32 v11, v41;
	v25 =	vadd.f32 v26, v48;
	v14 =	vsel vm8, v14, v15;
	v15 =	vld.idx.msk [tilespmem:v49+s24+$0x0], $0xffff  }
0x461: {  	v24 =	vadd.f32 v24, v30;
	v26 =	vsel vm1, $0x2, v8;
	v8 =	vpop (erf);
	v36 =	vld.idx.msk [tilespmem:v36+s22+$0x0], $0xffff;
	vm6 =	vgt.f32 v13, v14  }
0x462: {  	(erf) = vpow2.f32 v37;
	v25 =	vadd.f32 v25, v8;
	v30 =	vld.idx.msk [tilespmem:v27+s22+$0x0], $0xffff;
	v13 =	vsel vm6, v13, v14  }
0x463: {  	v26 =	vsel vm2, $0x3, v26;
	v14 =	vmul.f32 v12, v7;
	v7 =	vpop (erf);
	v20 =	vld.idx.msk [tilespmem:v20+s22+$0x0], $0xffff;
	vm2 =	vgt.f32 v24, v13  }
0x464: {  	v26 =	vsel vm3, $0x4, v26;
	v39 =	vld.idx.msk [tilespmem:v29+s22+$0x0], $0xffff;
	v13 =	vsel vm2, v24, v13;
	v24 =	vadd.f32 v25, v7  }
0x465: {  	v26 =	vsel vm4, $0x5, v26;
	v27 =	vpop (erf);
	v14 =	vadd.f32 v14, v42;
	vm0 =	vgt.f32 v11, v13;
	v37 =	vld.idx.msk [tilespmem:v18+s22+$0x0], $0xffff  }
0x466: {  	v25 =	vsel vm5, $0x6, v26;
	v1 =	vpop (erf);
	v40 =	vld.idx.msk [tilespmem:v16+s22+$0x0], $0xffff;
	v24 =	vadd.f32 v24, v27;
	v11 =	vsel vm0, v11, v13  }
0x467: {  	v18 =	vmul.f32 v12, v4;
	v16 =	vsel vm7, $0x7, v25;
	vm1 =	vgt.f32 v14, v11;
	v22 =	vld.idx.msk [tilespmem:v22+s22+$0x0], $0xffff;
	[tilespmem:$0x1FB20] =	vst v1  }
0x468: {  	v4 =	vpop (erf);
	v25 =	vmax.f32 v20, v36;
	v41 =	vld.idx.msk [tilespmem:v15+s22+$0x0], $0xffff;
	v15 =	vsel vm8, $0x8, v16;
	v16 =	vadd.f32 v24, v1  }
0x469: {  	v11 =	vsel vm1, v14, v11;
	v13 =	vmax.f32 v25, v30;
	v42 =	vld.idx.msk [tilespmem:v33+s22+$0x0], $0xffff;
	[tilespmem:$0x1FB30] =	vst v4  }
0x46a: {  	s10 =	simm.s32 $0x200;
	v32 =	vld.idx.msk [tilespmem:v32+s22+$0x0], $0xffff;
	v24 =	vsel vm6, $0x9, v15;
	v13 =	vmax.f32 v13, v37;
	v15 =	vadd.f32 v16, v4;
	v4 =	vpop (erf)  }
0x46b: {  	v25 =	vadd.f32 v18, v44;
	v44 =	vld.idx.msk [tilespmem:v35+s22+$0x0], $0xffff;
	v16 =	vor.u32 s10, v54;
	v13 =	vmax.f32 v13, v39;
	[tilespmem:$0x1FB40] =	vst v4  }
0x46c: {  	v49 =	vand.u32 v56, v16;
	v14 =	vld.idx.msk [tilespmem:v28+s22+$0x0], $0xffff;
	[tilespmem:$0x1FAA0] =	vst v16;
	v16 =	vadd.f32 v15, v4  }
0x46d: {  	v9 =	vmul.f32 v12, v9;
	v13 =	vmax.f32 v13, v40;
	v28 =	vpop (erf)  }
0x46e: {  	v10 =	vadd.f32 v10, v17;
	v13 =	vmax.f32 v13, v22;
	v18 =	vld.idx.msk [tilespmem:v31+s22+$0x0], $0xffff;
	v31 =	vadd.f32 v16, v28  }
0x46f: {  	v17 =	vor.u32 s10, v60;
	v12 =	vor.u32 s10, v57;
	v15 =	vld.idx.msk [tilespmem:v43+s22+$0x0], $0xffff;
	v4 =	vpop (erf);
	v13 =	vmax.f32 v13, v41  }
0x470: {  	v45 =	vor.u32 s10, v59;
	v46 =	vor.u32 s10, v61;
	v16 =	vld.idx.msk [tilespmem:v38+s22+$0x0], $0xffff;
	[tilespmem:$0x1FB90] =	vst v4;
	v13 =	vmax.f32 v13, v42  }
0x471: {  	v52 =	vmovc v47;
	v38 =	vor.u32 s10, v58;
	v43 =	vld [tilespmem:s21+$0xF0];
	v47 =	vmax.f32 v13, v32;
	v48 =	vadd.f32 v31, v4  }
0x472: {  	v35 =	vsel vm2, $0xA, v24;
	vm2 =	vgt.f32 v25, v11;
	v13 =	vld.idx.msk [tilespmem:v19+s22+$0x0], $0xffff;
	v19 =	vmax.f32 v47, v44;
	v31 =	vpop (erf)  }
0x473: {  	v11 =	vsel vm2, v25, v11;
	v33 =	vld.idx.msk [tilespmem:v49+s24+$0x0], $0xffff;
	v19 =	vmax.f32 v19, v14;
	v47 =	vadd.f32 v48, v31  }
0x474: {  	v35 =	vsel vm0, $0xB, v35;
	vm0 =	vgt.f32 v10, v11;
	v12 =	vld.idx.msk [tilespmem:v12+s24+$0x0], $0xffff;
	v19 =	vmax.f32 v19, v15;
	v4 =	vpop (erf)  }
0x475: {  	v49 =	vor.u32 s10, v62;
	v48 =	vld [tilespmem:s21+$0xFFFFFF10];
	v19 =	vmax.f32 v19, v18;
	[tilespmem:$0x1FBD0] =	vst v4;
	v47 =	vadd.f32 v47, v4;
	v4 =	vpop (erf)  }
0x476: {  	v10 =	vsel vm0, v10, v11;
	v19 =	vmax.f32 v19, v16;
	v38 =	vld.idx.msk [tilespmem:v38+s24+$0x0], $0xffff;
	[tilespmem:$0x1FBE0] =	vst v4  }
0x477: {  	v29 =	vmovc v50;
	v11 =	vor.u32 s10, v51;
	v50 =	vmax.f32 v19, v13;
	v19 =	vsel vm1, $0xC, v35;
	v35 =	vld.idx.msk [tilespmem:v45+s24+$0x0], $0xffff  }
0x478: {  	v9 =	vadd.f32 v9, v43;
	v17 =	vld.idx.msk [tilespmem:v17+s24+$0x0], $0xffff  }
0x479: {  	v20 =	vsub.f32 v20, v50;
	v45 =	vor.u32 s10, v63;
	v36 =	vsub.f32 v36, v50;
	v43 =	vld.idx.msk [tilespmem:v46+s24+$0x0], $0xffff  }
0x47a: {  	v47 =	vadd.f32 v47, v4;
	v19 =	vsel vm2, $0xD, v19;
	v46 =	vld.idx.msk [tilespmem:v49+s24+$0x0], $0xffff  }
0x47b: {  	v30 =	vsub.f32 v30, v50;
	v20 =	vmul.f32 $1.442695020e+00, v20;
	v49 =	vmul.f32 $1.442695020e+00, v36;
	v36 =	vld.idx.msk [tilespmem:v33+s22+$0x0], $0xffff  }
0x47c: {  	v19 =	vsel vm0, $0xE, v19;
	(erf) = vrcp.f32 v47;
	v47 =	vld.idx.msk [tilespmem:v11+s24+$0x0], $0xffff  }
0x47d: {  	(erf) = vpow2.f32 v20;
	v20 =	vld.idx.msk [tilespmem:v12+s22+$0x0], $0xffff;
	v12 =	vmul.f32 $1.442695020e+00, v30;
	v30 =	vsub.f32 v37, v50  }
0x47e: {  	vm0 =	vgt.f32 v9, v10;
	v9 =	vor.u32 s10, v23;
	(erf) = vpow2.f32 v49;
	v45 =	vld.idx.msk [tilespmem:v45+s24+$0x0], $0xffff  }
0x47f: {  	v37 =	vld.idx.msk [tilespmem:v38+s22+$0x0], $0xffff;
	v10 =	vmul.f32 $1.442695020e+00, v30;
	(erf) = vpow2.f32 v12;
	v12 =	vsel vm0, $0xF, v19  }
0x480: {  	v25 =	vmovc v0;
	v30 =	vsub.f32 v39, v50;
	v1 =	vadd.s32 v21, v12;
	v12 =	vor.u32 s10, v0;
	v0 =	vld [tilespmem:$0x1FAB0]  }
0x481: {  	v39 =	vld.idx.msk [tilespmem:v35+s22+$0x0], $0xffff;
	[tilespmem:$0x1FC10] =	vst v1  }
0x482: {  	v19 =	vor.u32 s10, v3;
	v11 =	vmul.f32 $1.442695020e+00, v30;
	v30 =	vsub.f32 v40, v50;
	v40 =	vld.idx.msk [tilespmem:v17+s22+$0x0], $0xffff  }
0x483: {  	v17 =	vld.idx.msk [tilespmem:v9+s24+$0x0], $0xffff  }
0x484: {  	(erf) = vpow2.f32 v10;
	v9 =	vsub.f32 v22, v50;
	v38 =	vld.idx.msk [tilespmem:v43+s22+$0x0], $0xffff  }
0x485: {  	v26 =	vmovc v51;
	v51 =	vor.u32 s10, v52;
	v10 =	vmax.f32 v36, v20;
	v22 =	vor.u32 s10, v29;
	v43 =	vld.idx.msk [tilespmem:v46+s22+$0x0], $0xffff  }
0x486: {  	v21 =	vmul.f32 $1.442695020e+00, v30;
	(erf) = vpow2.f32 v11;
	v47 =	vld.idx.msk [tilespmem:v47+s22+$0x0], $0xffff;
	v10 =	vmax.f32 v10, v37  }
0x487: {  	v41 =	vsub.f32 v41, v50;
	v35 =	vpop (erf);
	v19 =	vld.idx.msk [tilespmem:v19+s24+$0x0], $0xffff;
	v11 =	vmul.f32 $1.442695020e+00, v9  }
0x488: {  	v42 =	vsub.f32 v42, v50;
	v30 =	vor.u32 s10, v55;
	(erf) = vpow2.f32 v21;
	v49 =	vld.idx.msk [tilespmem:v12+s24+$0x0], $0xffff;
	v9 =	vpop (erf)  }
0x489: {  	v12 =	vmul.f32 $1.442695020e+00, v41;
	v6 =	vmul.f32 v35, v6;
	v46 =	vmax.f32 v10, v39;
	v45 =	vld.idx.msk [tilespmem:v45+s22+$0x0], $0xffff;
	v10 =	vpop (erf)  }
0x48a: {  	v34 =	vmovc v23;
	v21 =	vor.u32 s10, v2;
	(erf) = vpow2.f32 v11;
	v22 =	vld.idx.msk [tilespmem:v22+s24+$0x0], $0xffff;
	v41 =	vadd.f32 v10, v9  }
0x48b: {  	v32 =	vsub.f32 v32, v50;
	v23 =	vmov v3;
	v3 =	vadd.f32 v6, v0;
	v6 =	vld.idx.msk [tilespmem:v51+s24+$0x0], $0xffff;
	v11 =	vpop (erf)  }
0x48c: {  	v42 =	vmul.f32 $1.442695020e+00, v42;
	(erf) = vpow2.f32 v12;
	v0 =	vld [tilespmem:$0x1FAC0];
	v41 =	vadd.f32 v41, v11  }
0x48d: {  	v44 =	vsub.f32 v44, v50;
	v32 =	vmul.f32 $1.442695020e+00, v32;
	v46 =	vmax.f32 v46, v40;
	v30 =	vld.idx.msk [tilespmem:v30+s24+$0x0], $0xffff;
	v12 =	vpop (erf)  }
0x48e: {  	v24 =	vmovc v52;
	v46 =	vmax.f32 v46, v38;
	(erf) = vpow2.f32 v42;
	v42 =	vld.idx.msk [tilespmem:v17+s22+$0x0], $0xffff;
	v41 =	vadd.f32 v41, v12  }
0x48f: {  	v5 =	vmul.f32 v35, v5;
	v17 =	vmax.f32 v46, v43;
	v46 =	vsub.f32 v14, v50;
	v52 =	vld.idx.msk [tilespmem:v21+s24+$0x0], $0xffff;
	v14 =	vpop (erf)  }
0x490: {  	v21 =	vmul.f32 $1.442695020e+00, v44;
	v17 =	vmax.f32 v17, v45;
	v44 =	vld.idx.msk [tilespmem:v19+s22+$0x0], $0xffff;
	v41 =	vadd.f32 v41, v14  }
0x491: {  	(erf) = vpow2.f32 v32;
	v32 =	vsub.f32 v15, v50;
	v19 =	vmul.f32 $1.442695020e+00, v46;
	v46 =	vld [tilespmem:s21+$0xFFFFFF20];
	v15 =	vpop (erf)  }
0x492: {  	v18 =	vsub.f32 v18, v50;
	v33 =	vmovc v2;
	v2 =	vmul.f32 v35, v0;
	v0 =	vld [tilespmem:$0x1FAD0];
	v41 =	vadd.f32 v41, v15  }
0x493: {  	v5 =	vadd.f32 v5, v48;
	(erf) = vpow2.f32 v21;
	v21 =	vmax.f32 v17, v47;
	v48 =	vld.idx.msk [tilespmem:v49+s22+$0x0], $0xffff;
	v17 =	vpop (erf)  }
0x494: {  	v16 =	vsub.f32 v16, v50;
	v49 =	vld [tilespmem:s21+$0xFFFFFF30];
	v41 =	vadd.f32 v41, v17  }
0x495: {  	v32 =	vmul.f32 $1.442695020e+00, v32;
	(erf) = vpow2.f32 v19;
	v21 =	vmax.f32 v21, v42;
	v51 =	vld.idx.msk [tilespmem:v22+s22+$0x0], $0xffff;
	v19 =	vpop (erf)  }
0x496: {  	v18 =	vmul.f32 $1.442695020e+00, v18;
	v2 =	vadd.f32 v2, v46;
	v46 =	vld.idx.msk [tilespmem:v6+s22+$0x0], $0xffff;
	v22 =	vadd.f32 v41, v19  }
0x497: {  	(erf) = vpow2.f32 v32;
	v1 =	vmul.f32 v35, v0;
	v0 =	vld [tilespmem:$0x1FAE0]  }
0x498: {  	v13 =	vsub.f32 v13, v50;
	v16 =	vmul.f32 $1.442695020e+00, v16;
	v41 =	vld.idx.msk [tilespmem:v30+s22+$0x0], $0xffff;
	v30 =	vmax.f32 v21, v44;
	v21 =	vpop (erf)  }
0x499: {  	vm0 =	vgt.f32 v5, v3;
	(erf) = vpow2.f32 v18;
	v50 =	vld.idx.msk [tilespmem:v52+s22+$0x0], $0xffff;
	v52 =	vadd.f32 v22, v21  }
0x49a: {  	v13 =	vmul.f32 $1.442695020e+00, v13;
	v8 =	vmul.f32 v35, v8;
	v3 =	vsel vm0, v5, v3;
	v6 =	vld [tilespmem:s21+$0xFFFFFF40];
	v22 =	vpop (erf)  }
0x49b: {  	(erf) = vpow2.f32 v16;
	v5 =	vmax.f32 v30, v48;
	v18 =	vadd.f32 v52, v22  }
0x49c: {  	(erf) = vpow2.f32 v13;
	v13 =	vld [tilespmem:s21+$0xFFFFFF50];
	vm1 =	vgt.f32 v2, v3;
	v5 =	vmax.f32 v5, v51;
	v30 =	vpop (erf)  }
0x49d: {  	v0 =	vmul.f32 v35, v0;
	v5 =	vmax.f32 v5, v41;
	v16 =	vadd.f32 v18, v30  }
0x49e: {  	v1 =	vadd.f32 v1, v49;
	v2 =	vsel vm1, v2, v3;
	v5 =	vmax.f32 v5, v50;
	v32 =	vpop (erf)  }
0x49f: {  	v0 =	vadd.f32 v0, v6;
	v49 =	vmax.f32 v5, v46;
	v3 =	vadd.f32 v16, v32  }
0x4a0: {  	vm2 =	vgt.f32 v1, v2;
	v5 =	vsub.f32 v36, v49;
	v18 =	vpop (erf);
	v16 =	vsub.f32 v20, v49  }
0x4a1: {  	v1 =	vsel vm2, v1, v2;
	v8 =	vadd.f32 v8, v13;
	v3 =	vadd.f32 v3, v18  }
0x4a2: {  	vm3 =	vgt.f32 v0, v1;
	v2 =	vsub.f32 v37, v49;
	v5 =	vmul.f32 $1.442695020e+00, v5;
	v6 =	vpop (erf)  }
0x4a3: {  	v52 =	vsub.f32 v39, v49;
	v20 =	vmul.f32 $1.442695020e+00, v16;
	v3 =	vadd.f32 v3, v6  }
0x4a4: {  	v40 =	vsub.f32 v40, v49;
	v2 =	vmul.f32 $1.442695020e+00, v2;
	(erf) = vpow2.f32 v5;
	v16 =	vpop (erf)  }
0x4a5: {  	v5 =	vmul.f32 $1.442695020e+00, v52;
	(erf) = vpow2.f32 v20;
	v3 =	vadd.f32 v3, v16  }
0x4a6: {  	v36 =	vsel vm3, v0, v1;
	v20 =	vmul.f32 $1.442695020e+00, v40;
	(erf) = vpow2.f32 v2;
	v13 =	vpop (erf)  }
0x4a7: {  	(erf) = vpow2.f32 v5;
	v2 =	vadd.f32 v3, v13;
	v3 =	vsub.f32 v38, v49  }
0x4a8: {  	v5 =	vsub.f32 v43, v49;
	(erf) = vpow2.f32 v20;
	v20 =	vsub.f32 v45, v49  }
0x4a9: {  	(erf) = vrcp.f32 v2;
	v0 =	vmul.f32 $1.442695020e+00, v3;
	v3 =	vsub.f32 v42, v49  }
0x4aa: {  	v1 =	vsub.f32 v47, v49;
	v2 =	vmul.f32 $1.442695020e+00, v5;
	v5 =	vmul.f32 $1.442695020e+00, v20  }
0x4ab: {  	v7 =	vmul.f32 v35, v7  }
0x4ac: {  	v47 =	vsub.f32 v51, v49;
	v1 =	vmul.f32 $1.442695020e+00, v1;
	(erf) = vpow2.f32 v0  }
0x4ad: {  	v50 =	vsub.f32 v50, v49;
	v0 =	vmul.f32 $1.442695020e+00, v3;
	(erf) = vpow2.f32 v2;
	v3 =	vpop (erf)  }
0x4ae: {  	v45 =	vsub.f32 v48, v49;
	v20 =	vsub.f32 v44, v49;
	(erf) = vpow2.f32 v5;
	v5 =	vpop (erf)  }
0x4af: {  	s11 =	simm.s32 $0x6600;
	v48 =	vsub.f32 v41, v49;
	v41 =	vmul.f32 $1.442695020e+00, v50;
	v38 =	vmul.f32 $1.442695020e+00, v47;
	v2 =	vpop (erf)  }
0x4b0: {  	v40 =	vld [tilespmem:s11+$0x0];
	v20 =	vmul.f32 $1.442695020e+00, v20;
	(erf) = vpow2.f32 v1;
	v1 =	vpop (erf)  }
0x4b1: {  	v37 =	vmul.f32 $1.442695020e+00, v45;
	v42 =	vld [tilespmem:s11+$0x10];
	(erf) = vpow2.f32 v0;
	[tilespmem:$0x1FBF0] =	vst v1;
	v0 =	vpop (erf)  }
0x4b2: {  	v39 =	vmul.f32 $1.442695020e+00, v48;
	(erf) = vpow2.f32 v20;
	v43 =	vld [tilespmem:s21+$0xFFFFFF60];
	[tilespmem:$0x1FC00] =	vst v0  }
0x4b3: {  	v51 =	vadd.f32 v5, v3;
	v20 =	vsub.f32 v46, v49;
	(erf) = vpow2.f32 v37;
	v46 =	vpop (erf);
	v45 =	vld [tilespmem:s11+$0x20]  }
0x4b4: {  	v9 =	vmul.f32 v46, v9;
	v10 =	vmul.f32 v46, v10;
	v52 =	vld [tilespmem:s11+$0x30]  }
0x4b5: {  	v44 =	vadd.f32 v51, v2;
	(erf) = vpow2.f32 v38;
	v47 =	vmul.f32 $1.442695020e+00, v20;
	v37 =	vld [tilespmem:s21+$0xFFFFFF70]  }
0x4b6: {  	v11 =	vmul.f32 v46, v11;
	v51 =	vld [tilespmem:s11+$0x40];
	v9 =	vadd.f32 v9, v40;
	v10 =	vadd.f32 v10, v42  }
0x4b7: {  	vm4 =	vgt.f32 v8, v36;
	(erf) = vpow2.f32 v39;
	v20 =	vld [tilespmem:s21+$0xFFFFFF80];
	v12 =	vmul.f32 v46, v12  }
0x4b8: {  	v39 =	vsel vm4, v8, v36;
	v36 =	vld [tilespmem:s21+$0xFFFFFF90];
	vm5 =	vgt.f32 v10, v9;
	v11 =	vadd.f32 v11, v45  }
0x4b9: {  	v38 =	vadd.f32 v7, v43;
	v7 =	vadd.f32 v44, v1;
	v8 =	vsel vm5, v10, v9;
	v9 =	vld [tilespmem:s11+$0x50]  }
0x4ba: {  	v49 =	vld [tilespmem:s11+$0xA0];
	v10 =	vadd.f32 v12, v52;
	v12 =	vmul.f32 v46, v14;
	vm6 =	vgt.f32 v11, v8  }
0x4bb: {  	v40 =	vmul.f32 v35, v27;
	v27 =	vadd.f32 v7, v0;
	v7 =	vsel vm6, v11, v8;
	v8 =	vld [tilespmem:s11+$0x60]  }
0x4bc: {  	s12 =	simm.s32 $0x500;
	v15 =	vmul.f32 v46, v15;
	v43 =	vld [tilespmem:s11+$0x80];
	v11 =	vadd.f32 v12, v51;
	vm7 =	vgt.f32 v10, v7  }
0x4bd: {  	v50 =	vor.u32 s12, v60;
	v48 =	vor.u32 s12, v26;
	v7 =	vsel vm7, v10, v7;
	v10 =	vld [tilespmem:s11+$0x70]  }
0x4be: {  	v45 =	vld [tilespmem:s11+$0x90];
	v9 =	vadd.f32 v15, v9;
	v15 =	vmul.f32 v46, v17;
	vm8 =	vgt.f32 v11, v7  }
0x4bf: {  	v21 =	vmul.f32 v46, v21;
	v22 =	vmul.f32 v46, v22;
	v14 =	vld [tilespmem:s21+$0xFFFFFFA0];
	v7 =	vsel vm8, v11, v7  }
0x4c0: {  	v12 =	vld [tilespmem:s21+$0xFFFFFFB0];
	vm9 =	vgt.f32 v9, v7;
	v8 =	vadd.f32 v15, v8;
	v15 =	vmul.f32 v46, v19  }
0x4c1: {  	v51 =	vld [tilespmem:s11+$0xC0];
	v17 =	vor.u32 s12, v24;
	v24 =	vimm.s32 $0x0;
	v7 =	vsel vm9, v9, v7  }
0x4c2: {  	v52 =	vsel vm5, $0x1, v24;
	v11 =	vld [tilespmem:s21+$0xFFFFFFC0];
	vm10 =	vgt.f32 v8, v7;
	v15 =	vadd.f32 v15, v10  }
0x4c3: {  	v22 =	vadd.f32 v22, v45;
	v45 =	vsel vm6, $0x2, v52;
	v52 =	vld [tilespmem:s11+$0xD0];
	v7 =	vsel vm10, v8, v7  }
0x4c4: {  	v30 =	vmul.f32 v46, v30;
	v21 =	vadd.f32 v21, v43;
	v9 =	vld [tilespmem:s21+$0xFFFFFFD0];
	vm11 =	vgt.f32 v15, v7  }
0x4c5: {  	v32 =	vmul.f32 v46, v32;
	v18 =	vmul.f32 v46, v18;
	v7 =	vsel vm11, v15, v7;
	v15 =	vld [tilespmem:s11+$0xB0]  }
0x4c6: {  	(erf) = vpow2.f32 v41;
	v41 =	vor.u32 s12, v33;
	v10 =	vld [tilespmem:s21+$0xFFFFFFE0];
	vm12 =	vgt.f32 v21, v7  }
0x4c7: {  	v6 =	vmul.f32 v46, v6;
	v19 =	vor.u32 s12, v55;
	v8 =	vld [tilespmem:s21+$0xFFFFFFF0];
	v7 =	vsel vm12, v21, v7  }
0x4c8: {  	v16 =	vmul.f32 v46, v16;
	v42 =	vor.u32 s12, v29;
	v21 =	vld [tilespmem:s11+$0xF0];
	vm5 =	vgt.f32 v22, v7  }
0x4c9: {  	v30 =	vadd.f32 v30, v49;
	v0 =	vor.u32 s12, v54;
	v7 =	vsel vm5, v22, v7;
	v22 =	vld [tilespmem:s11+$0xE0]  }
0x4ca: {  	(erf) = vpow2.f32 v47;
	v44 =	vor.u32 s12, v23;
	v32 =	vadd.f32 v32, v15;
	v15 =	vld.idx.msk [tilespmem:v17+s24+$0x0], $0xffff;
	[tilespmem:$0x1FAF0] =	vst v0  }
0x4cb: {  	v47 =	vor.u32 s12, v25;
	v45 =	vsel vm7, $0x3, v45;
	vm6 =	vgt.f32 v30, v7;
	v17 =	vld.idx.msk [tilespmem:v41+s24+$0x0], $0xffff  }
0x4cc: {  	v45 =	vsel vm8, $0x4, v45;
	v7 =	vsel vm6, v30, v7;
	v30 =	vand.u32 v53, v0;
	v53 =	vld.idx.msk [tilespmem:v19+s24+$0x0], $0xffff  }
0x4cd: {  	v13 =	vmul.f32 v46, v13;
	v43 =	vor.u32 s12, v34;
	v45 =	vsel vm9, $0x5, v45;
	v42 =	vld.idx.msk [tilespmem:v42+s24+$0x0], $0xffff  }
0x4ce: {  	v18 =	vadd.f32 v18, v51;
	v51 =	vor.u32 s12, v59;
	v41 =	vsel vm10, $0x6, v45;
	v46 =	vld.idx.msk [tilespmem:v50+s24+$0x0], $0xffff  }
0x4cf: {  	v45 =	vor.u32 s12, v57;
	vm7 =	vgt.f32 v32, v7;
	v19 =	vsel vm11, $0x7, v41;
	v41 =	vld.idx.msk [tilespmem:v44+s24+$0x0], $0xffff  }
0x4d0: {  	v49 =	vor.u32 s12, v58;
	v7 =	vsel vm7, v32, v7;
	v32 =	vld.idx.msk [tilespmem:v47+s24+$0x0], $0xffff  }
0x4d1: {  	v6 =	vadd.f32 v6, v52;
	vm15 =	vgt.f32 v18, v7;
	v16 =	vadd.f32 v16, v22;
	v22 =	vld.idx.msk [tilespmem:v48+s24+$0x0], $0xffff  }
0x4d2: {  	v19 =	vsel vm12, $0x8, v19;
	v7 =	vsel vm15, v18, v7;
	v18 =	vld.idx.msk [tilespmem:v43+s24+$0x0], $0xffff  }
0x4d3: {  	v19 =	vsel vm5, $0x9, v19;
	v43 =	vld.idx.msk [tilespmem:v51+s24+$0x0], $0xffff;
	vm5 =	vgt.f32 v6, v7  }
0x4d4: {  	v44 =	vld.idx.msk [tilespmem:v45+s24+$0x0], $0xffff;
	v6 =	vsel vm5, v6, v7  }
0x4d5: {  	s21 =	simm.s32 $0x400;
	v13 =	vadd.f32 v13, v21;
	v19 =	vsel vm6, $0xA, v19;
	v21 =	vld.idx.msk [tilespmem:v30+s24+$0x0], $0xffff;
	vm6 =	vgt.f32 v16, v6  }
0x4d6: {  	v0 =	vor.u32 s21, v54;
	v6 =	vsel vm6, v16, v6;
	v16 =	vld.idx.msk [tilespmem:v49+s24+$0x0], $0xffff  }
0x4d7: {  	v48 =	vand.u32 v56, v0;
	v19 =	vsel vm7, $0xB, v19;
	[tilespmem:$0x1FB00] =	vst v0;
	v0 =	vld [tilespmem:$0x1FB10]  }
0x4d8: {  	v7 =	vsel vm15, $0xC, v19  }
0x4d9: {  	v7 =	vsel vm5, $0xD, v7  }
0x4da: {  	v52 =	vsel vm6, $0xE, v7;
	vm6 =	vgt.f32 v13, v6  }
0x4db: {  	v19 =	vor.u32 s12, v61;
	v6 =	vsel vm6, $0xF, v52  }
0x4dc: {  	v6 =	vadd.s32 v0, v6;
	v0 =	vld [tilespmem:$0x1FB20]  }
0x4dd: {  	v30 =	vor.u32 s12, v62  }
0x4de: {  	v45 =	vor.u32 s12, v63  }
0x4df: {  	v7 =	vpop (erf)  }
0x4e0: {  	v19 =	vld.idx.msk [tilespmem:v19+s24+$0x0], $0xffff;
	v13 =	vadd.f32 v27, v7  }
0x4e1: {  	v33 =	vmovc v55;
	v55 =	vmov v25;
	v25 =	vmov v26;
	v26 =	vmul.f32 v35, v0;
	v0 =	vld [tilespmem:$0x1FB30]  }
0x4e2: {  	v50 =	vor.u32 s21, v60;
	v60 =	vld.idx.msk [tilespmem:v30+s24+$0x0], $0xffff;
	v4 =	vpop (erf)  }
0x4e3: {  	v45 =	vld.idx.msk [tilespmem:v45+s24+$0x0], $0xffff;
	v56 =	vadd.f32 v13, v4  }
0x4e4: {  	vm5 =	vgt.f32 v38, v39;
	v30 =	vadd.f32 v40, v37;
	v44 =	vld.idx.msk [tilespmem:v44+s22+$0x0], $0xffff;
	v13 =	vpop (erf)  }
0x4e5: {  	v47 =	vor.u32 s21, v57;
	v38 =	vsel vm5, v38, v39;
	v57 =	vld.idx.msk [tilespmem:v21+s22+$0x0], $0xffff;
	v27 =	vadd.f32 v56, v13  }
0x4e6: {  	vm6 =	vgt.f32 v30, v38;
	v37 =	vld.idx.msk [tilespmem:v16+s22+$0x0], $0xffff;
	v20 =	vadd.f32 v26, v20;
	v21 =	vmul.f32 v35, v0;
	v0 =	vpop (erf)  }
0x4e7: {  	v30 =	vsel vm6, v30, v38;
	v16 =	vld [tilespmem:$0x1FB40];
	v27 =	vadd.f32 v27, v0  }
0x4e8: {  	v49 =	vor.u32 s21, v58;
	v58 =	vsel vm0, $0x1, v24;
	v26 =	vld.idx.msk [tilespmem:v43+s22+$0x0], $0xffff;
	vm0 =	vgt.f32 v20, v30;
	[tilespmem:$0x1FB50] =	vst v0;
	v0 =	vpop (erf)  }
0x4e9: {  	v21 =	vadd.f32 v21, v36;
	v36 =	vld.idx.msk [tilespmem:v19+s22+$0x0], $0xffff;
	v19 =	vsel vm0, v20, v30;
	v20 =	vadd.f32 v27, v0  }
0x4ea: {  	v28 =	vmul.f32 v35, v28;
	v38 =	vld.idx.msk [tilespmem:v46+s22+$0x0], $0xffff;
	[tilespmem:$0x1FB60] =	vst v0;
	v0 =	vpop (erf)  }
0x4eb: {  	v27 =	vld.idx.msk [tilespmem:v60+s22+$0x0], $0xffff;
	v20 =	vadd.f32 v20, v0  }
0x4ec: {  	v1 =	vmov v23;
	v12 =	vadd.f32 v28, v12;
	v23 =	vor.u32 s21, v59;
	v45 =	vld.idx.msk [tilespmem:v45+s22+$0x0], $0xffff;
	[tilespmem:$0x1FB70] =	vst v0;
	v0 =	vpop (erf)  }
0x4ed: {  	v59 =	vmax.f32 v57, v44;
	v16 =	vmul.f32 v35, v16;
	v28 =	vadd.f32 v20, v0;
	v20 =	vld [tilespmem:$0x1FB90]  }
0x4ee: {  	v43 =	vmax.f32 v59, v37;
	v46 =	vor.u32 s21, v63;
	v63 =	vor.u32 s21, v1;
	v1 =	vld [tilespmem:$0x1FC00]  }
0x4ef: {  	v14 =	vadd.f32 v16, v14;
	v16 =	vsel vm1, $0x2, v58;
	vm1 =	vgt.f32 v21, v19;
	v22 =	vld.idx.msk [tilespmem:v22+s22+$0x0], $0xffff  }
0x4f0: {  	v16 =	vsel vm2, $0x3, v16;
	v43 =	vmax.f32 v43, v26;
	v21 =	vsel vm1, v21, v19;
	v19 =	vld.idx.msk [tilespmem:v18+s22+$0x0], $0xffff;
	[tilespmem:$0x1FB80] =	vst v0  }
0x4f1: {  	v16 =	vsel vm3, $0x4, v16;
	vm2 =	vgt.f32 v14, v21;
	v18 =	vmax.f32 v43, v38;
	v43 =	vld [tilespmem:s11+$0xFFFFFF00];
	v0 =	vpop (erf)  }
0x4f2: {  	v16 =	vsel vm4, $0x5, v16;
	v18 =	vmax.f32 v18, v36;
	v24 =	vmul.f32 v35, v20;
	v20 =	vld.idx.msk [tilespmem:v41+s22+$0x0], $0xffff;
	[tilespmem:$0x1FBA0] =	vst v0  }
0x4f3: {  	v14 =	vsel vm2, v14, v21;
	v18 =	vmax.f32 v18, v27;
	v28 =	vadd.f32 v28, v0;
	v0 =	vpop (erf);
	v41 =	vld [tilespmem:s11+$0xFFFFFF10]  }
0x4f4: {  	v60 =	vsel vm5, $0x6, v16;
	vm3 =	vgt.f32 v12, v14;
	v18 =	vmax.f32 v18, v45;
	v21 =	vld.idx.msk [tilespmem:v32+s22+$0x0], $0xffff;
	[tilespmem:$0x1FBB0] =	vst v0  }
0x4f5: {  	v16 =	vmax.f32 v18, v22;
	v11 =	vadd.f32 v24, v11;
	v24 =	vadd.f32 v28, v0;
	v0 =	vpop (erf);
	v18 =	vld.idx.msk [tilespmem:v42+s22+$0x0], $0xffff  }
0x4f6: {  	v28 =	vmul.f32 v35, v31;
	v31 =	vmax.f32 v16, v19;
	v16 =	vld.idx.msk [tilespmem:v53+s22+$0x0], $0xffff;
	[tilespmem:$0x1FBC0] =	vst v0  }
0x4f7: {  	v52 =	vor.u32 s21, v61;
	v40 =	vor.u32 s21, v62;
	v62 =	vsel vm3, v12, v14;
	v14 =	vld.idx.msk [tilespmem:v17+s22+$0x0], $0xffff  }
0x4f8: {  	v24 =	vadd.f32 v24, v0;
	v0 =	vld [tilespmem:$0x1FBD0]  }
0x4f9: {  	v12 =	vld.idx.msk [tilespmem:v15+s22+$0x0], $0xffff  }
0x4fa: {  	v54 =	vld.idx.msk [tilespmem:v49+s24+$0x0], $0xffff  }
0x4fb: {  	v23 =	vld.idx.msk [tilespmem:v23+s24+$0x0], $0xffff  }
0x4fc: {  	v34 =	vor.u32 s21, v34;
	v55 =	vor.u32 s21, v55;
	v61 =	vsel vm6, $0x7, v60;
	v53 =	vpop (erf);
	v58 =	vld.idx.msk [tilespmem:v52+s24+$0x0], $0xffff  }
0x4fd: {  	v32 =	vsel vm0, $0x8, v61;
	v40 =	vld.idx.msk [tilespmem:v40+s24+$0x0], $0xffff;
	v17 =	vmax.f32 v31, v20;
	v15 =	vadd.f32 v24, v53  }
0x4fe: {  	vm4 =	vgt.f32 v11, v62;
	v61 =	vld.idx.msk [tilespmem:v46+s24+$0x0], $0xffff;
	v17 =	vmax.f32 v17, v21;
	v31 =	vmul.f32 v35, v0  }
0x4ff: {  	v9 =	vadd.f32 v28, v9;
	v17 =	vmax.f32 v17, v18;
	(erf) = vrcp.f32 v15;
	v15 =	vld.idx.msk [tilespmem:v47+s24+$0x0], $0xffff  }
0x500: {  	v11 =	vsel vm4, v11, v62;
	v17 =	vmax.f32 v17, v16;
	v10 =	vadd.f32 v31, v10;
	v31 =	vld.idx.msk [tilespmem:v48+s24+$0x0], $0xffff  }
0x501: {  	v32 =	vsel vm1, $0x9, v32;
	vm0 =	vgt.f32 v9, v11;
	v0 =	vld [tilespmem:$0x1FBE0];
	v17 =	vmax.f32 v17, v14  }
0x502: {  	v34 =	vld.idx.msk [tilespmem:v34+s24+$0x0], $0xffff;
	v11 =	vsel vm0, v9, v11;
	v9 =	vsel vm2, $0xA, v32;
	v17 =	vmax.f32 v17, v12  }
0x503: {  	v52 =	vld.idx.msk [tilespmem:v63+s24+$0x0], $0xffff;
	v9 =	vsel vm3, $0xB, v9;
	v56 =	vsub.f32 v57, v17  }
0x504: {  	v28 =	vor.u32 s21, v25;
	v55 =	vld.idx.msk [tilespmem:v55+s24+$0x0], $0xffff;
	v59 =	vsel vm4, $0xC, v9;
	v44 =	vsub.f32 v44, v17  }
0x505: {  	v57 =	vld.idx.msk [tilespmem:v50+s24+$0x0], $0xffff;
	v37 =	vsub.f32 v37, v17;
	v26 =	vsub.f32 v26, v17;
	v32 =	vmul.f32 $1.442695020e+00, v56  }
0x506: {  	vm1 =	vgt.f32 v10, v11;
	v44 =	vmul.f32 $1.442695020e+00, v44;
	v25 =	vmul.f32 v35, v0;
	v0 =	vld [tilespmem:$0x1FF40]  }
0x507: {  	v10 =	vsel vm1, v10, v11;
	v11 =	vmul.f32 $1.442695020e+00, v37;
	(erf) = vpow2.f32 v32;
	v15 =	vld.idx.msk [tilespmem:v15+s22+$0x0], $0xffff  }
0x508: {  	v27 =	vsub.f32 v27, v17;
	v8 =	vadd.f32 v25, v8;
	(erf) = vpow2.f32 v44;
	v9 =	vld.idx.msk [tilespmem:v31+s22+$0x0], $0xffff  }
0x509: {  	v28 =	vld.idx.msk [tilespmem:v28+s24+$0x0], $0xffff;
	v22 =	vsub.f32 v22, v17;
	(erf) = vpow2.f32 v11;
	v31 =	vsel vm0, $0xD, v59  }
0x50a: {  	v44 =	vld.idx.msk [tilespmem:v54+s22+$0x0], $0xffff;
	vm0 =	vgt.f32 v8, v10;
	v8 =	vmul.f32 $1.442695020e+00, v26;
	v10 =	vsub.f32 v38, v17  }
0x50b: {  	v60 =	vor.u32 s21, v33;
	v19 =	vsub.f32 v19, v17;
	v23 =	vld.idx.msk [tilespmem:v23+s22+$0x0], $0xffff;
	v11 =	vsub.f32 v36, v17  }
0x50c: {  	v24 =	vld [tilespmem:s11+$0xFFFFFF20];
	v31 =	vsel vm1, $0xE, v31;
	v10 =	vmul.f32 $1.442695020e+00, v10;
	(erf) = vpow2.f32 v8  }
0x50d: {  	v26 =	vor.u32 s21, v0;
	v0 =	vld [tilespmem:$0x1FF50];
	v11 =	vmul.f32 $1.442695020e+00, v11;
	v8 =	vmax.f32 v9, v15  }
0x50e: {  	v20 =	vsub.f32 v20, v17;
	v27 =	vmul.f32 $1.442695020e+00, v27;
	v36 =	vld.idx.msk [tilespmem:v57+s22+$0x0], $0xffff;
	(erf) = vpow2.f32 v10  }
0x50f: {  	v39 =	vld.idx.msk [tilespmem:v58+s22+$0x0], $0xffff;
	v25 =	vor.u32 s21, v29;
	v50 =	vsel vm0, $0xF, v31;
	v31 =	vpop (erf);
	v10 =	vmax.f32 v8, v44  }
0x510: {  	v40 =	vld.idx.msk [tilespmem:v40+s22+$0x0], $0xffff;
	v54 =	vsub.f32 v45, v17;
	(erf) = vpow2.f32 v11;
	v10 =	vmax.f32 v10, v23;
	v8 =	vpop (erf)  }
0x511: {  	v21 =	vsub.f32 v21, v17;
	v18 =	vsub.f32 v18, v17;
	v51 =	vld.idx.msk [tilespmem:v52+s22+$0x0], $0xffff;
	v22 =	vmul.f32 $1.442695020e+00, v22;
	v11 =	vpop (erf)  }
0x512: {  	v35 =	vld [tilespmem:s11+$0xFFFFFF30];
	v42 =	vmul.f32 $1.442695020e+00, v54;
	(erf) = vpow2.f32 v27;
	v63 =	vadd.f32 v11, v8  }
0x513: {  	v28 =	vld.idx.msk [tilespmem:v28+s22+$0x0], $0xffff;
	v62 =	vor.u32 s21, v0;
	v3 =	vmul.f32 v31, v3;
	v33 =	vmax.f32 v10, v36;
	v10 =	vpop (erf)  }
0x514: {  	v25 =	vld.idx.msk [tilespmem:v25+s24+$0x0], $0xffff;
	v5 =	vmul.f32 v31, v5;
	(erf) = vpow2.f32 v42;
	v45 =	vadd.f32 v63, v10  }
0x515: {  	v19 =	vmul.f32 $1.442695020e+00, v19;
	v54 =	vld.idx.msk [tilespmem:v55+s22+$0x0], $0xffff;
	v2 =	vmul.f32 v31, v2;
	v3 =	vadd.f32 v3, v43;
	v58 =	vpop (erf)  }
0x516: {  	v26 =	vld.idx.msk [tilespmem:v26+s24+$0x0], $0xffff;
	v5 =	vadd.f32 v5, v41;
	(erf) = vpow2.f32 v22;
	v48 =	vadd.f32 v45, v58  }
0x517: {  	v16 =	vsub.f32 v16, v17;
	v20 =	vmul.f32 $1.442695020e+00, v20;
	v2 =	vadd.f32 v2, v24;
	v24 =	vld.idx.msk [tilespmem:v60+s24+$0x0], $0xffff;
	v59 =	vpop (erf)  }
0x518: {  	v27 =	vld.idx.msk [tilespmem:v61+s22+$0x0], $0xffff;
	vm0 =	vgt.f32 v5, v3;
	(erf) = vpow2.f32 v19;
	v32 =	vadd.f32 v48, v59  }
0x519: {  	v14 =	vsub.f32 v14, v17;
	v18 =	vmul.f32 $1.442695020e+00, v18;
	v19 =	vld.idx.msk [tilespmem:v62+s24+$0x0], $0xffff;
	v3 =	vsel vm0, v5, v3;
	v60 =	vpop (erf)  }
0x51a: {  	v0 =	vld [tilespmem:$0x1FBF0];
	v5 =	vmul.f32 $1.442695020e+00, v21;
	(erf) = vpow2.f32 v20;
	v21 =	vadd.f32 v32, v60  }
0x51b: {  	v12 =	vsub.f32 v12, v17;
	v16 =	vmul.f32 $1.442695020e+00, v16;
	v14 =	vmul.f32 $1.442695020e+00, v14;
	v22 =	vld.idx.msk [tilespmem:v34+s22+$0x0], $0xffff;
	v61 =	vpop (erf)  }
0x51c: {  	v37 =	vmax.f32 v33, v39;
	v25 =	vld.idx.msk [tilespmem:v25+s22+$0x0], $0xffff;
	(erf) = vpow2.f32 v5;
	v21 =	vadd.f32 v21, v61  }
0x51d: {  	v12 =	vmul.f32 $1.442695020e+00, v12;
	v17 =	vmul.f32 v31, v1;
	v49 =	vmax.f32 v37, v40;
	v20 =	vld [tilespmem:s11+$0xFFFFFF40];
	v62 =	vpop (erf)  }
0x51e: {  	v34 =	vmax.f32 v49, v27;
	v5 =	vld [tilespmem:s11+$0xFFFFFF50];
	(erf) = vpow2.f32 v18;
	v21 =	vadd.f32 v21, v62  }
0x51f: {  	v7 =	vmul.f32 v31, v7;
	v0 =	vmul.f32 v31, v0;
	v52 =	vmax.f32 v34, v28;
	v24 =	vld.idx.msk [tilespmem:v24+s22+$0x0], $0xffff;
	v63 =	vpop (erf)  }
0x520: {  	v26 =	vld.idx.msk [tilespmem:v26+s22+$0x0], $0xffff;
	(erf) = vpow2.f32 v16;
	v32 =	vmax.f32 v52, v22;
	v21 =	vadd.f32 v21, v63  }
0x521: {  	vm1 =	vgt.f32 v2, v3;
	v0 =	vadd.f32 v0, v35;
	v16 =	vld.idx.msk [tilespmem:v19+s22+$0x0], $0xffff;
	v18 =	vmax.f32 v32, v51;
	v1 =	vpop (erf)  }
0x522: {  	v3 =	vsel vm1, v2, v3;
	v18 =	vmax.f32 v18, v54;
	v19 =	vadd.f32 v21, v1  }
0x523: {  	vm2 =	vgt.f32 v0, v3;
	(erf) = vpow2.f32 v14;
	v2 =	vpop (erf);
	v14 =	vmax.f32 v18, v25  }
0x524: {  	v3 =	vsel vm2, v0, v3;
	v14 =	vmax.f32 v14, v24;
	v19 =	vadd.f32 v19, v2  }
0x525: {  	v17 =	vadd.f32 v17, v20;
	(erf) = vpow2.f32 v12;
	v12 =	vmax.f32 v14, v26;
	v18 =	vpop (erf)  }
0x526: {  	v7 =	vadd.f32 v7, v5;
	v12 =	vmax.f32 v12, v16;
	v5 =	vadd.f32 v19, v18  }
0x527: {  	vm3 =	vgt.f32 v17, v3;
	v0 =	vpop (erf);
	v9 =	vsub.f32 v9, v12;
	v14 =	vsub.f32 v15, v12  }
0x528: {  	v15 =	vmul.f32 v31, v4;
	v4 =	vsub.f32 v44, v12;
	v5 =	vadd.f32 v5, v0  }
0x529: {  	v17 =	vsel vm3, v17, v3;
	v3 =	vpop (erf);
	v9 =	vmul.f32 $1.442695020e+00, v9  }
0x52a: {  	v30 =	vld [tilespmem:s11+$0xFFFFFFE0];
	v14 =	vmul.f32 $1.442695020e+00, v14;
	v5 =	vadd.f32 v5, v3  }
0x52b: {  	v29 =	vld [tilespmem:s11+$0xFFFFFFF0];
	(erf) = vpow2.f32 v9;
	v19 =	vsub.f32 v23, v12;
	v23 =	vsub.f32 v36, v12  }
0x52c: {  	v55 =	vld [tilespmem:s11+$0xFFFFFF60];
	v56 =	vsub.f32 v39, v12;
	v21 =	vmul.f32 $1.442695020e+00, v4;
	v4 =	vpop (erf);
	(erf) = vpow2.f32 v14  }
0x52d: {  	v20 =	vld [tilespmem:$0x1FC10];
	v19 =	vmul.f32 $1.442695020e+00, v19;
	v9 =	vmul.f32 $1.442695020e+00, v23;
	v23 =	vadd.f32 v5, v4  }
0x52e: {  	v41 =	vld [tilespmem:s11+$0xFFFFFF70];
	v57 =	vsub.f32 v40, v12;
	v14 =	vmul.f32 $1.442695020e+00, v56;
	(erf) = vpow2.f32 v21;
	v5 =	vpop (erf)  }
0x52f: {  	v43 =	vld [tilespmem:s11+$0xFFFFFFA0];
	v21 =	vsub.f32 v27, v12;
	(erf) = vpow2.f32 v19;
	v23 =	vadd.f32 v23, v5  }
0x530: {  	v27 =	vsub.f32 v28, v12;
	v19 =	vld.idx.msk [tilespmem:v6+s24+$0x0], $0xffff;
	v6 =	vmul.f32 $1.442695020e+00, v57;
	(erf) = vpow2.f32 v9  }
0x531: {  	v33 =	vld [tilespmem:s11+$0xFFFFFFD0];
	v9 =	vmul.f32 $1.442695020e+00, v21;
	v21 =	vsub.f32 v22, v12;
	(erf) = vrcp.f32 v23  }
0x532: {  	v37 =	vld [tilespmem:s11+$0xFFFFFF80];
	v22 =	vmul.f32 $1.442695020e+00, v27;
	v23 =	vsub.f32 v51, v12;
	(erf) = vpow2.f32 v14  }
0x533: {  	s7 =	simm.s32 $0x6800;
	v35 =	vld [tilespmem:s11+$0xFFFFFFC0];
	v14 =	vmul.f32 $1.442695020e+00, v21;
	v21 =	vsub.f32 v54, v12;
	(erf) = vpow2.f32 v6  }
0x534: {  	v32 =	vld [tilespmem:s7+$0xFFFFFF10];
	v6 =	vmul.f32 $1.442695020e+00, v23;
	v23 =	vsub.f32 v25, v12;
	(erf) = vpow2.f32 v9  }
0x535: {  	v20 =	vld.idx.msk [tilespmem:v20+s24+$0x0], $0xffff;
	v39 =	vpop (erf);
	v9 =	vmul.f32 $1.442695020e+00, v21;
	v21 =	vsub.f32 v24, v12;
	(erf) = vpow2.f32 v22  }
0x536: {  	v40 =	vld [tilespmem:s11+$0xFFFFFF90];
	v42 =	vpop (erf);
	v22 =	vmul.f32 $1.442695020e+00, v23;
	v23 =	vsub.f32 v26, v12;
	(erf) = vpow2.f32 v14  }
0x537: {  	v44 =	vld [tilespmem:s7+$0xFFFFFF00];
	v38 =	vpop (erf);
	v14 =	vmul.f32 $1.442695020e+00, v21;
	v21 =	vadd.f32 v42, v39;
	(erf) = vpow2.f32 v6  }
0x538: {  	vm4 =	vgt.f32 v7, v17;
	v34 =	vpop (erf);
	v24 =	vld [tilespmem:s7+$0x0];
	v6 =	vsub.f32 v16, v12;
	(erf) = vpow2.f32 v9  }
0x539: {  	v26 =	vpop (erf);
	v23 =	vmul.f32 $1.442695020e+00, v23;
	v16 =	vld [tilespmem:s7+$0x10];
	v21 =	vadd.f32 v21, v38;
	(erf) = vpow2.f32 v22  }
0x53a: {  	v36 =	vld [tilespmem:s11+$0xFFFFFFB0];
	v22 =	vmul.f32 $1.442695020e+00, v6;
	v6 =	vadd.f32 v15, v55;
	(erf) = vpow2.f32 v14;
	v9 =	vpop (erf)  }
0x53b: {  	v12 =	vld [tilespmem:s7+$0x20];
	v15 =	vadd.f32 v21, v34;
	v14 =	vmul.f32 v9, v8;
	v21 =	vmul.f32 v9, v11;
	v49 =	vpop (erf)  }
0x53c: {  	s21 =	simm.s32 $0x8C90;
	v7 =	vsel vm4, v7, v17;
	(erf) = vpow2.f32 v23;
	v11 =	vld [tilespmem:s7+$0x30];
	v8 =	vmul.f32 v31, v13;
	v25 =	vpop (erf)  }
0x53d: {  	s4 =	simm.s32 $0x8CB0;
	[tilespmem:s21+$0x0] =	vst v20;
	v10 =	vmul.f32 v9, v10;
	vm5 =	vgt.f32 v6, v7;
	v14 =	vadd.f32 v14, v24;
	v24 =	vld [tilespmem:s7+$0xFFFFFF20];
	v23 =	vpop (erf)  }
0x53e: {  	s6 =	simm.s32 $0x8CB0;
	s10 =	simm.s32 $0x4;
	s11 =	simm.s32 $0x600;
	[tilespmem:s4+$0x0] =	vst v19;
	v13 =	vadd.f32 v15, v26;
	(erf) = vpow2.f32 v22;
	v17 =	vadd.f32 v21, v16;
	v16 =	vld [tilespmem:s7+$0x40];
	v28 =	vpop (erf)  }
.LBB2_10:
0x53f: {  	v15 =	vld [tilespmem:s7+$0xFFFFFF30]  }
0x540: {  	v52 =	vld [tilespmem:$0x1FF40]  }
0x541: {  	[tilespmem:$0x1FA10] =	vst v38;
	v38 =	vld [tilespmem:$0x1FF50]  }
0x542: {  	v21 =	vld [tilespmem:s7+$0x50]  }
0x543: {  	[tilespmem:$0x1F9A0] =	vst v53;
	v53 =	vld [tilespmem:$0x1FEE0]  }
0x544: {  	v48 =	vld [tilespmem:$0x1FF30]  }
0x545: {  	v45 =	vld [tilespmem:$0x1FF10]  }
0x546: {  	[tilespmem:$0x1F9C0] =	vst v50;
	v50 =	vld [tilespmem:$0x1FF20]  }
0x547: {  	[tilespmem:$0x1FA30] =	vst v34;
	v34 =	vld [tilespmem:$0x1FEF0]  }
0x548: {  	[tilespmem:$0x1F9E0] =	vst v42;
	v42 =	vld [tilespmem:$0x1FF90]  }
0x549: {  	v47 =	vmov v40;
	v40 =	vld [tilespmem:$0x1FFC0]  }
0x54a: {  	[tilespmem:$0x1F9D0] =	vst v39;
	v39 =	vld [tilespmem:$0x1FFD0]  }
0x54b: {  	[tilespmem:$0x1FA50] =	vst v26;
	v54 =	vld [tilespmem:s7+$0xA0]  }
0x54c: {  	v46 =	vmov v41;
	v41 =	vld [tilespmem:$0x1FFF0];
	vm6 =	vgt.f32 v17, v14;
	[tilespmem:$0x1FA40] =	vst v15;
	v15 =	vpop (erf)  }
0x54d: {  	v22 =	vmul.f32 v9, v59;
	v6 =	vsel vm5, v6, v7;
	v7 =	vld [tilespmem:$0x1FB50];
	v17 =	vsel vm6, v17, v14;
	[tilespmem:$0x1FA20] =	vst v24;
	v14 =	vpop (erf)  }
0x54e: {  	v26 =	vadd.f32 v10, v12;
	v24 =	vmul.f32 v9, v58;
	[tilespmem:$0x1F930] =	vst v14;
	v14 =	vld [tilespmem:s7+$0xFFFFFF40];
	v12 =	vpop (erf)  }
0x54f: {  	s12 =	sadd.s32 $0x100, s11;
	v16 =	vadd.f32 v22, v16;
	v22 =	vmul.f32 v9, v60;
	v60 =	vmov v28;
	v28 =	vld [tilespmem:s7+$0x70];
	v10 =	vpop (erf)  }
0x550: {  	v19 =	vor.u32 s12, v52;
	vm7 =	vgt.f32 v26, v17;
	[tilespmem:$0x1F950] =	vst v10;
	v10 =	vld [tilespmem:s7+$0xFFFFFF50]  }
0x551: {  	v11 =	vadd.f32 v24, v11;
	v21 =	vadd.f32 v22, v21;
	v22 =	vmul.f32 v9, v61;
	v61 =	vmovc v33;
	v33 =	vld [tilespmem:s7+$0xF0]  }
0x552: {  	v17 =	vsel vm7, v26, v17;
	[tilespmem:$0x1F940] =	vst v12;
	v12 =	vmov v43;
	v43 =	vld [tilespmem:$0x1FF00]  }
0x553: {  	vm8 =	vgt.f32 v11, v17;
	[tilespmem:$0x1FA60] =	vst v14;
	v14 =	vmov v25;
	v25 =	vld [tilespmem:s7+$0x60]  }
0x554: {  	v26 =	vor.u32 s12, v45;
	v11 =	vsel vm8, v11, v17;
	v17 =	vld [tilespmem:s7+$0xFFFFFF70]  }
0x555: {  	v20 =	vor.u32 s12, v38;
	vm9 =	vgt.f32 v16, v11;
	v19 =	vld.idx.msk [tilespmem:v19+s24+$0x0], $0xffff;
	[tilespmem:$0x1FA70] =	vst v10;
	v10 =	vpop (erf)  }
0x556: {  	v1 =	vmul.f32 v9, v1;
	v2 =	vmul.f32 v9, v2;
	v11 =	vsel vm9, v16, v11;
	[tilespmem:$0x1F970] =	vst v10;
	v10 =	vld [tilespmem:s7+$0xFFFFFF60]  }
0x557: {  	v18 =	vmul.f32 v9, v18;
	v0 =	vmul.f32 v9, v0;
	v16 =	vld [tilespmem:s7+$0x80];
	vm10 =	vgt.f32 v21, v11  }
0x558: {  	v11 =	vsel vm10, v21, v11;
	v21 =	vld [tilespmem:s7+$0x90];
	v22 =	vadd.f32 v22, v25;
	v25 =	vmul.f32 v9, v62  }
0x559: {  	v4 =	vmul.f32 v9, v4;
	[tilespmem:$0x1F9F0] =	vst v44;
	v44 =	vimm.s32 $0x0;
	v2 =	vadd.f32 v2, v54;
	v54 =	vld.idx.msk [tilespmem:v26+s24+$0x0], $0xffff  }
0x55a: {  	vm11 =	vgt.f32 v22, v11;
	v25 =	vadd.f32 v25, v28;
	v28 =	vmul.f32 v9, v63;
	v63 =	vld.idx.msk [tilespmem:v20+s24+$0x0], $0xffff  }
0x55b: {  	v27 =	vor.u32 s12, v50;
	v24 =	vor.u32 s12, v48;
	[tilespmem:$0x1FA80] =	vst v10;
	v10 =	vld [tilespmem:s7+$0xFFFFFF80];
	v22 =	vsel vm11, v22, v11  }
0x55c: {  	v51 =	vor.u32 s12, v34;
	v11 =	vld [tilespmem:s7+$0xFFFFFF90];
	vm12 =	vgt.f32 v25, v22;
	v16 =	vadd.f32 v28, v16  }
0x55d: {  	v1 =	vadd.f32 v1, v21;
	v21 =	vsel vm6, $0x1, v44;
	v22 =	vsel vm12, v25, v22;
	v25 =	vld [tilespmem:s7+$0xB0]  }
0x55e: {  	[tilespmem:$0x1F990] =	vst v30;
	v55 =	vor.u32 s12, v40;
	v21 =	vsel vm7, $0x2, v21;
	v28 =	vld [tilespmem:$0x1FF60];
	vm13 =	vgt.f32 v16, v22  }
0x55f: {  	[tilespmem:$0x1F9B0] =	vst v29;
	v57 =	vor.u32 s12, v39;
	v21 =	vsel vm8, $0x3, v21;
	v16 =	vsel vm13, v16, v22;
	v22 =	vld [tilespmem:s7+$0xC0]  }
0x560: {  	[tilespmem:$0x1FA00] =	vst v32;
	v30 =	vor.u32 s12, v41;
	v20 =	vsel vm9, $0x4, v21;
	v21 =	vld.idx.msk [tilespmem:v24+s24+$0x0], $0xffff;
	vm6 =	vgt.f32 v1, v16  }
0x561: {  	v7 =	vmul.f32 v31, v7;
	[tilespmem:$0x1F920] =	vst v15;
	v15 =	vmovc v23;
	v23 =	vor.u32 s12, v53;
	v1 =	vsel vm6, v1, v16;
	v16 =	vld [tilespmem:s7+$0xD0]  }
0x562: {  	v32 =	vor.u32 s12, v43;
	[tilespmem:$0x1F980] =	vst v11;
	v11 =	vmovc v35;
	v35 =	vld [tilespmem:s7+$0xE0];
	vm7 =	vgt.f32 v2, v1;
	v18 =	vadd.f32 v18, v25  }
0x563: {  	v20 =	vsel vm10, $0x5, v20;
	[tilespmem:$0x1F960] =	vst v10;
	v10 =	vmovc v37;
	v37 =	vld [tilespmem:$0x1FF70];
	v29 =	vand.u32 v28, v57;
	v1 =	vsel vm7, v2, v1  }
0x564: {  	v28 =	vld.idx.msk [tilespmem:v27+s24+$0x0], $0xffff;
	v2 =	vmul.f32 v9, v3;
	vm14 =	vgt.f32 v18, v1;
	v0 =	vadd.f32 v0, v22  }
0x565: {  	v7 =	vadd.f32 v7, v10;
	v10 =	vld [tilespmem:$0x1F920];
	v3 =	vsel vm11, $0x6, v20;
	v1 =	vsel vm14, v18, v1  }
0x566: {  	v25 =	vld.idx.msk [tilespmem:v23+s24+$0x0], $0xffff;
	v3 =	vsel vm12, $0x7, v3;
	vm15 =	vgt.f32 v0, v1;
	v2 =	vadd.f32 v2, v16  }
0x567: {  	v20 =	vld.idx.msk [tilespmem:v32+s24+$0x0], $0xffff;
	v3 =	vsel vm13, $0x8, v3;
	v4 =	vadd.f32 v4, v35;
	v0 =	vsel vm15, v0, v1  }
0x568: {  	v22 =	vld.idx.msk [tilespmem:v30+s24+$0x0], $0xffff;
	v3 =	vsel vm6, $0x9, v3;
	v1 =	vmul.f32 v9, v5;
	vm6 =	vgt.f32 v2, v0  }
0x569: {  	v18 =	vld [tilespmem:$0x1FFA0];
	v3 =	vsel vm7, $0xA, v3;
	v0 =	vsel vm6, v2, v0  }
0x56a: {  	v9 =	vld.idx.msk [tilespmem:v51+s24+$0x0], $0xffff;
	v3 =	vsel vm14, $0xB, v3;
	v1 =	vadd.f32 v1, v33;
	vm7 =	vgt.f32 v4, v0  }
0x56b: {  	v51 =	vld [tilespmem:$0x1FFB0];
	v2 =	vsel vm15, $0xC, v3;
	v0 =	vsel vm7, v4, v0  }
0x56c: {  	v2 =	vsel vm6, $0xD, v2;
	vm6 =	vgt.f32 v1, v0;
	v1 =	vld [tilespmem:$0x1FFE0]  }
0x56d: {  	v30 =	vld.idx.msk [tilespmem:v55+s24+$0x0], $0xffff;
	v62 =	vor.u32 s12, v37  }
0x56e: {  	v56 =	vor.u32 s12, v42;
	v16 =	vld [tilespmem:$0x1FF80]  }
0x56f: {  	v23 =	vld.idx.msk [tilespmem:v29+s24+$0x0], $0xffff  }
0x570: {  	v29 =	vor.u32 s11, v41;
	v41 =	vmovc v17;
	v17 =	vld [tilespmem:$0x1FB60];
	v3 =	vor.u32 s12, v18;
	v4 =	vor.u32 s11, v39  }
0x571: {  	v24 =	vor.u32 s12, v51;
	v33 =	vand.u32 v1, v4;
	v1 =	vld [tilespmem:$0x1FAF0]  }
0x572: {  	v26 =	vld.idx.msk [tilespmem:v62+s24+$0x0], $0xffff  }
0x573: {  	v5 =	vor.u32 s12, v16;
	v0 =	vmov v57;
	v57 =	vor.u32 s11, v42;
	v42 =	vld.idx.msk [tilespmem:v56+s24+$0x0], $0xffff  }
0x574: {  	v2 =	vsel vm7, $0xE, v2;
	v56 =	vld.idx.msk [tilespmem:v22+s22+$0x0], $0xffff  }
0x575: {  	v39 =	vor.u32 s11, v16;
	v16 =	vor.u32 s11, v43;
	v2 =	vsel vm6, $0xF, v2;
	v43 =	vld.idx.msk [tilespmem:v3+s24+$0x0], $0xffff  }
0x576: {  	v62 =	vor.u32 s11, v34;
	v34 =	vld.idx.msk [tilespmem:v24+s24+$0x0], $0xffff;
	v27 =	vadd.s32 v1, v2  }
0x577: {  	v22 =	vld [tilespmem:$0x1FB70]  }
0x578: {  	v35 =	vor.u32 s11, v37;
	v37 =	vld.idx.msk [tilespmem:v5+s24+$0x0], $0xffff  }
0x579: {  	v8 =	vadd.f32 v8, v46;
	v46 =	vmov v10;
	v10 =	vld [tilespmem:$0x1F930]  }
0x57a: {  	v13 =	vadd.f32 v13, v49;
	v5 =	vor.u32 s11, v50;
	v50 =	vld.idx.msk [tilespmem:v23+s22+$0x0], $0xffff  }
0x57b: {  	v55 =	vor.u32 s11, v18;
	v18 =	vor.u32 s11, v45;
	v45 =	vld.idx.msk [tilespmem:v27+s24+$0x0], $0xffff  }
0x57c: {  	v13 =	vadd.f32 v13, v14;
	vm6 =	vgt.f32 v8, v6;
	v22 =	vmul.f32 v31, v22;
	v24 =	vld.idx.msk [tilespmem:v42+s22+$0x0], $0xffff  }
0x57d: {  	v6 =	vsel vm6, v8, v6;
	v23 =	vld.idx.msk [tilespmem:v43+s22+$0x0], $0xffff  }
0x57e: {  	v8 =	vadd.f32 v13, v15;
	v13 =	vsel vm0, $0x1, v44;
	v44 =	vadd.f32 v22, v12;
	v22 =	vld.idx.msk [tilespmem:v34+s22+$0x0], $0xffff  }
0x57f: {  	s4 =	sadd.s32 $0x20, s4;
	vm0 =	vgt.f32 v7, v6;
	v27 =	vld.idx.msk [tilespmem:v26+s22+$0x0], $0xffff  }
0x580: {  	v13 =	vsel vm1, $0x2, v13;
	v6 =	vsel vm0, v7, v6;
	v26 =	vld.idx.msk [tilespmem:v37+s22+$0x0], $0xffff;
	[tilespmem:s4+$0x0] =	vst v45  }
0x581: {  	v1 =	vor.u32 s11, v52;
	v52 =	vmovc v14;
	v14 =	vadd.f32 v8, v60;
	v8 =	vsel vm2, $0x3, v13;
	v7 =	vld.idx.msk [tilespmem:v30+s22+$0x0], $0xffff  }
0x582: {  	v17 =	vmul.f32 v31, v17;
	v30 =	vsel vm3, $0x4, v8;
	v8 =	vld [tilespmem:$0x1F940];
	_ =	sdelay $0x1  }
0x583: {  	v17 =	vadd.f32 v17, v47  }
0x584: {  	v3 =	vor.u32 s11, v53  }
0x585: {  	v47 =	vmovc v15;
	v15 =	vld [tilespmem:$0x1FB80];
	v2 =	vor.u32 s11, v48;
	v13 =	vmax.f32 v50, v56;
	vm2 =	vgt.f32 v17, v6  }
0x586: {  	v48 =	vmovc v10;
	v12 =	vmax.f32 v13, v27;
	v13 =	vadd.f32 v14, v46;
	v53 =	vmov v8;
	v8 =	vld.idx.msk [tilespmem:v20+s22+$0x0], $0xffff  }
0x587: {  	v6 =	vsel vm2, v17, v6;
	[tilespmem:$0x1FB70] =	vst v48;
	v20 =	vld.idx.msk [tilespmem:v9+s22+$0x0], $0xffff  }
0x588: {  	vm1 =	vgt.f32 v44, v6;
	v9 =	vmax.f32 v12, v26;
	v12 =	vadd.f32 v13, v48;
	v48 =	vld.idx.msk [tilespmem:v28+s22+$0x0], $0xffff  }
0x589: {  	v28 =	vsel vm1, v44, v6;
	v6 =	vld [tilespmem:$0x1F950]  }
0x58a: {  	v13 =	vld [tilespmem:$0x1FBA0];
	_ =	sdelay $0x1  }
0x58b: {  	v15 =	vmul.f32 v31, v15;
	v9 =	vmax.f32 v9, v24  }
0x58c: {  	v9 =	vmax.f32 v9, v23  }
0x58d: {  	v14 =	vadd.f32 v15, v36;
	v15 =	vsel vm4, $0x5, v30;
	v30 =	vmovc v6;
	v6 =	vmax.f32 v9, v22;
	v9 =	vld [tilespmem:$0x1F960]  }
0x58e: {  	v13 =	vmul.f32 v31, v13;
	_ =	sdelay $0x1  }
0x58f: {  	v13 =	vadd.f32 v13, v11;
	v11 =	vld [tilespmem:$0x1F970]  }
0x590: {  	v17 =	vld.idx.msk [tilespmem:v54+s22+$0x0], $0xffff  }
0x591: {  	v10 =	vadd.f32 v12, v53;
	v6 =	vmax.f32 v6, v7;
	v37 =	vmov v9;
	v9 =	vld.idx.msk [tilespmem:v19+s22+$0x0], $0xffff  }
0x592: {  	v19 =	vmax.f32 v6, v8;
	v6 =	vld [tilespmem:$0x1FBB0]  }
0x593: {  	v45 =	vld.idx.msk [tilespmem:v25+s22+$0x0], $0xffff;
	vm3 =	vgt.f32 v14, v28;
	v10 =	vadd.f32 v10, v30  }
0x594: {  	v14 =	vsel vm3, v14, v28;
	v28 =	vmov v11;
	v11 =	vld [tilespmem:$0x1F980]  }
0x595: {  	v15 =	vsel vm5, $0x6, v15;
	v12 =	vld.idx.msk [tilespmem:v21+s22+$0x0], $0xffff;
	v10 =	vadd.f32 v10, v28  }
0x596: {  	v59 =	vpop (erf);
	v32 =	vor.u32 s11, v51;
	v25 =	vld.idx.msk [tilespmem:v33+s24+$0x0], $0xffff;
	v15 =	vsel vm6, $0x7, v15;
	v19 =	vmax.f32 v19, v20  }
0x597: {  	v19 =	vmax.f32 v19, v17;
	v21 =	vmul.f32 v31, v6;
	v6 =	vld.idx.msk [tilespmem:v63+s22+$0x0], $0xffff;
	v10 =	vadd.f32 v10, v59  }
0x598: {  	v58 =	vpop (erf);
	v51 =	vor.u32 s11, v40;
	v15 =	vsel vm0, $0x8, v15;
	v19 =	vmax.f32 v19, v48  }
0x599: {  	[tilespmem:$0x1FBB0] =	vst v28;
	v28 =	vld.idx.msk [tilespmem:v29+s24+$0x0], $0xffff;
	v40 =	vmov v11;
	v11 =	vmax.f32 v19, v45;
	v10 =	vadd.f32 v10, v58  }
0x59a: {  	vm4 =	vgt.f32 v13, v14;
	v19 =	vld [tilespmem:$0x1FBC0];
	v11 =	vmax.f32 v11, v12  }
0x59b: {  	v63 =	vsel vm2, $0x9, v15;
	v15 =	vmovc v60;
	v11 =	vmax.f32 v11, v9;
	(erf) = vrcp.f32 v10;
	v10 =	vld [tilespmem:$0x1F9A0]  }
0x59c: {  	v13 =	vsel vm4, v13, v14;
	v14 =	vmov v59;
	v29 =	vld.idx.msk [tilespmem:v35+s24+$0x0], $0xffff;
	[tilespmem:$0x1FB50] =	vst v15;
	v42 =	vmax.f32 v11, v6  }
0x59d: {  	v21 =	vadd.f32 v21, v61;
	[tilespmem:$0x1FBC0] =	vst v14;
	v14 =	vld [tilespmem:$0x1F990];
	v11 =	vsel vm1, $0xA, v63;
	v15 =	vsub.f32 v50, v42  }
0x59e: {  	v35 =	vsel vm3, $0xB, v11;
	v11 =	vld.idx.msk [tilespmem:v25+s22+$0x0], $0xffff  }
0x59f: {  	vm0 =	vgt.f32 v21, v13;
	v25 =	vmul.f32 $1.442695020e+00, v15;
	v15 =	vld [tilespmem:$0x1F9B0]  }
0x5a0: {  	v19 =	vmul.f32 v31, v19;
	v10 =	vmul.f32 v31, v10;
	v31 =	vsub.f32 v56, v42  }
0x5a1: {  	v21 =	vsel vm0, v21, v13  }
0x5a2: {  	v13 =	vld.idx.msk [tilespmem:v28+s22+$0x0], $0xffff;
	v35 =	vsel vm4, $0xC, v35;
	v14 =	vadd.f32 v19, v14;
	v28 =	vmul.f32 $1.442695020e+00, v31  }
0x5a3: {  	(erf) = vpow2.f32 v25;
	v25 =	vsel vm0, $0xD, v35  }
0x5a4: {  	vm1 =	vgt.f32 v14, v21;
	v10 =	vadd.f32 v10, v15;
	(erf) = vpow2.f32 v28;
	v28 =	vld.idx.msk [tilespmem:v16+s24+$0x0], $0xffff  }
0x5a5: {  	v21 =	vsel vm1, v14, v21;
	v16 =	vsel vm1, $0xE, v25;
	v25 =	vld [tilespmem:$0x1FAA0]  }
0x5a6: {  	vm0 =	vgt.f32 v10, v21;
	v10 =	vld [tilespmem:$0x1FA90]  }
0x5a7: {  	v21 =	vld [tilespmem:$0x1F9C0];
	_ =	sdelay $0x3  }
0x5a8: {  	v26 =	vsub.f32 v26, v42  }
0x5a9: {  	v21 =	vadd.s32 v10, v21;
	v10 =	vmov v25  }
0x5aa: {  	[tilespmem:$0x1FA90] =	vst v10;
	v10 =	vmul.f32 $1.442695020e+00, v26;
	v26 =	vld [tilespmem:$0x1FB00]  }
0x5ab: {  	v50 =	vsel vm0, $0xF, v16;
	v16 =	vld [tilespmem:$0x1F9D0];
	_ =	sdelay $0x1  }
0x5ac: {  	v19 =	vld.idx.msk [tilespmem:v32+s24+$0x0], $0xffff;
	_ =	sdelay $0x1  }
0x5ad: {  	v31 =	vpop (erf);
	v26 =	vmov v26  }
0x5ae: {  	[tilespmem:$0x1FAA0] =	vst v26;
	v26 =	vmul.f32 v31, v16;
	v16 =	vld [tilespmem:$0x1F9E0]  }
0x5af: {  	v27 =	vsub.f32 v27, v42;
	_ =	sdelay $0x1  }
0x5b0: {  	v18 =	vld.idx.msk [tilespmem:v18+s24+$0x0], $0xffff;
	v27 =	vmul.f32 $1.442695020e+00, v27  }
0x5b1: {  	v36 =	vld.idx.msk [tilespmem:v57+s24+$0x0], $0xffff  }
0x5b2: {  	(erf) = vpow2.f32 v27;
	v27 =	vmul.f32 v31, v16;
	v16 =	vld.idx.msk [tilespmem:v19+s22+$0x0], $0xffff  }
0x5b3: {  	v19 =	vld [tilespmem:$0x1F9F0]  }
0x5b4: {  	[tilespmem:$0x1FBA0] =	vst v30;
	v30 =	vld.idx.msk [tilespmem:v39+s24+$0x0], $0xffff;
	v24 =	vsub.f32 v24, v42  }
0x5b5: {  	[tilespmem:$0x1FAF0] =	vst v0;
	v0 =	vor.u32 s11, v38;
	v38 =	vld.idx.msk [tilespmem:v55+s24+$0x0], $0xffff  }
0x5b6: {  	v3 =	vld.idx.msk [tilespmem:v3+s24+$0x0], $0xffff;
	v24 =	vmul.f32 $1.442695020e+00, v24  }
0x5b7: {  	v5 =	vld.idx.msk [tilespmem:v5+s24+$0x0], $0xffff;
	(erf) = vpow2.f32 v10  }
0x5b8: {  	(erf) = vpow2.f32 v24;
	v24 =	vadd.f32 v26, v19;
	v19 =	vld [tilespmem:$0x1FA00]  }
0x5b9: {  	v15 =	vld.idx.msk [tilespmem:v29+s22+$0x0], $0xffff  }
0x5ba: {  	v0 =	vld.idx.msk [tilespmem:v0+s24+$0x0], $0xffff;
	v23 =	vsub.f32 v23, v42  }
0x5bb: {  	v54 =	vld.idx.msk [tilespmem:v36+s22+$0x0], $0xffff;
	v25 =	vmov v4  }
0x5bc: {  	v22 =	vsub.f32 v22, v42;
	v23 =	vmul.f32 $1.442695020e+00, v23;
	v14 =	vld.idx.msk [tilespmem:v30+s22+$0x0], $0xffff;
	[tilespmem:$0x1FB00] =	vst v25  }
0x5bd: {  	v25 =	vld.idx.msk [tilespmem:v62+s24+$0x0], $0xffff;
	v10 =	vmax.f32 v11, v13;
	v26 =	vadd.f32 v27, v19;
	v27 =	vsub.f32 v7, v42  }
0x5be: {  	v39 =	vld.idx.msk [tilespmem:v51+s24+$0x0], $0xffff;
	v22 =	vmul.f32 $1.442695020e+00, v22;
	v10 =	vmax.f32 v10, v15  }
0x5bf: {  	v29 =	vld [tilespmem:$0x1FA10];
	v7 =	vpop (erf);
	(erf) = vpow2.f32 v23;
	v27 =	vmul.f32 $1.442695020e+00, v27  }
0x5c0: {  	v4 =	vld.idx.msk [tilespmem:v38+s22+$0x0], $0xffff;
	v23 =	vsub.f32 v8, v42;
	v8 =	vpop (erf);
	(erf) = vpow2.f32 v22  }
0x5c1: {  	v43 =	vmax.f32 v10, v14;
	v10 =	vpop (erf);
	(erf) = vpow2.f32 v27;
	v27 =	vsub.f32 v17, v42;
	v17 =	vld [tilespmem:$0x1FA20]  }
0x5c2: {  	v2 =	vld.idx.msk [tilespmem:v2+s24+$0x0], $0xffff  }
0x5c3: {  	v1 =	vld.idx.msk [tilespmem:v1+s24+$0x0], $0xffff  }
0x5c4: {  	v29 =	vmul.f32 v31, v29;
	v51 =	vld.idx.msk [tilespmem:v28+s22+$0x0], $0xffff;
	v22 =	vmax.f32 v43, v54;
	v28 =	vadd.f32 v8, v7  }
0x5c5: {  	v30 =	vsub.f32 v20, v42;
	v20 =	vld.idx.msk [tilespmem:v25+s22+$0x0], $0xffff;
	v22 =	vmax.f32 v22, v4  }
0x5c6: {  	v25 =	vadd.f32 v28, v10;
	v28 =	vadd.f32 v29, v17;
	v29 =	vmax.f32 v22, v16;
	v22 =	vld [tilespmem:$0x1FA30]  }
0x5c7: {  	[tilespmem:$0x1FB80] =	vst v53;
	v53 =	vmov v58;
	v19 =	vld.idx.msk [tilespmem:v39+s22+$0x0], $0xffff;
	v58 =	vpop (erf)  }
0x5c8: {  	vm0 =	vgt.f32 v26, v24;
	v23 =	vmul.f32 $1.442695020e+00, v23;
	v25 =	vadd.f32 v25, v58  }
0x5c9: {  	v24 =	vsel vm0, v26, v24;
	v59 =	vpop (erf)  }
0x5ca: {  	(erf) = vpow2.f32 v23;
	v25 =	vadd.f32 v25, v59;
	v17 =	vld.idx.msk [tilespmem:v18+s22+$0x0], $0xffff;
	v18 =	vmul.f32 $1.442695020e+00, v30  }
0x5cb: {  	v30 =	vsub.f32 v48, v42;
	v60 =	vpop (erf);
	v55 =	vmul.f32 v31, v22;
	v22 =	vld.idx.msk [tilespmem:v5+s22+$0x0], $0xffff;
	v5 =	vmul.f32 $1.442695020e+00, v27  }
0x5cc: {  	v23 =	vld.idx.msk [tilespmem:v3+s22+$0x0], $0xffff;
	v3 =	vmax.f32 v29, v19;
	v25 =	vadd.f32 v25, v60;
	(erf) = vpow2.f32 v18  }
0x5cd: {  	v61 =	vpop (erf);
	v18 =	vsub.f32 v45, v42;
	v26 =	vmul.f32 $1.442695020e+00, v30;
	v27 =	vld.idx.msk [tilespmem:v2+s22+$0x0], $0xffff;
	(erf) = vpow2.f32 v5  }
0x5ce: {  	v2 =	vmax.f32 v3, v51;
	v3 =	vsub.f32 v12, v42;
	v12 =	vadd.f32 v25, v61;
	v25 =	vld.idx.msk [tilespmem:v1+s22+$0x0], $0xffff  }
0x5cf: {  	v1 =	vmax.f32 v2, v20;
	(erf) = vpow2.f32 v26;
	v26 =	vld.idx.msk [tilespmem:v0+s22+$0x0], $0xffff  }
0x5d0: {  	v5 =	vmul.f32 $1.442695020e+00, v18;
	v0 =	vmax.f32 v1, v17;
	v1 =	vld [tilespmem:$0x1FA50]  }
0x5d1: {  	v2 =	vsub.f32 v9, v42  }
0x5d2: {  	v62 =	vpop (erf);
	v9 =	vld [tilespmem:$0x1FA40];
	v3 =	vmul.f32 $1.442695020e+00, v3;
	(erf) = vpow2.f32 v5;
	v5 =	vsub.f32 v6, v42  }
0x5d3: {  	v12 =	vadd.f32 v12, v62;
	v56 =	vmul.f32 $1.442695020e+00, v2  }
0x5d4: {  	v63 =	vpop (erf);
	(erf) = vpow2.f32 v3;
	v5 =	vmul.f32 $1.442695020e+00, v5  }
0x5d5: {  	v18 =	vld [tilespmem:$0x1FA60];
	v12 =	vadd.f32 v12, v63;
	v6 =	vmul.f32 v31, v1;
	v1 =	vpop (erf);
	(erf) = vpow2.f32 v56  }
0x5d6: {  	vm1 =	vgt.f32 v28, v24;
	v2 =	vpop (erf);
	(erf) = vpow2.f32 v5;
	v5 =	vld [tilespmem:$0x1FA70]  }
0x5d7: {  	v0 =	vmax.f32 v0, v22;
	v9 =	vadd.f32 v55, v9;
	v12 =	vadd.f32 v12, v1  }
0x5d8: {  	v3 =	vsel vm1, v28, v24;
	v24 =	vmul.f32 v31, v49;
	v0 =	vmax.f32 v0, v23  }
0x5d9: {  	v0 =	vmax.f32 v0, v27;
	vm2 =	vgt.f32 v9, v3;
	v12 =	vadd.f32 v12, v2  }
0x5da: {  	v33 =	vld [tilespmem:s7+$0xFFFFFFD0];
	v28 =	vmax.f32 v0, v25;
	v3 =	vsel vm2, v9, v3;
	v6 =	vadd.f32 v6, v18;
	v18 =	vpop (erf)  }
0x5db: {  	v21 =	vld.idx.msk [tilespmem:v21+s24+$0x0], $0xffff;
	v9 =	vmax.f32 v28, v26;
	v24 =	vadd.f32 v24, v5;
	v5 =	vadd.f32 v12, v18  }
0x5dc: {  	v36 =	vld [tilespmem:s7+$0xFFFFFFB0];
	v11 =	vsub.f32 v11, v9;
	vm3 =	vgt.f32 v6, v3;
	v0 =	vpop (erf);
	v12 =	vsub.f32 v13, v9  }
0x5dd: {  	v35 =	vld [tilespmem:s7+$0xFFFFFFC0];
	v15 =	vsub.f32 v15, v9;
	v28 =	vsel vm3, v6, v3;
	v5 =	vadd.f32 v5, v0  }
0x5de: {  	v43 =	vld [tilespmem:s7+$0xFFFFFFA0];
	v6 =	vmul.f32 $1.442695020e+00, v11;
	v3 =	vpop (erf);
	v11 =	vmul.f32 $1.442695020e+00, v12;
	v12 =	vsub.f32 v14, v9  }
0x5df: {  	v29 =	vld [tilespmem:s7+$0xFFFFFFF0];
	v14 =	vmul.f32 $1.442695020e+00, v15;
	v15 =	vsub.f32 v54, v9;
	v57 =	vadd.f32 v5, v3  }
0x5e0: {  	v30 =	vld [tilespmem:s7+$0xFFFFFFE0];
	[tilespmem:s21+$0xFFFFFFF0] =	vst v21;
	v21 =	vsub.f32 v4, v9;
	(erf) = vpow2.f32 v6;
	v4 =	vpop (erf);
	v12 =	vmul.f32 $1.442695020e+00, v12  }
0x5e1: {  	v6 =	vmul.f32 $1.442695020e+00, v15;
	(erf) = vpow2.f32 v11;
	v15 =	vadd.f32 v57, v4  }
0x5e2: {  	(erf) = vpow2.f32 v14;
	v5 =	vpop (erf)  }
0x5e3: {  	v16 =	vsub.f32 v16, v9;
	(erf) = vpow2.f32 v12;
	v15 =	vadd.f32 v15, v5  }
0x5e4: {  	v11 =	vmul.f32 $1.442695020e+00, v21;
	v14 =	vsub.f32 v19, v9;
	(erf) = vpow2.f32 v6  }
0x5e5: {  	v12 =	vmul.f32 $1.442695020e+00, v16;
	v16 =	vsub.f32 v51, v9;
	(erf) = vrcp.f32 v15  }
0x5e6: {  	v6 =	vmul.f32 $1.442695020e+00, v14;
	v14 =	vsub.f32 v20, v9;
	(erf) = vpow2.f32 v11  }
0x5e7: {  	v15 =	vmul.f32 $1.442695020e+00, v16;
	v16 =	vsub.f32 v17, v9;
	(erf) = vpow2.f32 v12  }
0x5e8: {  	v11 =	vmul.f32 $1.442695020e+00, v14;
	v14 =	vsub.f32 v22, v9;
	(erf) = vpow2.f32 v6  }
0x5e9: {  	v39 =	vpop (erf);
	v12 =	vmul.f32 $1.442695020e+00, v16;
	(erf) = vpow2.f32 v15  }
0x5ea: {  	v16 =	vsub.f32 v23, v9;
	v6 =	vmul.f32 $1.442695020e+00, v14;
	v42 =	vpop (erf);
	(erf) = vpow2.f32 v11  }
0x5eb: {  	v13 =	vmul.f32 v31, v52;
	v14 =	vsub.f32 v27, v9;
	v38 =	vpop (erf);
	(erf) = vpow2.f32 v12  }
0x5ec: {  	s7 =	sadd.s32 $0x200, s7;
	v15 =	vmul.f32 $1.442695020e+00, v16;
	v16 =	vsub.f32 v25, v9;
	v34 =	vpop (erf);
	(erf) = vpow2.f32 v6;
	v6 =	vld [tilespmem:$0x1FA80]  }
0x5ed: {  	v44 =	vld [tilespmem:s7+$0xFFFFFF00];
	v20 =	vsub.f32 v26, v9;
	v11 =	vmul.f32 $1.442695020e+00, v14;
	v14 =	vadd.f32 v42, v39  }
0x5ee: {  	s10 =	sadd.s32 $0x2, s10;
	v17 =	vld [tilespmem:s7+$0x0];
	v16 =	vmul.f32 $1.442695020e+00, v16;
	v26 =	vpop (erf);
	(erf) = vpow2.f32 v15  }
0x5ef: {  	p1 =	slt.u32 s10, $0x12;
	v19 =	vld [tilespmem:s7+$0x10];
	v14 =	vadd.f32 v14, v38;
	v15 =	vmul.f32 $1.442695020e+00, v20;
	(erf) = vpow2.f32 v11;
	v9 =	vpop (erf)  }
.Ltmp5:
0x5f0: {  	v32 =	vld [tilespmem:s7+$0xFFFFFF10];
	v20 =	vmul.f32 v9, v8;
	v49 =	vpop (erf);
	v8 =	vmul.f32 v31, v47;
	(pc) =	sbr.rel @p1 .LBB2_10-.Ltmp5, $4  }
0x5f1: {  	v12 =	vld [tilespmem:s7+$0x20];
	v25 =	vpop (erf);
	v6 =	vadd.f32 v13, v6;
	v13 =	vadd.f32 v14, v34;
	v14 =	vmul.f32 v9, v7  }
0x5f2: {  	vm4 =	vgt.f32 v24, v28;
	v11 =	vld [tilespmem:s7+$0x30];
	v10 =	vmul.f32 v9, v10;
	(erf) = vpow2.f32 v16;
	v23 =	vpop (erf)  }
0x5f3: {  	v16 =	vld [tilespmem:s7+$0x40];
	v7 =	vsel vm4, v24, v28;
	v28 =	vpop (erf);
	(erf) = vpow2.f32 v15;
	v14 =	vadd.f32 v14, v17  }
0x5f4: {  	[tilespmem:$0x1FB60] =	vst v46;
	s11 =	sadd.s32 $0x200, s11;
	s21 =	smov.u32 s6;
	s6 =	smov.u32 s4;
	v24 =	vld [tilespmem:s7+$0xFFFFFF20];
	v17 =	vadd.f32 v20, v19;
	v13 =	vadd.f32 v13, v26;
	vm5 =	vgt.f32 v6, v7  }
0x5f5: {  	_ = 	snop  }
0x5f6: {  	v56 =	vmul.f32 v9, v58;
	v10 =	vadd.f32 v10, v12;
	vm11 =	vgt.f32 v17, v14  }
0x5f7: {  	v57 =	vimm.s32 $0x0;
	v58 =	vmul.f32 v9, v59;
	v14 =	vsel vm11, v17, v14  }
0x5f8: {  	v13 =	vadd.f32 v13, v49;
	v11 =	vadd.f32 v56, v11;
	vm6 =	vgt.f32 v10, v14  }
0x5f9: {  	v15 =	vld [tilespmem:s7+$0x50];
	v12 =	vsel vm6, $0xFFFFFFFF, v57;
	v10 =	vsel vm6, v10, v14  }
0x5fa: {  	v13 =	vadd.f32 v13, v25;
	[tilespmem:$0x1F8D0] =	vst v12;
	vm8 =	vgt.f32 v11, v10;
	v12 =	vadd.f32 v58, v16  }
0x5fb: {  	v27 =	vimm.s32 $0x0;
	v59 =	vld [tilespmem:s7+$0x60];
	v10 =	vsel vm8, v11, v10  }
0x5fc: {  	v16 =	vmul.f32 v9, v60;
	v11 =	vadd.f32 v13, v23;
	vm15 =	vgt.f32 v12, v10  }
0x5fd: {  	v17 =	vld [tilespmem:s7+$0x70];
	v13 =	vsel vm15, $0xFFFFFFFF, v27  }
0x5fe: {  	v46 =	vmul.f32 v9, v61;
	v45 =	vadd.f32 v16, v15;
	[tilespmem:$0x1F8E0] =	vst v13  }
0x5ff: {  	v10 =	vsel vm15, v12, v10;
	v47 =	vadd.f32 v11, v28;
	v16 =	vld [tilespmem:s7+$0x80]  }
0x600: {  	v48 =	vmul.f32 v9, v62;
	vm13 =	vgt.f32 v45, v10;
	v11 =	vpop (erf);
	v14 =	vadd.f32 v46, v59  }
0x601: {  	v10 =	vsel vm13, v45, v10;
	v19 =	vld [tilespmem:s7+$0x90];
	v51 =	vadd.f32 v47, v11  }
0x602: {  	v52 =	vpop (erf);
	v15 =	vadd.f32 v48, v17;
	v17 =	vmul.f32 v9, v63;
	vm10 =	vgt.f32 v14, v10  }
0x603: {  	v1 =	vmul.f32 v9, v1;
	v20 =	vld [tilespmem:s7+$0xA0];
	v13 =	vadd.f32 v51, v52;
	v14 =	vsel vm10, v14, v10  }
0x604: {  	v2 =	vmul.f32 v9, v2;
	v10 =	vpop (erf);
	vm15 =	vgt.f32 v15, v14;
	v16 =	vadd.f32 v17, v16  }
0x605: {  	v3 =	vmul.f32 v9, v3;
	v54 =	vadd.f32 v13, v10;
	v17 =	vld [tilespmem:s7+$0xB0];
	v14 =	vsel vm15, v15, v14  }
0x606: {  	v22 =	vimm.s32 $0x0;
	v55 =	vpop (erf);
	v19 =	vadd.f32 v1, v19;
	vm9 =	vgt.f32 v16, v14  }
0x607: {  	v15 =	vadd.f32 v54, v55;
	v14 =	vsel vm9, v16, v14;
	v16 =	vmul.f32 v9, v18;
	v18 =	vld [tilespmem:s7+$0xC0]  }
0x608: {  	v4 =	vmul.f32 v9, v4;
	v21 =	vld [tilespmem:s7+$0xD0];
	v20 =	vadd.f32 v2, v20;
	v56 =	vpop (erf);
	vm12 =	vgt.f32 v19, v14  }
0x609: {  	v5 =	vmul.f32 v9, v5;
	v59 =	vld [tilespmem:$0x1F8D0];
	v15 =	vadd.f32 v15, v56;
	v14 =	vsel vm12, v19, v14  }
0x60a: {  	v57 =	vpop (erf);
	v19 =	vmul.f32 v9, v0;
	v16 =	vadd.f32 v16, v17;
	vm7 =	vgt.f32 v20, v14  }
0x60b: {  	v60 =	vimm.s32 $0x0;
	v17 =	vld [tilespmem:s7+$0xE0];
	v15 =	vadd.f32 v15, v57;
	v14 =	vsel vm7, v20, v14  }
0x60c: {  	v62 =	vld [tilespmem:$0x1F8E0];
	v63 =	vimm.s32 $0x0;
	v58 =	vpop (erf);
	v18 =	vadd.f32 v19, v18;
	vm14 =	vgt.f32 v16, v14  }
0x60d: {  	v3 =	vadd.f32 v3, v21;
	v15 =	vadd.f32 v15, v58;
	v14 =	vsel vm14, v16, v14  }
0x60e: {  	v61 =	vld [tilespmem:$0x1FB50];
	v19 =	vsel vm11, $0x1, v22;
	vm11 =	vnez.u8 v59;
	vm6 =	vgt.f32 v18, v14  }
0x60f: {  	v20 =	vld [tilespmem:s7+$0xF0];
	(erf) = vrcp.f32 v15;
	v15 =	vsel vm11, $0x2, v19;
	v14 =	vsel vm6, v18, v14  }
0x610: {  	v4 =	vadd.f32 v4, v17;
	v9 =	vsel vm8, $0x3, v15;
	vm8 =	vgt.f32 v3, v14  }
0x611: {  	vm11 =	vmmov vm6;
	vm6 =	vnez.u8 v62;
	v3 =	vsel vm8, v3, v14  }
0x612: {  	v9 =	vsel vm6, $0x4, v9;
	v15 =	vsel vm8, $0xFFFFFFFF, v60;
	vm6 =	vgt.f32 v4, v3  }
0x613: {  	v8 =	vadd.f32 v8, v41;
	v45 =	vld [tilespmem:$0x1FB80];
	v14 =	vmul.f32 v31, v61;
	[tilespmem:$0x1F8F0] =	vst v15;
	v15 =	vsel vm6, $0xFFFFFFFF, v63  }
0x614: {  	v5 =	vadd.f32 v5, v20;
	[tilespmem:$0x1F900] =	vst v15;
	v15 =	vsel vm5, v6, v7;
	v7 =	vsel vm13, $0x5, v9;
	v9 =	vld [tilespmem:$0x1FB60]  }
0x615: {  	v27 =	vimm.s32 $0x0;
	v3 =	vsel vm6, v4, v3;
	v6 =	vadd.f32 v14, v37  }
0x616: {  	vm6 =	vgt.f32 v5, v3;
	vm13 =	vgt.f32 v8, v15;
	v7 =	vsel vm10, $0x6, v7  }
0x617: {  	v3 =	vsel vm6, $0xFFFFFFFF, v27;
	v37 =	vsel vm13, v8, v15;
	v41 =	vsel vm15, $0x7, v7;
	v7 =	vld [tilespmem:$0x1FB70]  }
0x618: {  	v15 =	vmul.f32 v31, v45;
	vm8 =	vgt.f32 v6, v37;
	v5 =	vsel vm9, $0x8, v41  }
0x619: {  	[tilespmem:$0x1F910] =	vst v3;
	v3 =	vsel vm8, v6, v37;
	v6 =	vpop (erf);
	v5 =	vsel vm12, $0x9, v5;
	v9 =	vmul.f32 v31, v9  }
0x61a: {  	v15 =	vadd.f32 v15, v36;
	v8 =	vmul.f32 v6, v39;
	v17 =	vmul.f32 v6, v34  }
0x61b: {  	v18 =	vmul.f32 v6, v49;
	v19 =	vmul.f32 v6, v28;
	v40 =	vadd.f32 v9, v40  }
0x61c: {  	v5 =	vsel vm7, $0xA, v5;
	v7 =	vmul.f32 v31, v7;
	v9 =	vmul.f32 v6, v42  }
0x61d: {  	v11 =	vmul.f32 v6, v11;
	v42 =	vld [tilespmem:s7+$0xFFFFFF30];
	v8 =	vadd.f32 v8, v44;
	vm9 =	vgt.f32 v40, v3  }
0x61e: {  	v7 =	vadd.f32 v7, v43;
	v43 =	vmul.f32 v6, v38;
	v9 =	vadd.f32 v9, v32  }
0x61f: {  	v46 =	vld [tilespmem:$0x1FBA0];
	v12 =	vmul.f32 v6, v52;
	v1 =	vmul.f32 v6, v56;
	v3 =	vsel vm9, v40, v3  }
0x620: {  	v16 =	vld [tilespmem:s7+$0xFFFFFF40];
	v14 =	vadd.f32 v43, v24;
	vm10 =	vgt.f32 v7, v3;
	vm15 =	vgt.f32 v9, v8  }
0x621: {  	v51 =	vld [tilespmem:s7+$0xFFFFFFD0];
	v2 =	vmul.f32 v6, v57;
	v3 =	vsel vm10, v7, v3;
	v7 =	vsel vm15, v9, v8  }
0x622: {  	v8 =	vld [tilespmem:s7+$0xFFFFFF50];
	v4 =	vadd.f32 v17, v42;
	v9 =	vsel vm0, $0x1, v22;
	vm0 =	vgt.f32 v14, v7  }
0x623: {  	v0 =	vmul.f32 v6, v58;
	v17 =	vmul.f32 v6, v26;
	v7 =	vsel vm0, v14, v7  }
0x624: {  	v48 =	vld [tilespmem:$0x1FBC0];
	v5 =	vsel vm14, $0xB, v5;
	v9 =	vsel vm1, $0x2, v9;
	vm1 =	vgt.f32 v4, v7  }
0x625: {  	v5 =	vsel vm11, $0xC, v5;
	v16 =	vadd.f32 v17, v16;
	v4 =	vsel vm1, v4, v7;
	v7 =	vld [tilespmem:s7+$0xFFFFFF60]  }
0x626: {  	v52 =	vld [tilespmem:s7+$0xFFFFFFE0];
	v1 =	vadd.f32 v1, v51;
	v14 =	vmul.f32 v31, v46;
	v9 =	vsel vm2, $0x3, v9  }
0x627: {  	v17 =	vld [tilespmem:s7+$0xFFFFFF70];
	vm2 =	vgt.f32 v15, v3;
	v8 =	vadd.f32 v18, v8;
	vm14 =	vgt.f32 v16, v4  }
0x628: {  	v47 =	vld [tilespmem:s7+$0xFFFFFF80];
	v9 =	vsel vm3, $0x4, v9;
	v4 =	vsel vm14, v16, v4;
	v16 =	vmul.f32 v6, v25  }
0x629: {  	v14 =	vadd.f32 v14, v35;
	v9 =	vsel vm4, $0x5, v9;
	v18 =	vld [tilespmem:$0x1FBB0];
	vm6 =	vgt.f32 v8, v4  }
0x62a: {  	v4 =	vsel vm6, v8, v4;
	v8 =	vmul.f32 v6, v23;
	v7 =	vadd.f32 v16, v7  }
0x62b: {  	v2 =	vadd.f32 v2, v52;
	v3 =	vsel vm2, v15, v3;
	v9 =	vsel vm5, $0x6, v9;
	v16 =	vld [tilespmem:s7+$0xFFFFFF90]  }
0x62c: {  	vm3 =	vgt.f32 v14, v3;
	v8 =	vadd.f32 v8, v17;
	v17 =	vld [tilespmem:s7+$0xFFFFFFA0];
	vm7 =	vgt.f32 v7, v4  }
0x62d: {  	v3 =	vsel vm3, v14, v3;
	v14 =	vmul.f32 v31, v48;
	v4 =	vsel vm7, v7, v4  }
0x62e: {  	v18 =	vmul.f32 v31, v18;
	v7 =	vadd.f32 v19, v47;
	vm4 =	vgt.f32 v8, v4  }
0x62f: {  	v9 =	vsel vm13, $0x7, v9;
	v14 =	vadd.f32 v14, v30;
	v4 =	vsel vm4, v8, v4;
	v8 =	vld [tilespmem:s7+$0xFFFFFFB0]  }
0x630: {  	v57 =	vld [tilespmem:$0x1F8F0];
	v18 =	vadd.f32 v18, v33;
	v11 =	vadd.f32 v11, v16;
	vm5 =	vgt.f32 v7, v4  }
0x631: {  	v49 =	vld [tilespmem:s7+$0xFFFFFFC0];
	v12 =	vadd.f32 v12, v17;
	v4 =	vsel vm5, v7, v4;
	v7 =	vsel vm8, $0x8, v9  }
0x632: {  	v9 =	vmul.f32 v6, v10;
	v10 =	vmul.f32 v31, v53;
	vm11 =	vgt.f32 v11, v4  }
0x633: {  	v53 =	vsel vm9, $0x9, v7;
	v4 =	vsel vm11, v11, v4;
	v11 =	vmul.f32 v6, v55  }
0x634: {  	v58 =	vld [tilespmem:$0x1F900];
	v10 =	vadd.f32 v10, v29;
	v55 =	vsel vm10, $0xA, v53;
	v8 =	vadd.f32 v9, v8  }
0x635: {  	v9 =	vsel vm15, $0x1, v22;
	vm12 =	vgt.f32 v12, v4;
	vm15 =	vnez.u8 v57  }
0x636: {  	v4 =	vsel vm12, v12, v4;
	v11 =	vadd.f32 v11, v49;
	v9 =	vsel vm0, $0x2, v9  }
0x637: {  	v61 =	vld [tilespmem:$0x1FA90];
	vm0 =	vgt.f32 v18, v3;
	v9 =	vsel vm1, $0x3, v9;
	vm1 =	vgt.f32 v8, v4  }
0x638: {  	v3 =	vsel vm0, v18, v3;
	v4 =	vsel vm1, v8, v4;
	v8 =	vld [tilespmem:s7+$0xFFFFFFF0];
	v9 =	vsel vm14, $0x4, v9  }
0x639: {  	vm14 =	vnez.u8 v58;
	vm13 =	vgt.f32 v11, v4;
	v6 =	vsel vm6, $0x5, v9  }
0x63a: {  	vm6 =	vgt.f32 v14, v3;
	v4 =	vsel vm13, v11, v4;
	v6 =	vsel vm7, $0x6, v6  }
0x63b: {  	v59 =	vld [tilespmem:$0x1F910];
	v3 =	vsel vm6, v14, v3;
	vm7 =	vgt.f32 v1, v4;
	v6 =	vsel vm4, $0x7, v6  }
0x63c: {  	vm9 =	vgt.f32 v10, v3;
	v3 =	vadd.s32 v61, v50;
	v1 =	vsel vm7, v1, v4  }
0x63d: {  	v54 =	vsel vm5, $0x8, v6;
	v0 =	vadd.f32 v0, v8;
	vm4 =	vgt.f32 v2, v1  }
0x63e: {  	v60 =	vld [tilespmem:$0x1FAF0];
	v56 =	vsel vm11, $0x9, v54;
	v1 =	vsel vm4, v2, v1;
	v2 =	vsel vm15, $0xD, v5  }
0x63f: {  	v62 =	vld [tilespmem:$0x1FAA0];
	vm5 =	vgt.f32 v0, v1;
	v0 =	vsel vm2, $0xB, v55;
	v1 =	vsel vm12, $0xA, v56  }
0x640: {  	v63 =	vld [tilespmem:$0x1FB00];
	vm15 =	vnez.u8 v59;
	v0 =	vsel vm3, $0xC, v0;
	v1 =	vsel vm1, $0xB, v1  }
0x641: {  	v2 =	vsel vm14, $0xE, v2;
	v0 =	vsel vm0, $0xD, v0;
	v1 =	vsel vm13, $0xC, v1  }
0x642: {  	v2 =	vsel vm15, $0xF, v2;
	v0 =	vsel vm6, $0xE, v0;
	v1 =	vsel vm7, $0xD, v1  }
0x643: {  	v2 =	vadd.s32 v60, v2;
	v0 =	vsel vm9, $0xF, v0;
	v1 =	vsel vm4, $0xE, v1  }
0x644: {  	v0 =	vadd.s32 v62, v0;
	v1 =	vsel vm5, $0xF, v1  }
0x645: {  	v1 =	vadd.s32 v63, v1;
	_ =	sdelay $0x1  }
0x646: {  	v3 =	vld.idx.msk [tilespmem:v3+s24+$0x0], $0xffff  }
0x647: {  	v2 =	vld.idx.msk [tilespmem:v2+s24+$0x0], $0xffff  }
0x648: {  	v0 =	vld.idx.msk [tilespmem:v0+s24+$0x0], $0xffff  }
0x649: {  	v1 =	vld.idx.msk [tilespmem:v1+s24+$0x0], $0xffff;
	_ =	sdelay $0x1  }
0x64a: {  	s4 =	sadd.s32 $0x20, s4;
	[tilespmem:s21+$0xFFFFFFF0] =	vst v3  }
0x64b: {  	[tilespmem:s4+$0x0] =	vst v2  }
0x64c: {  	[tilespmem:s6+$0xFFFFFFF0] =	vst v0  }
0x64d: {  	s10 =	simm.s32 $0x8C80;
	s11 =	simm.s32 $0x12E00;
	[tilespmem:s4+$0xFFFFFFF0] =	vst v1  }
0x64e: {  	[tilespmem:s11], [sflag:$0x6] =	stream.indirect.gather [hbm4b:s1+s2], $0x80, s10, s2, $0xb8;
	[tilespmem:$0x1CE00] =	vst v63  }
0x64f: {  	s12 =	simm.s32 $0x8C90;
	s21 =	simm.s32 $0x13600  }
0x650: {  	[tilespmem:s21], [sflag:$0x6] =	stream.indirect.gather [hbm4b:s1+s2], $0x80, s12, s2, $0xb8;
	[tilespmem:$0x1CE00] =	vst v63  }
0x651: {  	s7 =	simm.s32 $0x13E00;
	s6 =	simm.s32 $0x8CA0  }
0x652: {  	[tilespmem:s7], [sflag:$0x6] =	stream.indirect.gather [hbm4b:s1+s2], $0x80, s6, s2, $0xb8;
	[tilespmem:$0x1CE00] =	vst v63  }
0x653: {  	s10 =	simm.s32 $0x8CB0;
	s11 =	simm.s32 $0x14600  }
0x654: {  	[tilespmem:s11], [sflag:$0x6] =	stream.indirect.gather [hbm4b:s1+s2], $0x80, s10, s2, $0xb8;
	[tilespmem:$0x1CE00] =	vst v63  }
0x655: {  	s12 =	simm.s32 $0x8CC0;
	s21 =	simm.s32 $0x14E00  }
0x656: {  	[tilespmem:s21], [sflag:$0x6] =	stream.indirect.gather [hbm4b:s1+s2], $0x80, s12, s2, $0xb8;
	[tilespmem:$0x1CE00] =	vst v63  }
0x657: {  	s6 =	simm.s32 $0x8CD0;
	s7 =	simm.s32 $0x15600  }
0x658: {  	[tilespmem:s7], [sflag:$0x6] =	stream.indirect.gather [hbm4b:s1+s2], $0x80, s6, s2, $0xb8;
	[tilespmem:$0x1CE00] =	vst v63  }
0x659: {  	s10 =	simm.s32 $0x8CE0;
	s11 =	simm.s32 $0x15E00  }
0x65a: {  	[tilespmem:s11], [sflag:$0x6] =	stream.indirect.gather [hbm4b:s1+s2], $0x80, s10, s2, $0xb8;
	[tilespmem:$0x1CE00] =	vst v63  }
0x65b: {  	s12 =	simm.s32 $0x8CF0;
	s21 =	simm.s32 $0x16600  }
0x65c: {  	[tilespmem:s21], [sflag:$0x6] =	stream.indirect.gather [hbm4b:s1+s2], $0x80, s12, s2, $0xb8;
	[tilespmem:$0x1CE00] =	vst v63  }
0x65d: {  	s6 =	simm.s32 $0x8D00;
	s7 =	simm.s32 $0x16E00  }
0x65e: {  	[tilespmem:s7], [sflag:$0x6] =	stream.indirect.gather [hbm4b:s1+s2], $0x80, s6, s2, $0xb8;
	[tilespmem:$0x1CE00] =	vst v63  }
0x65f: {  	s10 =	simm.s32 $0x8D10;
	s11 =	simm.s32 $0x17600  }
0x660: {  	[tilespmem:s11], [sflag:$0x6] =	stream.indirect.gather [hbm4b:s1+s2], $0x80, s10, s2, $0xb8;
	[tilespmem:$0x1CE00] =	vst v63  }
0x661: {  	s12 =	simm.s32 $0x8D20;
	s21 =	simm.s32 $0x17E00  }
0x662: {  	[tilespmem:s21], [sflag:$0x6] =	stream.indirect.gather [hbm4b:s1+s2], $0x80, s12, s2, $0xb8;
	[tilespmem:$0x1CE00] =	vst v63  }
0x663: {  	s6 =	simm.s32 $0x8D30;
	s7 =	simm.s32 $0x18600  }
0x664: {  	[tilespmem:s7], [sflag:$0x6] =	stream.indirect.gather [hbm4b:s1+s2], $0x80, s6, s2, $0xb8;
	[tilespmem:$0x1CE00] =	vst v63  }
0x665: {  	s10 =	simm.s32 $0x8D40;
	s11 =	simm.s32 $0x18E00  }
0x666: {  	[tilespmem:s11], [sflag:$0x6] =	stream.indirect.gather [hbm4b:s1+s2], $0x80, s10, s2, $0xb8;
	[tilespmem:$0x1CE00] =	vst v63  }
0x667: {  	s12 =	simm.s32 $0x8D50;
	s21 =	simm.s32 $0x19600  }
0x668: {  	[tilespmem:s21], [sflag:$0x6] =	stream.indirect.gather [hbm4b:s1+s2], $0x80, s12, s2, $0xb8;
	[tilespmem:$0x1CE00] =	vst v63  }
0x669: {  	s6 =	simm.s32 $0x8D60;
	s7 =	simm.s32 $0x19E00  }
0x66a: {  	[tilespmem:s7], [sflag:$0x6] =	stream.indirect.gather [hbm4b:s1+s2], $0x80, s6, s2, $0xb8;
	[tilespmem:$0x1CE00] =	vst v63  }
0x66b: {  	s10 =	simm.s32 $0x8D70;
	s11 =	simm.s32 $0x1A600  }
0x66c: {  	[tilespmem:s11], [sflag:$0x6] =	stream.indirect.gather [hbm4b:s1+s2], $0x80, s10, s2, $0xb8;
	[tilespmem:$0x1CE00] =	vst v63  }
0x66d: {  	s12 =	simm.s32 $0x8D80;
	s21 =	simm.s32 $0x1AE00  }
0x66e: {  	[tilespmem:s21], [sflag:$0x6] =	stream.indirect.gather [hbm4b:s1+s2], $0x80, s12, s2, $0xb8;
	[tilespmem:$0x1CE00] =	vst v63  }
0x66f: {  	s6 =	simm.s32 $0x8D90;
	s7 =	simm.s32 $0x1B600  }
0x670: {  	[tilespmem:s7], [sflag:$0x6] =	stream.indirect.gather [hbm4b:s1+s2], $0x80, s6, s2, $0xb8;
	[tilespmem:$0x1CE00] =	vst v63  }
0x671: {  	s10 =	simm.s32 $0x8DA0;
	s11 =	simm.s32 $0x1BE00  }
0x672: {  	[tilespmem:s11], [sflag:$0x6] =	stream.indirect.gather [hbm4b:s1+s2], $0x80, s10, s2, $0xb8;
	[tilespmem:$0x1CE00] =	vst v63  }
0x673: {  	s12 =	simm.s32 $0x8DB0;
	s21 =	simm.s32 $0x1C600  }
0x674: {  	[tilespmem:s21], [sflag:$0x6] =	stream.indirect.gather [hbm4b:s1+s2], $0x80, s12, s2, $0xb8;
	[tilespmem:$0x1CE00] =	vst v63  }
0x675: {  	_ =	swait.ge [sflag:s8], $0x800  }
0x676: {  	[sflag:s8] =	ssyncset.done $0x0  }
0x677: {  	[sflag:s8] =	ssyncadd.s32 $0xFFFFF800  }
0x678: {  	_ =	swait.ge [sflag:s8], $0x800  }
0x679: {  	[sflag:s8] =	ssyncset.done $0x0  }
0x67a: {  	[sflag:s8] =	ssyncadd.s32 $0xFFFFF800  }
0x67b: {  	_ =	swait.ge [sflag:s8], $0x800  }
0x67c: {  	[sflag:s8] =	ssyncset.done $0x0  }
0x67d: {  	[sflag:s8] =	ssyncadd.s32 $0xFFFFF800  }
0x67e: {  	_ =	swait.ge [sflag:s8], $0x800  }
0x67f: {  	[sflag:s8] =	ssyncset.done $0x0  }
0x680: {  	[sflag:s8] =	ssyncadd.s32 $0xFFFFF800  }
0x681: {  	_ =	swait.ge [sflag:s8], $0x800  }
0x682: {  	[sflag:s8] =	ssyncset.done $0x0  }
0x683: {  	[sflag:s8] =	ssyncadd.s32 $0xFFFFF800  }
0x684: {  	_ =	swait.ge [sflag:s8], $0x800  }
0x685: {  	[sflag:s8] =	ssyncset.done $0x0  }
0x686: {  	[sflag:s8] =	ssyncadd.s32 $0xFFFFF800  }
0x687: {  	_ =	swait.ge [sflag:s8], $0x800  }
0x688: {  	[sflag:s8] =	ssyncset.done $0x0  }
0x689: {  	[sflag:s8] =	ssyncadd.s32 $0xFFFFF800  }
0x68a: {  	_ =	swait.ge [sflag:s8], $0x800  }
0x68b: {  	[sflag:s8] =	ssyncset.done $0x0  }
0x68c: {  	[sflag:s8] =	ssyncadd.s32 $0xFFFFF800  }
0x68d: {  	_ =	swait.ge [sflag:s8], $0x800  }
0x68e: {  	[sflag:s8] =	ssyncset.done $0x0  }
0x68f: {  	[sflag:s8] =	ssyncadd.s32 $0xFFFFF800  }
0x690: {  	_ =	swait.ge [sflag:s8], $0x800  }
0x691: {  	[sflag:s8] =	ssyncset.done $0x0  }
0x692: {  	[sflag:s8] =	ssyncadd.s32 $0xFFFFF800  }
0x693: {  	_ =	swait.ge [sflag:s8], $0x800  }
0x694: {  	[sflag:s8] =	ssyncset.done $0x0  }
0x695: {  	[sflag:s8] =	ssyncadd.s32 $0xFFFFF800  }
0x696: {  	_ =	swait.ge [sflag:s8], $0x800  }
0x697: {  	[sflag:s8] =	ssyncset.done $0x0  }
0x698: {  	[sflag:s8] =	ssyncadd.s32 $0xFFFFF800  }
0x699: {  	_ =	swait.ge [sflag:s8], $0x800  }
0x69a: {  	[sflag:s8] =	ssyncset.done $0x0  }
0x69b: {  	[sflag:s8] =	ssyncadd.s32 $0xFFFFF800  }
0x69c: {  	_ =	swait.ge [sflag:s8], $0x800  }
0x69d: {  	[sflag:s8] =	ssyncset.done $0x0  }
0x69e: {  	[sflag:s8] =	ssyncadd.s32 $0xFFFFF800  }
0x69f: {  	_ =	swait.ge [sflag:s8], $0x800  }
0x6a0: {  	[sflag:s8] =	ssyncset.done $0x0  }
0x6a1: {  	[sflag:s8] =	ssyncadd.s32 $0xFFFFF800  }
0x6a2: {  	_ =	swait.ge [sflag:s8], $0x800  }
0x6a3: {  	[sflag:s8] =	ssyncset.done $0x0  }
0x6a4: {  	[sflag:s8] =	ssyncadd.s32 $0xFFFFF800  }
0x6a5: {  	_ =	swait.ge [sflag:s8], $0x800  }
0x6a6: {  	[sflag:s8] =	ssyncset.done $0x0  }
0x6a7: {  	[sflag:s8] =	ssyncadd.s32 $0xFFFFF800  }
0x6a8: {  	_ =	swait.ge [sflag:s8], $0x800  }
0x6a9: {  	[sflag:s8] =	ssyncset.done $0x0  }
0x6aa: {  	[sflag:s8] =	ssyncadd.s32 $0xFFFFF800  }
0x6ab: {  	_ =	swait.ge [sflag:s8], $0x800  }
0x6ac: {  	[sflag:s8] =	ssyncset.done $0x0  }
0x6ad: {  	[sflag:s8] =	ssyncadd.s32 $0xFFFFF800  }
0x6ae: {  	_ =	swait.ge [sflag:s8], $0x800  }
0x6af: {  	[sflag:s8] =	ssyncset.done $0x0  }
0x6b0: {  	[sflag:s8] =	ssyncadd.s32 $0xFFFFF800  }
0x6b1: {  	_ =	swait.ge [sflag:s0], $0x800  }
0x6b2: {  	[sflag:s0] =	ssyncset.done $0x0  }
0x6b3: {  	[sflag:s0] =	ssyncadd.s32 $0xFFFFF800  }
0x6b4: {  	_ =	swait.ge [sflag:s0], $0x800  }
0x6b5: {  	[sflag:s0] =	ssyncset.done $0x0  }
0x6b6: {  	[sflag:s0] =	ssyncadd.s32 $0xFFFFF800  }
0x6b7: {  	_ =	swait.ge [sflag:s0], $0x800  }
0x6b8: {  	[sflag:s0] =	ssyncset.done $0x0  }
0x6b9: {  	[sflag:s0] =	ssyncadd.s32 $0xFFFFF800  }
0x6ba: {  	_ =	swait.ge [sflag:s0], $0x800  }
0x6bb: {  	[sflag:s0] =	ssyncset.done $0x0  }
0x6bc: {  	[sflag:s0] =	ssyncadd.s32 $0xFFFFF800  }
0x6bd: {  	_ =	swait.ge [sflag:s0], $0x800  }
0x6be: {  	[sflag:s0] =	ssyncset.done $0x0  }
0x6bf: {  	[sflag:s0] =	ssyncadd.s32 $0xFFFFF800  }
0x6c0: {  	_ =	swait.ge [sflag:s0], $0x800  }
0x6c1: {  	[sflag:s0] =	ssyncset.done $0x0  }
0x6c2: {  	[sflag:s0] =	ssyncadd.s32 $0xFFFFF800  }
0x6c3: {  	_ =	swait.ge [sflag:s0], $0x800  }
0x6c4: {  	[sflag:s0] =	ssyncset.done $0x0  }
0x6c5: {  	[sflag:s0] =	ssyncadd.s32 $0xFFFFF800  }
0x6c6: {  	_ =	swait.ge [sflag:s0], $0x800  }
0x6c7: {  	[sflag:s0] =	ssyncset.done $0x0  }
0x6c8: {  	[sflag:s0] =	ssyncadd.s32 $0xFFFFF800  }
0x6c9: {  	_ =	swait.ge [sflag:s0], $0x800  }
0x6ca: {  	[sflag:s0] =	ssyncset.done $0x0  }
0x6cb: {  	[sflag:s0] =	ssyncadd.s32 $0xFFFFF800  }
0x6cc: {  	_ =	swait.ge [sflag:s0], $0x800  }
0x6cd: {  	[sflag:s0] =	ssyncset.done $0x0  }
0x6ce: {  	[sflag:s0] =	ssyncadd.s32 $0xFFFFF800  }
0x6cf: {  	_ =	swait.ge [sflag:s0], $0x800  }
0x6d0: {  	[sflag:s0] =	ssyncset.done $0x0  }
0x6d1: {  	[sflag:s0] =	ssyncadd.s32 $0xFFFFF800  }
0x6d2: {  	_ =	swait.ge [sflag:s0], $0x800  }
0x6d3: {  	[sflag:s0] =	ssyncset.done $0x0  }
0x6d4: {  	[sflag:s0] =	ssyncadd.s32 $0xFFFFF800  }
0x6d5: {  	_ =	swait.ge [sflag:s0], $0x800  }
0x6d6: {  	[sflag:s0] =	ssyncset.done $0x0  }
0x6d7: {  	[sflag:s0] =	ssyncadd.s32 $0xFFFFF800  }
0x6d8: {  	_ =	swait.ge [sflag:s0], $0x800  }
0x6d9: {  	[sflag:s0] =	ssyncset.done $0x0  }
0x6da: {  	[sflag:s0] =	ssyncadd.s32 $0xFFFFF800  }
0x6db: {  	_ =	swait.ge [sflag:s0], $0x800  }
0x6dc: {  	[sflag:s0] =	ssyncset.done $0x0  }
0x6dd: {  	[sflag:s0] =	ssyncadd.s32 $0xFFFFF800  }
0x6de: {  	_ =	swait.ge [sflag:s0], $0x800  }
0x6df: {  	[sflag:s0] =	ssyncset.done $0x0  }
0x6e0: {  	[sflag:s0] =	ssyncadd.s32 $0xFFFFF800  }
0x6e1: {  	_ =	swait.ge [sflag:s0], $0x800  }
0x6e2: {  	[sflag:s0] =	ssyncset.done $0x0  }
0x6e3: {  	[sflag:s0] =	ssyncadd.s32 $0xFFFFF800  }
0x6e4: {  	_ =	swait.ge [sflag:s0], $0x800  }
0x6e5: {  	[sflag:s0] =	ssyncset.done $0x0  }
0x6e6: {  	[sflag:s0] =	ssyncadd.s32 $0xFFFFF800  }
0x6e7: {  	_ =	swait.ge [sflag:s0], $0x800  }
0x6e8: {  	[sflag:s0] =	ssyncset.done $0x0  }
0x6e9: {  	[sflag:s0] =	ssyncadd.s32 $0xFFFFF800  }
0x6ea: {  	_ =	swait.ge [sflag:s0], $0x800  }
0x6eb: {  	[sflag:s0] =	ssyncset.done $0x0  }
0x6ec: {  	s4 =	simm.s32 @p0 $0x0;
	s6 =	simm.s32 @p0 $0x8B00;
	[sflag:s0] =	ssyncadd.s32 $0xFFFFF800  }
0x6ed: {  	[hbm4b:s15+s4] =	stream.linear.scatter @p0 [tilespmem:s6], [sflag:$0x7], $0x50, $0x38;
	[tilespmem:$0x1CE00] =	vst v63  }
0x6ee: {  	s6 =	simm.s32 @p0 $0x7  }
0x6ef: {  	_ =	swait.ge @p0 [sflag:s6], $0x50  }
0x6f0: {  	[sflag:s6] =	ssyncset.done @p0 $0x0  }
0x6f1: {  	s7 =	simm.s32 @p0 $0x8C80;
	[sflag:s6] =	ssyncadd.s32 @p0 $0xFFFFFFB0  }
0x6f2: {  	[hbm4b:s16+s4] =	stream.linear.scatter @p0 [tilespmem:s7], [sflag:$0x7], $0x50, $0x38;
	[tilespmem:$0x1CE00] =	vst v63  }
0x6f3: {  	_ =	swait.ge @p0 [sflag:s6], $0x50  }
0x6f4: {  	s10 =	simm.s32 @p0 $0x8E00;
	[sflag:s6] =	ssyncset.done @p0 $0x0  }
0x6f5: {  	s4 =	simm.s32 @p0 $0x400;
	s7 =	simm.s32 @p0 $0x800;
	[sflag:s6] =	ssyncadd.s32 @p0 $0xFFFFFFB0  }
0x6f6: {  	[hbm4b:s17+s4] =	stream.strided.scatter @p0 [tilespmem:s10], [sflag:$0x7], $0x2800, s7, s4, $0x38;
	[tilespmem:$0x1CE00] =	vst v63  }
0x6f7: {  	_ =	swait.ge @p0 [sflag:s6], $0x2800  }
0x6f8: {  	[sflag:s6] =	ssyncset.done @p0 $0x0  }
0x6f9: {  	s10 =	simm.s32 @p0 $0x12E00;
	[sflag:s6] =	ssyncadd.s32 @p0 $0xFFFFD800  }
0x6fa: {  	[hbm4b:s18+s4] =	stream.strided.scatter @p0 [tilespmem:s10], [sflag:$0x7], $0x2800, s7, s4, $0x38;
	[tilespmem:$0x1CE00] =	vst v63  }
0x6fb: {  	_ =	swait.ge @p0 [sflag:s6], $0x2800  }
0x6fc: {  	s4 =	simm.s32 @!p0 $0x0;
	[sflag:s6] =	ssyncset.done @p0 $0x0  }
0x6fd: {  	s7 =	rddreg [dreg:$0xb];
	[sflag:s6] =	ssyncadd.s32 @p0 $0xFFFFD800;
	s6 =	simm.s32 @!p0 $0x8B00  }
0x6fe: {  	[hbm4b:s7+s4] =	stream.linear.scatter @!p0 [tilespmem:s6], [sflag:$0x7], $0x140, $0x38;
	[tilespmem:$0x1CE00] =	vst v63  }
0x6ff: {  	s6 =	simm.s32 @!p0 $0x7  }
0x700: {  	_ =	swait.ge @!p0 [sflag:s6], $0x140  }
0x701: {  	[sflag:s6] =	ssyncset.done @!p0 $0x0  }
0x702: {  	s7 =	simm.s32 @!p0 $0x8C80;
	s10 =	rddreg [dreg:$0xc];
	[sflag:s6] =	ssyncadd.s32 @!p0 $0xFFFFFEC0  }
0x703: {  	[hbm4b:s10+s4] =	stream.linear.scatter @!p0 [tilespmem:s7], [sflag:$0x7], $0x140, $0x38;
	[tilespmem:$0x1CE00] =	vst v63  }
0x704: {  	_ =	swait.ge @!p0 [sflag:s6], $0x140  }
0x705: {  	s4 =	simm.s32 @!p0 $0x400;
	[sflag:s6] =	ssyncset.done @!p0 $0x0  }
0x706: {  	s7 =	simm.s32 @!p0 $0x800;
	s10 =	simm.s32 @!p0 $0x8E00;
	[sflag:s6] =	ssyncadd.s32 @!p0 $0xFFFFFEC0  }
0x707: {  	[hbm4b:s13+s4] =	stream.strided.scatter @!p0 [tilespmem:s10], [sflag:$0x7], $0xA000, s7, s4, $0x38;
	[tilespmem:$0x1CE00] =	vst v63  }
0x708: {  	_ =	swait.ge @!p0 [sflag:s6], $0xA000  }
0x709: {  	[sflag:s6] =	ssyncset.done @!p0 $0x0  }
0x70a: {  	s10 =	simm.s32 @!p0 $0x12E00;
	s11 =	rddreg [dreg:$0xd];
	[sflag:s6] =	ssyncadd.s32 @!p0 $0xFFFF6000  }
0x70b: {  	[hbm4b:s11+s4] =	stream.strided.scatter @!p0 [tilespmem:s10], [sflag:$0x7], $0xA000, s7, s4, $0x38;
	[tilespmem:$0x1CE00] =	vst v63  }
0x70c: {  	_ =	swait.ge @!p0 [sflag:s6], $0xA000  }
0x70d: {  	v9 =	vld [tilespmem:$0x1FFD0]  }
0x70e: {  	v18 =	vld [tilespmem:$0x1FFE0]  }
0x70f: {  	v8 =	vld [tilespmem:$0x1FFF0]  }
0x710: {  	v58 =	vld [tilespmem:$0x1FF70]  }
0x711: {  	v59 =	vld [tilespmem:$0x1FF80]  }
0x712: {  	v60 =	vld [tilespmem:$0x1FF90]  }
0x713: {  	v61 =	vld [tilespmem:$0x1FFA0]  }
0x714: {  	v62 =	vld [tilespmem:$0x1FFB0]  }
0x715: {  	v57 =	vld [tilespmem:$0x1FFC0]  }
0x716: {  	v51 =	vld [tilespmem:$0x1FF00]  }
0x717: {  	v32 =	vld [tilespmem:$0x1FEF0]  }
0x718: {  	s9 =	sadd.s32 $0x1, s9;
	v54 =	vld [tilespmem:$0x1FF10]  }
0x719: {  	p1 =	sne.s32 s9, s19;
	v40 =	vld [tilespmem:$0x1FF20]  }
.Ltmp6:
0x71a: {  	v50 =	vld [tilespmem:$0x1FEE0];
	(pc) =	sbr.rel @p1 .LBB2_1-.Ltmp6, $4  }
0x71b: {  	v45 =	vld [tilespmem:$0x1FF30]  }
0x71c: {  	v53 =	vld [tilespmem:$0x1FF40]  }
0x71d: {  	[sflag:s6] =	ssyncset.done @!p0 $0x0;
	v47 =	vld [tilespmem:$0x1FF50]  }
0x71e: {  	v55 =	vimm.s32 $0x0;
	v21 =	vld [tilespmem:$0x1FF60];
	[sflag:s6] =	ssyncadd.s32 @!p0 $0xFFFF6000  }
0x71f: {  	_ =	sfence.sel $0x180000  }
0x720: {  	[bflag:$0x0] =	sbarrier.arrive $0xFFFF  }
0x721: {  	_ =	strace $0x90000047  }
0x722: {  	s0 =	stileid.u32;
	[bflag:$0x2] =	sbarrier.arrive $0xFFFF  }
0x723: {  	p0 =	sne.s32 s0, $0x0;
	s0 =	rddreg [dreg:$0x4]  }
0x724: {  	s0 =	sadd.s32 @!p0 $0x100000, s0  }
0x725: {  	[sflag:s0] =	ssyncadd.tile.s32 @!p0 $0x1;
	_ =	shalt  }
.Lfunc_end2:
_tile_overlayer_lowered:
.L_overlay_start_2:
0x726: {  	(tag) =	ssettag $0x2  }
0x727: {  	s0 =	rddreg [dreg:$0x0];
	s2 =	stileid.u32  }
0x728: {  	s1 =	rddreg [dreg:$0x1];
	p0 =	sne.s32 s2, $0x0  }
0x729: {  	s3 =	rddreg [dreg:$0x2];
	[bflag:$0x3] =	sbarrier.arrive $0xFFFF;
	s2 =	simm.s32 @!p0 $0x1C07  }
0x72a: {  	[timem:s3], [sflag:s2] =	dma.local @!p0 [hbm:s0], s1  }
0x72b: {  	s0 =	simm.s32 @!p0 $0x7  }
0x72c: {  	_ =	swait.ge @!p0 [sflag:s0], s1  }
0x72d: {  	s1 =	ssub.s32 @!p0 $0x0, s1;
	[sflag:s0] =	ssyncset.done @!p0 $0x0  }
0x72e: {  	[sflag:s0] =	ssyncadd.s32 @!p0 s1  }
0x72f: {  	[bflag:$0x3] =	sbarrier.arrive $0xFFFF  }
0x730: {  	_ =	shalt  }

</sc_bundles>
